<compile_context>
chip_gen: v7x
topology: tpu7x:2x2x1
jax: 0.10.2.dev20260603
libtpu: 0.0.44.dev20260713+nightly
codegen_flags: <defaults>
</compile_context>

<pallas_src>
import functools

import jax
import jax.numpy as jnp
from jax import lax
from jax.experimental import pallas as pl
from jax.experimental.pallas import tpu as pltpu
from jax.experimental.pallas import tpu_sc as plsc

V = 100000
E = 256
H = 512
D = 512
B = 128
L = 128
B3 = 3 * B
N_TOK = L * B3
NSPLIT = 2
LS = L // NSPLIT



def _gather_sc(table, idx, n_tok):
    info = plsc.get_sparse_core_info()
    nw = info.num_cores * info.num_subcores
    bpw = n_tok // nw
    ch = 128
    nchunk = bpw // ch
    mesh = plsc.VectorSubcoreMesh(core_axis_name="c", subcore_axis_name="s")

    @functools.partial(
        pl.kernel,
        mesh=mesh,
        out_type=jax.ShapeDtypeStruct((n_tok, E), jnp.float32),
        scratch_types=[
            pltpu.VMEM((bpw,), jnp.int32),
            pltpu.VMEM((ch, E), jnp.float32),
            pltpu.VMEM((ch, E), jnp.float32),
            pltpu.SemaphoreType.DMA,
            pltpu.SemaphoreType.DMA,
            pltpu.SemaphoreType.DMA,
            pltpu.SemaphoreType.DMA,
        ],
    )
    def k(table_hbm, idx_hbm, out_hbm, idx_v, rows0, rows1,
          gsem0, gsem1, wsem0, wsem1):
        cid = lax.axis_index("c")
        sid = lax.axis_index("s")
        wid = sid * info.num_cores + cid
        base = wid * bpw
        pltpu.sync_copy(idx_hbm.at[pl.ds(base, bpw)], idx_v)

        bufs = (rows0, rows1)
        gsems = (gsem0, gsem1)
        wsems = (wsem0, wsem1)

        def grab(i, b):
            return pltpu.async_copy(
                table_hbm.at[idx_v.at[pl.ds(i * ch, ch)]], bufs[b], gsems[b])

        gh = [grab(0, 0), grab(1, 1)]
        wh = [None, None]
        for i in range(nchunk):
            b = i & 1
            gh[b].wait()
            wh[b] = pltpu.async_copy(
                bufs[b], out_hbm.at[pl.ds(base + i * ch, ch)], wsems[b])
            if i + 2 < nchunk:
                wh[b].wait()
                gh[b] = grab(i + 2, b)
        wh[0].wait()
        wh[1].wait()

    return k(table, idx)



TU = 8


def _make_lstm_body(nsteps, final):
    ngrid = nsteps // TU

    def body(x_ref, W_ref, U_ref, b_ref, W1_ref, b1_ref, W2_ref,
             b2_ref, hin_ref, cin_ref, *out_and_scr):
        if final:
            out_ref, h_scr, c_scr = out_and_scr
        else:
            hout_ref, cout_ref, h_scr, c_scr = out_and_scr
        t = pl.program_id(0)

        @pl.when(t == 0)
        def _init():
            h_scr[...] = hin_ref[...]
            c_scr[...] = cin_ref[...]

        def sig(v):
            return 0.5 * jnp.tanh(0.5 * v) + 0.5

        h = h_scr[...]
        c = c_scr[...]
        h_new = None
        for s in range(TU):
            xt = x_ref[s].astype(jnp.bfloat16)

            def zchunk(k, h=h, xt=xt):
                return (jnp.dot(xt, W_ref[:, k * H:(k + 1) * H],
                                preferred_element_type=jnp.float32)
                        + jnp.dot(h, U_ref[:, k * H:(k + 1) * H],
                                  preferred_element_type=jnp.float32)
                        + b_ref[:, k * H:(k + 1) * H])

            i = sig(zchunk(0))
            f = sig(zchunk(1))
            g = jnp.tanh(zchunk(2))
            o = sig(zchunk(3))
            c = f * c + i * g
            h_new = o * jnp.tanh(c)
            h = h_new.astype(jnp.bfloat16)
        c_scr[...] = c
        h_scr[...] = h

        @pl.when(t == ngrid - 1)
        def _fin():
            if final:
                h_a = h_new[:B]
                h_p = h_new[B:2 * B]
                h_n = h_new[2 * B:]
                hcat = jnp.concatenate(
                    [jnp.concatenate([h_a, h_p], axis=1),
                     jnp.concatenate([h_a, h_n], axis=1)], axis=0)
                h1 = jnp.maximum(
                    jnp.dot(hcat, W1_ref[...],
                            preferred_element_type=jnp.float32)
                    + b1_ref[...], 0.0)
                s_out = jax.nn.sigmoid(
                    jnp.dot(h1, W2_ref[...],
                            preferred_element_type=jnp.float32)
                    + b2_ref[0, 0])
                out_ref[...] = jnp.concatenate(
                    [s_out[:B], s_out[B:]], axis=1)
            else:
                hout_ref[...] = h
                cout_ref[...] = c

    return body, ngrid


def _lstm_tc_part(x, W, U, b, W1, b1, W2, b2, h_in, c_in, final):
    nsteps = x.shape[0]
    body, ngrid = _make_lstm_body(nsteps, final)
    full = lambda shape: pl.BlockSpec(shape, lambda t: (0,) * len(shape))
    if final:
        out_shape = jax.ShapeDtypeStruct((B, 2), jnp.float32)
        out_specs = pl.BlockSpec((B, 2), lambda t: (0, 0))
    else:
        out_shape = (jax.ShapeDtypeStruct((B3, H), jnp.bfloat16),
                     jax.ShapeDtypeStruct((B3, H), jnp.float32))
        out_specs = (full((B3, H)), full((B3, H)))
    return pl.pallas_call(
        body,
        grid=(ngrid,),
        in_specs=[
            pl.BlockSpec((TU, B3, E), lambda t: (t, 0, 0)),
            full((E, 4 * H)),
            full((H, 4 * H)),
            full((1, 4 * H)),
            full((2 * H, D)),
            full((1, D)),
            full((D, 1)),
            pl.BlockSpec(memory_space=pltpu.SMEM),
            full((B3, H)),
            full((B3, H)),
        ],
        out_specs=out_specs,
        out_shape=out_shape,
        scratch_shapes=[
            pltpu.VMEM((B3, H), jnp.bfloat16),
            pltpu.VMEM((B3, H), jnp.float32),
        ],
        compiler_params=pltpu.CompilerParams(
            dimension_semantics=("arbitrary",)),
    )(x, W, U, b, W1, b1, W2, b2, h_in, c_in)


def kernel(anchor_tokens, pos_tokens, neg_tokens, emb_table, W, U, b,
           W1, b1, W2, b2):
    toks = jnp.stack([anchor_tokens.astype(jnp.int32),
                      pos_tokens.astype(jnp.int32),
                      neg_tokens.astype(jnp.int32)])
    idx = toks.reshape(B3, L).T.reshape(-1)
    steps = (32, 96)
    xs = []
    off = 0
    for ns in steps:
        n_tok = ns * B3
        xs.append(_gather_sc(emb_table, idx[off:off + n_tok],
                             n_tok).reshape(ns, B3, E))
        off += n_tok
    Wb = W.astype(jnp.bfloat16)
    Ub = U.astype(jnp.bfloat16)
    b2d = b.reshape(1, 4 * H)
    b1d = b1.reshape(1, D)
    b2s = b2.reshape(1, 1)
    h = jnp.zeros((B3, H), jnp.bfloat16)
    c = jnp.zeros((B3, H), jnp.float32)
    for xk in xs[:-1]:
        h, c = _lstm_tc_part(xk, Wb, Ub, b2d, W1, b1d, W2, b2s, h, c,
                             final=False)
    return _lstm_tc_part(xs[-1], Wb, Ub, b2d, W1, b1d, W2, b2s, h, c,
                         final=True)

# --- scband reference (transcript-rebuilt; emitter-appended) ---
"""Pipeline reference for scband-mannmodel-33835752357989 (READ-ONLY COPY).

The authoritative reference and input builder live on the scoring server;
editing this copy changes nothing except your own understanding.
"""

import jax, jax.numpy as jnp
import numpy as np

V = 100000
E = 256
H = 512
D = 512
B = 128
L = 128


def setup_inputs(seed: int = 0) -> dict:
    key = jax.random.key(seed)
    ks = jax.random.split(key, 12)
    return {
        "anchor_tokens": jax.random.randint(ks[0], (B, L), 0, V, dtype=jnp.int64) if jax.config.jax_enable_x64 else jax.random.randint(ks[0], (B, L), 0, V, dtype=jnp.int32),
        "pos_tokens": jax.random.randint(ks[1], (B, L), 0, V, dtype=jnp.int32),
        "neg_tokens": jax.random.randint(ks[2], (B, L), 0, V, dtype=jnp.int32),
        "emb_table": jax.random.normal(ks[3], (V, E), jnp.float32) * 0.05,
        "W": jax.random.normal(ks[4], (E, 4 * H), jnp.float32) * 0.05,
        "U": jax.random.normal(ks[5], (H, 4 * H), jnp.float32) * 0.05,
        "b": jnp.zeros((4 * H,), jnp.float32),
        "W1": jax.random.normal(ks[6], (2 * H, D), jnp.float32) * 0.05,
        "b1": jnp.zeros((D,), jnp.float32),
        "W2": jax.random.normal(ks[7], (D, 1), jnp.float32) * 0.05,
        "b2": jnp.zeros((1,), jnp.float32),
    }


def _lstm_final_state(tokens, emb_table, W, U, b):
    # embedding lookup (gather)
    x = jnp.take(emb_table, tokens, axis=0)  # [B, L, E]
    bsz = tokens.shape[0]
    h0 = jnp.zeros((bsz, U.shape[0]), W.dtype)
    c0 = jnp.zeros((bsz, U.shape[0]), W.dtype)

    def step(carry, xt):
        h, c = carry
        z = xt @ W + h @ U + b
        i, f, g, o = jnp.split(z, 4, axis=-1)
        i = jax.nn.sigmoid(i)
        f = jax.nn.sigmoid(f)
        g = jnp.tanh(g)
        o = jax.nn.sigmoid(o)
        c_new = f * c + i * g
        h_new = o * jnp.tanh(c_new)
        return (h_new, c_new), None

    (h_fin, c_fin), _ = jax.lax.scan(step, (h0, c0), jnp.swapaxes(x, 0, 1))
    # CuDNNLSTM with return_state=True returns [output, state_h, state_c]; result[1] == final hidden state
    return h_fin


def reference(anchor_tokens, pos_tokens, neg_tokens, emb_table, W, U, b, W1, b1, W2, b2):
    def _compute_pair(a_tok, b_tok):
        a_state = _lstm_final_state(a_tok, emb_table, W, U, b)
        b_state = _lstm_final_state(b_tok, emb_table, W, U, b)
        hcat = jnp.concatenate([a_state, b_state], axis=-1)
        h1 = jax.nn.relu(hcat @ W1 + b1)
        return jax.nn.sigmoid(h1 @ W2 + b2)

    anchor_pos = _compute_pair(anchor_tokens, pos_tokens)
    anchor_neg = _compute_pair(anchor_tokens, neg_tokens)
    return jnp.concatenate([anchor_pos, anchor_neg], axis=-1)

if __name__ == "__main__":
    import jax
    _d = setup_inputs()
    print(jax.jit(kernel)(*tuple(_d.values())))

</pallas_src>

<mosaic_0001>
#map = affine_map<(d0, d1) -> (0, 0)>
#map1 = affine_map<(d0, d1) -> (0)>
module attributes {stable_mosaic.version = 14 : i64} {
  func.func @k(%arg0: i32, %arg1: i32, %arg2: memref<100000x256xf32, #tpu.memory_space<hbm>>, %arg3: memref<12288xi32, #tpu.memory_space<hbm>>, %arg4: memref<12288x256xf32, #tpu.memory_space<hbm>>, %arg5: memref<384xi32, #tpu.memory_space<vmem>>, %arg6: memref<128x256xf32, #tpu.memory_space<vmem>>, %arg7: memref<128x256xf32, #tpu.memory_space<vmem>>, %arg8: memref<!tpu.dma_semaphore, #tpu.memory_space<semaphore_mem>>, %arg9: memref<!tpu.dma_semaphore, #tpu.memory_space<semaphore_mem>>, %arg10: memref<!tpu.dma_semaphore, #tpu.memory_space<semaphore_mem>>, %arg11: memref<!tpu.dma_semaphore, #tpu.memory_space<semaphore_mem>>) attributes {dimension_semantics = [#tpu.dimension_semantics<core_parallel>, #tpu.dimension_semantics<subcore_parallel>], iteration_bounds = array<i64: 2, 16>, scalar_prefetch = 0 : i64, scratch_operands = 7 : i64, tpu.core_type = #tpu.core_type<sc_vector_subcore>, window_params = [{transform_indices = #map}, {transform_indices = #map1}, {transform_indices = #map}]} {
    %mul3A = arith.constant 2 : i32
    %mul3A_0 = arith.muli %arg1, %mul3A : i32
    %add3A = arith.addi %mul3A_0, %arg0 : i32
    %mul3A_1 = arith.constant 384 : i32
    %mul3A_2 = arith.muli %add3A, %mul3A_1 : i32
    "tpu.region"() ({
      %run_scoped3A = tpu.sem_alloc : memref<!tpu.dma_semaphore, #tpu.memory_space<semaphore_mem>>
      %dma_start3A_61 = tpu.memref_slice %arg3[%mul3A_2] : memref<12288xi32, #tpu.memory_space<hbm>> -> memref<384xi32, #tpu.memory_space<hbm>>
      %dma_start3A_62 = tpu.memref_slice %arg3[%mul3A_2] : memref<12288xi32, #tpu.memory_space<hbm>> -> memref<384xi32, #tpu.memory_space<hbm>>
      tpu.enqueue_dma source(%dma_start3A_62 : memref<384xi32, #tpu.memory_space<hbm>>) target(%arg5 : memref<384xi32, #tpu.memory_space<vmem>>) target_semaphore(%run_scoped3A : memref<!tpu.dma_semaphore, #tpu.memory_space<semaphore_mem>>)
      %dma_wait3A_63 = tpu.memref_slice %arg3[%mul3A_2] : memref<12288xi32, #tpu.memory_space<hbm>> -> memref<384xi32, #tpu.memory_space<hbm>>
      %dma_wait3A_64 = tpu.memref_slice %arg3[%mul3A_2] : memref<12288xi32, #tpu.memory_space<hbm>> -> memref<384xi32, #tpu.memory_space<hbm>>
      tpu.wait_dma2 semaphore(%run_scoped3A : memref<!tpu.dma_semaphore, #tpu.memory_space<semaphore_mem>>) src(%dma_wait3A_64 : memref<384xi32, #tpu.memory_space<hbm>>) dst(%arg5 : memref<384xi32, #tpu.memory_space<vmem>>)
      tpu.yield
    }) : () -> ()
    %dma_start3A = arith.constant 0 : i32
    %dma_start3A_3 = tpu.memref_slice %arg5[%dma_start3A] : memref<384xi32, #tpu.memory_space<vmem>> -> memref<128xi32, #tpu.memory_space<vmem>>
    %dma_start3A_4 = arith.constant 0 : i32
    %dma_start3A_5 = arith.constant 0 : i32
    %dma_start3A_6 = tpu.memref_slice %arg2[%dma_start3A_4, %dma_start3A_5] : memref<100000x256xf32, #tpu.memory_space<hbm>> -> memref<100000x256xf32, #tpu.memory_space<hbm>>
    tpu.enqueue_indirect_dma source(%dma_start3A_6 : memref<100000x256xf32, #tpu.memory_space<hbm>>) target(%arg6 : memref<128x256xf32, #tpu.memory_space<vmem>>) offsets(%dma_start3A_3 : memref<128xi32, #tpu.memory_space<vmem>>) semaphore(%arg8 : memref<!tpu.dma_semaphore, #tpu.memory_space<semaphore_mem>>)
    %dma_start3A_7 = arith.constant 128 : i32
    %dma_start3A_8 = tpu.memref_slice %arg5[%dma_start3A_7] : memref<384xi32, #tpu.memory_space<vmem>> -> memref<128xi32, #tpu.memory_space<vmem>>
    %dma_start3A_9 = arith.constant 0 : i32
    %dma_start3A_10 = arith.constant 0 : i32
    %dma_start3A_11 = tpu.memref_slice %arg2[%dma_start3A_9, %dma_start3A_10] : memref<100000x256xf32, #tpu.memory_space<hbm>> -> memref<100000x256xf32, #tpu.memory_space<hbm>>
    tpu.enqueue_indirect_dma source(%dma_start3A_11 : memref<100000x256xf32, #tpu.memory_space<hbm>>) target(%arg7 : memref<128x256xf32, #tpu.memory_space<vmem>>) offsets(%dma_start3A_8 : memref<128xi32, #tpu.memory_space<vmem>>) semaphore(%arg9 : memref<!tpu.dma_semaphore, #tpu.memory_space<semaphore_mem>>)
    %dma_wait3A = arith.constant 0 : i32
    %dma_wait3A_12 = tpu.memref_slice %arg5[%dma_wait3A] : memref<384xi32, #tpu.memory_space<vmem>> -> memref<128xi32, #tpu.memory_space<vmem>>
    %dma_wait3A_13 = arith.constant 0 : i32
    %dma_wait3A_14 = arith.constant 0 : i32
    %dma_wait3A_15 = tpu.memref_slice %arg2[%dma_wait3A_13, %dma_wait3A_14] : memref<100000x256xf32, #tpu.memory_space<hbm>> -> memref<100000x256xf32, #tpu.memory_space<hbm>>
    tpu.wait_indirect_dma semaphore(%arg8 : memref<!tpu.dma_semaphore, #tpu.memory_space<semaphore_mem>>) src(%dma_wait3A_15 : memref<100000x256xf32, #tpu.memory_space<hbm>>) dst(%arg6 : memref<128x256xf32, #tpu.memory_space<vmem>>)
    %add3A_16 = arith.constant 0 : i32
    %add3A_17 = arith.addi %mul3A_2, %add3A_16 : i32
    %dma_start3A_18 = arith.constant 0 : i32
    %dma_start3A_19 = tpu.memref_slice %arg4[%add3A_17, %dma_start3A_18] : memref<12288x256xf32, #tpu.memory_space<hbm>> -> memref<128x256xf32, #tpu.memory_space<hbm>>
    %dma_start3A_20 = arith.constant 0 : i32
    %dma_start3A_21 = tpu.memref_slice %arg4[%add3A_17, %dma_start3A_20] : memref<12288x256xf32, #tpu.memory_space<hbm>> -> memref<128x256xf32, #tpu.memory_space<hbm>>
    tpu.enqueue_dma source(%arg6 : memref<128x256xf32, #tpu.memory_space<vmem>>) target(%dma_start3A_21 : memref<128x256xf32, #tpu.memory_space<hbm>>) target_semaphore(%arg10 : memref<!tpu.dma_semaphore, #tpu.memory_space<semaphore_mem>>)
    %dma_wait3A_22 = arith.constant 0 : i32
    %dma_wait3A_23 = tpu.memref_slice %arg4[%add3A_17, %dma_wait3A_22] : memref<12288x256xf32, #tpu.memory_space<hbm>> -> memref<128x256xf32, #tpu.memory_space<hbm>>
    %dma_wait3A_24 = arith.constant 0 : i32
    %dma_wait3A_25 = tpu.memref_slice %arg4[%add3A_17, %dma_wait3A_24] : memref<12288x256xf32, #tpu.memory_space<hbm>> -> memref<128x256xf32, #tpu.memory_space<hbm>>
    tpu.wait_dma2 semaphore(%arg10 : memref<!tpu.dma_semaphore, #tpu.memory_space<semaphore_mem>>) src(%arg6 : memref<128x256xf32, #tpu.memory_space<vmem>>) dst(%dma_wait3A_25 : memref<128x256xf32, #tpu.memory_space<hbm>>)
    %dma_start3A_26 = arith.constant 256 : i32
    %dma_start3A_27 = tpu.memref_slice %arg5[%dma_start3A_26] : memref<384xi32, #tpu.memory_space<vmem>> -> memref<128xi32, #tpu.memory_space<vmem>>
    %dma_start3A_28 = arith.constant 0 : i32
    %dma_start3A_29 = arith.constant 0 : i32
    %dma_start3A_30 = tpu.memref_slice %arg2[%dma_start3A_28, %dma_start3A_29] : memref<100000x256xf32, #tpu.memory_space<hbm>> -> memref<100000x256xf32, #tpu.memory_space<hbm>>
    tpu.enqueue_indirect_dma source(%dma_start3A_30 : memref<100000x256xf32, #tpu.memory_space<hbm>>) target(%arg6 : memref<128x256xf32, #tpu.memory_space<vmem>>) offsets(%dma_start3A_27 : memref<128xi32, #tpu.memory_space<vmem>>) semaphore(%arg8 : memref<!tpu.dma_semaphore, #tpu.memory_space<semaphore_mem>>)
    %dma_wait3A_31 = arith.constant 128 : i32
    %dma_wait3A_32 = tpu.memref_slice %arg5[%dma_wait3A_31] : memref<384xi32, #tpu.memory_space<vmem>> -> memref<128xi32, #tpu.memory_space<vmem>>
    %dma_wait3A_33 = arith.constant 0 : i32
    %dma_wait3A_34 = arith.constant 0 : i32
    %dma_wait3A_35 = tpu.memref_slice %arg2[%dma_wait3A_33, %dma_wait3A_34] : memref<100000x256xf32, #tpu.memory_space<hbm>> -> memref<100000x256xf32, #tpu.memory_space<hbm>>
    tpu.wait_indirect_dma semaphore(%arg9 : memref<!tpu.dma_semaphore, #tpu.memory_space<semaphore_mem>>) src(%dma_wait3A_35 : memref<100000x256xf32, #tpu.memory_space<hbm>>) dst(%arg7 : memref<128x256xf32, #tpu.memory_space<vmem>>)
    %add3A_36 = arith.constant 128 : i32
    %add3A_37 = arith.addi %mul3A_2, %add3A_36 : i32
    %dma_start3A_38 = arith.constant 0 : i32
    %dma_start3A_39 = tpu.memref_slice %arg4[%add3A_37, %dma_start3A_38] : memref<12288x256xf32, #tpu.memory_space<hbm>> -> memref<128x256xf32, #tpu.memory_space<hbm>>
    %dma_start3A_40 = arith.constant 0 : i32
    %dma_start3A_41 = tpu.memref_slice %arg4[%add3A_37, %dma_start3A_40] : memref<12288x256xf32, #tpu.memory_space<hbm>> -> memref<128x256xf32, #tpu.memory_space<hbm>>
    tpu.enqueue_dma source(%arg7 : memref<128x256xf32, #tpu.memory_space<vmem>>) target(%dma_start3A_41 : memref<128x256xf32, #tpu.memory_space<hbm>>) target_semaphore(%arg11 : memref<!tpu.dma_semaphore, #tpu.memory_space<semaphore_mem>>)
    %dma_wait3A_42 = arith.constant 256 : i32
    %dma_wait3A_43 = tpu.memref_slice %arg5[%dma_wait3A_42] : memref<384xi32, #tpu.memory_space<vmem>> -> memref<128xi32, #tpu.memory_space<vmem>>
    %dma_wait3A_44 = arith.constant 0 : i32
    %dma_wait3A_45 = arith.constant 0 : i32
    %dma_wait3A_46 = tpu.memref_slice %arg2[%dma_wait3A_44, %dma_wait3A_45] : memref<100000x256xf32, #tpu.memory_space<hbm>> -> memref<100000x256xf32, #tpu.memory_space<hbm>>
    tpu.wait_indirect_dma semaphore(%arg8 : memref<!tpu.dma_semaphore, #tpu.memory_space<semaphore_mem>>) src(%dma_wait3A_46 : memref<100000x256xf32, #tpu.memory_space<hbm>>) dst(%arg6 : memref<128x256xf32, #tpu.memory_space<vmem>>)
    %add3A_47 = arith.constant 256 : i32
    %add3A_48 = arith.addi %mul3A_2, %add3A_47 : i32
    %dma_start3A_49 = arith.constant 0 : i32
    %dma_start3A_50 = tpu.memref_slice %arg4[%add3A_48, %dma_start3A_49] : memref<12288x256xf32, #tpu.memory_space<hbm>> -> memref<128x256xf32, #tpu.memory_space<hbm>>
    %dma_start3A_51 = arith.constant 0 : i32
    %dma_start3A_52 = tpu.memref_slice %arg4[%add3A_48, %dma_start3A_51] : memref<12288x256xf32, #tpu.memory_space<hbm>> -> memref<128x256xf32, #tpu.memory_space<hbm>>
    tpu.enqueue_dma source(%arg6 : memref<128x256xf32, #tpu.memory_space<vmem>>) target(%dma_start3A_52 : memref<128x256xf32, #tpu.memory_space<hbm>>) target_semaphore(%arg10 : memref<!tpu.dma_semaphore, #tpu.memory_space<semaphore_mem>>)
    %dma_wait3A_53 = arith.constant 0 : i32
    %dma_wait3A_54 = tpu.memref_slice %arg4[%add3A_48, %dma_wait3A_53] : memref<12288x256xf32, #tpu.memory_space<hbm>> -> memref<128x256xf32, #tpu.memory_space<hbm>>
    %dma_wait3A_55 = arith.constant 0 : i32
    %dma_wait3A_56 = tpu.memref_slice %arg4[%add3A_48, %dma_wait3A_55] : memref<12288x256xf32, #tpu.memory_space<hbm>> -> memref<128x256xf32, #tpu.memory_space<hbm>>
    tpu.wait_dma2 semaphore(%arg10 : memref<!tpu.dma_semaphore, #tpu.memory_space<semaphore_mem>>) src(%arg6 : memref<128x256xf32, #tpu.memory_space<vmem>>) dst(%dma_wait3A_56 : memref<128x256xf32, #tpu.memory_space<hbm>>)
    %dma_wait3A_57 = arith.constant 0 : i32
    %dma_wait3A_58 = tpu.memref_slice %arg4[%add3A_37, %dma_wait3A_57] : memref<12288x256xf32, #tpu.memory_space<hbm>> -> memref<128x256xf32, #tpu.memory_space<hbm>>
    %dma_wait3A_59 = arith.constant 0 : i32
    %dma_wait3A_60 = tpu.memref_slice %arg4[%add3A_37, %dma_wait3A_59] : memref<12288x256xf32, #tpu.memory_space<hbm>> -> memref<128x256xf32, #tpu.memory_space<hbm>>
    tpu.wait_dma2 semaphore(%arg11 : memref<!tpu.dma_semaphore, #tpu.memory_space<semaphore_mem>>) src(%arg7 : memref<128x256xf32, #tpu.memory_space<vmem>>) dst(%dma_wait3A_60 : memref<128x256xf32, #tpu.memory_space<hbm>>)
    return
  }
}

#map = affine_map<(d0, d1) -> (0, 0)>
#map1 = affine_map<(d0, d1) -> (0)>
module attributes {stable_mosaic.version = 14 : i64} {
  func.func @k(%arg0: i32, %arg1: i32, %arg2: memref<100000x256xf32, #tpu.memory_space<hbm>>, %arg3: memref<36864xi32, #tpu.memory_space<hbm>>, %arg4: memref<36864x256xf32, #tpu.memory_space<hbm>>, %arg5: memref<1152xi32, #tpu.memory_space<vmem>>, %arg6: memref<128x256xf32, #tpu.memory_space<vmem>>, %arg7: memref<128x256xf32, #tpu.memory_space<vmem>>, %arg8: memref<!tpu.dma_semaphore, #tpu.memory_space<semaphore_mem>>, %arg9: memref<!tpu.dma_semaphore, #tpu.memory_space<semaphore_mem>>, %arg10: memref<!tpu.dma_semaphore, #tpu.memory_space<semaphore_mem>>, %arg11: memref<!tpu.dma_semaphore, #tpu.memory_space<semaphore_mem>>) attributes {dimension_semantics = [#tpu.dimension_semantics<core_parallel>, #tpu.dimension_semantics<subcore_parallel>], iteration_bounds = array<i64: 2, 16>, scalar_prefetch = 0 : i64, scratch_operands = 7 : i64, tpu.core_type = #tpu.core_type<sc_vector_subcore>, window_params = [{transform_indices = #map}, {transform_indices = #map1}, {transform_indices = #map}]} {
    %mul3A = arith.constant 2 : i32
    %mul3A_0 = arith.muli %arg1, %mul3A : i32
    %add3A = arith.addi %mul3A_0, %arg0 : i32
    %mul3A_1 = arith.constant 1152 : i32
    %mul3A_2 = arith.muli %add3A, %mul3A_1 : i32
    "tpu.region"() ({
      %run_scoped3A = tpu.sem_alloc : memref<!tpu.dma_semaphore, #tpu.memory_space<semaphore_mem>>
      %dma_start3A_181 = tpu.memref_slice %arg3[%mul3A_2] : memref<36864xi32, #tpu.memory_space<hbm>> -> memref<1152xi32, #tpu.memory_space<hbm>>
      %dma_start3A_182 = tpu.memref_slice %arg3[%mul3A_2] : memref<36864xi32, #tpu.memory_space<hbm>> -> memref<1152xi32, #tpu.memory_space<hbm>>
      tpu.enqueue_dma source(%dma_start3A_182 : memref<1152xi32, #tpu.memory_space<hbm>>) target(%arg5 : memref<1152xi32, #tpu.memory_space<vmem>>) target_semaphore(%run_scoped3A : memref<!tpu.dma_semaphore, #tpu.memory_space<semaphore_mem>>)
      %dma_wait3A_183 = tpu.memref_slice %arg3[%mul3A_2] : memref<36864xi32, #tpu.memory_space<hbm>> -> memref<1152xi32, #tpu.memory_space<hbm>>
      %dma_wait3A_184 = tpu.memref_slice %arg3[%mul3A_2] : memref<36864xi32, #tpu.memory_space<hbm>> -> memref<1152xi32, #tpu.memory_space<hbm>>
      tpu.wait_dma2 semaphore(%run_scoped3A : memref<!tpu.dma_semaphore, #tpu.memory_space<semaphore_mem>>) src(%dma_wait3A_184 : memref<1152xi32, #tpu.memory_space<hbm>>) dst(%arg5 : memref<1152xi32, #tpu.memory_space<vmem>>)
      tpu.yield
    }) : () -> ()
    %dma_start3A = arith.constant 0 : i32
    %dma_start3A_3 = tpu.memref_slice %arg5[%dma_start3A] : memref<1152xi32, #tpu.memory_space<vmem>> -> memref<128xi32, #tpu.memory_space<vmem>>
    %dma_start3A_4 = arith.constant 0 : i32
    %dma_start3A_5 = arith.constant 0 : i32
    %dma_start3A_6 = tpu.memref_slice %arg2[%dma_start3A_4, %dma_start3A_5] : memref<100000x256xf32, #tpu.memory_space<hbm>> -> memref<100000x256xf32, #tpu.memory_space<hbm>>
    tpu.enqueue_indirect_dma source(%dma_start3A_6 : memref<100000x256xf32, #tpu.memory_space<hbm>>) target(%arg6 : memref<128x256xf32, #tpu.memory_space<vmem>>) offsets(%dma_start3A_3 : memref<128xi32, #tpu.memory_space<vmem>>) semaphore(%arg8 : memref<!tpu.dma_semaphore, #tpu.memory_space<semaphore_mem>>)
    %dma_start3A_7 = arith.constant 128 : i32
    %dma_start3A_8 = tpu.memref_slice %arg5[%dma_start3A_7] : memref<1152xi32, #tpu.memory_space<vmem>> -> memref<128xi32, #tpu.memory_space<vmem>>
    %dma_start3A_9 = arith.constant 0 : i32
    %dma_start3A_10 = arith.constant 0 : i32
    %dma_start3A_11 = tpu.memref_slice %arg2[%dma_start3A_9, %dma_start3A_10] : memref<100000x256xf32, #tpu.memory_space<hbm>> -> memref<100000x256xf32, #tpu.memory_space<hbm>>
    tpu.enqueue_indirect_dma source(%dma_start3A_11 : memref<100000x256xf32, #tpu.memory_space<hbm>>) target(%arg7 : memref<128x256xf32, #tpu.memory_space<vmem>>) offsets(%dma_start3A_8 : memref<128xi32, #tpu.memory_space<vmem>>) semaphore(%arg9 : memref<!tpu.dma_semaphore, #tpu.memory_space<semaphore_mem>>)
    %dma_wait3A = arith.constant 0 : i32
    %dma_wait3A_12 = tpu.memref_slice %arg5[%dma_wait3A] : memref<1152xi32, #tpu.memory_space<vmem>> -> memref<128xi32, #tpu.memory_space<vmem>>
    %dma_wait3A_13 = arith.constant 0 : i32
    %dma_wait3A_14 = arith.constant 0 : i32
    %dma_wait3A_15 = tpu.memref_slice %arg2[%dma_wait3A_13, %dma_wait3A_14] : memref<100000x256xf32, #tpu.memory_space<hbm>> -> memref<100000x256xf32, #tpu.memory_space<hbm>>
    tpu.wait_indirect_dma semaphore(%arg8 : memref<!tpu.dma_semaphore, #tpu.memory_space<semaphore_mem>>) src(%dma_wait3A_15 : memref<100000x256xf32, #tpu.memory_space<hbm>>) dst(%arg6 : memref<128x256xf32, #tpu.memory_space<vmem>>)
    %add3A_16 = arith.constant 0 : i32
    %add3A_17 = arith.addi %mul3A_2, %add3A_16 : i32
    %dma_start3A_18 = arith.constant 0 : i32
    %dma_start3A_19 = tpu.memref_slice %arg4[%add3A_17, %dma_start3A_18] : memref<36864x256xf32, #tpu.memory_space<hbm>> -> memref<128x256xf32, #tpu.memory_space<hbm>>
    %dma_start3A_20 = arith.constant 0 : i32
    %dma_start3A_21 = tpu.memref_slice %arg4[%add3A_17, %dma_start3A_20] : memref<36864x256xf32, #tpu.memory_space<hbm>> -> memref<128x256xf32, #tpu.memory_space<hbm>>
    tpu.enqueue_dma source(%arg6 : memref<128x256xf32, #tpu.memory_space<vmem>>) target(%dma_start3A_21 : memref<128x256xf32, #tpu.memory_space<hbm>>) target_semaphore(%arg10 : memref<!tpu.dma_semaphore, #tpu.memory_space<semaphore_mem>>)
    %dma_wait3A_22 = arith.constant 0 : i32
    %dma_wait3A_23 = tpu.memref_slice %arg4[%add3A_17, %dma_wait3A_22] : memref<36864x256xf32, #tpu.memory_space<hbm>> -> memref<128x256xf32, #tpu.memory_space<hbm>>
    %dma_wait3A_24 = arith.constant 0 : i32
    %dma_wait3A_25 = tpu.memref_slice %arg4[%add3A_17, %dma_wait3A_24] : memref<36864x256xf32, #tpu.memory_space<hbm>> -> memref<128x256xf32, #tpu.memory_space<hbm>>
    tpu.wait_dma2 semaphore(%arg10 : memref<!tpu.dma_semaphore, #tpu.memory_space<semaphore_mem>>) src(%arg6 : memref<128x256xf32, #tpu.memory_space<vmem>>) dst(%dma_wait3A_25 : memref<128x256xf32, #tpu.memory_space<hbm>>)
    %dma_start3A_26 = arith.constant 256 : i32
    %dma_start3A_27 = tpu.memref_slice %arg5[%dma_start3A_26] : memref<1152xi32, #tpu.memory_space<vmem>> -> memref<128xi32, #tpu.memory_space<vmem>>
    %dma_start3A_28 = arith.constant 0 : i32
    %dma_start3A_29 = arith.constant 0 : i32
    %dma_start3A_30 = tpu.memref_slice %arg2[%dma_start3A_28, %dma_start3A_29] : memref<100000x256xf32, #tpu.memory_space<hbm>> -> memref<100000x256xf32, #tpu.memory_space<hbm>>
    tpu.enqueue_indirect_dma source(%dma_start3A_30 : memref<100000x256xf32, #tpu.memory_space<hbm>>) target(%arg6 : memref<128x256xf32, #tpu.memory_space<vmem>>) offsets(%dma_start3A_27 : memref<128xi32, #tpu.memory_space<vmem>>) semaphore(%arg8 : memref<!tpu.dma_semaphore, #tpu.memory_space<semaphore_mem>>)
    %dma_wait3A_31 = arith.constant 128 : i32
    %dma_wait3A_32 = tpu.memref_slice %arg5[%dma_wait3A_31] : memref<1152xi32, #tpu.memory_space<vmem>> -> memref<128xi32, #tpu.memory_space<vmem>>
    %dma_wait3A_33 = arith.constant 0 : i32
    %dma_wait3A_34 = arith.constant 0 : i32
    %dma_wait3A_35 = tpu.memref_slice %arg2[%dma_wait3A_33, %dma_wait3A_34] : memref<100000x256xf32, #tpu.memory_space<hbm>> -> memref<100000x256xf32, #tpu.memory_space<hbm>>
    tpu.wait_indirect_dma semaphore(%arg9 : memref<!tpu.dma_semaphore, #tpu.memory_space<semaphore_mem>>) src(%dma_wait3A_35 : memref<100000x256xf32, #tpu.memory_space<hbm>>) dst(%arg7 : memref<128x256xf32, #tpu.memory_space<vmem>>)
    %add3A_36 = arith.constant 128 : i32
    %add3A_37 = arith.addi %mul3A_2, %add3A_36 : i32
    %dma_start3A_38 = arith.constant 0 : i32
    %dma_start3A_39 = tpu.memref_slice %arg4[%add3A_37, %dma_start3A_38] : memref<36864x256xf32, #tpu.memory_space<hbm>> -> memref<128x256xf32, #tpu.memory_space<hbm>>
    %dma_start3A_40 = arith.constant 0 : i32
    %dma_start3A_41 = tpu.memref_slice %arg4[%add3A_37, %dma_start3A_40] : memref<36864x256xf32, #tpu.memory_space<hbm>> -> memref<128x256xf32, #tpu.memory_space<hbm>>
    tpu.enqueue_dma source(%arg7 : memref<128x256xf32, #tpu.memory_space<vmem>>) target(%dma_start3A_41 : memref<128x256xf32, #tpu.memory_space<hbm>>) target_semaphore(%arg11 : memref<!tpu.dma_semaphore, #tpu.memory_space<semaphore_mem>>)
    %dma_wait3A_42 = arith.constant 0 : i32
    %dma_wait3A_43 = tpu.memref_slice %arg4[%add3A_37, %dma_wait3A_42] : memref<36864x256xf32, #tpu.memory_space<hbm>> -> memref<128x256xf32, #tpu.memory_space<hbm>>
    %dma_wait3A_44 = arith.constant 0 : i32
    %dma_wait3A_45 = tpu.memref_slice %arg4[%add3A_37, %dma_wait3A_44] : memref<36864x256xf32, #tpu.memory_space<hbm>> -> memref<128x256xf32, #tpu.memory_space<hbm>>
    tpu.wait_dma2 semaphore(%arg11 : memref<!tpu.dma_semaphore, #tpu.memory_space<semaphore_mem>>) src(%arg7 : memref<128x256xf32, #tpu.memory_space<vmem>>) dst(%dma_wait3A_45 : memref<128x256xf32, #tpu.memory_space<hbm>>)
    %dma_start3A_46 = arith.constant 384 : i32
    %dma_start3A_47 = tpu.memref_slice %arg5[%dma_start3A_46] : memref<1152xi32, #tpu.memory_space<vmem>> -> memref<128xi32, #tpu.memory_space<vmem>>
    %dma_start3A_48 = arith.constant 0 : i32
    %dma_start3A_49 = arith.constant 0 : i32
    %dma_start3A_50 = tpu.memref_slice %arg2[%dma_start3A_48, %dma_start3A_49] : memref<100000x256xf32, #tpu.memory_space<hbm>> -> memref<100000x256xf32, #tpu.memory_space<hbm>>
    tpu.enqueue_indirect_dma source(%dma_start3A_50 : memref<100000x256xf32, #tpu.memory_space<hbm>>) target(%arg7 : memref<128x256xf32, #tpu.memory_space<vmem>>) offsets(%dma_start3A_47 : memref<128xi32, #tpu.memory_space<vmem>>) semaphore(%arg9 : memref<!tpu.dma_semaphore, #tpu.memory_space<semaphore_mem>>)
    %dma_wait3A_51 = arith.constant 256 : i32
    %dma_wait3A_52 = tpu.memref_slice %arg5[%dma_wait3A_51] : memref<1152xi32, #tpu.memory_space<vmem>> -> memref<128xi32, #tpu.memory_space<vmem>>
    %dma_wait3A_53 = arith.constant 0 : i32
    %dma_wait3A_54 = arith.constant 0 : i32
    %dma_wait3A_55 = tpu.memref_slice %arg2[%dma_wait3A_53, %dma_wait3A_54] : memref<100000x256xf32, #tpu.memory_space<hbm>> -> memref<100000x256xf32, #tpu.memory_space<hbm>>
    tpu.wait_indirect_dma semaphore(%arg8 : memref<!tpu.dma_semaphore, #tpu.memory_space<semaphore_mem>>) src(%dma_wait3A_55 : memref<100000x256xf32, #tpu.memory_space<hbm>>) dst(%arg6 : memref<128x256xf32, #tpu.memory_space<vmem>>)
    %add3A_56 = arith.constant 256 : i32
    %add3A_57 = arith.addi %mul3A_2, %add3A_56 : i32
    %dma_start3A_58 = arith.constant 0 : i32
    %dma_start3A_59 = tpu.memref_slice %arg4[%add3A_57, %dma_start3A_58] : memref<36864x256xf32, #tpu.memory_space<hbm>> -> memref<128x256xf32, #tpu.memory_space<hbm>>
    %dma_start3A_60 = arith.constant 0 : i32
    %dma_start3A_61 = tpu.memref_slice %arg4[%add3A_57, %dma_start3A_60] : memref<36864x256xf32, #tpu.memory_space<hbm>> -> memref<128x256xf32, #tpu.memory_space<hbm>>
    tpu.enqueue_dma source(%arg6 : memref<128x256xf32, #tpu.memory_space<vmem>>) target(%dma_start3A_61 : memref<128x256xf32, #tpu.memory_space<hbm>>) target_semaphore(%arg10 : memref<!tpu.dma_semaphore, #tpu.memory_space<semaphore_mem>>)
    %dma_wait3A_62 = arith.constant 0 : i32
    %dma_wait3A_63 = tpu.memref_slice %arg4[%add3A_57, %dma_wait3A_62] : memref<36864x256xf32, #tpu.memory_space<hbm>> -> memref<128x256xf32, #tpu.memory_space<hbm>>
    %dma_wait3A_64 = arith.constant 0 : i32
    %dma_wait3A_65 = tpu.memref_slice %arg4[%add3A_57, %dma_wait3A_64] : memref<36864x256xf32, #tpu.memory_space<hbm>> -> memref<128x256xf32, #tpu.memory_space<hbm>>
    tpu.wait_dma2 semaphore(%arg10 : memref<!tpu.dma_semaphore, #tpu.memory_space<semaphore_mem>>) src(%arg6 : memref<128x256xf32, #tpu.memory_space<vmem>>) dst(%dma_wait3A_65 : memref<128x256xf32, #tpu.memory_space<hbm>>)
    %dma_start3A_66 = arith.constant 512 : i32
    %dma_start3A_67 = tpu.memref_slice %arg5[%dma_start3A_66] : memref<1152xi32, #tpu.memory_space<vmem>> -> memref<128xi32, #tpu.memory_space<vmem>>
    %dma_start3A_68 = arith.constant 0 : i32
    %dma_start3A_69 = arith.constant 0 : i32
    %dma_start3A_70 = tpu.memref_slice %arg2[%dma_start3A_68, %dma_start3A_69] : memref<100000x256xf32, #tpu.memory_space<hbm>> -> memref<100000x256xf32, #tpu.memory_space<hbm>>
    tpu.enqueue_indirect_dma source(%dma_start3A_70 : memref<100000x256xf32, #tpu.memory_space<hbm>>) target(%arg6 : memref<128x256xf32, #tpu.memory_space<vmem>>) offsets(%dma_start3A_67 : memref<128xi32, #tpu.memory_space<vmem>>) semaphore(%arg8 : memref<!tpu.dma_semaphore, #tpu.memory_space<semaphore_mem>>)
    %dma_wait3A_71 = arith.constant 384 : i32
    %dma_wait3A_72 = tpu.memref_slice %arg5[%dma_wait3A_71] : memref<1152xi32, #tpu.memory_space<vmem>> -> memref<128xi32, #tpu.memory_space<vmem>>
    %dma_wait3A_73 = arith.constant 0 : i32
    %dma_wait3A_74 = arith.constant 0 : i32
    %dma_wait3A_75 = tpu.memref_slice %arg2[%dma_wait3A_73, %dma_wait3A_74] : memref<100000x256xf32, #tpu.memory_space<hbm>> -> memref<100000x256xf32, #tpu.memory_space<hbm>>
    tpu.wait_indirect_dma semaphore(%arg9 : memref<!tpu.dma_semaphore, #tpu.memory_space<semaphore_mem>>) src(%dma_wait3A_75 : memref<100000x256xf32, #tpu.memory_space<hbm>>) dst(%arg7 : memref<128x256xf32, #tpu.memory_space<vmem>>)
    %add3A_76 = arith.constant 384 : i32
    %add3A_77 = arith.addi %mul3A_2, %add3A_76 : i32
    %dma_start3A_78 = arith.constant 0 : i32
    %dma_start3A_79 = tpu.memref_slice %arg4[%add3A_77, %dma_start3A_78] : memref<36864x256xf32, #tpu.memory_space<hbm>> -> memref<128x256xf32, #tpu.memory_space<hbm>>
    %dma_start3A_80 = arith.constant 0 : i32
    %dma_start3A_81 = tpu.memref_slice %arg4[%add3A_77, %dma_start3A_80] : memref<36864x256xf32, #tpu.memory_space<hbm>> -> memref<128x256xf32, #tpu.memory_space<hbm>>
    tpu.enqueue_dma source(%arg7 : memref<128x256xf32, #tpu.memory_space<vmem>>) target(%dma_start3A_81 : memref<128x256xf32, #tpu.memory_space<hbm>>) target_semaphore(%arg11 : memref<!tpu.dma_semaphore, #tpu.memory_space<semaphore_mem>>)
    %dma_wait3A_82 = arith.constant 0 : i32
    %dma_wait3A_83 = tpu.memref_slice %arg4[%add3A_77, %dma_wait3A_82] : memref<36864x256xf32, #tpu.memory_space<hbm>> -> memref<128x256xf32, #tpu.memory_space<hbm>>
    %dma_wait3A_84 = arith.constant 0 : i32
    %dma_wait3A_85 = tpu.memref_slice %arg4[%add3A_77, %dma_wait3A_84] : memref<36864x256xf32, #tpu.memory_space<hbm>> -> memref<128x256xf32, #tpu.memory_space<hbm>>
    tpu.wait_dma2 semaphore(%arg11 : memref<!tpu.dma_semaphore, #tpu.memory_space<semaphore_mem>>) src(%arg7 : memref<128x256xf32, #tpu.memory_space<vmem>>) dst(%dma_wait3A_85 : memref<128x256xf32, #tpu.memory_space<hbm>>)
    %dma_start3A_86 = arith.constant 640 : i32
    %dma_start3A_87 = tpu.memref_slice %arg5[%dma_start3A_86] : memref<1152xi32, #tpu.memory_space<vmem>> -> memref<128xi32, #tpu.memory_space<vmem>>
    %dma_start3A_88 = arith.constant 0 : i32
    %dma_start3A_89 = arith.constant 0 : i32
    %dma_start3A_90 = tpu.memref_slice %arg2[%dma_start3A_88, %dma_start3A_89] : memref<100000x256xf32, #tpu.memory_space<hbm>> -> memref<100000x256xf32, #tpu.memory_space<hbm>>
    tpu.enqueue_indirect_dma source(%dma_start3A_90 : memref<100000x256xf32, #tpu.memory_space<hbm>>) target(%arg7 : memref<128x256xf32, #tpu.memory_space<vmem>>) offsets(%dma_start3A_87 : memref<128xi32, #tpu.memory_space<vmem>>) semaphore(%arg9 : memref<!tpu.dma_semaphore, #tpu.memory_space<semaphore_mem>>)
    %dma_wait3A_91 = arith.constant 512 : i32
    %dma_wait3A_92 = tpu.memref_slice %arg5[%dma_wait3A_91] : memref<1152xi32, #tpu.memory_space<vmem>> -> memref<128xi32, #tpu.memory_space<vmem>>
    %dma_wait3A_93 = arith.constant 0 : i32
    %dma_wait3A_94 = arith.constant 0 : i32
    %dma_wait3A_95 = tpu.memref_slice %arg2[%dma_wait3A_93, %dma_wait3A_94] : memref<100000x256xf32, #tpu.memory_space<hbm>> -> memref<100000x256xf32, #tpu.memory_space<hbm>>
    tpu.wait_indirect_dma semaphore(%arg8 : memref<!tpu.dma_semaphore, #tpu.memory_space<semaphore_mem>>) src(%dma_wait3A_95 : memref<100000x256xf32, #tpu.memory_space<hbm>>) dst(%arg6 : memref<128x256xf32, #tpu.memory_space<vmem>>)
    %add3A_96 = arith.constant 512 : i32
    %add3A_97 = arith.addi %mul3A_2, %add3A_96 : i32
    %dma_start3A_98 = arith.constant 0 : i32
    %dma_start3A_99 = tpu.memref_slice %arg4[%add3A_97, %dma_start3A_98] : memref<36864x256xf32, #tpu.memory_space<hbm>> -> memref<128x256xf32, #tpu.memory_space<hbm>>
    %dma_start3A_100 = arith.constant 0 : i32
    %dma_start3A_101 = tpu.memref_slice %arg4[%add3A_97, %dma_start3A_100] : memref<36864x256xf32, #tpu.memory_space<hbm>> -> memref<128x256xf32, #tpu.memory_space<hbm>>
    tpu.enqueue_dma source(%arg6 : memref<128x256xf32, #tpu.memory_space<vmem>>) target(%dma_start3A_101 : memref<128x256xf32, #tpu.memory_space<hbm>>) target_semaphore(%arg10 : memref<!tpu.dma_semaphore, #tpu.memory_space<semaphore_mem>>)
    %dma_wait3A_102 = arith.constant 0 : i32
    %dma_wait3A_103 = tpu.memref_slice %arg4[%add3A_97, %dma_wait3A_102] : memref<36864x256xf32, #tpu.memory_space<hbm>> -> memref<128x256xf32, #tpu.memory_space<hbm>>
    %dma_wait3A_104 = arith.constant 0 : i32
    %dma_wait3A_105 = tpu.memref_slice %arg4[%add3A_97, %dma_wait3A_104] : memref<36864x256xf32, #tpu.memory_space<hbm>> -> memref<128x256xf32, #tpu.memory_space<hbm>>
    tpu.wait_dma2 semaphore(%arg10 : memref<!tpu.dma_semaphore, #tpu.memory_space<semaphore_mem>>) src(%arg6 : memref<128x256xf32, #tpu.memory_space<vmem>>) dst(%dma_wait3A_105 : memref<128x256xf32, #tpu.memory_space<hbm>>)
    %dma_start3A_106 = arith.constant 768 : i32
    %dma_start3A_107 = tpu.memref_slice %arg5[%dma_start3A_106] : memref<1152xi32, #tpu.memory_space<vmem>> -> memref<128xi32, #tpu.memory_space<vmem>>
    %dma_start3A_108 = arith.constant 0 : i32
    %dma_start3A_109 = arith.constant 0 : i32
    %dma_start3A_110 = tpu.memref_slice %arg2[%dma_start3A_108, %dma_start3A_109] : memref<100000x256xf32, #tpu.memory_space<hbm>> -> memref<100000x256xf32, #tpu.memory_space<hbm>>
    tpu.enqueue_indirect_dma source(%dma_start3A_110 : memref<100000x256xf32, #tpu.memory_space<hbm>>) target(%arg6 : memref<128x256xf32, #tpu.memory_space<vmem>>) offsets(%dma_start3A_107 : memref<128xi32, #tpu.memory_space<vmem>>) semaphore(%arg8 : memref<!tpu.dma_semaphore, #tpu.memory_space<semaphore_mem>>)
    %dma_wait3A_111 = arith.constant 640 : i32
    %dma_wait3A_112 = tpu.memref_slice %arg5[%dma_wait3A_111] : memref<1152xi32, #tpu.memory_space<vmem>> -> memref<128xi32, #tpu.memory_space<vmem>>
    %dma_wait3A_113 = arith.constant 0 : i32
    %dma_wait3A_114 = arith.constant 0 : i32
    %dma_wait3A_115 = tpu.memref_slice %arg2[%dma_wait3A_113, %dma_wait3A_114] : memref<100000x256xf32, #tpu.memory_space<hbm>> -> memref<100000x256xf32, #tpu.memory_space<hbm>>
    tpu.wait_indirect_dma semaphore(%arg9 : memref<!tpu.dma_semaphore, #tpu.memory_space<semaphore_mem>>) src(%dma_wait3A_115 : memref<100000x256xf32, #tpu.memory_space<hbm>>) dst(%arg7 : memref<128x256xf32, #tpu.memory_space<vmem>>)
    %add3A_116 = arith.constant 640 : i32
    %add3A_117 = arith.addi %mul3A_2, %add3A_116 : i32
    %dma_start3A_118 = arith.constant 0 : i32
    %dma_start3A_119 = tpu.memref_slice %arg4[%add3A_117, %dma_start3A_118] : memref<36864x256xf32, #tpu.memory_space<hbm>> -> memref<128x256xf32, #tpu.memory_space<hbm>>
    %dma_start3A_120 = arith.constant 0 : i32
    %dma_start3A_121 = tpu.memref_slice %arg4[%add3A_117, %dma_start3A_120] : memref<36864x256xf32, #tpu.memory_space<hbm>> -> memref<128x256xf32, #tpu.memory_space<hbm>>
    tpu.enqueue_dma source(%arg7 : memref<128x256xf32, #tpu.memory_space<vmem>>) target(%dma_start3A_121 : memref<128x256xf32, #tpu.memory_space<hbm>>) target_semaphore(%arg11 : memref<!tpu.dma_semaphore, #tpu.memory_space<semaphore_mem>>)
    %dma_wait3A_122 = arith.constant 0 : i32
    %dma_wait3A_123 = tpu.memref_slice %arg4[%add3A_117, %dma_wait3A_122] : memref<36864x256xf32, #tpu.memory_space<hbm>> -> memref<128x256xf32, #tpu.memory_space<hbm>>
    %dma_wait3A_124 = arith.constant 0 : i32
    %dma_wait3A_125 = tpu.memref_slice %arg4[%add3A_117, %dma_wait3A_124] : memref<36864x256xf32, #tpu.memory_space<hbm>> -> memref<128x256xf32, #tpu.memory_space<hbm>>
    tpu.wait_dma2 semaphore(%arg11 : memref<!tpu.dma_semaphore, #tpu.memory_space<semaphore_mem>>) src(%arg7 : memref<128x256xf32, #tpu.memory_space<vmem>>) dst(%dma_wait3A_125 : memref<128x256xf32, #tpu.memory_space<hbm>>)
    %dma_start3A_126 = arith.constant 896 : i32
    %dma_start3A_127 = tpu.memref_slice %arg5[%dma_start3A_126] : memref<1152xi32, #tpu.memory_space<vmem>> -> memref<128xi32, #tpu.memory_space<vmem>>
    %dma_start3A_128 = arith.constant 0 : i32
    %dma_start3A_129 = arith.constant 0 : i32
    %dma_start3A_130 = tpu.memref_slice %arg2[%dma_start3A_128, %dma_start3A_129] : memref<100000x256xf32, #tpu.memory_space<hbm>> -> memref<100000x256xf32, #tpu.memory_space<hbm>>
    tpu.enqueue_indirect_dma source(%dma_start3A_130 : memref<100000x256xf32, #tpu.memory_space<hbm>>) target(%arg7 : memref<128x256xf32, #tpu.memory_space<vmem>>) offsets(%dma_start3A_127 : memref<128xi32, #tpu.memory_space<vmem>>) semaphore(%arg9 : memref<!tpu.dma_semaphore, #tpu.memory_space<semaphore_mem>>)
    %dma_wait3A_131 = arith.constant 768 : i32
    %dma_wait3A_132 = tpu.memref_slice %arg5[%dma_wait3A_131] : memref<1152xi32, #tpu.memory_space<vmem>> -> memref<128xi32, #tpu.memory_space<vmem>>
    %dma_wait3A_133 = arith.constant 0 : i32
    %dma_wait3A_134 = arith.constant 0 : i32
    %dma_wait3A_135 = tpu.memref_slice %arg2[%dma_wait3A_133, %dma_wait3A_134] : memref<100000x256xf32, #tpu.memory_space<hbm>> -> memref<100000x256xf32, #tpu.memory_space<hbm>>
    tpu.wait_indirect_dma semaphore(%arg8 : memref<!tpu.dma_semaphore, #tpu.memory_space<semaphore_mem>>) src(%dma_wait3A_135 : memref<100000x256xf32, #tpu.memory_space<hbm>>) dst(%arg6 : memref<128x256xf32, #tpu.memory_space<vmem>>)
    %add3A_136 = arith.constant 768 : i32
    %add3A_137 = arith.addi %mul3A_2, %add3A_136 : i32
    %dma_start3A_138 = arith.constant 0 : i32
    %dma_start3A_139 = tpu.memref_slice %arg4[%add3A_137, %dma_start3A_138] : memref<36864x256xf32, #tpu.memory_space<hbm>> -> memref<128x256xf32, #tpu.memory_space<hbm>>
    %dma_start3A_140 = arith.constant 0 : i32
    %dma_start3A_141 = tpu.memref_slice %arg4[%add3A_137, %dma_start3A_140] : memref<36864x256xf32, #tpu.memory_space<hbm>> -> memref<128x256xf32, #tpu.memory_space<hbm>>
    tpu.enqueue_dma source(%arg6 : memref<128x256xf32, #tpu.memory_space<vmem>>) target(%dma_start3A_141 : memref<128x256xf32, #tpu.memory_space<hbm>>) target_semaphore(%arg10 : memref<!tpu.dma_semaphore, #tpu.memory_space<semaphore_mem>>)
    %dma_wait3A_142 = arith.constant 0 : i32
    %dma_wait3A_143 = tpu.memref_slice %arg4[%add3A_137, %dma_wait3A_142] : memref<36864x256xf32, #tpu.memory_space<hbm>> -> memref<128x256xf32, #tpu.memory_space<hbm>>
    %dma_wait3A_144 = arith.constant 0 : i32
    %dma_wait3A_145 = tpu.memref_slice %arg4[%add3A_137, %dma_wait3A_144] : memref<36864x256xf32, #tpu.memory_space<hbm>> -> memref<128x256xf32, #tpu.memory_space<hbm>>
    tpu.wait_dma2 semaphore(%arg10 : memref<!tpu.dma_semaphore, #tpu.memory_space<semaphore_mem>>) src(%arg6 : memref<128x256xf32, #tpu.memory_space<vmem>>) dst(%dma_wait3A_145 : memref<128x256xf32, #tpu.memory_space<hbm>>)
    %dma_start3A_146 = arith.constant 1024 : i32
    %dma_start3A_147 = tpu.memref_slice %arg5[%dma_start3A_146] : memref<1152xi32, #tpu.memory_space<vmem>> -> memref<128xi32, #tpu.memory_space<vmem>>
    %dma_start3A_148 = arith.constant 0 : i32
    %dma_start3A_149 = arith.constant 0 : i32
    %dma_start3A_150 = tpu.memref_slice %arg2[%dma_start3A_148, %dma_start3A_149] : memref<100000x256xf32, #tpu.memory_space<hbm>> -> memref<100000x256xf32, #tpu.memory_space<hbm>>
    tpu.enqueue_indirect_dma source(%dma_start3A_150 : memref<100000x256xf32, #tpu.memory_space<hbm>>) target(%arg6 : memref<128x256xf32, #tpu.memory_space<vmem>>) offsets(%dma_start3A_147 : memref<128xi32, #tpu.memory_space<vmem>>) semaphore(%arg8 : memref<!tpu.dma_semaphore, #tpu.memory_space<semaphore_mem>>)
    %dma_wait3A_151 = arith.constant 896 : i32
    %dma_wait3A_152 = tpu.memref_slice %arg5[%dma_wait3A_151] : memref<1152xi32, #tpu.memory_space<vmem>> -> memref<128xi32, #tpu.memory_space<vmem>>
    %dma_wait3A_153 = arith.constant 0 : i32
    %dma_wait3A_154 = arith.constant 0 : i32
    %dma_wait3A_155 = tpu.memref_slice %arg2[%dma_wait3A_153, %dma_wait3A_154] : memref<100000x256xf32, #tpu.memory_space<hbm>> -> memref<100000x256xf32, #tpu.memory_space<hbm>>
    tpu.wait_indirect_dma semaphore(%arg9 : memref<!tpu.dma_semaphore, #tpu.memory_space<semaphore_mem>>) src(%dma_wait3A_155 : memref<100000x256xf32, #tpu.memory_space<hbm>>) dst(%arg7 : memref<128x256xf32, #tpu.memory_space<vmem>>)
    %add3A_156 = arith.constant 896 : i32
    %add3A_157 = arith.addi %mul3A_2, %add3A_156 : i32
    %dma_start3A_158 = arith.constant 0 : i32
    %dma_start3A_159 = tpu.memref_slice %arg4[%add3A_157, %dma_start3A_158] : memref<36864x256xf32, #tpu.memory_space<hbm>> -> memref<128x256xf32, #tpu.memory_space<hbm>>
    %dma_start3A_160 = arith.constant 0 : i32
    %dma_start3A_161 = tpu.memref_slice %arg4[%add3A_157, %dma_start3A_160] : memref<36864x256xf32, #tpu.memory_space<hbm>> -> memref<128x256xf32, #tpu.memory_space<hbm>>
    tpu.enqueue_dma source(%arg7 : memref<128x256xf32, #tpu.memory_space<vmem>>) target(%dma_start3A_161 : memref<128x256xf32, #tpu.memory_space<hbm>>) target_semaphore(%arg11 : memref<!tpu.dma_semaphore, #tpu.memory_space<semaphore_mem>>)
    %dma_wait3A_162 = arith.constant 1024 : i32
    %dma_wait3A_163 = tpu.memref_slice %arg5[%dma_wait3A_162] : memref<1152xi32, #tpu.memory_space<vmem>> -> memref<128xi32, #tpu.memory_space<vmem>>
    %dma_wait3A_164 = arith.constant 0 : i32
    %dma_wait3A_165 = arith.constant 0 : i32
    %dma_wait3A_166 = tpu.memref_slice %arg2[%dma_wait3A_164, %dma_wait3A_165] : memref<100000x256xf32, #tpu.memory_space<hbm>> -> memref<100000x256xf32, #tpu.memory_space<hbm>>
    tpu.wait_indirect_dma semaphore(%arg8 : memref<!tpu.dma_semaphore, #tpu.memory_space<semaphore_mem>>) src(%dma_wait3A_166 : memref<100000x256xf32, #tpu.memory_space<hbm>>) dst(%arg6 : memref<128x256xf32, #tpu.memory_space<vmem>>)
    %add3A_167 = arith.constant 1024 : i32
    %add3A_168 = arith.addi %mul3A_2, %add3A_167 : i32
    %dma_start3A_169 = arith.constant 0 : i32
    %dma_start3A_170 = tpu.memref_slice %arg4[%add3A_168, %dma_start3A_169] : memref<36864x256xf32, #tpu.memory_space<hbm>> -> memref<128x256xf32, #tpu.memory_space<hbm>>
    %dma_start3A_171 = arith.constant 0 : i32
    %dma_start3A_172 = tpu.memref_slice %arg4[%add3A_168, %dma_start3A_171] : memref<36864x256xf32, #tpu.memory_space<hbm>> -> memref<128x256xf32, #tpu.memory_space<hbm>>
    tpu.enqueue_dma source(%arg6 : memref<128x256xf32, #tpu.memory_space<vmem>>) target(%dma_start3A_172 : memref<128x256xf32, #tpu.memory_space<hbm>>) target_semaphore(%arg10 : memref<!tpu.dma_semaphore, #tpu.memory_space<semaphore_mem>>)
    %dma_wait3A_173 = arith.constant 0 : i32
    %dma_wait3A_174 = tpu.memref_slice %arg4[%add3A_168, %dma_wait3A_173] : memref<36864x256xf32, #tpu.memory_space<hbm>> -> memref<128x256xf32, #tpu.memory_space<hbm>>
    %dma_wait3A_175 = arith.constant 0 : i32
    %dma_wait3A_176 = tpu.memref_slice %arg4[%add3A_168, %dma_wait3A_175] : memref<36864x256xf32, #tpu.memory_space<hbm>> -> memref<128x256xf32, #tpu.memory_space<hbm>>
    tpu.wait_dma2 semaphore(%arg10 : memref<!tpu.dma_semaphore, #tpu.memory_space<semaphore_mem>>) src(%arg6 : memref<128x256xf32, #tpu.memory_space<vmem>>) dst(%dma_wait3A_176 : memref<128x256xf32, #tpu.memory_space<hbm>>)
    %dma_wait3A_177 = arith.constant 0 : i32
    %dma_wait3A_178 = tpu.memref_slice %arg4[%add3A_157, %dma_wait3A_177] : memref<36864x256xf32, #tpu.memory_space<hbm>> -> memref<128x256xf32, #tpu.memory_space<hbm>>
    %dma_wait3A_179 = arith.constant 0 : i32
    %dma_wait3A_180 = tpu.memref_slice %arg4[%add3A_157, %dma_wait3A_179] : memref<36864x256xf32, #tpu.memory_space<hbm>> -> memref<128x256xf32, #tpu.memory_space<hbm>>
    tpu.wait_dma2 semaphore(%arg11 : memref<!tpu.dma_semaphore, #tpu.memory_space<semaphore_mem>>) src(%arg7 : memref<128x256xf32, #tpu.memory_space<vmem>>) dst(%dma_wait3A_180 : memref<128x256xf32, #tpu.memory_space<hbm>>)
    return
  }
}

module attributes {stable_mosaic.version = 14 : i64} {
  func.func @body(%arg0: i32, %arg1: memref<8x384x256xf32, #tpu.memory_space<vmem>>, %arg2: memref<256x2048xbf16, #tpu.memory_space<vmem>>, %arg3: memref<512x2048xbf16, #tpu.memory_space<vmem>>, %arg4: memref<1x2048xf32, #tpu.memory_space<vmem>>, %arg5: memref<1024x512xf32, #tpu.memory_space<vmem>>, %arg6: memref<1x512xf32, #tpu.memory_space<vmem>>, %arg7: memref<512x1xf32, #tpu.memory_space<vmem>>, %arg8: memref<1x1xf32, #tpu.memory_space<smem>>, %arg9: memref<384x512xbf16, #tpu.memory_space<vmem>>, %arg10: memref<384x512xf32, #tpu.memory_space<vmem>>, %arg11: memref<384x512xbf16, #tpu.memory_space<vmem>>, %arg12: memref<384x512xf32, #tpu.memory_space<vmem>>, %arg13: memref<384x512xbf16, #tpu.memory_space<vmem>>, %arg14: memref<384x512xf32, #tpu.memory_space<vmem>>) attributes {dimension_semantics = [#tpu.dimension_semantics<arbitrary>], iteration_bounds = array<i64: 4>, scalar_prefetch = 0 : i64, scratch_operands = 2 : i64, tpu.core_type = #tpu.core_type<tc>, window_params = [{transform_indices = @transform_0, window_bounds = array<i64: 8, 384, 256>}, {pipeline_mode = #tpu.pipeline_mode<synchronous>, transform_indices = @transform_1, window_bounds = array<i64: 256, 2048>}, {pipeline_mode = #tpu.pipeline_mode<synchronous>, transform_indices = @transform_2, window_bounds = array<i64: 512, 2048>}, {pipeline_mode = #tpu.pipeline_mode<synchronous>, transform_indices = @transform_3, window_bounds = array<i64: 1, 2048>}, {pipeline_mode = #tpu.pipeline_mode<synchronous>, transform_indices = @transform_4, window_bounds = array<i64: 1024, 512>}, {pipeline_mode = #tpu.pipeline_mode<synchronous>, transform_indices = @transform_5, window_bounds = array<i64: 1, 512>}, {pipeline_mode = #tpu.pipeline_mode<synchronous>, transform_indices = @transform_6, window_bounds = array<i64: 512, 1>}, {transform_indices = @transform_7, window_bounds = array<i64: 1, 1>}, {pipeline_mode = #tpu.pipeline_mode<synchronous>, transform_indices = @transform_8, window_bounds = array<i64: 384, 512>}, {pipeline_mode = #tpu.pipeline_mode<synchronous>, transform_indices = @transform_9, window_bounds = array<i64: 384, 512>}, {pipeline_mode = #tpu.pipeline_mode<synchronous>, transform_indices = @transform_10, window_bounds = array<i64: 384, 512>}, {pipeline_mode = #tpu.pipeline_mode<synchronous>, transform_indices = @transform_11, window_bounds = array<i64: 384, 512>}]} {
    %eq3A = arith.constant 0 : i32
    %eq3A_0 = arith.cmpi eq, %arg0, %eq3A : i32
    %convert_element_type3A = arith.extui %eq3A_0 : i1 to i32
    %cond3A = arith.constant 0 : i32
    %cond3A_1 = arith.cmpi ne, %convert_element_type3A, %cond3A : i32
    scf.if %cond3A_1 {
      %get3A_869 = arith.constant 0 : index
      %get3A_870 = arith.constant 0 : index
      %get3A_871 = vector.load %arg9[%get3A_869, %get3A_870] : memref<384x512xbf16, #tpu.memory_space<vmem>>, vector<384x512xbf16>
      %swap3A_872 = arith.constant 0 : index
      %swap3A_873 = arith.constant 0 : index
      %swap3A_874 = vector.load %arg13[%swap3A_872, %swap3A_873] : memref<384x512xbf16, #tpu.memory_space<vmem>>, vector<384x512xbf16>
      tpu.vector_store %arg13[%swap3A_872, %swap3A_873], %get3A_871 {strides = array<i32>} : memref<384x512xbf16, #tpu.memory_space<vmem>>, vector<384x512xbf16>,
      %get3A_875 = arith.constant 0 : index
      %get3A_876 = arith.constant 0 : index
      %get3A_877 = vector.load %arg10[%get3A_875, %get3A_876] : memref<384x512xf32, #tpu.memory_space<vmem>>, vector<384x512xf32>
      %swap3A_878 = arith.constant 0 : index
      %swap3A_879 = arith.constant 0 : index
      %swap3A_880 = vector.load %arg14[%swap3A_878, %swap3A_879] : memref<384x512xf32, #tpu.memory_space<vmem>>, vector<384x512xf32>
      tpu.vector_store %arg14[%swap3A_878, %swap3A_879], %get3A_877 {strides = array<i32>} : memref<384x512xf32, #tpu.memory_space<vmem>>, vector<384x512xf32>,
    } else {
    }
    %get3A = arith.constant 0 : index
    %get3A_2 = arith.constant 0 : index
    %get3A_3 = vector.load %arg13[%get3A, %get3A_2] : memref<384x512xbf16, #tpu.memory_space<vmem>>, vector<384x512xbf16>
    %get3A_4 = arith.constant 0 : index
    %get3A_5 = arith.constant 0 : index
    %get3A_6 = vector.load %arg14[%get3A_4, %get3A_5] : memref<384x512xf32, #tpu.memory_space<vmem>>, vector<384x512xf32>
    %get3A_7 = arith.constant 0 : index
    %get3A_8 = arith.constant 0 : index
    %get3A_9 = arith.constant 0 : index
    %get3A_10 = vector.load %arg1[%get3A_7, %get3A_8, %get3A_9] : memref<8x384x256xf32, #tpu.memory_space<vmem>>, vector<1x384x256xf32>
    %get3A_11 = vector.shape_cast %get3A_10 : vector<1x384x256xf32> to vector<384x256xf32>
    %convert_element_type3A_12 = arith.truncf %get3A_11 : vector<384x256xf32> to vector<384x256xbf16>
    %get3A_13 = arith.constant 0 : index
    %get3A_14 = arith.constant 0 : index
    %get3A_15 = vector.load %arg2[%get3A_13, %get3A_14] : memref<256x2048xbf16, #tpu.memory_space<vmem>>, vector<256x512xbf16>
    %dot_general3A = arith.constant dense<0.000000e+00> : vector<384x512xf32>
    %dot_general3A_16 = tpu.matmul %convert_element_type3A_12, %get3A_15, %dot_general3A {dimension_numbers = #tpu.dot_dimension_numbers<[1], [0], [0], [1], [0, 0, 1, 1], [], []>, transpose_lhs_hint = false} : vector<384x256xbf16>, vector<256x512xbf16>, vector<384x512xf32> -> vector<384x512xf32>
    %get3A_17 = arith.constant 0 : index
    %get3A_18 = arith.constant 0 : index
    %get3A_19 = vector.load %arg3[%get3A_17, %get3A_18] : memref<512x2048xbf16, #tpu.memory_space<vmem>>, vector<512x512xbf16>
    %dot_general3A_20 = arith.constant dense<0.000000e+00> : vector<384x512xf32>
    %dot_general3A_21 = tpu.matmul %get3A_3, %get3A_19, %dot_general3A_20 {dimension_numbers = #tpu.dot_dimension_numbers<[1], [0], [0], [1], [0, 0, 1, 1], [], []>, transpose_lhs_hint = false} : vector<384x512xbf16>, vector<512x512xbf16>, vector<384x512xf32> -> vector<384x512xf32>
    %add3A = arith.addf %dot_general3A_16, %dot_general3A_21 : vector<384x512xf32>
    %get3A_22 = arith.constant 0 : index
    %get3A_23 = arith.constant 0 : index
    %get3A_24 = vector.load %arg4[%get3A_22, %get3A_23] : memref<1x2048xf32, #tpu.memory_space<vmem>>, vector<1x512xf32>
    %add3A_25 = vector.broadcast %get3A_24 : vector<1x512xf32> to vector<384x512xf32>
    %add3A_26 = arith.addf %add3A, %add3A_25 : vector<384x512xf32>
    %mul3A = arith.constant 5.000000e-01 : f32
    %mul3A_27 = vector.broadcast %mul3A : f32 to vector<384x512xf32>
    %mul3A_28 = arith.mulf %mul3A_27, %add3A_26 : vector<384x512xf32>
    %tanh3A = math.tanh %mul3A_28 : vector<384x512xf32>
    %mul3A_29 = arith.constant 5.000000e-01 : f32
    %mul3A_30 = vector.broadcast %mul3A_29 : f32 to vector<384x512xf32>
    %mul3A_31 = arith.mulf %mul3A_30, %tanh3A : vector<384x512xf32>
    %add3A_32 = arith.constant 5.000000e-01 : f32
    %add3A_33 = vector.broadcast %add3A_32 : f32 to vector<384x512xf32>
    %add3A_34 = arith.addf %mul3A_31, %add3A_33 : vector<384x512xf32>
    %get3A_35 = arith.constant 0 : index
    %get3A_36 = arith.constant 512 : index
    %get3A_37 = vector.load %arg2[%get3A_35, %get3A_36] : memref<256x2048xbf16, #tpu.memory_space<vmem>>, vector<256x512xbf16>
    %dot_general3A_38 = arith.constant dense<0.000000e+00> : vector<384x512xf32>
    %dot_general3A_39 = tpu.matmul %convert_element_type3A_12, %get3A_37, %dot_general3A_38 {dimension_numbers = #tpu.dot_dimension_numbers<[1], [0], [0], [1], [0, 0, 1, 1], [], []>, transpose_lhs_hint = false} : vector<384x256xbf16>, vector<256x512xbf16>, vector<384x512xf32> -> vector<384x512xf32>
    %get3A_40 = arith.constant 0 : index
    %get3A_41 = arith.constant 512 : index
    %get3A_42 = vector.load %arg3[%get3A_40, %get3A_41] : memref<512x2048xbf16, #tpu.memory_space<vmem>>, vector<512x512xbf16>
    %dot_general3A_43 = arith.constant dense<0.000000e+00> : vector<384x512xf32>
    %dot_general3A_44 = tpu.matmul %get3A_3, %get3A_42, %dot_general3A_43 {dimension_numbers = #tpu.dot_dimension_numbers<[1], [0], [0], [1], [0, 0, 1, 1], [], []>, transpose_lhs_hint = false} : vector<384x512xbf16>, vector<512x512xbf16>, vector<384x512xf32> -> vector<384x512xf32>
    %add3A_45 = arith.addf %dot_general3A_39, %dot_general3A_44 : vector<384x512xf32>
    %get3A_46 = arith.constant 0 : index
    %get3A_47 = arith.constant 512 : index
    %get3A_48 = vector.load %arg4[%get3A_46, %get3A_47] : memref<1x2048xf32, #tpu.memory_space<vmem>>, vector<1x512xf32>
    %add3A_49 = vector.broadcast %get3A_48 : vector<1x512xf32> to vector<384x512xf32>
    %add3A_50 = arith.addf %add3A_45, %add3A_49 : vector<384x512xf32>
    %mul3A_51 = arith.constant 5.000000e-01 : f32
    %mul3A_52 = vector.broadcast %mul3A_51 : f32 to vector<384x512xf32>
    %mul3A_53 = arith.mulf %mul3A_52, %add3A_50 : vector<384x512xf32>
    %tanh3A_54 = math.tanh %mul3A_53 : vector<384x512xf32>
    %mul3A_55 = arith.constant 5.000000e-01 : f32
    %mul3A_56 = vector.broadcast %mul3A_55 : f32 to vector<384x512xf32>
    %mul3A_57 = arith.mulf %mul3A_56, %tanh3A_54 : vector<384x512xf32>
    %add3A_58 = arith.constant 5.000000e-01 : f32
    %add3A_59 = vector.broadcast %add3A_58 : f32 to vector<384x512xf32>
    %add3A_60 = arith.addf %mul3A_57, %add3A_59 : vector<384x512xf32>
    %get3A_61 = arith.constant 0 : index
    %get3A_62 = arith.constant 1024 : index
    %get3A_63 = vector.load %arg2[%get3A_61, %get3A_62] : memref<256x2048xbf16, #tpu.memory_space<vmem>>, vector<256x512xbf16>
    %dot_general3A_64 = arith.constant dense<0.000000e+00> : vector<384x512xf32>
    %dot_general3A_65 = tpu.matmul %convert_element_type3A_12, %get3A_63, %dot_general3A_64 {dimension_numbers = #tpu.dot_dimension_numbers<[1], [0], [0], [1], [0, 0, 1, 1], [], []>, transpose_lhs_hint = false} : vector<384x256xbf16>, vector<256x512xbf16>, vector<384x512xf32> -> vector<384x512xf32>
    %get3A_66 = arith.constant 0 : index
    %get3A_67 = arith.constant 1024 : index
    %get3A_68 = vector.load %arg3[%get3A_66, %get3A_67] : memref<512x2048xbf16, #tpu.memory_space<vmem>>, vector<512x512xbf16>
    %dot_general3A_69 = arith.constant dense<0.000000e+00> : vector<384x512xf32>
    %dot_general3A_70 = tpu.matmul %get3A_3, %get3A_68, %dot_general3A_69 {dimension_numbers = #tpu.dot_dimension_numbers<[1], [0], [0], [1], [0, 0, 1, 1], [], []>, transpose_lhs_hint = false} : vector<384x512xbf16>, vector<512x512xbf16>, vector<384x512xf32> -> vector<384x512xf32>
    %add3A_71 = arith.addf %dot_general3A_65, %dot_general3A_70 : vector<384x512xf32>
    %get3A_72 = arith.constant 0 : index
    %get3A_73 = arith.constant 1024 : index
    %get3A_74 = vector.load %arg4[%get3A_72, %get3A_73] : memref<1x2048xf32, #tpu.memory_space<vmem>>, vector<1x512xf32>
    %add3A_75 = vector.broadcast %get3A_74 : vector<1x512xf32> to vector<384x512xf32>
    %add3A_76 = arith.addf %add3A_71, %add3A_75 : vector<384x512xf32>
    %tanh3A_77 = math.tanh %add3A_76 : vector<384x512xf32>
    %get3A_78 = arith.constant 0 : index
    %get3A_79 = arith.constant 1536 : index
    %get3A_80 = vector.load %arg2[%get3A_78, %get3A_79] : memref<256x2048xbf16, #tpu.memory_space<vmem>>, vector<256x512xbf16>
    %dot_general3A_81 = arith.constant dense<0.000000e+00> : vector<384x512xf32>
    %dot_general3A_82 = tpu.matmul %convert_element_type3A_12, %get3A_80, %dot_general3A_81 {dimension_numbers = #tpu.dot_dimension_numbers<[1], [0], [0], [1], [0, 0, 1, 1], [], []>, transpose_lhs_hint = false} : vector<384x256xbf16>, vector<256x512xbf16>, vector<384x512xf32> -> vector<384x512xf32>
    %get3A_83 = arith.constant 0 : index
    %get3A_84 = arith.constant 1536 : index
    %get3A_85 = vector.load %arg3[%get3A_83, %get3A_84] : memref<512x2048xbf16, #tpu.memory_space<vmem>>, vector<512x512xbf16>
    %dot_general3A_86 = arith.constant dense<0.000000e+00> : vector<384x512xf32>
    %dot_general3A_87 = tpu.matmul %get3A_3, %get3A_85, %dot_general3A_86 {dimension_numbers = #tpu.dot_dimension_numbers<[1], [0], [0], [1], [0, 0, 1, 1], [], []>, transpose_lhs_hint = false} : vector<384x512xbf16>, vector<512x512xbf16>, vector<384x512xf32> -> vector<384x512xf32>
    %add3A_88 = arith.addf %dot_general3A_82, %dot_general3A_87 : vector<384x512xf32>
    %get3A_89 = arith.constant 0 : index
    %get3A_90 = arith.constant 1536 : index
    %get3A_91 = vector.load %arg4[%get3A_89, %get3A_90] : memref<1x2048xf32, #tpu.memory_space<vmem>>, vector<1x512xf32>
    %add3A_92 = vector.broadcast %get3A_91 : vector<1x512xf32> to vector<384x512xf32>
    %add3A_93 = arith.addf %add3A_88, %add3A_92 : vector<384x512xf32>
    %mul3A_94 = arith.constant 5.000000e-01 : f32
    %mul3A_95 = vector.broadcast %mul3A_94 : f32 to vector<384x512xf32>
    %mul3A_96 = arith.mulf %mul3A_95, %add3A_93 : vector<384x512xf32>
    %tanh3A_97 = math.tanh %mul3A_96 : vector<384x512xf32>
    %mul3A_98 = arith.constant 5.000000e-01 : f32
    %mul3A_99 = vector.broadcast %mul3A_98 : f32 to vector<384x512xf32>
    %mul3A_100 = arith.mulf %mul3A_99, %tanh3A_97 : vector<384x512xf32>
    %add3A_101 = arith.constant 5.000000e-01 : f32
    %add3A_102 = vector.broadcast %add3A_101 : f32 to vector<384x512xf32>
    %add3A_103 = arith.addf %mul3A_100, %add3A_102 : vector<384x512xf32>
    %mul3A_104 = arith.mulf %add3A_60, %get3A_6 : vector<384x512xf32>
    %mul3A_105 = arith.mulf %add3A_34, %tanh3A_77 : vector<384x512xf32>
    %add3A_106 = arith.addf %mul3A_104, %mul3A_105 : vector<384x512xf32>
    %tanh3A_107 = math.tanh %add3A_106 : vector<384x512xf32>
    %mul3A_108 = arith.mulf %add3A_103, %tanh3A_107 : vector<384x512xf32>
    %convert_element_type3A_109 = arith.truncf %mul3A_108 : vector<384x512xf32> to vector<384x512xbf16>
    %get3A_110 = arith.constant 1 : index
    %get3A_111 = arith.constant 0 : index
    %get3A_112 = arith.constant 0 : index
    %get3A_113 = vector.load %arg1[%get3A_110, %get3A_111, %get3A_112] : memref<8x384x256xf32, #tpu.memory_space<vmem>>, vector<1x384x256xf32>
    %get3A_114 = vector.shape_cast %get3A_113 : vector<1x384x256xf32> to vector<384x256xf32>
    %convert_element_type3A_115 = arith.truncf %get3A_114 : vector<384x256xf32> to vector<384x256xbf16>
    %get3A_116 = arith.constant 0 : index
    %get3A_117 = arith.constant 0 : index
    %get3A_118 = vector.load %arg2[%get3A_116, %get3A_117] : memref<256x2048xbf16, #tpu.memory_space<vmem>>, vector<256x512xbf16>
    %dot_general3A_119 = arith.constant dense<0.000000e+00> : vector<384x512xf32>
    %dot_general3A_120 = tpu.matmul %convert_element_type3A_115, %get3A_118, %dot_general3A_119 {dimension_numbers = #tpu.dot_dimension_numbers<[1], [0], [0], [1], [0, 0, 1, 1], [], []>, transpose_lhs_hint = false} : vector<384x256xbf16>, vector<256x512xbf16>, vector<384x512xf32> -> vector<384x512xf32>
    %get3A_121 = arith.constant 0 : index
    %get3A_122 = arith.constant 0 : index
    %get3A_123 = vector.load %arg3[%get3A_121, %get3A_122] : memref<512x2048xbf16, #tpu.memory_space<vmem>>, vector<512x512xbf16>
    %dot_general3A_124 = arith.constant dense<0.000000e+00> : vector<384x512xf32>
    %dot_general3A_125 = tpu.matmul %convert_element_type3A_109, %get3A_123, %dot_general3A_124 {dimension_numbers = #tpu.dot_dimension_numbers<[1], [0], [0], [1], [0, 0, 1, 1], [], []>, transpose_lhs_hint = false} : vector<384x512xbf16>, vector<512x512xbf16>, vector<384x512xf32> -> vector<384x512xf32>
    %add3A_126 = arith.addf %dot_general3A_120, %dot_general3A_125 : vector<384x512xf32>
    %get3A_127 = arith.constant 0 : index
    %get3A_128 = arith.constant 0 : index
    %get3A_129 = vector.load %arg4[%get3A_127, %get3A_128] : memref<1x2048xf32, #tpu.memory_space<vmem>>, vector<1x512xf32>
    %add3A_130 = vector.broadcast %get3A_129 : vector<1x512xf32> to vector<384x512xf32>
    %add3A_131 = arith.addf %add3A_126, %add3A_130 : vector<384x512xf32>
    %mul3A_132 = arith.constant 5.000000e-01 : f32
    %mul3A_133 = vector.broadcast %mul3A_132 : f32 to vector<384x512xf32>
    %mul3A_134 = arith.mulf %mul3A_133, %add3A_131 : vector<384x512xf32>
    %tanh3A_135 = math.tanh %mul3A_134 : vector<384x512xf32>
    %mul3A_136 = arith.constant 5.000000e-01 : f32
    %mul3A_137 = vector.broadcast %mul3A_136 : f32 to vector<384x512xf32>
    %mul3A_138 = arith.mulf %mul3A_137, %tanh3A_135 : vector<384x512xf32>
    %add3A_139 = arith.constant 5.000000e-01 : f32
    %add3A_140 = vector.broadcast %add3A_139 : f32 to vector<384x512xf32>
    %add3A_141 = arith.addf %mul3A_138, %add3A_140 : vector<384x512xf32>
    %get3A_142 = arith.constant 0 : index
    %get3A_143 = arith.constant 512 : index
    %get3A_144 = vector.load %arg2[%get3A_142, %get3A_143] : memref<256x2048xbf16, #tpu.memory_space<vmem>>, vector<256x512xbf16>
    %dot_general3A_145 = arith.constant dense<0.000000e+00> : vector<384x512xf32>
    %dot_general3A_146 = tpu.matmul %convert_element_type3A_115, %get3A_144, %dot_general3A_145 {dimension_numbers = #tpu.dot_dimension_numbers<[1], [0], [0], [1], [0, 0, 1, 1], [], []>, transpose_lhs_hint = false} : vector<384x256xbf16>, vector<256x512xbf16>, vector<384x512xf32> -> vector<384x512xf32>
    %get3A_147 = arith.constant 0 : index
    %get3A_148 = arith.constant 512 : index
    %get3A_149 = vector.load %arg3[%get3A_147, %get3A_148] : memref<512x2048xbf16, #tpu.memory_space<vmem>>, vector<512x512xbf16>
    %dot_general3A_150 = arith.constant dense<0.000000e+00> : vector<384x512xf32>
    %dot_general3A_151 = tpu.matmul %convert_element_type3A_109, %get3A_149, %dot_general3A_150 {dimension_numbers = #tpu.dot_dimension_numbers<[1], [0], [0], [1], [0, 0, 1, 1], [], []>, transpose_lhs_hint = false} : vector<384x512xbf16>, vector<512x512xbf16>, vector<384x512xf32> -> vector<384x512xf32>
    %add3A_152 = arith.addf %dot_general3A_146, %dot_general3A_151 : vector<384x512xf32>
    %get3A_153 = arith.constant 0 : index
    %get3A_154 = arith.constant 512 : index
    %get3A_155 = vector.load %arg4[%get3A_153, %get3A_154] : memref<1x2048xf32, #tpu.memory_space<vmem>>, vector<1x512xf32>
    %add3A_156 = vector.broadcast %get3A_155 : vector<1x512xf32> to vector<384x512xf32>
    %add3A_157 = arith.addf %add3A_152, %add3A_156 : vector<384x512xf32>
    %mul3A_158 = arith.constant 5.000000e-01 : f32
    %mul3A_159 = vector.broadcast %mul3A_158 : f32 to vector<384x512xf32>
    %mul3A_160 = arith.mulf %mul3A_159, %add3A_157 : vector<384x512xf32>
    %tanh3A_161 = math.tanh %mul3A_160 : vector<384x512xf32>
    %mul3A_162 = arith.constant 5.000000e-01 : f32
    %mul3A_163 = vector.broadcast %mul3A_162 : f32 to vector<384x512xf32>
    %mul3A_164 = arith.mulf %mul3A_163, %tanh3A_161 : vector<384x512xf32>
    %add3A_165 = arith.constant 5.000000e-01 : f32
    %add3A_166 = vector.broadcast %add3A_165 : f32 to vector<384x512xf32>
    %add3A_167 = arith.addf %mul3A_164, %add3A_166 : vector<384x512xf32>
    %get3A_168 = arith.constant 0 : index
    %get3A_169 = arith.constant 1024 : index
    %get3A_170 = vector.load %arg2[%get3A_168, %get3A_169] : memref<256x2048xbf16, #tpu.memory_space<vmem>>, vector<256x512xbf16>
    %dot_general3A_171 = arith.constant dense<0.000000e+00> : vector<384x512xf32>
    %dot_general3A_172 = tpu.matmul %convert_element_type3A_115, %get3A_170, %dot_general3A_171 {dimension_numbers = #tpu.dot_dimension_numbers<[1], [0], [0], [1], [0, 0, 1, 1], [], []>, transpose_lhs_hint = false} : vector<384x256xbf16>, vector<256x512xbf16>, vector<384x512xf32> -> vector<384x512xf32>
    %get3A_173 = arith.constant 0 : index
    %get3A_174 = arith.constant 1024 : index
    %get3A_175 = vector.load %arg3[%get3A_173, %get3A_174] : memref<512x2048xbf16, #tpu.memory_space<vmem>>, vector<512x512xbf16>
    %dot_general3A_176 = arith.constant dense<0.000000e+00> : vector<384x512xf32>
    %dot_general3A_177 = tpu.matmul %convert_element_type3A_109, %get3A_175, %dot_general3A_176 {dimension_numbers = #tpu.dot_dimension_numbers<[1], [0], [0], [1], [0, 0, 1, 1], [], []>, transpose_lhs_hint = false} : vector<384x512xbf16>, vector<512x512xbf16>, vector<384x512xf32> -> vector<384x512xf32>
    %add3A_178 = arith.addf %dot_general3A_172, %dot_general3A_177 : vector<384x512xf32>
    %get3A_179 = arith.constant 0 : index
    %get3A_180 = arith.constant 1024 : index
    %get3A_181 = vector.load %arg4[%get3A_179, %get3A_180] : memref<1x2048xf32, #tpu.memory_space<vmem>>, vector<1x512xf32>
    %add3A_182 = vector.broadcast %get3A_181 : vector<1x512xf32> to vector<384x512xf32>
    %add3A_183 = arith.addf %add3A_178, %add3A_182 : vector<384x512xf32>
    %tanh3A_184 = math.tanh %add3A_183 : vector<384x512xf32>
    %get3A_185 = arith.constant 0 : index
    %get3A_186 = arith.constant 1536 : index
    %get3A_187 = vector.load %arg2[%get3A_185, %get3A_186] : memref<256x2048xbf16, #tpu.memory_space<vmem>>, vector<256x512xbf16>
    %dot_general3A_188 = arith.constant dense<0.000000e+00> : vector<384x512xf32>
    %dot_general3A_189 = tpu.matmul %convert_element_type3A_115, %get3A_187, %dot_general3A_188 {dimension_numbers = #tpu.dot_dimension_numbers<[1], [0], [0], [1], [0, 0, 1, 1], [], []>, transpose_lhs_hint = false} : vector<384x256xbf16>, vector<256x512xbf16>, vector<384x512xf32> -> vector<384x512xf32>
    %get3A_190 = arith.constant 0 : index
    %get3A_191 = arith.constant 1536 : index
    %get3A_192 = vector.load %arg3[%get3A_190, %get3A_191] : memref<512x2048xbf16, #tpu.memory_space<vmem>>, vector<512x512xbf16>
    %dot_general3A_193 = arith.constant dense<0.000000e+00> : vector<384x512xf32>
    %dot_general3A_194 = tpu.matmul %convert_element_type3A_109, %get3A_192, %dot_general3A_193 {dimension_numbers = #tpu.dot_dimension_numbers<[1], [0], [0], [1], [0, 0, 1, 1], [], []>, transpose_lhs_hint = false} : vector<384x512xbf16>, vector<512x512xbf16>, vector<384x512xf32> -> vector<384x512xf32>
    %add3A_195 = arith.addf %dot_general3A_189, %dot_general3A_194 : vector<384x512xf32>
    %get3A_196 = arith.constant 0 : index
    %get3A_197 = arith.constant 1536 : index
    %get3A_198 = vector.load %arg4[%get3A_196, %get3A_197] : memref<1x2048xf32, #tpu.memory_space<vmem>>, vector<1x512xf32>
    %add3A_199 = vector.broadcast %get3A_198 : vector<1x512xf32> to vector<384x512xf32>
    %add3A_200 = arith.addf %add3A_195, %add3A_199 : vector<384x512xf32>
    %mul3A_201 = arith.constant 5.000000e-01 : f32
    %mul3A_202 = vector.broadcast %mul3A_201 : f32 to vector<384x512xf32>
    %mul3A_203 = arith.mulf %mul3A_202, %add3A_200 : vector<384x512xf32>
    %tanh3A_204 = math.tanh %mul3A_203 : vector<384x512xf32>
    %mul3A_205 = arith.constant 5.000000e-01 : f32
    %mul3A_206 = vector.broadcast %mul3A_205 : f32 to vector<384x512xf32>
    %mul3A_207 = arith.mulf %mul3A_206, %tanh3A_204 : vector<384x512xf32>
    %add3A_208 = arith.constant 5.000000e-01 : f32
    %add3A_209 = vector.broadcast %add3A_208 : f32 to vector<384x512xf32>
    %add3A_210 = arith.addf %mul3A_207, %add3A_209 : vector<384x512xf32>
    %mul3A_211 = arith.mulf %add3A_167, %add3A_106 : vector<384x512xf32>
    %mul3A_212 = arith.mulf %add3A_141, %tanh3A_184 : vector<384x512xf32>
    %add3A_213 = arith.addf %mul3A_211, %mul3A_212 : vector<384x512xf32>
    %tanh3A_214 = math.tanh %add3A_213 : vector<384x512xf32>
    %mul3A_215 = arith.mulf %add3A_210, %tanh3A_214 : vector<384x512xf32>
    %convert_element_type3A_216 = arith.truncf %mul3A_215 : vector<384x512xf32> to vector<384x512xbf16>
    %get3A_217 = arith.constant 2 : index
    %get3A_218 = arith.constant 0 : index
    %get3A_219 = arith.constant 0 : index
    %get3A_220 = vector.load %arg1[%get3A_217, %get3A_218, %get3A_219] : memref<8x384x256xf32, #tpu.memory_space<vmem>>, vector<1x384x256xf32>
    %get3A_221 = vector.shape_cast %get3A_220 : vector<1x384x256xf32> to vector<384x256xf32>
    %convert_element_type3A_222 = arith.truncf %get3A_221 : vector<384x256xf32> to vector<384x256xbf16>
    %get3A_223 = arith.constant 0 : index
    %get3A_224 = arith.constant 0 : index
    %get3A_225 = vector.load %arg2[%get3A_223, %get3A_224] : memref<256x2048xbf16, #tpu.memory_space<vmem>>, vector<256x512xbf16>
    %dot_general3A_226 = arith.constant dense<0.000000e+00> : vector<384x512xf32>
    %dot_general3A_227 = tpu.matmul %convert_element_type3A_222, %get3A_225, %dot_general3A_226 {dimension_numbers = #tpu.dot_dimension_numbers<[1], [0], [0], [1], [0, 0, 1, 1], [], []>, transpose_lhs_hint = false} : vector<384x256xbf16>, vector<256x512xbf16>, vector<384x512xf32> -> vector<384x512xf32>
    %get3A_228 = arith.constant 0 : index
    %get3A_229 = arith.constant 0 : index
    %get3A_230 = vector.load %arg3[%get3A_228, %get3A_229] : memref<512x2048xbf16, #tpu.memory_space<vmem>>, vector<512x512xbf16>
    %dot_general3A_231 = arith.constant dense<0.000000e+00> : vector<384x512xf32>
    %dot_general3A_232 = tpu.matmul %convert_element_type3A_216, %get3A_230, %dot_general3A_231 {dimension_numbers = #tpu.dot_dimension_numbers<[1], [0], [0], [1], [0, 0, 1, 1], [], []>, transpose_lhs_hint = false} : vector<384x512xbf16>, vector<512x512xbf16>, vector<384x512xf32> -> vector<384x512xf32>
    %add3A_233 = arith.addf %dot_general3A_227, %dot_general3A_232 : vector<384x512xf32>
    %get3A_234 = arith.constant 0 : index
    %get3A_235 = arith.constant 0 : index
    %get3A_236 = vector.load %arg4[%get3A_234, %get3A_235] : memref<1x2048xf32, #tpu.memory_space<vmem>>, vector<1x512xf32>
    %add3A_237 = vector.broadcast %get3A_236 : vector<1x512xf32> to vector<384x512xf32>
    %add3A_238 = arith.addf %add3A_233, %add3A_237 : vector<384x512xf32>
    %mul3A_239 = arith.constant 5.000000e-01 : f32
    %mul3A_240 = vector.broadcast %mul3A_239 : f32 to vector<384x512xf32>
    %mul3A_241 = arith.mulf %mul3A_240, %add3A_238 : vector<384x512xf32>
    %tanh3A_242 = math.tanh %mul3A_241 : vector<384x512xf32>
    %mul3A_243 = arith.constant 5.000000e-01 : f32
    %mul3A_244 = vector.broadcast %mul3A_243 : f32 to vector<384x512xf32>
    %mul3A_245 = arith.mulf %mul3A_244, %tanh3A_242 : vector<384x512xf32>
    %add3A_246 = arith.constant 5.000000e-01 : f32
    %add3A_247 = vector.broadcast %add3A_246 : f32 to vector<384x512xf32>
    %add3A_248 = arith.addf %mul3A_245, %add3A_247 : vector<384x512xf32>
    %get3A_249 = arith.constant 0 : index
    %get3A_250 = arith.constant 512 : index
    %get3A_251 = vector.load %arg2[%get3A_249, %get3A_250] : memref<256x2048xbf16, #tpu.memory_space<vmem>>, vector<256x512xbf16>
    %dot_general3A_252 = arith.constant dense<0.000000e+00> : vector<384x512xf32>
    %dot_general3A_253 = tpu.matmul %convert_element_type3A_222, %get3A_251, %dot_general3A_252 {dimension_numbers = #tpu.dot_dimension_numbers<[1], [0], [0], [1], [0, 0, 1, 1], [], []>, transpose_lhs_hint = false} : vector<384x256xbf16>, vector<256x512xbf16>, vector<384x512xf32> -> vector<384x512xf32>
    %get3A_254 = arith.constant 0 : index
    %get3A_255 = arith.constant 512 : index
    %get3A_256 = vector.load %arg3[%get3A_254, %get3A_255] : memref<512x2048xbf16, #tpu.memory_space<vmem>>, vector<512x512xbf16>
    %dot_general3A_257 = arith.constant dense<0.000000e+00> : vector<384x512xf32>
    %dot_general3A_258 = tpu.matmul %convert_element_type3A_216, %get3A_256, %dot_general3A_257 {dimension_numbers = #tpu.dot_dimension_numbers<[1], [0], [0], [1], [0, 0, 1, 1], [], []>, transpose_lhs_hint = false} : vector<384x512xbf16>, vector<512x512xbf16>, vector<384x512xf32> -> vector<384x512xf32>
    %add3A_259 = arith.addf %dot_general3A_253, %dot_general3A_258 : vector<384x512xf32>
    %get3A_260 = arith.constant 0 : index
    %get3A_261 = arith.constant 512 : index
    %get3A_262 = vector.load %arg4[%get3A_260, %get3A_261] : memref<1x2048xf32, #tpu.memory_space<vmem>>, vector<1x512xf32>
    %add3A_263 = vector.broadcast %get3A_262 : vector<1x512xf32> to vector<384x512xf32>
    %add3A_264 = arith.addf %add3A_259, %add3A_263 : vector<384x512xf32>
    %mul3A_265 = arith.constant 5.000000e-01 : f32
    %mul3A_266 = vector.broadcast %mul3A_265 : f32 to vector<384x512xf32>
    %mul3A_267 = arith.mulf %mul3A_266, %add3A_264 : vector<384x512xf32>
    %tanh3A_268 = math.tanh %mul3A_267 : vector<384x512xf32>
    %mul3A_269 = arith.constant 5.000000e-01 : f32
    %mul3A_270 = vector.broadcast %mul3A_269 : f32 to vector<384x512xf32>
    %mul3A_271 = arith.mulf %mul3A_270, %tanh3A_268 : vector<384x512xf32>
    %add3A_272 = arith.constant 5.000000e-01 : f32
    %add3A_273 = vector.broadcast %add3A_272 : f32 to vector<384x512xf32>
    %add3A_274 = arith.addf %mul3A_271, %add3A_273 : vector<384x512xf32>
    %get3A_275 = arith.constant 0 : index
    %get3A_276 = arith.constant 1024 : index
    %get3A_277 = vector.load %arg2[%get3A_275, %get3A_276] : memref<256x2048xbf16, #tpu.memory_space<vmem>>, vector<256x512xbf16>
    %dot_general3A_278 = arith.constant dense<0.000000e+00> : vector<384x512xf32>
    %dot_general3A_279 = tpu.matmul %convert_element_type3A_222, %get3A_277, %dot_general3A_278 {dimension_numbers = #tpu.dot_dimension_numbers<[1], [0], [0], [1], [0, 0, 1, 1], [], []>, transpose_lhs_hint = false} : vector<384x256xbf16>, vector<256x512xbf16>, vector<384x512xf32> -> vector<384x512xf32>
    %get3A_280 = arith.constant 0 : index
    %get3A_281 = arith.constant 1024 : index
    %get3A_282 = vector.load %arg3[%get3A_280, %get3A_281] : memref<512x2048xbf16, #tpu.memory_space<vmem>>, vector<512x512xbf16>
    %dot_general3A_283 = arith.constant dense<0.000000e+00> : vector<384x512xf32>
    %dot_general3A_284 = tpu.matmul %convert_element_type3A_216, %get3A_282, %dot_general3A_283 {dimension_numbers = #tpu.dot_dimension_numbers<[1], [0], [0], [1], [0, 0, 1, 1], [], []>, transpose_lhs_hint = false} : vector<384x512xbf16>, vector<512x512xbf16>, vector<384x512xf32> -> vector<384x512xf32>
    %add3A_285 = arith.addf %dot_general3A_279, %dot_general3A_284 : vector<384x512xf32>
    %get3A_286 = arith.constant 0 : index
    %get3A_287 = arith.constant 1024 : index
    %get3A_288 = vector.load %arg4[%get3A_286, %get3A_287] : memref<1x2048xf32, #tpu.memory_space<vmem>>, vector<1x512xf32>
    %add3A_289 = vector.broadcast %get3A_288 : vector<1x512xf32> to vector<384x512xf32>
    %add3A_290 = arith.addf %add3A_285, %add3A_289 : vector<384x512xf32>
    %tanh3A_291 = math.tanh %add3A_290 : vector<384x512xf32>
    %get3A_292 = arith.constant 0 : index
    %get3A_293 = arith.constant 1536 : index
    %get3A_294 = vector.load %arg2[%get3A_292, %get3A_293] : memref<256x2048xbf16, #tpu.memory_space<vmem>>, vector<256x512xbf16>
    %dot_general3A_295 = arith.constant dense<0.000000e+00> : vector<384x512xf32>
    %dot_general3A_296 = tpu.matmul %convert_element_type3A_222, %get3A_294, %dot_general3A_295 {dimension_numbers = #tpu.dot_dimension_numbers<[1], [0], [0], [1], [0, 0, 1, 1], [], []>, transpose_lhs_hint = false} : vector<384x256xbf16>, vector<256x512xbf16>, vector<384x512xf32> -> vector<384x512xf32>
    %get3A_297 = arith.constant 0 : index
    %get3A_298 = arith.constant 1536 : index
    %get3A_299 = vector.load %arg3[%get3A_297, %get3A_298] : memref<512x2048xbf16, #tpu.memory_space<vmem>>, vector<512x512xbf16>
    %dot_general3A_300 = arith.constant dense<0.000000e+00> : vector<384x512xf32>
    %dot_general3A_301 = tpu.matmul %convert_element_type3A_216, %get3A_299, %dot_general3A_300 {dimension_numbers = #tpu.dot_dimension_numbers<[1], [0], [0], [1], [0, 0, 1, 1], [], []>, transpose_lhs_hint = false} : vector<384x512xbf16>, vector<512x512xbf16>, vector<384x512xf32> -> vector<384x512xf32>
    %add3A_302 = arith.addf %dot_general3A_296, %dot_general3A_301 : vector<384x512xf32>
    %get3A_303 = arith.constant 0 : index
    %get3A_304 = arith.constant 1536 : index
    %get3A_305 = vector.load %arg4[%get3A_303, %get3A_304] : memref<1x2048xf32, #tpu.memory_space<vmem>>, vector<1x512xf32>
    %add3A_306 = vector.broadcast %get3A_305 : vector<1x512xf32> to vector<384x512xf32>
    %add3A_307 = arith.addf %add3A_302, %add3A_306 : vector<384x512xf32>
    %mul3A_308 = arith.constant 5.000000e-01 : f32
    %mul3A_309 = vector.broadcast %mul3A_308 : f32 to vector<384x512xf32>
    %mul3A_310 = arith.mulf %mul3A_309, %add3A_307 : vector<384x512xf32>
    %tanh3A_311 = math.tanh %mul3A_310 : vector<384x512xf32>
    %mul3A_312 = arith.constant 5.000000e-01 : f32
    %mul3A_313 = vector.broadcast %mul3A_312 : f32 to vector<384x512xf32>
    %mul3A_314 = arith.mulf %mul3A_313, %tanh3A_311 : vector<384x512xf32>
    %add3A_315 = arith.constant 5.000000e-01 : f32
    %add3A_316 = vector.broadcast %add3A_315 : f32 to vector<384x512xf32>
    %add3A_317 = arith.addf %mul3A_314, %add3A_316 : vector<384x512xf32>
    %mul3A_318 = arith.mulf %add3A_274, %add3A_213 : vector<384x512xf32>
    %mul3A_319 = arith.mulf %add3A_248, %tanh3A_291 : vector<384x512xf32>
    %add3A_320 = arith.addf %mul3A_318, %mul3A_319 : vector<384x512xf32>
    %tanh3A_321 = math.tanh %add3A_320 : vector<384x512xf32>
    %mul3A_322 = arith.mulf %add3A_317, %tanh3A_321 : vector<384x512xf32>
    %convert_element_type3A_323 = arith.truncf %mul3A_322 : vector<384x512xf32> to vector<384x512xbf16>
    %get3A_324 = arith.constant 3 : index
    %get3A_325 = arith.constant 0 : index
    %get3A_326 = arith.constant 0 : index
    %get3A_327 = vector.load %arg1[%get3A_324, %get3A_325, %get3A_326] : memref<8x384x256xf32, #tpu.memory_space<vmem>>, vector<1x384x256xf32>
    %get3A_328 = vector.shape_cast %get3A_327 : vector<1x384x256xf32> to vector<384x256xf32>
    %convert_element_type3A_329 = arith.truncf %get3A_328 : vector<384x256xf32> to vector<384x256xbf16>
    %get3A_330 = arith.constant 0 : index
    %get3A_331 = arith.constant 0 : index
    %get3A_332 = vector.load %arg2[%get3A_330, %get3A_331] : memref<256x2048xbf16, #tpu.memory_space<vmem>>, vector<256x512xbf16>
    %dot_general3A_333 = arith.constant dense<0.000000e+00> : vector<384x512xf32>
    %dot_general3A_334 = tpu.matmul %convert_element_type3A_329, %get3A_332, %dot_general3A_333 {dimension_numbers = #tpu.dot_dimension_numbers<[1], [0], [0], [1], [0, 0, 1, 1], [], []>, transpose_lhs_hint = false} : vector<384x256xbf16>, vector<256x512xbf16>, vector<384x512xf32> -> vector<384x512xf32>
    %get3A_335 = arith.constant 0 : index
    %get3A_336 = arith.constant 0 : index
    %get3A_337 = vector.load %arg3[%get3A_335, %get3A_336] : memref<512x2048xbf16, #tpu.memory_space<vmem>>, vector<512x512xbf16>
    %dot_general3A_338 = arith.constant dense<0.000000e+00> : vector<384x512xf32>
    %dot_general3A_339 = tpu.matmul %convert_element_type3A_323, %get3A_337, %dot_general3A_338 {dimension_numbers = #tpu.dot_dimension_numbers<[1], [0], [0], [1], [0, 0, 1, 1], [], []>, transpose_lhs_hint = false} : vector<384x512xbf16>, vector<512x512xbf16>, vector<384x512xf32> -> vector<384x512xf32>
    %add3A_340 = arith.addf %dot_general3A_334, %dot_general3A_339 : vector<384x512xf32>
    %get3A_341 = arith.constant 0 : index
    %get3A_342 = arith.constant 0 : index
    %get3A_343 = vector.load %arg4[%get3A_341, %get3A_342] : memref<1x2048xf32, #tpu.memory_space<vmem>>, vector<1x512xf32>
    %add3A_344 = vector.broadcast %get3A_343 : vector<1x512xf32> to vector<384x512xf32>
    %add3A_345 = arith.addf %add3A_340, %add3A_344 : vector<384x512xf32>
    %mul3A_346 = arith.constant 5.000000e-01 : f32
    %mul3A_347 = vector.broadcast %mul3A_346 : f32 to vector<384x512xf32>
    %mul3A_348 = arith.mulf %mul3A_347, %add3A_345 : vector<384x512xf32>
    %tanh3A_349 = math.tanh %mul3A_348 : vector<384x512xf32>
    %mul3A_350 = arith.constant 5.000000e-01 : f32
    %mul3A_351 = vector.broadcast %mul3A_350 : f32 to vector<384x512xf32>
    %mul3A_352 = arith.mulf %mul3A_351, %tanh3A_349 : vector<384x512xf32>
    %add3A_353 = arith.constant 5.000000e-01 : f32
    %add3A_354 = vector.broadcast %add3A_353 : f32 to vector<384x512xf32>
    %add3A_355 = arith.addf %mul3A_352, %add3A_354 : vector<384x512xf32>
    %get3A_356 = arith.constant 0 : index
    %get3A_357 = arith.constant 512 : index
    %get3A_358 = vector.load %arg2[%get3A_356, %get3A_357] : memref<256x2048xbf16, #tpu.memory_space<vmem>>, vector<256x512xbf16>
    %dot_general3A_359 = arith.constant dense<0.000000e+00> : vector<384x512xf32>
    %dot_general3A_360 = tpu.matmul %convert_element_type3A_329, %get3A_358, %dot_general3A_359 {dimension_numbers = #tpu.dot_dimension_numbers<[1], [0], [0], [1], [0, 0, 1, 1], [], []>, transpose_lhs_hint = false} : vector<384x256xbf16>, vector<256x512xbf16>, vector<384x512xf32> -> vector<384x512xf32>
    %get3A_361 = arith.constant 0 : index
    %get3A_362 = arith.constant 512 : index
    %get3A_363 = vector.load %arg3[%get3A_361, %get3A_362] : memref<512x2048xbf16, #tpu.memory_space<vmem>>, vector<512x512xbf16>
    %dot_general3A_364 = arith.constant dense<0.000000e+00> : vector<384x512xf32>
    %dot_general3A_365 = tpu.matmul %convert_element_type3A_323, %get3A_363, %dot_general3A_364 {dimension_numbers = #tpu.dot_dimension_numbers<[1], [0], [0], [1], [0, 0, 1, 1], [], []>, transpose_lhs_hint = false} : vector<384x512xbf16>, vector<512x512xbf16>, vector<384x512xf32> -> vector<384x512xf32>
    %add3A_366 = arith.addf %dot_general3A_360, %dot_general3A_365 : vector<384x512xf32>
    %get3A_367 = arith.constant 0 : index
    %get3A_368 = arith.constant 512 : index
    %get3A_369 = vector.load %arg4[%get3A_367, %get3A_368] : memref<1x2048xf32, #tpu.memory_space<vmem>>, vector<1x512xf32>
    %add3A_370 = vector.broadcast %get3A_369 : vector<1x512xf32> to vector<384x512xf32>
    %add3A_371 = arith.addf %add3A_366, %add3A_370 : vector<384x512xf32>
    %mul3A_372 = arith.constant 5.000000e-01 : f32
    %mul3A_373 = vector.broadcast %mul3A_372 : f32 to vector<384x512xf32>
    %mul3A_374 = arith.mulf %mul3A_373, %add3A_371 : vector<384x512xf32>
    %tanh3A_375 = math.tanh %mul3A_374 : vector<384x512xf32>
    %mul3A_376 = arith.constant 5.000000e-01 : f32
    %mul3A_377 = vector.broadcast %mul3A_376 : f32 to vector<384x512xf32>
    %mul3A_378 = arith.mulf %mul3A_377, %tanh3A_375 : vector<384x512xf32>
    %add3A_379 = arith.constant 5.000000e-01 : f32
    %add3A_380 = vector.broadcast %add3A_379 : f32 to vector<384x512xf32>
    %add3A_381 = arith.addf %mul3A_378, %add3A_380 : vector<384x512xf32>
    %get3A_382 = arith.constant 0 : index
    %get3A_383 = arith.constant 1024 : index
    %get3A_384 = vector.load %arg2[%get3A_382, %get3A_383] : memref<256x2048xbf16, #tpu.memory_space<vmem>>, vector<256x512xbf16>
    %dot_general3A_385 = arith.constant dense<0.000000e+00> : vector<384x512xf32>
    %dot_general3A_386 = tpu.matmul %convert_element_type3A_329, %get3A_384, %dot_general3A_385 {dimension_numbers = #tpu.dot_dimension_numbers<[1], [0], [0], [1], [0, 0, 1, 1], [], []>, transpose_lhs_hint = false} : vector<384x256xbf16>, vector<256x512xbf16>, vector<384x512xf32> -> vector<384x512xf32>
    %get3A_387 = arith.constant 0 : index
    %get3A_388 = arith.constant 1024 : index
    %get3A_389 = vector.load %arg3[%get3A_387, %get3A_388] : memref<512x2048xbf16, #tpu.memory_space<vmem>>, vector<512x512xbf16>
    %dot_general3A_390 = arith.constant dense<0.000000e+00> : vector<384x512xf32>
    %dot_general3A_391 = tpu.matmul %convert_element_type3A_323, %get3A_389, %dot_general3A_390 {dimension_numbers = #tpu.dot_dimension_numbers<[1], [0], [0], [1], [0, 0, 1, 1], [], []>, transpose_lhs_hint = false} : vector<384x512xbf16>, vector<512x512xbf16>, vector<384x512xf32> -> vector<384x512xf32>
    %add3A_392 = arith.addf %dot_general3A_386, %dot_general3A_391 : vector<384x512xf32>
    %get3A_393 = arith.constant 0 : index
    %get3A_394 = arith.constant 1024 : index
    %get3A_395 = vector.load %arg4[%get3A_393, %get3A_394] : memref<1x2048xf32, #tpu.memory_space<vmem>>, vector<1x512xf32>
    %add3A_396 = vector.broadcast %get3A_395 : vector<1x512xf32> to vector<384x512xf32>
    %add3A_397 = arith.addf %add3A_392, %add3A_396 : vector<384x512xf32>
    %tanh3A_398 = math.tanh %add3A_397 : vector<384x512xf32>
    %get3A_399 = arith.constant 0 : index
    %get3A_400 = arith.constant 1536 : index
    %get3A_401 = vector.load %arg2[%get3A_399, %get3A_400] : memref<256x2048xbf16, #tpu.memory_space<vmem>>, vector<256x512xbf16>
    %dot_general3A_402 = arith.constant dense<0.000000e+00> : vector<384x512xf32>
    %dot_general3A_403 = tpu.matmul %convert_element_type3A_329, %get3A_401, %dot_general3A_402 {dimension_numbers = #tpu.dot_dimension_numbers<[1], [0], [0], [1], [0, 0, 1, 1], [], []>, transpose_lhs_hint = false} : vector<384x256xbf16>, vector<256x512xbf16>, vector<384x512xf32> -> vector<384x512xf32>
    %get3A_404 = arith.constant 0 : index
    %get3A_405 = arith.constant 1536 : index
    %get3A_406 = vector.load %arg3[%get3A_404, %get3A_405] : memref<512x2048xbf16, #tpu.memory_space<vmem>>, vector<512x512xbf16>
    %dot_general3A_407 = arith.constant dense<0.000000e+00> : vector<384x512xf32>
    %dot_general3A_408 = tpu.matmul %convert_element_type3A_323, %get3A_406, %dot_general3A_407 {dimension_numbers = #tpu.dot_dimension_numbers<[1], [0], [0], [1], [0, 0, 1, 1], [], []>, transpose_lhs_hint = false} : vector<384x512xbf16>, vector<512x512xbf16>, vector<384x512xf32> -> vector<384x512xf32>
    %add3A_409 = arith.addf %dot_general3A_403, %dot_general3A_408 : vector<384x512xf32>
    %get3A_410 = arith.constant 0 : index
    %get3A_411 = arith.constant 1536 : index
    %get3A_412 = vector.load %arg4[%get3A_410, %get3A_411] : memref<1x2048xf32, #tpu.memory_space<vmem>>, vector<1x512xf32>
    %add3A_413 = vector.broadcast %get3A_412 : vector<1x512xf32> to vector<384x512xf32>
    %add3A_414 = arith.addf %add3A_409, %add3A_413 : vector<384x512xf32>
    %mul3A_415 = arith.constant 5.000000e-01 : f32
    %mul3A_416 = vector.broadcast %mul3A_415 : f32 to vector<384x512xf32>
    %mul3A_417 = arith.mulf %mul3A_416, %add3A_414 : vector<384x512xf32>
    %tanh3A_418 = math.tanh %mul3A_417 : vector<384x512xf32>
    %mul3A_419 = arith.constant 5.000000e-01 : f32
    %mul3A_420 = vector.broadcast %mul3A_419 : f32 to vector<384x512xf32>
    %mul3A_421 = arith.mulf %mul3A_420, %tanh3A_418 : vector<384x512xf32>
    %add3A_422 = arith.constant 5.000000e-01 : f32
    %add3A_423 = vector.broadcast %add3A_422 : f32 to vector<384x512xf32>
    %add3A_424 = arith.addf %mul3A_421, %add3A_423 : vector<384x512xf32>
    %mul3A_425 = arith.mulf %add3A_381, %add3A_320 : vector<384x512xf32>
    %mul3A_426 = arith.mulf %add3A_355, %tanh3A_398 : vector<384x512xf32>
    %add3A_427 = arith.addf %mul3A_425, %mul3A_426 : vector<384x512xf32>
    %tanh3A_428 = math.tanh %add3A_427 : vector<384x512xf32>
    %mul3A_429 = arith.mulf %add3A_424, %tanh3A_428 : vector<384x512xf32>
    %convert_element_type3A_430 = arith.truncf %mul3A_429 : vector<384x512xf32> to vector<384x512xbf16>
    %get3A_431 = arith.constant 4 : index
    %get3A_432 = arith.constant 0 : index
    %get3A_433 = arith.constant 0 : index
    %get3A_434 = vector.load %arg1[%get3A_431, %get3A_432, %get3A_433] : memref<8x384x256xf32, #tpu.memory_space<vmem>>, vector<1x384x256xf32>
    %get3A_435 = vector.shape_cast %get3A_434 : vector<1x384x256xf32> to vector<384x256xf32>
    %convert_element_type3A_436 = arith.truncf %get3A_435 : vector<384x256xf32> to vector<384x256xbf16>
    %get3A_437 = arith.constant 0 : index
    %get3A_438 = arith.constant 0 : index
    %get3A_439 = vector.load %arg2[%get3A_437, %get3A_438] : memref<256x2048xbf16, #tpu.memory_space<vmem>>, vector<256x512xbf16>
    %dot_general3A_440 = arith.constant dense<0.000000e+00> : vector<384x512xf32>
    %dot_general3A_441 = tpu.matmul %convert_element_type3A_436, %get3A_439, %dot_general3A_440 {dimension_numbers = #tpu.dot_dimension_numbers<[1], [0], [0], [1], [0, 0, 1, 1], [], []>, transpose_lhs_hint = false} : vector<384x256xbf16>, vector<256x512xbf16>, vector<384x512xf32> -> vector<384x512xf32>
    %get3A_442 = arith.constant 0 : index
    %get3A_443 = arith.constant 0 : index
    %get3A_444 = vector.load %arg3[%get3A_442, %get3A_443] : memref<512x2048xbf16, #tpu.memory_space<vmem>>, vector<512x512xbf16>
    %dot_general3A_445 = arith.constant dense<0.000000e+00> : vector<384x512xf32>
    %dot_general3A_446 = tpu.matmul %convert_element_type3A_430, %get3A_444, %dot_general3A_445 {dimension_numbers = #tpu.dot_dimension_numbers<[1], [0], [0], [1], [0, 0, 1, 1], [], []>, transpose_lhs_hint = false} : vector<384x512xbf16>, vector<512x512xbf16>, vector<384x512xf32> -> vector<384x512xf32>
    %add3A_447 = arith.addf %dot_general3A_441, %dot_general3A_446 : vector<384x512xf32>
    %get3A_448 = arith.constant 0 : index
    %get3A_449 = arith.constant 0 : index
    %get3A_450 = vector.load %arg4[%get3A_448, %get3A_449] : memref<1x2048xf32, #tpu.memory_space<vmem>>, vector<1x512xf32>
    %add3A_451 = vector.broadcast %get3A_450 : vector<1x512xf32> to vector<384x512xf32>
    %add3A_452 = arith.addf %add3A_447, %add3A_451 : vector<384x512xf32>
    %mul3A_453 = arith.constant 5.000000e-01 : f32
    %mul3A_454 = vector.broadcast %mul3A_453 : f32 to vector<384x512xf32>
    %mul3A_455 = arith.mulf %mul3A_454, %add3A_452 : vector<384x512xf32>
    %tanh3A_456 = math.tanh %mul3A_455 : vector<384x512xf32>
    %mul3A_457 = arith.constant 5.000000e-01 : f32
    %mul3A_458 = vector.broadcast %mul3A_457 : f32 to vector<384x512xf32>
    %mul3A_459 = arith.mulf %mul3A_458, %tanh3A_456 : vector<384x512xf32>
    %add3A_460 = arith.constant 5.000000e-01 : f32
    %add3A_461 = vector.broadcast %add3A_460 : f32 to vector<384x512xf32>
    %add3A_462 = arith.addf %mul3A_459, %add3A_461 : vector<384x512xf32>
    %get3A_463 = arith.constant 0 : index
    %get3A_464 = arith.constant 512 : index
    %get3A_465 = vector.load %arg2[%get3A_463, %get3A_464] : memref<256x2048xbf16, #tpu.memory_space<vmem>>, vector<256x512xbf16>
    %dot_general3A_466 = arith.constant dense<0.000000e+00> : vector<384x512xf32>
    %dot_general3A_467 = tpu.matmul %convert_element_type3A_436, %get3A_465, %dot_general3A_466 {dimension_numbers = #tpu.dot_dimension_numbers<[1], [0], [0], [1], [0, 0, 1, 1], [], []>, transpose_lhs_hint = false} : vector<384x256xbf16>, vector<256x512xbf16>, vector<384x512xf32> -> vector<384x512xf32>
    %get3A_468 = arith.constant 0 : index
    %get3A_469 = arith.constant 512 : index
    %get3A_470 = vector.load %arg3[%get3A_468, %get3A_469] : memref<512x2048xbf16, #tpu.memory_space<vmem>>, vector<512x512xbf16>
    %dot_general3A_471 = arith.constant dense<0.000000e+00> : vector<384x512xf32>
    %dot_general3A_472 = tpu.matmul %convert_element_type3A_430, %get3A_470, %dot_general3A_471 {dimension_numbers = #tpu.dot_dimension_numbers<[1], [0], [0], [1], [0, 0, 1, 1], [], []>, transpose_lhs_hint = false} : vector<384x512xbf16>, vector<512x512xbf16>, vector<384x512xf32> -> vector<384x512xf32>
    %add3A_473 = arith.addf %dot_general3A_467, %dot_general3A_472 : vector<384x512xf32>
    %get3A_474 = arith.constant 0 : index
    %get3A_475 = arith.constant 512 : index
    %get3A_476 = vector.load %arg4[%get3A_474, %get3A_475] : memref<1x2048xf32, #tpu.memory_space<vmem>>, vector<1x512xf32>
    %add3A_477 = vector.broadcast %get3A_476 : vector<1x512xf32> to vector<384x512xf32>
    %add3A_478 = arith.addf %add3A_473, %add3A_477 : vector<384x512xf32>
    %mul3A_479 = arith.constant 5.000000e-01 : f32
    %mul3A_480 = vector.broadcast %mul3A_479 : f32 to vector<384x512xf32>
    %mul3A_481 = arith.mulf %mul3A_480, %add3A_478 : vector<384x512xf32>
    %tanh3A_482 = math.tanh %mul3A_481 : vector<384x512xf32>
    %mul3A_483 = arith.constant 5.000000e-01 : f32
    %mul3A_484 = vector.broadcast %mul3A_483 : f32 to vector<384x512xf32>
    %mul3A_485 = arith.mulf %mul3A_484, %tanh3A_482 : vector<384x512xf32>
    %add3A_486 = arith.constant 5.000000e-01 : f32
    %add3A_487 = vector.broadcast %add3A_486 : f32 to vector<384x512xf32>
    %add3A_488 = arith.addf %mul3A_485, %add3A_487 : vector<384x512xf32>
    %get3A_489 = arith.constant 0 : index
    %get3A_490 = arith.constant 1024 : index
    %get3A_491 = vector.load %arg2[%get3A_489, %get3A_490] : memref<256x2048xbf16, #tpu.memory_space<vmem>>, vector<256x512xbf16>
    %dot_general3A_492 = arith.constant dense<0.000000e+00> : vector<384x512xf32>
    %dot_general3A_493 = tpu.matmul %convert_element_type3A_436, %get3A_491, %dot_general3A_492 {dimension_numbers = #tpu.dot_dimension_numbers<[1], [0], [0], [1], [0, 0, 1, 1], [], []>, transpose_lhs_hint = false} : vector<384x256xbf16>, vector<256x512xbf16>, vector<384x512xf32> -> vector<384x512xf32>
    %get3A_494 = arith.constant 0 : index
    %get3A_495 = arith.constant 1024 : index
    %get3A_496 = vector.load %arg3[%get3A_494, %get3A_495] : memref<512x2048xbf16, #tpu.memory_space<vmem>>, vector<512x512xbf16>
    %dot_general3A_497 = arith.constant dense<0.000000e+00> : vector<384x512xf32>
    %dot_general3A_498 = tpu.matmul %convert_element_type3A_430, %get3A_496, %dot_general3A_497 {dimension_numbers = #tpu.dot_dimension_numbers<[1], [0], [0], [1], [0, 0, 1, 1], [], []>, transpose_lhs_hint = false} : vector<384x512xbf16>, vector<512x512xbf16>, vector<384x512xf32> -> vector<384x512xf32>
    %add3A_499 = arith.addf %dot_general3A_493, %dot_general3A_498 : vector<384x512xf32>
    %get3A_500 = arith.constant 0 : index
    %get3A_501 = arith.constant 1024 : index
    %get3A_502 = vector.load %arg4[%get3A_500, %get3A_501] : memref<1x2048xf32, #tpu.memory_space<vmem>>, vector<1x512xf32>
    %add3A_503 = vector.broadcast %get3A_502 : vector<1x512xf32> to vector<384x512xf32>
    %add3A_504 = arith.addf %add3A_499, %add3A_503 : vector<384x512xf32>
    %tanh3A_505 = math.tanh %add3A_504 : vector<384x512xf32>
    %get3A_506 = arith.constant 0 : index
    %get3A_507 = arith.constant 1536 : index
    %get3A_508 = vector.load %arg2[%get3A_506, %get3A_507] : memref<256x2048xbf16, #tpu.memory_space<vmem>>, vector<256x512xbf16>
    %dot_general3A_509 = arith.constant dense<0.000000e+00> : vector<384x512xf32>
    %dot_general3A_510 = tpu.matmul %convert_element_type3A_436, %get3A_508, %dot_general3A_509 {dimension_numbers = #tpu.dot_dimension_numbers<[1], [0], [0], [1], [0, 0, 1, 1], [], []>, transpose_lhs_hint = false} : vector<384x256xbf16>, vector<256x512xbf16>, vector<384x512xf32> -> vector<384x512xf32>
    %get3A_511 = arith.constant 0 : index
    %get3A_512 = arith.constant 1536 : index
    %get3A_513 = vector.load %arg3[%get3A_511, %get3A_512] : memref<512x2048xbf16, #tpu.memory_space<vmem>>, vector<512x512xbf16>
    %dot_general3A_514 = arith.constant dense<0.000000e+00> : vector<384x512xf32>
    %dot_general3A_515 = tpu.matmul %convert_element_type3A_430, %get3A_513, %dot_general3A_514 {dimension_numbers = #tpu.dot_dimension_numbers<[1], [0], [0], [1], [0, 0, 1, 1], [], []>, transpose_lhs_hint = false} : vector<384x512xbf16>, vector<512x512xbf16>, vector<384x512xf32> -> vector<384x512xf32>
    %add3A_516 = arith.addf %dot_general3A_510, %dot_general3A_515 : vector<384x512xf32>
    %get3A_517 = arith.constant 0 : index
    %get3A_518 = arith.constant 1536 : index
    %get3A_519 = vector.load %arg4[%get3A_517, %get3A_518] : memref<1x2048xf32, #tpu.memory_space<vmem>>, vector<1x512xf32>
    %add3A_520 = vector.broadcast %get3A_519 : vector<1x512xf32> to vector<384x512xf32>
    %add3A_521 = arith.addf %add3A_516, %add3A_520 : vector<384x512xf32>
    %mul3A_522 = arith.constant 5.000000e-01 : f32
    %mul3A_523 = vector.broadcast %mul3A_522 : f32 to vector<384x512xf32>
    %mul3A_524 = arith.mulf %mul3A_523, %add3A_521 : vector<384x512xf32>
    %tanh3A_525 = math.tanh %mul3A_524 : vector<384x512xf32>
    %mul3A_526 = arith.constant 5.000000e-01 : f32
    %mul3A_527 = vector.broadcast %mul3A_526 : f32 to vector<384x512xf32>
    %mul3A_528 = arith.mulf %mul3A_527, %tanh3A_525 : vector<384x512xf32>
    %add3A_529 = arith.constant 5.000000e-01 : f32
    %add3A_530 = vector.broadcast %add3A_529 : f32 to vector<384x512xf32>
    %add3A_531 = arith.addf %mul3A_528, %add3A_530 : vector<384x512xf32>
    %mul3A_532 = arith.mulf %add3A_488, %add3A_427 : vector<384x512xf32>
    %mul3A_533 = arith.mulf %add3A_462, %tanh3A_505 : vector<384x512xf32>
    %add3A_534 = arith.addf %mul3A_532, %mul3A_533 : vector<384x512xf32>
    %tanh3A_535 = math.tanh %add3A_534 : vector<384x512xf32>
    %mul3A_536 = arith.mulf %add3A_531, %tanh3A_535 : vector<384x512xf32>
    %convert_element_type3A_537 = arith.truncf %mul3A_536 : vector<384x512xf32> to vector<384x512xbf16>
    %get3A_538 = arith.constant 5 : index
    %get3A_539 = arith.constant 0 : index
    %get3A_540 = arith.constant 0 : index
    %get3A_541 = vector.load %arg1[%get3A_538, %get3A_539, %get3A_540] : memref<8x384x256xf32, #tpu.memory_space<vmem>>, vector<1x384x256xf32>
    %get3A_542 = vector.shape_cast %get3A_541 : vector<1x384x256xf32> to vector<384x256xf32>
    %convert_element_type3A_543 = arith.truncf %get3A_542 : vector<384x256xf32> to vector<384x256xbf16>
    %get3A_544 = arith.constant 0 : index
    %get3A_545 = arith.constant 0 : index
    %get3A_546 = vector.load %arg2[%get3A_544, %get3A_545] : memref<256x2048xbf16, #tpu.memory_space<vmem>>, vector<256x512xbf16>
    %dot_general3A_547 = arith.constant dense<0.000000e+00> : vector<384x512xf32>
    %dot_general3A_548 = tpu.matmul %convert_element_type3A_543, %get3A_546, %dot_general3A_547 {dimension_numbers = #tpu.dot_dimension_numbers<[1], [0], [0], [1], [0, 0, 1, 1], [], []>, transpose_lhs_hint = false} : vector<384x256xbf16>, vector<256x512xbf16>, vector<384x512xf32> -> vector<384x512xf32>
    %get3A_549 = arith.constant 0 : index
    %get3A_550 = arith.constant 0 : index
    %get3A_551 = vector.load %arg3[%get3A_549, %get3A_550] : memref<512x2048xbf16, #tpu.memory_space<vmem>>, vector<512x512xbf16>
    %dot_general3A_552 = arith.constant dense<0.000000e+00> : vector<384x512xf32>
    %dot_general3A_553 = tpu.matmul %convert_element_type3A_537, %get3A_551, %dot_general3A_552 {dimension_numbers = #tpu.dot_dimension_numbers<[1], [0], [0], [1], [0, 0, 1, 1], [], []>, transpose_lhs_hint = false} : vector<384x512xbf16>, vector<512x512xbf16>, vector<384x512xf32> -> vector<384x512xf32>
    %add3A_554 = arith.addf %dot_general3A_548, %dot_general3A_553 : vector<384x512xf32>
    %get3A_555 = arith.constant 0 : index
    %get3A_556 = arith.constant 0 : index
    %get3A_557 = vector.load %arg4[%get3A_555, %get3A_556] : memref<1x2048xf32, #tpu.memory_space<vmem>>, vector<1x512xf32>
    %add3A_558 = vector.broadcast %get3A_557 : vector<1x512xf32> to vector<384x512xf32>
    %add3A_559 = arith.addf %add3A_554, %add3A_558 : vector<384x512xf32>
    %mul3A_560 = arith.constant 5.000000e-01 : f32
    %mul3A_561 = vector.broadcast %mul3A_560 : f32 to vector<384x512xf32>
    %mul3A_562 = arith.mulf %mul3A_561, %add3A_559 : vector<384x512xf32>
    %tanh3A_563 = math.tanh %mul3A_562 : vector<384x512xf32>
    %mul3A_564 = arith.constant 5.000000e-01 : f32
    %mul3A_565 = vector.broadcast %mul3A_564 : f32 to vector<384x512xf32>
    %mul3A_566 = arith.mulf %mul3A_565, %tanh3A_563 : vector<384x512xf32>
    %add3A_567 = arith.constant 5.000000e-01 : f32
    %add3A_568 = vector.broadcast %add3A_567 : f32 to vector<384x512xf32>
    %add3A_569 = arith.addf %mul3A_566, %add3A_568 : vector<384x512xf32>
    %get3A_570 = arith.constant 0 : index
    %get3A_571 = arith.constant 512 : index
    %get3A_572 = vector.load %arg2[%get3A_570, %get3A_571] : memref<256x2048xbf16, #tpu.memory_space<vmem>>, vector<256x512xbf16>
    %dot_general3A_573 = arith.constant dense<0.000000e+00> : vector<384x512xf32>
    %dot_general3A_574 = tpu.matmul %convert_element_type3A_543, %get3A_572, %dot_general3A_573 {dimension_numbers = #tpu.dot_dimension_numbers<[1], [0], [0], [1], [0, 0, 1, 1], [], []>, transpose_lhs_hint = false} : vector<384x256xbf16>, vector<256x512xbf16>, vector<384x512xf32> -> vector<384x512xf32>
    %get3A_575 = arith.constant 0 : index
    %get3A_576 = arith.constant 512 : index
    %get3A_577 = vector.load %arg3[%get3A_575, %get3A_576] : memref<512x2048xbf16, #tpu.memory_space<vmem>>, vector<512x512xbf16>
    %dot_general3A_578 = arith.constant dense<0.000000e+00> : vector<384x512xf32>
    %dot_general3A_579 = tpu.matmul %convert_element_type3A_537, %get3A_577, %dot_general3A_578 {dimension_numbers = #tpu.dot_dimension_numbers<[1], [0], [0], [1], [0, 0, 1, 1], [], []>, transpose_lhs_hint = false} : vector<384x512xbf16>, vector<512x512xbf16>, vector<384x512xf32> -> vector<384x512xf32>
    %add3A_580 = arith.addf %dot_general3A_574, %dot_general3A_579 : vector<384x512xf32>
    %get3A_581 = arith.constant 0 : index
    %get3A_582 = arith.constant 512 : index
    %get3A_583 = vector.load %arg4[%get3A_581, %get3A_582] : memref<1x2048xf32, #tpu.memory_space<vmem>>, vector<1x512xf32>
    %add3A_584 = vector.broadcast %get3A_583 : vector<1x512xf32> to vector<384x512xf32>
    %add3A_585 = arith.addf %add3A_580, %add3A_584 : vector<384x512xf32>
    %mul3A_586 = arith.constant 5.000000e-01 : f32
    %mul3A_587 = vector.broadcast %mul3A_586 : f32 to vector<384x512xf32>
    %mul3A_588 = arith.mulf %mul3A_587, %add3A_585 : vector<384x512xf32>
    %tanh3A_589 = math.tanh %mul3A_588 : vector<384x512xf32>
    %mul3A_590 = arith.constant 5.000000e-01 : f32
    %mul3A_591 = vector.broadcast %mul3A_590 : f32 to vector<384x512xf32>
    %mul3A_592 = arith.mulf %mul3A_591, %tanh3A_589 : vector<384x512xf32>
    %add3A_593 = arith.constant 5.000000e-01 : f32
    %add3A_594 = vector.broadcast %add3A_593 : f32 to vector<384x512xf32>
    %add3A_595 = arith.addf %mul3A_592, %add3A_594 : vector<384x512xf32>
    %get3A_596 = arith.constant 0 : index
    %get3A_597 = arith.constant 1024 : index
    %get3A_598 = vector.load %arg2[%get3A_596, %get3A_597] : memref<256x2048xbf16, #tpu.memory_space<vmem>>, vector<256x512xbf16>
    %dot_general3A_599 = arith.constant dense<0.000000e+00> : vector<384x512xf32>
    %dot_general3A_600 = tpu.matmul %convert_element_type3A_543, %get3A_598, %dot_general3A_599 {dimension_numbers = #tpu.dot_dimension_numbers<[1], [0], [0], [1], [0, 0, 1, 1], [], []>, transpose_lhs_hint = false} : vector<384x256xbf16>, vector<256x512xbf16>, vector<384x512xf32> -> vector<384x512xf32>
    %get3A_601 = arith.constant 0 : index
    %get3A_602 = arith.constant 1024 : index
    %get3A_603 = vector.load %arg3[%get3A_601, %get3A_602] : memref<512x2048xbf16, #tpu.memory_space<vmem>>, vector<512x512xbf16>
    %dot_general3A_604 = arith.constant dense<0.000000e+00> : vector<384x512xf32>
    %dot_general3A_605 = tpu.matmul %convert_element_type3A_537, %get3A_603, %dot_general3A_604 {dimension_numbers = #tpu.dot_dimension_numbers<[1], [0], [0], [1], [0, 0, 1, 1], [], []>, transpose_lhs_hint = false} : vector<384x512xbf16>, vector<512x512xbf16>, vector<384x512xf32> -> vector<384x512xf32>
    %add3A_606 = arith.addf %dot_general3A_600, %dot_general3A_605 : vector<384x512xf32>
    %get3A_607 = arith.constant 0 : index
    %get3A_608 = arith.constant 1024 : index
    %get3A_609 = vector.load %arg4[%get3A_607, %get3A_608] : memref<1x2048xf32, #tpu.memory_space<vmem>>, vector<1x512xf32>
    %add3A_610 = vector.broadcast %get3A_609 : vector<1x512xf32> to vector<384x512xf32>
    %add3A_611 = arith.addf %add3A_606, %add3A_610 : vector<384x512xf32>
    %tanh3A_612 = math.tanh %add3A_611 : vector<384x512xf32>
    %get3A_613 = arith.constant 0 : index
    %get3A_614 = arith.constant 1536 : index
    %get3A_615 = vector.load %arg2[%get3A_613, %get3A_614] : memref<256x2048xbf16, #tpu.memory_space<vmem>>, vector<256x512xbf16>
    %dot_general3A_616 = arith.constant dense<0.000000e+00> : vector<384x512xf32>
    %dot_general3A_617 = tpu.matmul %convert_element_type3A_543, %get3A_615, %dot_general3A_616 {dimension_numbers = #tpu.dot_dimension_numbers<[1], [0], [0], [1], [0, 0, 1, 1], [], []>, transpose_lhs_hint = false} : vector<384x256xbf16>, vector<256x512xbf16>, vector<384x512xf32> -> vector<384x512xf32>
    %get3A_618 = arith.constant 0 : index
    %get3A_619 = arith.constant 1536 : index
    %get3A_620 = vector.load %arg3[%get3A_618, %get3A_619] : memref<512x2048xbf16, #tpu.memory_space<vmem>>, vector<512x512xbf16>
    %dot_general3A_621 = arith.constant dense<0.000000e+00> : vector<384x512xf32>
    %dot_general3A_622 = tpu.matmul %convert_element_type3A_537, %get3A_620, %dot_general3A_621 {dimension_numbers = #tpu.dot_dimension_numbers<[1], [0], [0], [1], [0, 0, 1, 1], [], []>, transpose_lhs_hint = false} : vector<384x512xbf16>, vector<512x512xbf16>, vector<384x512xf32> -> vector<384x512xf32>
    %add3A_623 = arith.addf %dot_general3A_617, %dot_general3A_622 : vector<384x512xf32>
    %get3A_624 = arith.constant 0 : index
    %get3A_625 = arith.constant 1536 : index
    %get3A_626 = vector.load %arg4[%get3A_624, %get3A_625] : memref<1x2048xf32, #tpu.memory_space<vmem>>, vector<1x512xf32>
    %add3A_627 = vector.broadcast %get3A_626 : vector<1x512xf32> to vector<384x512xf32>
    %add3A_628 = arith.addf %add3A_623, %add3A_627 : vector<384x512xf32>
    %mul3A_629 = arith.constant 5.000000e-01 : f32
    %mul3A_630 = vector.broadcast %mul3A_629 : f32 to vector<384x512xf32>
    %mul3A_631 = arith.mulf %mul3A_630, %add3A_628 : vector<384x512xf32>
    %tanh3A_632 = math.tanh %mul3A_631 : vector<384x512xf32>
    %mul3A_633 = arith.constant 5.000000e-01 : f32
    %mul3A_634 = vector.broadcast %mul3A_633 : f32 to vector<384x512xf32>
    %mul3A_635 = arith.mulf %mul3A_634, %tanh3A_632 : vector<384x512xf32>
    %add3A_636 = arith.constant 5.000000e-01 : f32
    %add3A_637 = vector.broadcast %add3A_636 : f32 to vector<384x512xf32>
    %add3A_638 = arith.addf %mul3A_635, %add3A_637 : vector<384x512xf32>
    %mul3A_639 = arith.mulf %add3A_595, %add3A_534 : vector<384x512xf32>
    %mul3A_640 = arith.mulf %add3A_569, %tanh3A_612 : vector<384x512xf32>
    %add3A_641 = arith.addf %mul3A_639, %mul3A_640 : vector<384x512xf32>
    %tanh3A_642 = math.tanh %add3A_641 : vector<384x512xf32>
    %mul3A_643 = arith.mulf %add3A_638, %tanh3A_642 : vector<384x512xf32>
    %convert_element_type3A_644 = arith.truncf %mul3A_643 : vector<384x512xf32> to vector<384x512xbf16>
    %get3A_645 = arith.constant 6 : index
    %get3A_646 = arith.constant 0 : index
    %get3A_647 = arith.constant 0 : index
    %get3A_648 = vector.load %arg1[%get3A_645, %get3A_646, %get3A_647] : memref<8x384x256xf32, #tpu.memory_space<vmem>>, vector<1x384x256xf32>
    %get3A_649 = vector.shape_cast %get3A_648 : vector<1x384x256xf32> to vector<384x256xf32>
    %convert_element_type3A_650 = arith.truncf %get3A_649 : vector<384x256xf32> to vector<384x256xbf16>
    %get3A_651 = arith.constant 0 : index
    %get3A_652 = arith.constant 0 : index
    %get3A_653 = vector.load %arg2[%get3A_651, %get3A_652] : memref<256x2048xbf16, #tpu.memory_space<vmem>>, vector<256x512xbf16>
    %dot_general3A_654 = arith.constant dense<0.000000e+00> : vector<384x512xf32>
    %dot_general3A_655 = tpu.matmul %convert_element_type3A_650, %get3A_653, %dot_general3A_654 {dimension_numbers = #tpu.dot_dimension_numbers<[1], [0], [0], [1], [0, 0, 1, 1], [], []>, transpose_lhs_hint = false} : vector<384x256xbf16>, vector<256x512xbf16>, vector<384x512xf32> -> vector<384x512xf32>
    %get3A_656 = arith.constant 0 : index
    %get3A_657 = arith.constant 0 : index
    %get3A_658 = vector.load %arg3[%get3A_656, %get3A_657] : memref<512x2048xbf16, #tpu.memory_space<vmem>>, vector<512x512xbf16>
    %dot_general3A_659 = arith.constant dense<0.000000e+00> : vector<384x512xf32>
    %dot_general3A_660 = tpu.matmul %convert_element_type3A_644, %get3A_658, %dot_general3A_659 {dimension_numbers = #tpu.dot_dimension_numbers<[1], [0], [0], [1], [0, 0, 1, 1], [], []>, transpose_lhs_hint = false} : vector<384x512xbf16>, vector<512x512xbf16>, vector<384x512xf32> -> vector<384x512xf32>
    %add3A_661 = arith.addf %dot_general3A_655, %dot_general3A_660 : vector<384x512xf32>
    %get3A_662 = arith.constant 0 : index
    %get3A_663 = arith.constant 0 : index
    %get3A_664 = vector.load %arg4[%get3A_662, %get3A_663] : memref<1x2048xf32, #tpu.memory_space<vmem>>, vector<1x512xf32>
    %add3A_665 = vector.broadcast %get3A_664 : vector<1x512xf32> to vector<384x512xf32>
    %add3A_666 = arith.addf %add3A_661, %add3A_665 : vector<384x512xf32>
    %mul3A_667 = arith.constant 5.000000e-01 : f32
    %mul3A_668 = vector.broadcast %mul3A_667 : f32 to vector<384x512xf32>
    %mul3A_669 = arith.mulf %mul3A_668, %add3A_666 : vector<384x512xf32>
    %tanh3A_670 = math.tanh %mul3A_669 : vector<384x512xf32>
    %mul3A_671 = arith.constant 5.000000e-01 : f32
    %mul3A_672 = vector.broadcast %mul3A_671 : f32 to vector<384x512xf32>
    %mul3A_673 = arith.mulf %mul3A_672, %tanh3A_670 : vector<384x512xf32>
    %add3A_674 = arith.constant 5.000000e-01 : f32
    %add3A_675 = vector.broadcast %add3A_674 : f32 to vector<384x512xf32>
    %add3A_676 = arith.addf %mul3A_673, %add3A_675 : vector<384x512xf32>
    %get3A_677 = arith.constant 0 : index
    %get3A_678 = arith.constant 512 : index
    %get3A_679 = vector.load %arg2[%get3A_677, %get3A_678] : memref<256x2048xbf16, #tpu.memory_space<vmem>>, vector<256x512xbf16>
    %dot_general3A_680 = arith.constant dense<0.000000e+00> : vector<384x512xf32>
    %dot_general3A_681 = tpu.matmul %convert_element_type3A_650, %get3A_679, %dot_general3A_680 {dimension_numbers = #tpu.dot_dimension_numbers<[1], [0], [0], [1], [0, 0, 1, 1], [], []>, transpose_lhs_hint = false} : vector<384x256xbf16>, vector<256x512xbf16>, vector<384x512xf32> -> vector<384x512xf32>
    %get3A_682 = arith.constant 0 : index
    %get3A_683 = arith.constant 512 : index
    %get3A_684 = vector.load %arg3[%get3A_682, %get3A_683] : memref<512x2048xbf16, #tpu.memory_space<vmem>>, vector<512x512xbf16>
    %dot_general3A_685 = arith.constant dense<0.000000e+00> : vector<384x512xf32>
    %dot_general3A_686 = tpu.matmul %convert_element_type3A_644, %get3A_684, %dot_general3A_685 {dimension_numbers = #tpu.dot_dimension_numbers<[1], [0], [0], [1], [0, 0, 1, 1], [], []>, transpose_lhs_hint = false} : vector<384x512xbf16>, vector<512x512xbf16>, vector<384x512xf32> -> vector<384x512xf32>
    %add3A_687 = arith.addf %dot_general3A_681, %dot_general3A_686 : vector<384x512xf32>
    %get3A_688 = arith.constant 0 : index
    %get3A_689 = arith.constant 512 : index
    %get3A_690 = vector.load %arg4[%get3A_688, %get3A_689] : memref<1x2048xf32, #tpu.memory_space<vmem>>, vector<1x512xf32>
    %add3A_691 = vector.broadcast %get3A_690 : vector<1x512xf32> to vector<384x512xf32>
    %add3A_692 = arith.addf %add3A_687, %add3A_691 : vector<384x512xf32>
    %mul3A_693 = arith.constant 5.000000e-01 : f32
    %mul3A_694 = vector.broadcast %mul3A_693 : f32 to vector<384x512xf32>
    %mul3A_695 = arith.mulf %mul3A_694, %add3A_692 : vector<384x512xf32>
    %tanh3A_696 = math.tanh %mul3A_695 : vector<384x512xf32>
    %mul3A_697 = arith.constant 5.000000e-01 : f32
    %mul3A_698 = vector.broadcast %mul3A_697 : f32 to vector<384x512xf32>
    %mul3A_699 = arith.mulf %mul3A_698, %tanh3A_696 : vector<384x512xf32>
    %add3A_700 = arith.constant 5.000000e-01 : f32
    %add3A_701 = vector.broadcast %add3A_700 : f32 to vector<384x512xf32>
    %add3A_702 = arith.addf %mul3A_699, %add3A_701 : vector<384x512xf32>
    %get3A_703 = arith.constant 0 : index
    %get3A_704 = arith.constant 1024 : index
    %get3A_705 = vector.load %arg2[%get3A_703, %get3A_704] : memref<256x2048xbf16, #tpu.memory_space<vmem>>, vector<256x512xbf16>
    %dot_general3A_706 = arith.constant dense<0.000000e+00> : vector<384x512xf32>
    %dot_general3A_707 = tpu.matmul %convert_element_type3A_650, %get3A_705, %dot_general3A_706 {dimension_numbers = #tpu.dot_dimension_numbers<[1], [0], [0], [1], [0, 0, 1, 1], [], []>, transpose_lhs_hint = false} : vector<384x256xbf16>, vector<256x512xbf16>, vector<384x512xf32> -> vector<384x512xf32>
    %get3A_708 = arith.constant 0 : index
    %get3A_709 = arith.constant 1024 : index
    %get3A_710 = vector.load %arg3[%get3A_708, %get3A_709] : memref<512x2048xbf16, #tpu.memory_space<vmem>>, vector<512x512xbf16>
    %dot_general3A_711 = arith.constant dense<0.000000e+00> : vector<384x512xf32>
    %dot_general3A_712 = tpu.matmul %convert_element_type3A_644, %get3A_710, %dot_general3A_711 {dimension_numbers = #tpu.dot_dimension_numbers<[1], [0], [0], [1], [0, 0, 1, 1], [], []>, transpose_lhs_hint = false} : vector<384x512xbf16>, vector<512x512xbf16>, vector<384x512xf32> -> vector<384x512xf32>
    %add3A_713 = arith.addf %dot_general3A_707, %dot_general3A_712 : vector<384x512xf32>
    %get3A_714 = arith.constant 0 : index
    %get3A_715 = arith.constant 1024 : index
    %get3A_716 = vector.load %arg4[%get3A_714, %get3A_715] : memref<1x2048xf32, #tpu.memory_space<vmem>>, vector<1x512xf32>
    %add3A_717 = vector.broadcast %get3A_716 : vector<1x512xf32> to vector<384x512xf32>
    %add3A_718 = arith.addf %add3A_713, %add3A_717 : vector<384x512xf32>
    %tanh3A_719 = math.tanh %add3A_718 : vector<384x512xf32>
    %get3A_720 = arith.constant 0 : index
    %get3A_721 = arith.constant 1536 : index
    %get3A_722 = vector.load %arg2[%get3A_720, %get3A_721] : memref<256x2048xbf16, #tpu.memory_space<vmem>>, vector<256x512xbf16>
    %dot_general3A_723 = arith.constant dense<0.000000e+00> : vector<384x512xf32>
    %dot_general3A_724 = tpu.matmul %convert_element_type3A_650, %get3A_722, %dot_general3A_723 {dimension_numbers = #tpu.dot_dimension_numbers<[1], [0], [0], [1], [0, 0, 1, 1], [], []>, transpose_lhs_hint = false} : vector<384x256xbf16>, vector<256x512xbf16>, vector<384x512xf32> -> vector<384x512xf32>
    %get3A_725 = arith.constant 0 : index
    %get3A_726 = arith.constant 1536 : index
    %get3A_727 = vector.load %arg3[%get3A_725, %get3A_726] : memref<512x2048xbf16, #tpu.memory_space<vmem>>, vector<512x512xbf16>
    %dot_general3A_728 = arith.constant dense<0.000000e+00> : vector<384x512xf32>
    %dot_general3A_729 = tpu.matmul %convert_element_type3A_644, %get3A_727, %dot_general3A_728 {dimension_numbers = #tpu.dot_dimension_numbers<[1], [0], [0], [1], [0, 0, 1, 1], [], []>, transpose_lhs_hint = false} : vector<384x512xbf16>, vector<512x512xbf16>, vector<384x512xf32> -> vector<384x512xf32>
    %add3A_730 = arith.addf %dot_general3A_724, %dot_general3A_729 : vector<384x512xf32>
    %get3A_731 = arith.constant 0 : index
    %get3A_732 = arith.constant 1536 : index
    %get3A_733 = vector.load %arg4[%get3A_731, %get3A_732] : memref<1x2048xf32, #tpu.memory_space<vmem>>, vector<1x512xf32>
    %add3A_734 = vector.broadcast %get3A_733 : vector<1x512xf32> to vector<384x512xf32>
    %add3A_735 = arith.addf %add3A_730, %add3A_734 : vector<384x512xf32>
    %mul3A_736 = arith.constant 5.000000e-01 : f32
    %mul3A_737 = vector.broadcast %mul3A_736 : f32 to vector<384x512xf32>
    %mul3A_738 = arith.mulf %mul3A_737, %add3A_735 : vector<384x512xf32>
    %tanh3A_739 = math.tanh %mul3A_738 : vector<384x512xf32>
    %mul3A_740 = arith.constant 5.000000e-01 : f32
    %mul3A_741 = vector.broadcast %mul3A_740 : f32 to vector<384x512xf32>
    %mul3A_742 = arith.mulf %mul3A_741, %tanh3A_739 : vector<384x512xf32>
    %add3A_743 = arith.constant 5.000000e-01 : f32
    %add3A_744 = vector.broadcast %add3A_743 : f32 to vector<384x512xf32>
    %add3A_745 = arith.addf %mul3A_742, %add3A_744 : vector<384x512xf32>
    %mul3A_746 = arith.mulf %add3A_702, %add3A_641 : vector<384x512xf32>
    %mul3A_747 = arith.mulf %add3A_676, %tanh3A_719 : vector<384x512xf32>
    %add3A_748 = arith.addf %mul3A_746, %mul3A_747 : vector<384x512xf32>
    %tanh3A_749 = math.tanh %add3A_748 : vector<384x512xf32>
    %mul3A_750 = arith.mulf %add3A_745, %tanh3A_749 : vector<384x512xf32>
    %convert_element_type3A_751 = arith.truncf %mul3A_750 : vector<384x512xf32> to vector<384x512xbf16>
    %get3A_752 = arith.constant 7 : index
    %get3A_753 = arith.constant 0 : index
    %get3A_754 = arith.constant 0 : index
    %get3A_755 = vector.load %arg1[%get3A_752, %get3A_753, %get3A_754] : memref<8x384x256xf32, #tpu.memory_space<vmem>>, vector<1x384x256xf32>
    %get3A_756 = vector.shape_cast %get3A_755 : vector<1x384x256xf32> to vector<384x256xf32>
    %convert_element_type3A_757 = arith.truncf %get3A_756 : vector<384x256xf32> to vector<384x256xbf16>
    %get3A_758 = arith.constant 0 : index
    %get3A_759 = arith.constant 0 : index
    %get3A_760 = vector.load %arg2[%get3A_758, %get3A_759] : memref<256x2048xbf16, #tpu.memory_space<vmem>>, vector<256x512xbf16>
    %dot_general3A_761 = arith.constant dense<0.000000e+00> : vector<384x512xf32>
    %dot_general3A_762 = tpu.matmul %convert_element_type3A_757, %get3A_760, %dot_general3A_761 {dimension_numbers = #tpu.dot_dimension_numbers<[1], [0], [0], [1], [0, 0, 1, 1], [], []>, transpose_lhs_hint = false} : vector<384x256xbf16>, vector<256x512xbf16>, vector<384x512xf32> -> vector<384x512xf32>
    %get3A_763 = arith.constant 0 : index
    %get3A_764 = arith.constant 0 : index
    %get3A_765 = vector.load %arg3[%get3A_763, %get3A_764] : memref<512x2048xbf16, #tpu.memory_space<vmem>>, vector<512x512xbf16>
    %dot_general3A_766 = arith.constant dense<0.000000e+00> : vector<384x512xf32>
    %dot_general3A_767 = tpu.matmul %convert_element_type3A_751, %get3A_765, %dot_general3A_766 {dimension_numbers = #tpu.dot_dimension_numbers<[1], [0], [0], [1], [0, 0, 1, 1], [], []>, transpose_lhs_hint = false} : vector<384x512xbf16>, vector<512x512xbf16>, vector<384x512xf32> -> vector<384x512xf32>
    %add3A_768 = arith.addf %dot_general3A_762, %dot_general3A_767 : vector<384x512xf32>
    %get3A_769 = arith.constant 0 : index
    %get3A_770 = arith.constant 0 : index
    %get3A_771 = vector.load %arg4[%get3A_769, %get3A_770] : memref<1x2048xf32, #tpu.memory_space<vmem>>, vector<1x512xf32>
    %add3A_772 = vector.broadcast %get3A_771 : vector<1x512xf32> to vector<384x512xf32>
    %add3A_773 = arith.addf %add3A_768, %add3A_772 : vector<384x512xf32>
    %mul3A_774 = arith.constant 5.000000e-01 : f32
    %mul3A_775 = vector.broadcast %mul3A_774 : f32 to vector<384x512xf32>
    %mul3A_776 = arith.mulf %mul3A_775, %add3A_773 : vector<384x512xf32>
    %tanh3A_777 = math.tanh %mul3A_776 : vector<384x512xf32>
    %mul3A_778 = arith.constant 5.000000e-01 : f32
    %mul3A_779 = vector.broadcast %mul3A_778 : f32 to vector<384x512xf32>
    %mul3A_780 = arith.mulf %mul3A_779, %tanh3A_777 : vector<384x512xf32>
    %add3A_781 = arith.constant 5.000000e-01 : f32
    %add3A_782 = vector.broadcast %add3A_781 : f32 to vector<384x512xf32>
    %add3A_783 = arith.addf %mul3A_780, %add3A_782 : vector<384x512xf32>
    %get3A_784 = arith.constant 0 : index
    %get3A_785 = arith.constant 512 : index
    %get3A_786 = vector.load %arg2[%get3A_784, %get3A_785] : memref<256x2048xbf16, #tpu.memory_space<vmem>>, vector<256x512xbf16>
    %dot_general3A_787 = arith.constant dense<0.000000e+00> : vector<384x512xf32>
    %dot_general3A_788 = tpu.matmul %convert_element_type3A_757, %get3A_786, %dot_general3A_787 {dimension_numbers = #tpu.dot_dimension_numbers<[1], [0], [0], [1], [0, 0, 1, 1], [], []>, transpose_lhs_hint = false} : vector<384x256xbf16>, vector<256x512xbf16>, vector<384x512xf32> -> vector<384x512xf32>
    %get3A_789 = arith.constant 0 : index
    %get3A_790 = arith.constant 512 : index
    %get3A_791 = vector.load %arg3[%get3A_789, %get3A_790] : memref<512x2048xbf16, #tpu.memory_space<vmem>>, vector<512x512xbf16>
    %dot_general3A_792 = arith.constant dense<0.000000e+00> : vector<384x512xf32>
    %dot_general3A_793 = tpu.matmul %convert_element_type3A_751, %get3A_791, %dot_general3A_792 {dimension_numbers = #tpu.dot_dimension_numbers<[1], [0], [0], [1], [0, 0, 1, 1], [], []>, transpose_lhs_hint = false} : vector<384x512xbf16>, vector<512x512xbf16>, vector<384x512xf32> -> vector<384x512xf32>
    %add3A_794 = arith.addf %dot_general3A_788, %dot_general3A_793 : vector<384x512xf32>
    %get3A_795 = arith.constant 0 : index
    %get3A_796 = arith.constant 512 : index
    %get3A_797 = vector.load %arg4[%get3A_795, %get3A_796] : memref<1x2048xf32, #tpu.memory_space<vmem>>, vector<1x512xf32>
    %add3A_798 = vector.broadcast %get3A_797 : vector<1x512xf32> to vector<384x512xf32>
    %add3A_799 = arith.addf %add3A_794, %add3A_798 : vector<384x512xf32>
    %mul3A_800 = arith.constant 5.000000e-01 : f32
    %mul3A_801 = vector.broadcast %mul3A_800 : f32 to vector<384x512xf32>
    %mul3A_802 = arith.mulf %mul3A_801, %add3A_799 : vector<384x512xf32>
    %tanh3A_803 = math.tanh %mul3A_802 : vector<384x512xf32>
    %mul3A_804 = arith.constant 5.000000e-01 : f32
    %mul3A_805 = vector.broadcast %mul3A_804 : f32 to vector<384x512xf32>
    %mul3A_806 = arith.mulf %mul3A_805, %tanh3A_803 : vector<384x512xf32>
    %add3A_807 = arith.constant 5.000000e-01 : f32
    %add3A_808 = vector.broadcast %add3A_807 : f32 to vector<384x512xf32>
    %add3A_809 = arith.addf %mul3A_806, %add3A_808 : vector<384x512xf32>
    %get3A_810 = arith.constant 0 : index
    %get3A_811 = arith.constant 1024 : index
    %get3A_812 = vector.load %arg2[%get3A_810, %get3A_811] : memref<256x2048xbf16, #tpu.memory_space<vmem>>, vector<256x512xbf16>
    %dot_general3A_813 = arith.constant dense<0.000000e+00> : vector<384x512xf32>
    %dot_general3A_814 = tpu.matmul %convert_element_type3A_757, %get3A_812, %dot_general3A_813 {dimension_numbers = #tpu.dot_dimension_numbers<[1], [0], [0], [1], [0, 0, 1, 1], [], []>, transpose_lhs_hint = false} : vector<384x256xbf16>, vector<256x512xbf16>, vector<384x512xf32> -> vector<384x512xf32>
    %get3A_815 = arith.constant 0 : index
    %get3A_816 = arith.constant 1024 : index
    %get3A_817 = vector.load %arg3[%get3A_815, %get3A_816] : memref<512x2048xbf16, #tpu.memory_space<vmem>>, vector<512x512xbf16>
    %dot_general3A_818 = arith.constant dense<0.000000e+00> : vector<384x512xf32>
    %dot_general3A_819 = tpu.matmul %convert_element_type3A_751, %get3A_817, %dot_general3A_818 {dimension_numbers = #tpu.dot_dimension_numbers<[1], [0], [0], [1], [0, 0, 1, 1], [], []>, transpose_lhs_hint = false} : vector<384x512xbf16>, vector<512x512xbf16>, vector<384x512xf32> -> vector<384x512xf32>
    %add3A_820 = arith.addf %dot_general3A_814, %dot_general3A_819 : vector<384x512xf32>
    %get3A_821 = arith.constant 0 : index
    %get3A_822 = arith.constant 1024 : index
    %get3A_823 = vector.load %arg4[%get3A_821, %get3A_822] : memref<1x2048xf32, #tpu.memory_space<vmem>>, vector<1x512xf32>
    %add3A_824 = vector.broadcast %get3A_823 : vector<1x512xf32> to vector<384x512xf32>
    %add3A_825 = arith.addf %add3A_820, %add3A_824 : vector<384x512xf32>
    %tanh3A_826 = math.tanh %add3A_825 : vector<384x512xf32>
    %get3A_827 = arith.constant 0 : index
    %get3A_828 = arith.constant 1536 : index
    %get3A_829 = vector.load %arg2[%get3A_827, %get3A_828] : memref<256x2048xbf16, #tpu.memory_space<vmem>>, vector<256x512xbf16>
    %dot_general3A_830 = arith.constant dense<0.000000e+00> : vector<384x512xf32>
    %dot_general3A_831 = tpu.matmul %convert_element_type3A_757, %get3A_829, %dot_general3A_830 {dimension_numbers = #tpu.dot_dimension_numbers<[1], [0], [0], [1], [0, 0, 1, 1], [], []>, transpose_lhs_hint = false} : vector<384x256xbf16>, vector<256x512xbf16>, vector<384x512xf32> -> vector<384x512xf32>
    %get3A_832 = arith.constant 0 : index
    %get3A_833 = arith.constant 1536 : index
    %get3A_834 = vector.load %arg3[%get3A_832, %get3A_833] : memref<512x2048xbf16, #tpu.memory_space<vmem>>, vector<512x512xbf16>
    %dot_general3A_835 = arith.constant dense<0.000000e+00> : vector<384x512xf32>
    %dot_general3A_836 = tpu.matmul %convert_element_type3A_751, %get3A_834, %dot_general3A_835 {dimension_numbers = #tpu.dot_dimension_numbers<[1], [0], [0], [1], [0, 0, 1, 1], [], []>, transpose_lhs_hint = false} : vector<384x512xbf16>, vector<512x512xbf16>, vector<384x512xf32> -> vector<384x512xf32>
    %add3A_837 = arith.addf %dot_general3A_831, %dot_general3A_836 : vector<384x512xf32>
    %get3A_838 = arith.constant 0 : index
    %get3A_839 = arith.constant 1536 : index
    %get3A_840 = vector.load %arg4[%get3A_838, %get3A_839] : memref<1x2048xf32, #tpu.memory_space<vmem>>, vector<1x512xf32>
    %add3A_841 = vector.broadcast %get3A_840 : vector<1x512xf32> to vector<384x512xf32>
    %add3A_842 = arith.addf %add3A_837, %add3A_841 : vector<384x512xf32>
    %mul3A_843 = arith.constant 5.000000e-01 : f32
    %mul3A_844 = vector.broadcast %mul3A_843 : f32 to vector<384x512xf32>
    %mul3A_845 = arith.mulf %mul3A_844, %add3A_842 : vector<384x512xf32>
    %tanh3A_846 = math.tanh %mul3A_845 : vector<384x512xf32>
    %mul3A_847 = arith.constant 5.000000e-01 : f32
    %mul3A_848 = vector.broadcast %mul3A_847 : f32 to vector<384x512xf32>
    %mul3A_849 = arith.mulf %mul3A_848, %tanh3A_846 : vector<384x512xf32>
    %add3A_850 = arith.constant 5.000000e-01 : f32
    %add3A_851 = vector.broadcast %add3A_850 : f32 to vector<384x512xf32>
    %add3A_852 = arith.addf %mul3A_849, %add3A_851 : vector<384x512xf32>
    %mul3A_853 = arith.mulf %add3A_809, %add3A_748 : vector<384x512xf32>
    %mul3A_854 = arith.mulf %add3A_783, %tanh3A_826 : vector<384x512xf32>
    %add3A_855 = arith.addf %mul3A_853, %mul3A_854 : vector<384x512xf32>
    %tanh3A_856 = math.tanh %add3A_855 : vector<384x512xf32>
    %mul3A_857 = arith.mulf %add3A_852, %tanh3A_856 : vector<384x512xf32>
    %convert_element_type3A_858 = arith.truncf %mul3A_857 : vector<384x512xf32> to vector<384x512xbf16>
    %swap3A = arith.constant 0 : index
    %swap3A_859 = arith.constant 0 : index
    %swap3A_860 = vector.load %arg14[%swap3A, %swap3A_859] : memref<384x512xf32, #tpu.memory_space<vmem>>, vector<384x512xf32>
    tpu.vector_store %arg14[%swap3A, %swap3A_859], %add3A_855 {strides = array<i32>} : memref<384x512xf32, #tpu.memory_space<vmem>>, vector<384x512xf32>,
    %swap3A_861 = arith.constant 0 : index
    %swap3A_862 = arith.constant 0 : index
    %swap3A_863 = vector.load %arg13[%swap3A_861, %swap3A_862] : memref<384x512xbf16, #tpu.memory_space<vmem>>, vector<384x512xbf16>
    tpu.vector_store %arg13[%swap3A_861, %swap3A_862], %convert_element_type3A_858 {strides = array<i32>} : memref<384x512xbf16, #tpu.memory_space<vmem>>, vector<384x512xbf16>,
    %eq3A_864 = arith.constant 3 : i32
    %eq3A_865 = arith.cmpi eq, %arg0, %eq3A_864 : i32
    %convert_element_type3A_866 = arith.extui %eq3A_865 : i1 to i32
    %cond3A_867 = arith.constant 0 : i32
    %cond3A_868 = arith.cmpi ne, %convert_element_type3A_866, %cond3A_867 : i32
    scf.if %cond3A_868 {
      %swap3A_869 = arith.constant 0 : index
      %swap3A_870 = arith.constant 0 : index
      %swap3A_871 = vector.load %arg11[%swap3A_869, %swap3A_870] : memref<384x512xbf16, #tpu.memory_space<vmem>>, vector<384x512xbf16>
      tpu.vector_store %arg11[%swap3A_869, %swap3A_870], %convert_element_type3A_858 {strides = array<i32>} : memref<384x512xbf16, #tpu.memory_space<vmem>>, vector<384x512xbf16>,
      %swap3A_872 = arith.constant 0 : index
      %swap3A_873 = arith.constant 0 : index
      %swap3A_874 = vector.load %arg12[%swap3A_872, %swap3A_873] : memref<384x512xf32, #tpu.memory_space<vmem>>, vector<384x512xf32>
      tpu.vector_store %arg12[%swap3A_872, %swap3A_873], %add3A_855 {strides = array<i32>} : memref<384x512xf32, #tpu.memory_space<vmem>>, vector<384x512xf32>,
    } else {
    }
    return
  }
  func.func @transform_0(%arg0: i32) -> (i32, i32, i32) {
    %c0_i32 = arith.constant 0 : i32
    %c0_i32_0 = arith.constant 0 : i32
    %c0_i32_1 = arith.constant 0 : i32
    return %arg0, %c0_i32, %c0_i32_0 : i32, i32, i32
  }
  func.func @transform_1(%arg0: i32) -> (i32, i32) {
    %c0_i32 = arith.constant 0 : i32
    %c0_i32_0 = arith.constant 0 : i32
    %c0_i32_1 = arith.constant 0 : i32
    return %c0_i32, %c0_i32_0 : i32, i32
  }
  func.func @transform_2(%arg0: i32) -> (i32, i32) {
    %c0_i32 = arith.constant 0 : i32
    %c0_i32_0 = arith.constant 0 : i32
    %c0_i32_1 = arith.constant 0 : i32
    return %c0_i32, %c0_i32_0 : i32, i32
  }
  func.func @transform_3(%arg0: i32) -> (i32, i32) {
    %c0_i32 = arith.constant 0 : i32
    %c0_i32_0 = arith.constant 0 : i32
    %c0_i32_1 = arith.constant 0 : i32
    return %c0_i32, %c0_i32_0 : i32, i32
  }
  func.func @transform_4(%arg0: i32) -> (i32, i32) {
    %c0_i32 = arith.constant 0 : i32
    %c0_i32_0 = arith.constant 0 : i32
    %c0_i32_1 = arith.constant 0 : i32
    return %c0_i32, %c0_i32_0 : i32, i32
  }
  func.func @transform_5(%arg0: i32) -> (i32, i32) {
    %c0_i32 = arith.constant 0 : i32
    %c0_i32_0 = arith.constant 0 : i32
    %c0_i32_1 = arith.constant 0 : i32
    return %c0_i32, %c0_i32_0 : i32, i32
  }
  func.func @transform_6(%arg0: i32) -> (i32, i32) {
    %c0_i32 = arith.constant 0 : i32
    %c0_i32_0 = arith.constant 0 : i32
    %c0_i32_1 = arith.constant 0 : i32
    return %c0_i32, %c0_i32_0 : i32, i32
  }
  func.func @transform_7(%arg0: i32) -> (i32, i32) {
    %c0_i32 = arith.constant 0 : i32
    %c0_i32_0 = arith.constant 0 : i32
    %c0_i32_1 = arith.constant 0 : i32
    return %c0_i32, %c0_i32_0 : i32, i32
  }
  func.func @transform_8(%arg0: i32) -> (i32, i32) {
    %c0_i32 = arith.constant 0 : i32
    %c0_i32_0 = arith.constant 0 : i32
    %c0_i32_1 = arith.constant 0 : i32
    return %c0_i32, %c0_i32_0 : i32, i32
  }
  func.func @transform_9(%arg0: i32) -> (i32, i32) {
    %c0_i32 = arith.constant 0 : i32
    %c0_i32_0 = arith.constant 0 : i32
    %c0_i32_1 = arith.constant 0 : i32
    return %c0_i32, %c0_i32_0 : i32, i32
  }
  func.func @transform_10(%arg0: i32) -> (i32, i32) {
    %c0_i32 = arith.constant 0 : i32
    %c0_i32_0 = arith.constant 0 : i32
    %c0_i32_1 = arith.constant 0 : i32
    return %c0_i32, %c0_i32_0 : i32, i32
  }
  func.func @transform_11(%arg0: i32) -> (i32, i32) {
    %c0_i32 = arith.constant 0 : i32
    %c0_i32_0 = arith.constant 0 : i32
    %c0_i32_1 = arith.constant 0 : i32
    return %c0_i32, %c0_i32_0 : i32, i32
  }
}

module attributes {stable_mosaic.version = 14 : i64} {
  func.func @body(%arg0: i32, %arg1: memref<8x384x256xf32, #tpu.memory_space<vmem>>, %arg2: memref<256x2048xbf16, #tpu.memory_space<vmem>>, %arg3: memref<512x2048xbf16, #tpu.memory_space<vmem>>, %arg4: memref<1x2048xf32, #tpu.memory_space<vmem>>, %arg5: memref<1024x512xf32, #tpu.memory_space<vmem>>, %arg6: memref<1x512xf32, #tpu.memory_space<vmem>>, %arg7: memref<512x1xf32, #tpu.memory_space<vmem>>, %arg8: memref<1x1xf32, #tpu.memory_space<smem>>, %arg9: memref<384x512xbf16, #tpu.memory_space<vmem>>, %arg10: memref<384x512xf32, #tpu.memory_space<vmem>>, %arg11: memref<128x2xf32, #tpu.memory_space<vmem>>, %arg12: memref<384x512xbf16, #tpu.memory_space<vmem>>, %arg13: memref<384x512xf32, #tpu.memory_space<vmem>>) attributes {dimension_semantics = [#tpu.dimension_semantics<arbitrary>], iteration_bounds = array<i64: 12>, scalar_prefetch = 0 : i64, scratch_operands = 2 : i64, tpu.core_type = #tpu.core_type<tc>, window_params = [{transform_indices = @transform_0, window_bounds = array<i64: 8, 384, 256>}, {pipeline_mode = #tpu.pipeline_mode<synchronous>, transform_indices = @transform_1, window_bounds = array<i64: 256, 2048>}, {pipeline_mode = #tpu.pipeline_mode<synchronous>, transform_indices = @transform_2, window_bounds = array<i64: 512, 2048>}, {pipeline_mode = #tpu.pipeline_mode<synchronous>, transform_indices = @transform_3, window_bounds = array<i64: 1, 2048>}, {pipeline_mode = #tpu.pipeline_mode<synchronous>, transform_indices = @transform_4, window_bounds = array<i64: 1024, 512>}, {pipeline_mode = #tpu.pipeline_mode<synchronous>, transform_indices = @transform_5, window_bounds = array<i64: 1, 512>}, {pipeline_mode = #tpu.pipeline_mode<synchronous>, transform_indices = @transform_6, window_bounds = array<i64: 512, 1>}, {transform_indices = @transform_7, window_bounds = array<i64: 1, 1>}, {pipeline_mode = #tpu.pipeline_mode<synchronous>, transform_indices = @transform_8, window_bounds = array<i64: 384, 512>}, {pipeline_mode = #tpu.pipeline_mode<synchronous>, transform_indices = @transform_9, window_bounds = array<i64: 384, 512>}, {pipeline_mode = #tpu.pipeline_mode<synchronous>, transform_indices = @transform_10, window_bounds = array<i64: 128, 2>}]} {
    %eq3A = arith.constant 0 : i32
    %eq3A_0 = arith.cmpi eq, %arg0, %eq3A : i32
    %convert_element_type3A = arith.extui %eq3A_0 : i1 to i32
    %cond3A = arith.constant 0 : i32
    %cond3A_1 = arith.cmpi ne, %convert_element_type3A, %cond3A : i32
    scf.if %cond3A_1 {
      %get3A_869 = arith.constant 0 : index
      %get3A_870 = arith.constant 0 : index
      %get3A_871 = vector.load %arg9[%get3A_869, %get3A_870] : memref<384x512xbf16, #tpu.memory_space<vmem>>, vector<384x512xbf16>
      %swap3A_872 = arith.constant 0 : index
      %swap3A_873 = arith.constant 0 : index
      %swap3A_874 = vector.load %arg12[%swap3A_872, %swap3A_873] : memref<384x512xbf16, #tpu.memory_space<vmem>>, vector<384x512xbf16>
      tpu.vector_store %arg12[%swap3A_872, %swap3A_873], %get3A_871 {strides = array<i32>} : memref<384x512xbf16, #tpu.memory_space<vmem>>, vector<384x512xbf16>,
      %get3A_875 = arith.constant 0 : index
      %get3A_876 = arith.constant 0 : index
      %get3A_877 = vector.load %arg10[%get3A_875, %get3A_876] : memref<384x512xf32, #tpu.memory_space<vmem>>, vector<384x512xf32>
      %swap3A_878 = arith.constant 0 : index
      %swap3A_879 = arith.constant 0 : index
      %swap3A_880 = vector.load %arg13[%swap3A_878, %swap3A_879] : memref<384x512xf32, #tpu.memory_space<vmem>>, vector<384x512xf32>
      tpu.vector_store %arg13[%swap3A_878, %swap3A_879], %get3A_877 {strides = array<i32>} : memref<384x512xf32, #tpu.memory_space<vmem>>, vector<384x512xf32>,
    } else {
    }
    %get3A = arith.constant 0 : index
    %get3A_2 = arith.constant 0 : index
    %get3A_3 = vector.load %arg12[%get3A, %get3A_2] : memref<384x512xbf16, #tpu.memory_space<vmem>>, vector<384x512xbf16>
    %get3A_4 = arith.constant 0 : index
    %get3A_5 = arith.constant 0 : index
    %get3A_6 = vector.load %arg13[%get3A_4, %get3A_5] : memref<384x512xf32, #tpu.memory_space<vmem>>, vector<384x512xf32>
    %get3A_7 = arith.constant 0 : index
    %get3A_8 = arith.constant 0 : index
    %get3A_9 = arith.constant 0 : index
    %get3A_10 = vector.load %arg1[%get3A_7, %get3A_8, %get3A_9] : memref<8x384x256xf32, #tpu.memory_space<vmem>>, vector<1x384x256xf32>
    %get3A_11 = vector.shape_cast %get3A_10 : vector<1x384x256xf32> to vector<384x256xf32>
    %convert_element_type3A_12 = arith.truncf %get3A_11 : vector<384x256xf32> to vector<384x256xbf16>
    %get3A_13 = arith.constant 0 : index
    %get3A_14 = arith.constant 0 : index
    %get3A_15 = vector.load %arg2[%get3A_13, %get3A_14] : memref<256x2048xbf16, #tpu.memory_space<vmem>>, vector<256x512xbf16>
    %dot_general3A = arith.constant dense<0.000000e+00> : vector<384x512xf32>
    %dot_general3A_16 = tpu.matmul %convert_element_type3A_12, %get3A_15, %dot_general3A {dimension_numbers = #tpu.dot_dimension_numbers<[1], [0], [0], [1], [0, 0, 1, 1], [], []>, transpose_lhs_hint = false} : vector<384x256xbf16>, vector<256x512xbf16>, vector<384x512xf32> -> vector<384x512xf32>
    %get3A_17 = arith.constant 0 : index
    %get3A_18 = arith.constant 0 : index
    %get3A_19 = vector.load %arg3[%get3A_17, %get3A_18] : memref<512x2048xbf16, #tpu.memory_space<vmem>>, vector<512x512xbf16>
    %dot_general3A_20 = arith.constant dense<0.000000e+00> : vector<384x512xf32>
    %dot_general3A_21 = tpu.matmul %get3A_3, %get3A_19, %dot_general3A_20 {dimension_numbers = #tpu.dot_dimension_numbers<[1], [0], [0], [1], [0, 0, 1, 1], [], []>, transpose_lhs_hint = false} : vector<384x512xbf16>, vector<512x512xbf16>, vector<384x512xf32> -> vector<384x512xf32>
    %add3A = arith.addf %dot_general3A_16, %dot_general3A_21 : vector<384x512xf32>
    %get3A_22 = arith.constant 0 : index
    %get3A_23 = arith.constant 0 : index
    %get3A_24 = vector.load %arg4[%get3A_22, %get3A_23] : memref<1x2048xf32, #tpu.memory_space<vmem>>, vector<1x512xf32>
    %add3A_25 = vector.broadcast %get3A_24 : vector<1x512xf32> to vector<384x512xf32>
    %add3A_26 = arith.addf %add3A, %add3A_25 : vector<384x512xf32>
    %mul3A = arith.constant 5.000000e-01 : f32
    %mul3A_27 = vector.broadcast %mul3A : f32 to vector<384x512xf32>
    %mul3A_28 = arith.mulf %mul3A_27, %add3A_26 : vector<384x512xf32>
    %tanh3A = math.tanh %mul3A_28 : vector<384x512xf32>
    %mul3A_29 = arith.constant 5.000000e-01 : f32
    %mul3A_30 = vector.broadcast %mul3A_29 : f32 to vector<384x512xf32>
    %mul3A_31 = arith.mulf %mul3A_30, %tanh3A : vector<384x512xf32>
    %add3A_32 = arith.constant 5.000000e-01 : f32
    %add3A_33 = vector.broadcast %add3A_32 : f32 to vector<384x512xf32>
    %add3A_34 = arith.addf %mul3A_31, %add3A_33 : vector<384x512xf32>
    %get3A_35 = arith.constant 0 : index
    %get3A_36 = arith.constant 512 : index
    %get3A_37 = vector.load %arg2[%get3A_35, %get3A_36] : memref<256x2048xbf16, #tpu.memory_space<vmem>>, vector<256x512xbf16>
    %dot_general3A_38 = arith.constant dense<0.000000e+00> : vector<384x512xf32>
    %dot_general3A_39 = tpu.matmul %convert_element_type3A_12, %get3A_37, %dot_general3A_38 {dimension_numbers = #tpu.dot_dimension_numbers<[1], [0], [0], [1], [0, 0, 1, 1], [], []>, transpose_lhs_hint = false} : vector<384x256xbf16>, vector<256x512xbf16>, vector<384x512xf32> -> vector<384x512xf32>
    %get3A_40 = arith.constant 0 : index
    %get3A_41 = arith.constant 512 : index
    %get3A_42 = vector.load %arg3[%get3A_40, %get3A_41] : memref<512x2048xbf16, #tpu.memory_space<vmem>>, vector<512x512xbf16>
    %dot_general3A_43 = arith.constant dense<0.000000e+00> : vector<384x512xf32>
    %dot_general3A_44 = tpu.matmul %get3A_3, %get3A_42, %dot_general3A_43 {dimension_numbers = #tpu.dot_dimension_numbers<[1], [0], [0], [1], [0, 0, 1, 1], [], []>, transpose_lhs_hint = false} : vector<384x512xbf16>, vector<512x512xbf16>, vector<384x512xf32> -> vector<384x512xf32>
    %add3A_45 = arith.addf %dot_general3A_39, %dot_general3A_44 : vector<384x512xf32>
    %get3A_46 = arith.constant 0 : index
    %get3A_47 = arith.constant 512 : index
    %get3A_48 = vector.load %arg4[%get3A_46, %get3A_47] : memref<1x2048xf32, #tpu.memory_space<vmem>>, vector<1x512xf32>
    %add3A_49 = vector.broadcast %get3A_48 : vector<1x512xf32> to vector<384x512xf32>
    %add3A_50 = arith.addf %add3A_45, %add3A_49 : vector<384x512xf32>
    %mul3A_51 = arith.constant 5.000000e-01 : f32
    %mul3A_52 = vector.broadcast %mul3A_51 : f32 to vector<384x512xf32>
    %mul3A_53 = arith.mulf %mul3A_52, %add3A_50 : vector<384x512xf32>
    %tanh3A_54 = math.tanh %mul3A_53 : vector<384x512xf32>
    %mul3A_55 = arith.constant 5.000000e-01 : f32
    %mul3A_56 = vector.broadcast %mul3A_55 : f32 to vector<384x512xf32>
    %mul3A_57 = arith.mulf %mul3A_56, %tanh3A_54 : vector<384x512xf32>
    %add3A_58 = arith.constant 5.000000e-01 : f32
    %add3A_59 = vector.broadcast %add3A_58 : f32 to vector<384x512xf32>
    %add3A_60 = arith.addf %mul3A_57, %add3A_59 : vector<384x512xf32>
    %get3A_61 = arith.constant 0 : index
    %get3A_62 = arith.constant 1024 : index
    %get3A_63 = vector.load %arg2[%get3A_61, %get3A_62] : memref<256x2048xbf16, #tpu.memory_space<vmem>>, vector<256x512xbf16>
    %dot_general3A_64 = arith.constant dense<0.000000e+00> : vector<384x512xf32>
    %dot_general3A_65 = tpu.matmul %convert_element_type3A_12, %get3A_63, %dot_general3A_64 {dimension_numbers = #tpu.dot_dimension_numbers<[1], [0], [0], [1], [0, 0, 1, 1], [], []>, transpose_lhs_hint = false} : vector<384x256xbf16>, vector<256x512xbf16>, vector<384x512xf32> -> vector<384x512xf32>
    %get3A_66 = arith.constant 0 : index
    %get3A_67 = arith.constant 1024 : index
    %get3A_68 = vector.load %arg3[%get3A_66, %get3A_67] : memref<512x2048xbf16, #tpu.memory_space<vmem>>, vector<512x512xbf16>
    %dot_general3A_69 = arith.constant dense<0.000000e+00> : vector<384x512xf32>
    %dot_general3A_70 = tpu.matmul %get3A_3, %get3A_68, %dot_general3A_69 {dimension_numbers = #tpu.dot_dimension_numbers<[1], [0], [0], [1], [0, 0, 1, 1], [], []>, transpose_lhs_hint = false} : vector<384x512xbf16>, vector<512x512xbf16>, vector<384x512xf32> -> vector<384x512xf32>
    %add3A_71 = arith.addf %dot_general3A_65, %dot_general3A_70 : vector<384x512xf32>
    %get3A_72 = arith.constant 0 : index
    %get3A_73 = arith.constant 1024 : index
    %get3A_74 = vector.load %arg4[%get3A_72, %get3A_73] : memref<1x2048xf32, #tpu.memory_space<vmem>>, vector<1x512xf32>
    %add3A_75 = vector.broadcast %get3A_74 : vector<1x512xf32> to vector<384x512xf32>
    %add3A_76 = arith.addf %add3A_71, %add3A_75 : vector<384x512xf32>
    %tanh3A_77 = math.tanh %add3A_76 : vector<384x512xf32>
    %get3A_78 = arith.constant 0 : index
    %get3A_79 = arith.constant 1536 : index
    %get3A_80 = vector.load %arg2[%get3A_78, %get3A_79] : memref<256x2048xbf16, #tpu.memory_space<vmem>>, vector<256x512xbf16>
    %dot_general3A_81 = arith.constant dense<0.000000e+00> : vector<384x512xf32>
    %dot_general3A_82 = tpu.matmul %convert_element_type3A_12, %get3A_80, %dot_general3A_81 {dimension_numbers = #tpu.dot_dimension_numbers<[1], [0], [0], [1], [0, 0, 1, 1], [], []>, transpose_lhs_hint = false} : vector<384x256xbf16>, vector<256x512xbf16>, vector<384x512xf32> -> vector<384x512xf32>
    %get3A_83 = arith.constant 0 : index
    %get3A_84 = arith.constant 1536 : index
    %get3A_85 = vector.load %arg3[%get3A_83, %get3A_84] : memref<512x2048xbf16, #tpu.memory_space<vmem>>, vector<512x512xbf16>
    %dot_general3A_86 = arith.constant dense<0.000000e+00> : vector<384x512xf32>
    %dot_general3A_87 = tpu.matmul %get3A_3, %get3A_85, %dot_general3A_86 {dimension_numbers = #tpu.dot_dimension_numbers<[1], [0], [0], [1], [0, 0, 1, 1], [], []>, transpose_lhs_hint = false} : vector<384x512xbf16>, vector<512x512xbf16>, vector<384x512xf32> -> vector<384x512xf32>
    %add3A_88 = arith.addf %dot_general3A_82, %dot_general3A_87 : vector<384x512xf32>
    %get3A_89 = arith.constant 0 : index
    %get3A_90 = arith.constant 1536 : index
    %get3A_91 = vector.load %arg4[%get3A_89, %get3A_90] : memref<1x2048xf32, #tpu.memory_space<vmem>>, vector<1x512xf32>
    %add3A_92 = vector.broadcast %get3A_91 : vector<1x512xf32> to vector<384x512xf32>
    %add3A_93 = arith.addf %add3A_88, %add3A_92 : vector<384x512xf32>
    %mul3A_94 = arith.constant 5.000000e-01 : f32
    %mul3A_95 = vector.broadcast %mul3A_94 : f32 to vector<384x512xf32>
    %mul3A_96 = arith.mulf %mul3A_95, %add3A_93 : vector<384x512xf32>
    %tanh3A_97 = math.tanh %mul3A_96 : vector<384x512xf32>
    %mul3A_98 = arith.constant 5.000000e-01 : f32
    %mul3A_99 = vector.broadcast %mul3A_98 : f32 to vector<384x512xf32>
    %mul3A_100 = arith.mulf %mul3A_99, %tanh3A_97 : vector<384x512xf32>
    %add3A_101 = arith.constant 5.000000e-01 : f32
    %add3A_102 = vector.broadcast %add3A_101 : f32 to vector<384x512xf32>
    %add3A_103 = arith.addf %mul3A_100, %add3A_102 : vector<384x512xf32>
    %mul3A_104 = arith.mulf %add3A_60, %get3A_6 : vector<384x512xf32>
    %mul3A_105 = arith.mulf %add3A_34, %tanh3A_77 : vector<384x512xf32>
    %add3A_106 = arith.addf %mul3A_104, %mul3A_105 : vector<384x512xf32>
    %tanh3A_107 = math.tanh %add3A_106 : vector<384x512xf32>
    %mul3A_108 = arith.mulf %add3A_103, %tanh3A_107 : vector<384x512xf32>
    %convert_element_type3A_109 = arith.truncf %mul3A_108 : vector<384x512xf32> to vector<384x512xbf16>
    %get3A_110 = arith.constant 1 : index
    %get3A_111 = arith.constant 0 : index
    %get3A_112 = arith.constant 0 : index
    %get3A_113 = vector.load %arg1[%get3A_110, %get3A_111, %get3A_112] : memref<8x384x256xf32, #tpu.memory_space<vmem>>, vector<1x384x256xf32>
    %get3A_114 = vector.shape_cast %get3A_113 : vector<1x384x256xf32> to vector<384x256xf32>
    %convert_element_type3A_115 = arith.truncf %get3A_114 : vector<384x256xf32> to vector<384x256xbf16>
    %get3A_116 = arith.constant 0 : index
    %get3A_117 = arith.constant 0 : index
    %get3A_118 = vector.load %arg2[%get3A_116, %get3A_117] : memref<256x2048xbf16, #tpu.memory_space<vmem>>, vector<256x512xbf16>
    %dot_general3A_119 = arith.constant dense<0.000000e+00> : vector<384x512xf32>
    %dot_general3A_120 = tpu.matmul %convert_element_type3A_115, %get3A_118, %dot_general3A_119 {dimension_numbers = #tpu.dot_dimension_numbers<[1], [0], [0], [1], [0, 0, 1, 1], [], []>, transpose_lhs_hint = false} : vector<384x256xbf16>, vector<256x512xbf16>, vector<384x512xf32> -> vector<384x512xf32>
    %get3A_121 = arith.constant 0 : index
    %get3A_122 = arith.constant 0 : index
    %get3A_123 = vector.load %arg3[%get3A_121, %get3A_122] : memref<512x2048xbf16, #tpu.memory_space<vmem>>, vector<512x512xbf16>
    %dot_general3A_124 = arith.constant dense<0.000000e+00> : vector<384x512xf32>
    %dot_general3A_125 = tpu.matmul %convert_element_type3A_109, %get3A_123, %dot_general3A_124 {dimension_numbers = #tpu.dot_dimension_numbers<[1], [0], [0], [1], [0, 0, 1, 1], [], []>, transpose_lhs_hint = false} : vector<384x512xbf16>, vector<512x512xbf16>, vector<384x512xf32> -> vector<384x512xf32>
    %add3A_126 = arith.addf %dot_general3A_120, %dot_general3A_125 : vector<384x512xf32>
    %get3A_127 = arith.constant 0 : index
    %get3A_128 = arith.constant 0 : index
    %get3A_129 = vector.load %arg4[%get3A_127, %get3A_128] : memref<1x2048xf32, #tpu.memory_space<vmem>>, vector<1x512xf32>
    %add3A_130 = vector.broadcast %get3A_129 : vector<1x512xf32> to vector<384x512xf32>
    %add3A_131 = arith.addf %add3A_126, %add3A_130 : vector<384x512xf32>
    %mul3A_132 = arith.constant 5.000000e-01 : f32
    %mul3A_133 = vector.broadcast %mul3A_132 : f32 to vector<384x512xf32>
    %mul3A_134 = arith.mulf %mul3A_133, %add3A_131 : vector<384x512xf32>
    %tanh3A_135 = math.tanh %mul3A_134 : vector<384x512xf32>
    %mul3A_136 = arith.constant 5.000000e-01 : f32
    %mul3A_137 = vector.broadcast %mul3A_136 : f32 to vector<384x512xf32>
    %mul3A_138 = arith.mulf %mul3A_137, %tanh3A_135 : vector<384x512xf32>
    %add3A_139 = arith.constant 5.000000e-01 : f32
    %add3A_140 = vector.broadcast %add3A_139 : f32 to vector<384x512xf32>
    %add3A_141 = arith.addf %mul3A_138, %add3A_140 : vector<384x512xf32>
    %get3A_142 = arith.constant 0 : index
    %get3A_143 = arith.constant 512 : index
    %get3A_144 = vector.load %arg2[%get3A_142, %get3A_143] : memref<256x2048xbf16, #tpu.memory_space<vmem>>, vector<256x512xbf16>
    %dot_general3A_145 = arith.constant dense<0.000000e+00> : vector<384x512xf32>
    %dot_general3A_146 = tpu.matmul %convert_element_type3A_115, %get3A_144, %dot_general3A_145 {dimension_numbers = #tpu.dot_dimension_numbers<[1], [0], [0], [1], [0, 0, 1, 1], [], []>, transpose_lhs_hint = false} : vector<384x256xbf16>, vector<256x512xbf16>, vector<384x512xf32> -> vector<384x512xf32>
    %get3A_147 = arith.constant 0 : index
    %get3A_148 = arith.constant 512 : index
    %get3A_149 = vector.load %arg3[%get3A_147, %get3A_148] : memref<512x2048xbf16, #tpu.memory_space<vmem>>, vector<512x512xbf16>
    %dot_general3A_150 = arith.constant dense<0.000000e+00> : vector<384x512xf32>
    %dot_general3A_151 = tpu.matmul %convert_element_type3A_109, %get3A_149, %dot_general3A_150 {dimension_numbers = #tpu.dot_dimension_numbers<[1], [0], [0], [1], [0, 0, 1, 1], [], []>, transpose_lhs_hint = false} : vector<384x512xbf16>, vector<512x512xbf16>, vector<384x512xf32> -> vector<384x512xf32>
    %add3A_152 = arith.addf %dot_general3A_146, %dot_general3A_151 : vector<384x512xf32>
    %get3A_153 = arith.constant 0 : index
    %get3A_154 = arith.constant 512 : index
    %get3A_155 = vector.load %arg4[%get3A_153, %get3A_154] : memref<1x2048xf32, #tpu.memory_space<vmem>>, vector<1x512xf32>
    %add3A_156 = vector.broadcast %get3A_155 : vector<1x512xf32> to vector<384x512xf32>
    %add3A_157 = arith.addf %add3A_152, %add3A_156 : vector<384x512xf32>
    %mul3A_158 = arith.constant 5.000000e-01 : f32
    %mul3A_159 = vector.broadcast %mul3A_158 : f32 to vector<384x512xf32>
    %mul3A_160 = arith.mulf %mul3A_159, %add3A_157 : vector<384x512xf32>
    %tanh3A_161 = math.tanh %mul3A_160 : vector<384x512xf32>
    %mul3A_162 = arith.constant 5.000000e-01 : f32
    %mul3A_163 = vector.broadcast %mul3A_162 : f32 to vector<384x512xf32>
    %mul3A_164 = arith.mulf %mul3A_163, %tanh3A_161 : vector<384x512xf32>
    %add3A_165 = arith.constant 5.000000e-01 : f32
    %add3A_166 = vector.broadcast %add3A_165 : f32 to vector<384x512xf32>
    %add3A_167 = arith.addf %mul3A_164, %add3A_166 : vector<384x512xf32>
    %get3A_168 = arith.constant 0 : index
    %get3A_169 = arith.constant 1024 : index
    %get3A_170 = vector.load %arg2[%get3A_168, %get3A_169] : memref<256x2048xbf16, #tpu.memory_space<vmem>>, vector<256x512xbf16>
    %dot_general3A_171 = arith.constant dense<0.000000e+00> : vector<384x512xf32>
    %dot_general3A_172 = tpu.matmul %convert_element_type3A_115, %get3A_170, %dot_general3A_171 {dimension_numbers = #tpu.dot_dimension_numbers<[1], [0], [0], [1], [0, 0, 1, 1], [], []>, transpose_lhs_hint = false} : vector<384x256xbf16>, vector<256x512xbf16>, vector<384x512xf32> -> vector<384x512xf32>
    %get3A_173 = arith.constant 0 : index
    %get3A_174 = arith.constant 1024 : index
    %get3A_175 = vector.load %arg3[%get3A_173, %get3A_174] : memref<512x2048xbf16, #tpu.memory_space<vmem>>, vector<512x512xbf16>
    %dot_general3A_176 = arith.constant dense<0.000000e+00> : vector<384x512xf32>
    %dot_general3A_177 = tpu.matmul %convert_element_type3A_109, %get3A_175, %dot_general3A_176 {dimension_numbers = #tpu.dot_dimension_numbers<[1], [0], [0], [1], [0, 0, 1, 1], [], []>, transpose_lhs_hint = false} : vector<384x512xbf16>, vector<512x512xbf16>, vector<384x512xf32> -> vector<384x512xf32>
    %add3A_178 = arith.addf %dot_general3A_172, %dot_general3A_177 : vector<384x512xf32>
    %get3A_179 = arith.constant 0 : index
    %get3A_180 = arith.constant 1024 : index
    %get3A_181 = vector.load %arg4[%get3A_179, %get3A_180] : memref<1x2048xf32, #tpu.memory_space<vmem>>, vector<1x512xf32>
    %add3A_182 = vector.broadcast %get3A_181 : vector<1x512xf32> to vector<384x512xf32>
    %add3A_183 = arith.addf %add3A_178, %add3A_182 : vector<384x512xf32>
    %tanh3A_184 = math.tanh %add3A_183 : vector<384x512xf32>
    %get3A_185 = arith.constant 0 : index
    %get3A_186 = arith.constant 1536 : index
    %get3A_187 = vector.load %arg2[%get3A_185, %get3A_186] : memref<256x2048xbf16, #tpu.memory_space<vmem>>, vector<256x512xbf16>
    %dot_general3A_188 = arith.constant dense<0.000000e+00> : vector<384x512xf32>
    %dot_general3A_189 = tpu.matmul %convert_element_type3A_115, %get3A_187, %dot_general3A_188 {dimension_numbers = #tpu.dot_dimension_numbers<[1], [0], [0], [1], [0, 0, 1, 1], [], []>, transpose_lhs_hint = false} : vector<384x256xbf16>, vector<256x512xbf16>, vector<384x512xf32> -> vector<384x512xf32>
    %get3A_190 = arith.constant 0 : index
    %get3A_191 = arith.constant 1536 : index
    %get3A_192 = vector.load %arg3[%get3A_190, %get3A_191] : memref<512x2048xbf16, #tpu.memory_space<vmem>>, vector<512x512xbf16>
    %dot_general3A_193 = arith.constant dense<0.000000e+00> : vector<384x512xf32>
    %dot_general3A_194 = tpu.matmul %convert_element_type3A_109, %get3A_192, %dot_general3A_193 {dimension_numbers = #tpu.dot_dimension_numbers<[1], [0], [0], [1], [0, 0, 1, 1], [], []>, transpose_lhs_hint = false} : vector<384x512xbf16>, vector<512x512xbf16>, vector<384x512xf32> -> vector<384x512xf32>
    %add3A_195 = arith.addf %dot_general3A_189, %dot_general3A_194 : vector<384x512xf32>
    %get3A_196 = arith.constant 0 : index
    %get3A_197 = arith.constant 1536 : index
    %get3A_198 = vector.load %arg4[%get3A_196, %get3A_197] : memref<1x2048xf32, #tpu.memory_space<vmem>>, vector<1x512xf32>
    %add3A_199 = vector.broadcast %get3A_198 : vector<1x512xf32> to vector<384x512xf32>
    %add3A_200 = arith.addf %add3A_195, %add3A_199 : vector<384x512xf32>
    %mul3A_201 = arith.constant 5.000000e-01 : f32
    %mul3A_202 = vector.broadcast %mul3A_201 : f32 to vector<384x512xf32>
    %mul3A_203 = arith.mulf %mul3A_202, %add3A_200 : vector<384x512xf32>
    %tanh3A_204 = math.tanh %mul3A_203 : vector<384x512xf32>
    %mul3A_205 = arith.constant 5.000000e-01 : f32
    %mul3A_206 = vector.broadcast %mul3A_205 : f32 to vector<384x512xf32>
    %mul3A_207 = arith.mulf %mul3A_206, %tanh3A_204 : vector<384x512xf32>
    %add3A_208 = arith.constant 5.000000e-01 : f32
    %add3A_209 = vector.broadcast %add3A_208 : f32 to vector<384x512xf32>
    %add3A_210 = arith.addf %mul3A_207, %add3A_209 : vector<384x512xf32>
    %mul3A_211 = arith.mulf %add3A_167, %add3A_106 : vector<384x512xf32>
    %mul3A_212 = arith.mulf %add3A_141, %tanh3A_184 : vector<384x512xf32>
    %add3A_213 = arith.addf %mul3A_211, %mul3A_212 : vector<384x512xf32>
    %tanh3A_214 = math.tanh %add3A_213 : vector<384x512xf32>
    %mul3A_215 = arith.mulf %add3A_210, %tanh3A_214 : vector<384x512xf32>
    %convert_element_type3A_216 = arith.truncf %mul3A_215 : vector<384x512xf32> to vector<384x512xbf16>
    %get3A_217 = arith.constant 2 : index
    %get3A_218 = arith.constant 0 : index
    %get3A_219 = arith.constant 0 : index
    %get3A_220 = vector.load %arg1[%get3A_217, %get3A_218, %get3A_219] : memref<8x384x256xf32, #tpu.memory_space<vmem>>, vector<1x384x256xf32>
    %get3A_221 = vector.shape_cast %get3A_220 : vector<1x384x256xf32> to vector<384x256xf32>
    %convert_element_type3A_222 = arith.truncf %get3A_221 : vector<384x256xf32> to vector<384x256xbf16>
    %get3A_223 = arith.constant 0 : index
    %get3A_224 = arith.constant 0 : index
    %get3A_225 = vector.load %arg2[%get3A_223, %get3A_224] : memref<256x2048xbf16, #tpu.memory_space<vmem>>, vector<256x512xbf16>
    %dot_general3A_226 = arith.constant dense<0.000000e+00> : vector<384x512xf32>
    %dot_general3A_227 = tpu.matmul %convert_element_type3A_222, %get3A_225, %dot_general3A_226 {dimension_numbers = #tpu.dot_dimension_numbers<[1], [0], [0], [1], [0, 0, 1, 1], [], []>, transpose_lhs_hint = false} : vector<384x256xbf16>, vector<256x512xbf16>, vector<384x512xf32> -> vector<384x512xf32>
    %get3A_228 = arith.constant 0 : index
    %get3A_229 = arith.constant 0 : index
    %get3A_230 = vector.load %arg3[%get3A_228, %get3A_229] : memref<512x2048xbf16, #tpu.memory_space<vmem>>, vector<512x512xbf16>
    %dot_general3A_231 = arith.constant dense<0.000000e+00> : vector<384x512xf32>
    %dot_general3A_232 = tpu.matmul %convert_element_type3A_216, %get3A_230, %dot_general3A_231 {dimension_numbers = #tpu.dot_dimension_numbers<[1], [0], [0], [1], [0, 0, 1, 1], [], []>, transpose_lhs_hint = false} : vector<384x512xbf16>, vector<512x512xbf16>, vector<384x512xf32> -> vector<384x512xf32>
    %add3A_233 = arith.addf %dot_general3A_227, %dot_general3A_232 : vector<384x512xf32>
    %get3A_234 = arith.constant 0 : index
    %get3A_235 = arith.constant 0 : index
    %get3A_236 = vector.load %arg4[%get3A_234, %get3A_235] : memref<1x2048xf32, #tpu.memory_space<vmem>>, vector<1x512xf32>
    %add3A_237 = vector.broadcast %get3A_236 : vector<1x512xf32> to vector<384x512xf32>
    %add3A_238 = arith.addf %add3A_233, %add3A_237 : vector<384x512xf32>
    %mul3A_239 = arith.constant 5.000000e-01 : f32
    %mul3A_240 = vector.broadcast %mul3A_239 : f32 to vector<384x512xf32>
    %mul3A_241 = arith.mulf %mul3A_240, %add3A_238 : vector<384x512xf32>
    %tanh3A_242 = math.tanh %mul3A_241 : vector<384x512xf32>
    %mul3A_243 = arith.constant 5.000000e-01 : f32
    %mul3A_244 = vector.broadcast %mul3A_243 : f32 to vector<384x512xf32>
    %mul3A_245 = arith.mulf %mul3A_244, %tanh3A_242 : vector<384x512xf32>
    %add3A_246 = arith.constant 5.000000e-01 : f32
    %add3A_247 = vector.broadcast %add3A_246 : f32 to vector<384x512xf32>
    %add3A_248 = arith.addf %mul3A_245, %add3A_247 : vector<384x512xf32>
    %get3A_249 = arith.constant 0 : index
    %get3A_250 = arith.constant 512 : index
    %get3A_251 = vector.load %arg2[%get3A_249, %get3A_250] : memref<256x2048xbf16, #tpu.memory_space<vmem>>, vector<256x512xbf16>
    %dot_general3A_252 = arith.constant dense<0.000000e+00> : vector<384x512xf32>
    %dot_general3A_253 = tpu.matmul %convert_element_type3A_222, %get3A_251, %dot_general3A_252 {dimension_numbers = #tpu.dot_dimension_numbers<[1], [0], [0], [1], [0, 0, 1, 1], [], []>, transpose_lhs_hint = false} : vector<384x256xbf16>, vector<256x512xbf16>, vector<384x512xf32> -> vector<384x512xf32>
    %get3A_254 = arith.constant 0 : index
    %get3A_255 = arith.constant 512 : index
    %get3A_256 = vector.load %arg3[%get3A_254, %get3A_255] : memref<512x2048xbf16, #tpu.memory_space<vmem>>, vector<512x512xbf16>
    %dot_general3A_257 = arith.constant dense<0.000000e+00> : vector<384x512xf32>
    %dot_general3A_258 = tpu.matmul %convert_element_type3A_216, %get3A_256, %dot_general3A_257 {dimension_numbers = #tpu.dot_dimension_numbers<[1], [0], [0], [1], [0, 0, 1, 1], [], []>, transpose_lhs_hint = false} : vector<384x512xbf16>, vector<512x512xbf16>, vector<384x512xf32> -> vector<384x512xf32>
    %add3A_259 = arith.addf %dot_general3A_253, %dot_general3A_258 : vector<384x512xf32>
    %get3A_260 = arith.constant 0 : index
    %get3A_261 = arith.constant 512 : index
    %get3A_262 = vector.load %arg4[%get3A_260, %get3A_261] : memref<1x2048xf32, #tpu.memory_space<vmem>>, vector<1x512xf32>
    %add3A_263 = vector.broadcast %get3A_262 : vector<1x512xf32> to vector<384x512xf32>
    %add3A_264 = arith.addf %add3A_259, %add3A_263 : vector<384x512xf32>
    %mul3A_265 = arith.constant 5.000000e-01 : f32
    %mul3A_266 = vector.broadcast %mul3A_265 : f32 to vector<384x512xf32>
    %mul3A_267 = arith.mulf %mul3A_266, %add3A_264 : vector<384x512xf32>
    %tanh3A_268 = math.tanh %mul3A_267 : vector<384x512xf32>
    %mul3A_269 = arith.constant 5.000000e-01 : f32
    %mul3A_270 = vector.broadcast %mul3A_269 : f32 to vector<384x512xf32>
    %mul3A_271 = arith.mulf %mul3A_270, %tanh3A_268 : vector<384x512xf32>
    %add3A_272 = arith.constant 5.000000e-01 : f32
    %add3A_273 = vector.broadcast %add3A_272 : f32 to vector<384x512xf32>
    %add3A_274 = arith.addf %mul3A_271, %add3A_273 : vector<384x512xf32>
    %get3A_275 = arith.constant 0 : index
    %get3A_276 = arith.constant 1024 : index
    %get3A_277 = vector.load %arg2[%get3A_275, %get3A_276] : memref<256x2048xbf16, #tpu.memory_space<vmem>>, vector<256x512xbf16>
    %dot_general3A_278 = arith.constant dense<0.000000e+00> : vector<384x512xf32>
    %dot_general3A_279 = tpu.matmul %convert_element_type3A_222, %get3A_277, %dot_general3A_278 {dimension_numbers = #tpu.dot_dimension_numbers<[1], [0], [0], [1], [0, 0, 1, 1], [], []>, transpose_lhs_hint = false} : vector<384x256xbf16>, vector<256x512xbf16>, vector<384x512xf32> -> vector<384x512xf32>
    %get3A_280 = arith.constant 0 : index
    %get3A_281 = arith.constant 1024 : index
    %get3A_282 = vector.load %arg3[%get3A_280, %get3A_281] : memref<512x2048xbf16, #tpu.memory_space<vmem>>, vector<512x512xbf16>
    %dot_general3A_283 = arith.constant dense<0.000000e+00> : vector<384x512xf32>
    %dot_general3A_284 = tpu.matmul %convert_element_type3A_216, %get3A_282, %dot_general3A_283 {dimension_numbers = #tpu.dot_dimension_numbers<[1], [0], [0], [1], [0, 0, 1, 1], [], []>, transpose_lhs_hint = false} : vector<384x512xbf16>, vector<512x512xbf16>, vector<384x512xf32> -> vector<384x512xf32>
    %add3A_285 = arith.addf %dot_general3A_279, %dot_general3A_284 : vector<384x512xf32>
    %get3A_286 = arith.constant 0 : index
    %get3A_287 = arith.constant 1024 : index
    %get3A_288 = vector.load %arg4[%get3A_286, %get3A_287] : memref<1x2048xf32, #tpu.memory_space<vmem>>, vector<1x512xf32>
    %add3A_289 = vector.broadcast %get3A_288 : vector<1x512xf32> to vector<384x512xf32>
    %add3A_290 = arith.addf %add3A_285, %add3A_289 : vector<384x512xf32>
    %tanh3A_291 = math.tanh %add3A_290 : vector<384x512xf32>
    %get3A_292 = arith.constant 0 : index
    %get3A_293 = arith.constant 1536 : index
    %get3A_294 = vector.load %arg2[%get3A_292, %get3A_293] : memref<256x2048xbf16, #tpu.memory_space<vmem>>, vector<256x512xbf16>
    %dot_general3A_295 = arith.constant dense<0.000000e+00> : vector<384x512xf32>
    %dot_general3A_296 = tpu.matmul %convert_element_type3A_222, %get3A_294, %dot_general3A_295 {dimension_numbers = #tpu.dot_dimension_numbers<[1], [0], [0], [1], [0, 0, 1, 1], [], []>, transpose_lhs_hint = false} : vector<384x256xbf16>, vector<256x512xbf16>, vector<384x512xf32> -> vector<384x512xf32>
    %get3A_297 = arith.constant 0 : index
    %get3A_298 = arith.constant 1536 : index
    %get3A_299 = vector.load %arg3[%get3A_297, %get3A_298] : memref<512x2048xbf16, #tpu.memory_space<vmem>>, vector<512x512xbf16>
    %dot_general3A_300 = arith.constant dense<0.000000e+00> : vector<384x512xf32>
    %dot_general3A_301 = tpu.matmul %convert_element_type3A_216, %get3A_299, %dot_general3A_300 {dimension_numbers = #tpu.dot_dimension_numbers<[1], [0], [0], [1], [0, 0, 1, 1], [], []>, transpose_lhs_hint = false} : vector<384x512xbf16>, vector<512x512xbf16>, vector<384x512xf32> -> vector<384x512xf32>
    %add3A_302 = arith.addf %dot_general3A_296, %dot_general3A_301 : vector<384x512xf32>
    %get3A_303 = arith.constant 0 : index
    %get3A_304 = arith.constant 1536 : index
    %get3A_305 = vector.load %arg4[%get3A_303, %get3A_304] : memref<1x2048xf32, #tpu.memory_space<vmem>>, vector<1x512xf32>
    %add3A_306 = vector.broadcast %get3A_305 : vector<1x512xf32> to vector<384x512xf32>
    %add3A_307 = arith.addf %add3A_302, %add3A_306 : vector<384x512xf32>
    %mul3A_308 = arith.constant 5.000000e-01 : f32
    %mul3A_309 = vector.broadcast %mul3A_308 : f32 to vector<384x512xf32>
    %mul3A_310 = arith.mulf %mul3A_309, %add3A_307 : vector<384x512xf32>
    %tanh3A_311 = math.tanh %mul3A_310 : vector<384x512xf32>
    %mul3A_312 = arith.constant 5.000000e-01 : f32
    %mul3A_313 = vector.broadcast %mul3A_312 : f32 to vector<384x512xf32>
    %mul3A_314 = arith.mulf %mul3A_313, %tanh3A_311 : vector<384x512xf32>
    %add3A_315 = arith.constant 5.000000e-01 : f32
    %add3A_316 = vector.broadcast %add3A_315 : f32 to vector<384x512xf32>
    %add3A_317 = arith.addf %mul3A_314, %add3A_316 : vector<384x512xf32>
    %mul3A_318 = arith.mulf %add3A_274, %add3A_213 : vector<384x512xf32>
    %mul3A_319 = arith.mulf %add3A_248, %tanh3A_291 : vector<384x512xf32>
    %add3A_320 = arith.addf %mul3A_318, %mul3A_319 : vector<384x512xf32>
    %tanh3A_321 = math.tanh %add3A_320 : vector<384x512xf32>
    %mul3A_322 = arith.mulf %add3A_317, %tanh3A_321 : vector<384x512xf32>
    %convert_element_type3A_323 = arith.truncf %mul3A_322 : vector<384x512xf32> to vector<384x512xbf16>
    %get3A_324 = arith.constant 3 : index
    %get3A_325 = arith.constant 0 : index
    %get3A_326 = arith.constant 0 : index
    %get3A_327 = vector.load %arg1[%get3A_324, %get3A_325, %get3A_326] : memref<8x384x256xf32, #tpu.memory_space<vmem>>, vector<1x384x256xf32>
    %get3A_328 = vector.shape_cast %get3A_327 : vector<1x384x256xf32> to vector<384x256xf32>
    %convert_element_type3A_329 = arith.truncf %get3A_328 : vector<384x256xf32> to vector<384x256xbf16>
    %get3A_330 = arith.constant 0 : index
    %get3A_331 = arith.constant 0 : index
    %get3A_332 = vector.load %arg2[%get3A_330, %get3A_331] : memref<256x2048xbf16, #tpu.memory_space<vmem>>, vector<256x512xbf16>
    %dot_general3A_333 = arith.constant dense<0.000000e+00> : vector<384x512xf32>
    %dot_general3A_334 = tpu.matmul %convert_element_type3A_329, %get3A_332, %dot_general3A_333 {dimension_numbers = #tpu.dot_dimension_numbers<[1], [0], [0], [1], [0, 0, 1, 1], [], []>, transpose_lhs_hint = false} : vector<384x256xbf16>, vector<256x512xbf16>, vector<384x512xf32> -> vector<384x512xf32>
    %get3A_335 = arith.constant 0 : index
    %get3A_336 = arith.constant 0 : index
    %get3A_337 = vector.load %arg3[%get3A_335, %get3A_336] : memref<512x2048xbf16, #tpu.memory_space<vmem>>, vector<512x512xbf16>
    %dot_general3A_338 = arith.constant dense<0.000000e+00> : vector<384x512xf32>
    %dot_general3A_339 = tpu.matmul %convert_element_type3A_323, %get3A_337, %dot_general3A_338 {dimension_numbers = #tpu.dot_dimension_numbers<[1], [0], [0], [1], [0, 0, 1, 1], [], []>, transpose_lhs_hint = false} : vector<384x512xbf16>, vector<512x512xbf16>, vector<384x512xf32> -> vector<384x512xf32>
    %add3A_340 = arith.addf %dot_general3A_334, %dot_general3A_339 : vector<384x512xf32>
    %get3A_341 = arith.constant 0 : index
    %get3A_342 = arith.constant 0 : index
    %get3A_343 = vector.load %arg4[%get3A_341, %get3A_342] : memref<1x2048xf32, #tpu.memory_space<vmem>>, vector<1x512xf32>
    %add3A_344 = vector.broadcast %get3A_343 : vector<1x512xf32> to vector<384x512xf32>
    %add3A_345 = arith.addf %add3A_340, %add3A_344 : vector<384x512xf32>
    %mul3A_346 = arith.constant 5.000000e-01 : f32
    %mul3A_347 = vector.broadcast %mul3A_346 : f32 to vector<384x512xf32>
    %mul3A_348 = arith.mulf %mul3A_347, %add3A_345 : vector<384x512xf32>
    %tanh3A_349 = math.tanh %mul3A_348 : vector<384x512xf32>
    %mul3A_350 = arith.constant 5.000000e-01 : f32
    %mul3A_351 = vector.broadcast %mul3A_350 : f32 to vector<384x512xf32>
    %mul3A_352 = arith.mulf %mul3A_351, %tanh3A_349 : vector<384x512xf32>
    %add3A_353 = arith.constant 5.000000e-01 : f32
    %add3A_354 = vector.broadcast %add3A_353 : f32 to vector<384x512xf32>
    %add3A_355 = arith.addf %mul3A_352, %add3A_354 : vector<384x512xf32>
    %get3A_356 = arith.constant 0 : index
    %get3A_357 = arith.constant 512 : index
    %get3A_358 = vector.load %arg2[%get3A_356, %get3A_357] : memref<256x2048xbf16, #tpu.memory_space<vmem>>, vector<256x512xbf16>
    %dot_general3A_359 = arith.constant dense<0.000000e+00> : vector<384x512xf32>
    %dot_general3A_360 = tpu.matmul %convert_element_type3A_329, %get3A_358, %dot_general3A_359 {dimension_numbers = #tpu.dot_dimension_numbers<[1], [0], [0], [1], [0, 0, 1, 1], [], []>, transpose_lhs_hint = false} : vector<384x256xbf16>, vector<256x512xbf16>, vector<384x512xf32> -> vector<384x512xf32>
    %get3A_361 = arith.constant 0 : index
    %get3A_362 = arith.constant 512 : index
    %get3A_363 = vector.load %arg3[%get3A_361, %get3A_362] : memref<512x2048xbf16, #tpu.memory_space<vmem>>, vector<512x512xbf16>
    %dot_general3A_364 = arith.constant dense<0.000000e+00> : vector<384x512xf32>
    %dot_general3A_365 = tpu.matmul %convert_element_type3A_323, %get3A_363, %dot_general3A_364 {dimension_numbers = #tpu.dot_dimension_numbers<[1], [0], [0], [1], [0, 0, 1, 1], [], []>, transpose_lhs_hint = false} : vector<384x512xbf16>, vector<512x512xbf16>, vector<384x512xf32> -> vector<384x512xf32>
    %add3A_366 = arith.addf %dot_general3A_360, %dot_general3A_365 : vector<384x512xf32>
    %get3A_367 = arith.constant 0 : index
    %get3A_368 = arith.constant 512 : index
    %get3A_369 = vector.load %arg4[%get3A_367, %get3A_368] : memref<1x2048xf32, #tpu.memory_space<vmem>>, vector<1x512xf32>
    %add3A_370 = vector.broadcast %get3A_369 : vector<1x512xf32> to vector<384x512xf32>
    %add3A_371 = arith.addf %add3A_366, %add3A_370 : vector<384x512xf32>
    %mul3A_372 = arith.constant 5.000000e-01 : f32
    %mul3A_373 = vector.broadcast %mul3A_372 : f32 to vector<384x512xf32>
    %mul3A_374 = arith.mulf %mul3A_373, %add3A_371 : vector<384x512xf32>
    %tanh3A_375 = math.tanh %mul3A_374 : vector<384x512xf32>
    %mul3A_376 = arith.constant 5.000000e-01 : f32
    %mul3A_377 = vector.broadcast %mul3A_376 : f32 to vector<384x512xf32>
    %mul3A_378 = arith.mulf %mul3A_377, %tanh3A_375 : vector<384x512xf32>
    %add3A_379 = arith.constant 5.000000e-01 : f32
    %add3A_380 = vector.broadcast %add3A_379 : f32 to vector<384x512xf32>
    %add3A_381 = arith.addf %mul3A_378, %add3A_380 : vector<384x512xf32>
    %get3A_382 = arith.constant 0 : index
    %get3A_383 = arith.constant 1024 : index
    %get3A_384 = vector.load %arg2[%get3A_382, %get3A_383] : memref<256x2048xbf16, #tpu.memory_space<vmem>>, vector<256x512xbf16>
    %dot_general3A_385 = arith.constant dense<0.000000e+00> : vector<384x512xf32>
    %dot_general3A_386 = tpu.matmul %convert_element_type3A_329, %get3A_384, %dot_general3A_385 {dimension_numbers = #tpu.dot_dimension_numbers<[1], [0], [0], [1], [0, 0, 1, 1], [], []>, transpose_lhs_hint = false} : vector<384x256xbf16>, vector<256x512xbf16>, vector<384x512xf32> -> vector<384x512xf32>
    %get3A_387 = arith.constant 0 : index
    %get3A_388 = arith.constant 1024 : index
    %get3A_389 = vector.load %arg3[%get3A_387, %get3A_388] : memref<512x2048xbf16, #tpu.memory_space<vmem>>, vector<512x512xbf16>
    %dot_general3A_390 = arith.constant dense<0.000000e+00> : vector<384x512xf32>
    %dot_general3A_391 = tpu.matmul %convert_element_type3A_323, %get3A_389, %dot_general3A_390 {dimension_numbers = #tpu.dot_dimension_numbers<[1], [0], [0], [1], [0, 0, 1, 1], [], []>, transpose_lhs_hint = false} : vector<384x512xbf16>, vector<512x512xbf16>, vector<384x512xf32> -> vector<384x512xf32>
    %add3A_392 = arith.addf %dot_general3A_386, %dot_general3A_391 : vector<384x512xf32>
    %get3A_393 = arith.constant 0 : index
    %get3A_394 = arith.constant 1024 : index
    %get3A_395 = vector.load %arg4[%get3A_393, %get3A_394] : memref<1x2048xf32, #tpu.memory_space<vmem>>, vector<1x512xf32>
    %add3A_396 = vector.broadcast %get3A_395 : vector<1x512xf32> to vector<384x512xf32>
    %add3A_397 = arith.addf %add3A_392, %add3A_396 : vector<384x512xf32>
    %tanh3A_398 = math.tanh %add3A_397 : vector<384x512xf32>
    %get3A_399 = arith.constant 0 : index
    %get3A_400 = arith.constant 1536 : index
    %get3A_401 = vector.load %arg2[%get3A_399, %get3A_400] : memref<256x2048xbf16, #tpu.memory_space<vmem>>, vector<256x512xbf16>
    %dot_general3A_402 = arith.constant dense<0.000000e+00> : vector<384x512xf32>
    %dot_general3A_403 = tpu.matmul %convert_element_type3A_329, %get3A_401, %dot_general3A_402 {dimension_numbers = #tpu.dot_dimension_numbers<[1], [0], [0], [1], [0, 0, 1, 1], [], []>, transpose_lhs_hint = false} : vector<384x256xbf16>, vector<256x512xbf16>, vector<384x512xf32> -> vector<384x512xf32>
    %get3A_404 = arith.constant 0 : index
    %get3A_405 = arith.constant 1536 : index
    %get3A_406 = vector.load %arg3[%get3A_404, %get3A_405] : memref<512x2048xbf16, #tpu.memory_space<vmem>>, vector<512x512xbf16>
    %dot_general3A_407 = arith.constant dense<0.000000e+00> : vector<384x512xf32>
    %dot_general3A_408 = tpu.matmul %convert_element_type3A_323, %get3A_406, %dot_general3A_407 {dimension_numbers = #tpu.dot_dimension_numbers<[1], [0], [0], [1], [0, 0, 1, 1], [], []>, transpose_lhs_hint = false} : vector<384x512xbf16>, vector<512x512xbf16>, vector<384x512xf32> -> vector<384x512xf32>
    %add3A_409 = arith.addf %dot_general3A_403, %dot_general3A_408 : vector<384x512xf32>
    %get3A_410 = arith.constant 0 : index
    %get3A_411 = arith.constant 1536 : index
    %get3A_412 = vector.load %arg4[%get3A_410, %get3A_411] : memref<1x2048xf32, #tpu.memory_space<vmem>>, vector<1x512xf32>
    %add3A_413 = vector.broadcast %get3A_412 : vector<1x512xf32> to vector<384x512xf32>
    %add3A_414 = arith.addf %add3A_409, %add3A_413 : vector<384x512xf32>
    %mul3A_415 = arith.constant 5.000000e-01 : f32
    %mul3A_416 = vector.broadcast %mul3A_415 : f32 to vector<384x512xf32>
    %mul3A_417 = arith.mulf %mul3A_416, %add3A_414 : vector<384x512xf32>
    %tanh3A_418 = math.tanh %mul3A_417 : vector<384x512xf32>
    %mul3A_419 = arith.constant 5.000000e-01 : f32
    %mul3A_420 = vector.broadcast %mul3A_419 : f32 to vector<384x512xf32>
    %mul3A_421 = arith.mulf %mul3A_420, %tanh3A_418 : vector<384x512xf32>
    %add3A_422 = arith.constant 5.000000e-01 : f32
    %add3A_423 = vector.broadcast %add3A_422 : f32 to vector<384x512xf32>
    %add3A_424 = arith.addf %mul3A_421, %add3A_423 : vector<384x512xf32>
    %mul3A_425 = arith.mulf %add3A_381, %add3A_320 : vector<384x512xf32>
    %mul3A_426 = arith.mulf %add3A_355, %tanh3A_398 : vector<384x512xf32>
    %add3A_427 = arith.addf %mul3A_425, %mul3A_426 : vector<384x512xf32>
    %tanh3A_428 = math.tanh %add3A_427 : vector<384x512xf32>
    %mul3A_429 = arith.mulf %add3A_424, %tanh3A_428 : vector<384x512xf32>
    %convert_element_type3A_430 = arith.truncf %mul3A_429 : vector<384x512xf32> to vector<384x512xbf16>
    %get3A_431 = arith.constant 4 : index
    %get3A_432 = arith.constant 0 : index
    %get3A_433 = arith.constant 0 : index
    %get3A_434 = vector.load %arg1[%get3A_431, %get3A_432, %get3A_433] : memref<8x384x256xf32, #tpu.memory_space<vmem>>, vector<1x384x256xf32>
    %get3A_435 = vector.shape_cast %get3A_434 : vector<1x384x256xf32> to vector<384x256xf32>
    %convert_element_type3A_436 = arith.truncf %get3A_435 : vector<384x256xf32> to vector<384x256xbf16>
    %get3A_437 = arith.constant 0 : index
    %get3A_438 = arith.constant 0 : index
    %get3A_439 = vector.load %arg2[%get3A_437, %get3A_438] : memref<256x2048xbf16, #tpu.memory_space<vmem>>, vector<256x512xbf16>
    %dot_general3A_440 = arith.constant dense<0.000000e+00> : vector<384x512xf32>
    %dot_general3A_441 = tpu.matmul %convert_element_type3A_436, %get3A_439, %dot_general3A_440 {dimension_numbers = #tpu.dot_dimension_numbers<[1], [0], [0], [1], [0, 0, 1, 1], [], []>, transpose_lhs_hint = false} : vector<384x256xbf16>, vector<256x512xbf16>, vector<384x512xf32> -> vector<384x512xf32>
    %get3A_442 = arith.constant 0 : index
    %get3A_443 = arith.constant 0 : index
    %get3A_444 = vector.load %arg3[%get3A_442, %get3A_443] : memref<512x2048xbf16, #tpu.memory_space<vmem>>, vector<512x512xbf16>
    %dot_general3A_445 = arith.constant dense<0.000000e+00> : vector<384x512xf32>
    %dot_general3A_446 = tpu.matmul %convert_element_type3A_430, %get3A_444, %dot_general3A_445 {dimension_numbers = #tpu.dot_dimension_numbers<[1], [0], [0], [1], [0, 0, 1, 1], [], []>, transpose_lhs_hint = false} : vector<384x512xbf16>, vector<512x512xbf16>, vector<384x512xf32> -> vector<384x512xf32>
    %add3A_447 = arith.addf %dot_general3A_441, %dot_general3A_446 : vector<384x512xf32>
    %get3A_448 = arith.constant 0 : index
    %get3A_449 = arith.constant 0 : index
    %get3A_450 = vector.load %arg4[%get3A_448, %get3A_449] : memref<1x2048xf32, #tpu.memory_space<vmem>>, vector<1x512xf32>
    %add3A_451 = vector.broadcast %get3A_450 : vector<1x512xf32> to vector<384x512xf32>
    %add3A_452 = arith.addf %add3A_447, %add3A_451 : vector<384x512xf32>
    %mul3A_453 = arith.constant 5.000000e-01 : f32
    %mul3A_454 = vector.broadcast %mul3A_453 : f32 to vector<384x512xf32>
    %mul3A_455 = arith.mulf %mul3A_454, %add3A_452 : vector<384x512xf32>
    %tanh3A_456 = math.tanh %mul3A_455 : vector<384x512xf32>
    %mul3A_457 = arith.constant 5.000000e-01 : f32
    %mul3A_458 = vector.broadcast %mul3A_457 : f32 to vector<384x512xf32>
    %mul3A_459 = arith.mulf %mul3A_458, %tanh3A_456 : vector<384x512xf32>
    %add3A_460 = arith.constant 5.000000e-01 : f32
    %add3A_461 = vector.broadcast %add3A_460 : f32 to vector<384x512xf32>
    %add3A_462 = arith.addf %mul3A_459, %add3A_461 : vector<384x512xf32>
    %get3A_463 = arith.constant 0 : index
    %get3A_464 = arith.constant 512 : index
    %get3A_465 = vector.load %arg2[%get3A_463, %get3A_464] : memref<256x2048xbf16, #tpu.memory_space<vmem>>, vector<256x512xbf16>
    %dot_general3A_466 = arith.constant dense<0.000000e+00> : vector<384x512xf32>
    %dot_general3A_467 = tpu.matmul %convert_element_type3A_436, %get3A_465, %dot_general3A_466 {dimension_numbers = #tpu.dot_dimension_numbers<[1], [0], [0], [1], [0, 0, 1, 1], [], []>, transpose_lhs_hint = false} : vector<384x256xbf16>, vector<256x512xbf16>, vector<384x512xf32> -> vector<384x512xf32>
    %get3A_468 = arith.constant 0 : index
    %get3A_469 = arith.constant 512 : index
    %get3A_470 = vector.load %arg3[%get3A_468, %get3A_469] : memref<512x2048xbf16, #tpu.memory_space<vmem>>, vector<512x512xbf16>
    %dot_general3A_471 = arith.constant dense<0.000000e+00> : vector<384x512xf32>
    %dot_general3A_472 = tpu.matmul %convert_element_type3A_430, %get3A_470, %dot_general3A_471 {dimension_numbers = #tpu.dot_dimension_numbers<[1], [0], [0], [1], [0, 0, 1, 1], [], []>, transpose_lhs_hint = false} : vector<384x512xbf16>, vector<512x512xbf16>, vector<384x512xf32> -> vector<384x512xf32>
    %add3A_473 = arith.addf %dot_general3A_467, %dot_general3A_472 : vector<384x512xf32>
    %get3A_474 = arith.constant 0 : index
    %get3A_475 = arith.constant 512 : index
    %get3A_476 = vector.load %arg4[%get3A_474, %get3A_475] : memref<1x2048xf32, #tpu.memory_space<vmem>>, vector<1x512xf32>
    %add3A_477 = vector.broadcast %get3A_476 : vector<1x512xf32> to vector<384x512xf32>
    %add3A_478 = arith.addf %add3A_473, %add3A_477 : vector<384x512xf32>
    %mul3A_479 = arith.constant 5.000000e-01 : f32
    %mul3A_480 = vector.broadcast %mul3A_479 : f32 to vector<384x512xf32>
    %mul3A_481 = arith.mulf %mul3A_480, %add3A_478 : vector<384x512xf32>
    %tanh3A_482 = math.tanh %mul3A_481 : vector<384x512xf32>
    %mul3A_483 = arith.constant 5.000000e-01 : f32
    %mul3A_484 = vector.broadcast %mul3A_483 : f32 to vector<384x512xf32>
    %mul3A_485 = arith.mulf %mul3A_484, %tanh3A_482 : vector<384x512xf32>
    %add3A_486 = arith.constant 5.000000e-01 : f32
    %add3A_487 = vector.broadcast %add3A_486 : f32 to vector<384x512xf32>
    %add3A_488 = arith.addf %mul3A_485, %add3A_487 : vector<384x512xf32>
    %get3A_489 = arith.constant 0 : index
    %get3A_490 = arith.constant 1024 : index
    %get3A_491 = vector.load %arg2[%get3A_489, %get3A_490] : memref<256x2048xbf16, #tpu.memory_space<vmem>>, vector<256x512xbf16>
    %dot_general3A_492 = arith.constant dense<0.000000e+00> : vector<384x512xf32>
    %dot_general3A_493 = tpu.matmul %convert_element_type3A_436, %get3A_491, %dot_general3A_492 {dimension_numbers = #tpu.dot_dimension_numbers<[1], [0], [0], [1], [0, 0, 1, 1], [], []>, transpose_lhs_hint = false} : vector<384x256xbf16>, vector<256x512xbf16>, vector<384x512xf32> -> vector<384x512xf32>
    %get3A_494 = arith.constant 0 : index
    %get3A_495 = arith.constant 1024 : index
    %get3A_496 = vector.load %arg3[%get3A_494, %get3A_495] : memref<512x2048xbf16, #tpu.memory_space<vmem>>, vector<512x512xbf16>
    %dot_general3A_497 = arith.constant dense<0.000000e+00> : vector<384x512xf32>
    %dot_general3A_498 = tpu.matmul %convert_element_type3A_430, %get3A_496, %dot_general3A_497 {dimension_numbers = #tpu.dot_dimension_numbers<[1], [0], [0], [1], [0, 0, 1, 1], [], []>, transpose_lhs_hint = false} : vector<384x512xbf16>, vector<512x512xbf16>, vector<384x512xf32> -> vector<384x512xf32>
    %add3A_499 = arith.addf %dot_general3A_493, %dot_general3A_498 : vector<384x512xf32>
    %get3A_500 = arith.constant 0 : index
    %get3A_501 = arith.constant 1024 : index
    %get3A_502 = vector.load %arg4[%get3A_500, %get3A_501] : memref<1x2048xf32, #tpu.memory_space<vmem>>, vector<1x512xf32>
    %add3A_503 = vector.broadcast %get3A_502 : vector<1x512xf32> to vector<384x512xf32>
    %add3A_504 = arith.addf %add3A_499, %add3A_503 : vector<384x512xf32>
    %tanh3A_505 = math.tanh %add3A_504 : vector<384x512xf32>
    %get3A_506 = arith.constant 0 : index
    %get3A_507 = arith.constant 1536 : index
    %get3A_508 = vector.load %arg2[%get3A_506, %get3A_507] : memref<256x2048xbf16, #tpu.memory_space<vmem>>, vector<256x512xbf16>
    %dot_general3A_509 = arith.constant dense<0.000000e+00> : vector<384x512xf32>
    %dot_general3A_510 = tpu.matmul %convert_element_type3A_436, %get3A_508, %dot_general3A_509 {dimension_numbers = #tpu.dot_dimension_numbers<[1], [0], [0], [1], [0, 0, 1, 1], [], []>, transpose_lhs_hint = false} : vector<384x256xbf16>, vector<256x512xbf16>, vector<384x512xf32> -> vector<384x512xf32>
    %get3A_511 = arith.constant 0 : index
    %get3A_512 = arith.constant 1536 : index
    %get3A_513 = vector.load %arg3[%get3A_511, %get3A_512] : memref<512x2048xbf16, #tpu.memory_space<vmem>>, vector<512x512xbf16>
    %dot_general3A_514 = arith.constant dense<0.000000e+00> : vector<384x512xf32>
    %dot_general3A_515 = tpu.matmul %convert_element_type3A_430, %get3A_513, %dot_general3A_514 {dimension_numbers = #tpu.dot_dimension_numbers<[1], [0], [0], [1], [0, 0, 1, 1], [], []>, transpose_lhs_hint = false} : vector<384x512xbf16>, vector<512x512xbf16>, vector<384x512xf32> -> vector<384x512xf32>
    %add3A_516 = arith.addf %dot_general3A_510, %dot_general3A_515 : vector<384x512xf32>
    %get3A_517 = arith.constant 0 : index
    %get3A_518 = arith.constant 1536 : index
    %get3A_519 = vector.load %arg4[%get3A_517, %get3A_518] : memref<1x2048xf32, #tpu.memory_space<vmem>>, vector<1x512xf32>
    %add3A_520 = vector.broadcast %get3A_519 : vector<1x512xf32> to vector<384x512xf32>
    %add3A_521 = arith.addf %add3A_516, %add3A_520 : vector<384x512xf32>
    %mul3A_522 = arith.constant 5.000000e-01 : f32
    %mul3A_523 = vector.broadcast %mul3A_522 : f32 to vector<384x512xf32>
    %mul3A_524 = arith.mulf %mul3A_523, %add3A_521 : vector<384x512xf32>
    %tanh3A_525 = math.tanh %mul3A_524 : vector<384x512xf32>
    %mul3A_526 = arith.constant 5.000000e-01 : f32
    %mul3A_527 = vector.broadcast %mul3A_526 : f32 to vector<384x512xf32>
    %mul3A_528 = arith.mulf %mul3A_527, %tanh3A_525 : vector<384x512xf32>
    %add3A_529 = arith.constant 5.000000e-01 : f32
    %add3A_530 = vector.broadcast %add3A_529 : f32 to vector<384x512xf32>
    %add3A_531 = arith.addf %mul3A_528, %add3A_530 : vector<384x512xf32>
    %mul3A_532 = arith.mulf %add3A_488, %add3A_427 : vector<384x512xf32>
    %mul3A_533 = arith.mulf %add3A_462, %tanh3A_505 : vector<384x512xf32>
    %add3A_534 = arith.addf %mul3A_532, %mul3A_533 : vector<384x512xf32>
    %tanh3A_535 = math.tanh %add3A_534 : vector<384x512xf32>
    %mul3A_536 = arith.mulf %add3A_531, %tanh3A_535 : vector<384x512xf32>
    %convert_element_type3A_537 = arith.truncf %mul3A_536 : vector<384x512xf32> to vector<384x512xbf16>
    %get3A_538 = arith.constant 5 : index
    %get3A_539 = arith.constant 0 : index
    %get3A_540 = arith.constant 0 : index
    %get3A_541 = vector.load %arg1[%get3A_538, %get3A_539, %get3A_540] : memref<8x384x256xf32, #tpu.memory_space<vmem>>, vector<1x384x256xf32>
    %get3A_542 = vector.shape_cast %get3A_541 : vector<1x384x256xf32> to vector<384x256xf32>
    %convert_element_type3A_543 = arith.truncf %get3A_542 : vector<384x256xf32> to vector<384x256xbf16>
    %get3A_544 = arith.constant 0 : index
    %get3A_545 = arith.constant 0 : index
    %get3A_546 = vector.load %arg2[%get3A_544, %get3A_545] : memref<256x2048xbf16, #tpu.memory_space<vmem>>, vector<256x512xbf16>
    %dot_general3A_547 = arith.constant dense<0.000000e+00> : vector<384x512xf32>
    %dot_general3A_548 = tpu.matmul %convert_element_type3A_543, %get3A_546, %dot_general3A_547 {dimension_numbers = #tpu.dot_dimension_numbers<[1], [0], [0], [1], [0, 0, 1, 1], [], []>, transpose_lhs_hint = false} : vector<384x256xbf16>, vector<256x512xbf16>, vector<384x512xf32> -> vector<384x512xf32>
    %get3A_549 = arith.constant 0 : index
    %get3A_550 = arith.constant 0 : index
    %get3A_551 = vector.load %arg3[%get3A_549, %get3A_550] : memref<512x2048xbf16, #tpu.memory_space<vmem>>, vector<512x512xbf16>
    %dot_general3A_552 = arith.constant dense<0.000000e+00> : vector<384x512xf32>
    %dot_general3A_553 = tpu.matmul %convert_element_type3A_537, %get3A_551, %dot_general3A_552 {dimension_numbers = #tpu.dot_dimension_numbers<[1], [0], [0], [1], [0, 0, 1, 1], [], []>, transpose_lhs_hint = false} : vector<384x512xbf16>, vector<512x512xbf16>, vector<384x512xf32> -> vector<384x512xf32>
    %add3A_554 = arith.addf %dot_general3A_548, %dot_general3A_553 : vector<384x512xf32>
    %get3A_555 = arith.constant 0 : index
    %get3A_556 = arith.constant 0 : index
    %get3A_557 = vector.load %arg4[%get3A_555, %get3A_556] : memref<1x2048xf32, #tpu.memory_space<vmem>>, vector<1x512xf32>
    %add3A_558 = vector.broadcast %get3A_557 : vector<1x512xf32> to vector<384x512xf32>
    %add3A_559 = arith.addf %add3A_554, %add3A_558 : vector<384x512xf32>
    %mul3A_560 = arith.constant 5.000000e-01 : f32
    %mul3A_561 = vector.broadcast %mul3A_560 : f32 to vector<384x512xf32>
    %mul3A_562 = arith.mulf %mul3A_561, %add3A_559 : vector<384x512xf32>
    %tanh3A_563 = math.tanh %mul3A_562 : vector<384x512xf32>
    %mul3A_564 = arith.constant 5.000000e-01 : f32
    %mul3A_565 = vector.broadcast %mul3A_564 : f32 to vector<384x512xf32>
    %mul3A_566 = arith.mulf %mul3A_565, %tanh3A_563 : vector<384x512xf32>
    %add3A_567 = arith.constant 5.000000e-01 : f32
    %add3A_568 = vector.broadcast %add3A_567 : f32 to vector<384x512xf32>
    %add3A_569 = arith.addf %mul3A_566, %add3A_568 : vector<384x512xf32>
    %get3A_570 = arith.constant 0 : index
    %get3A_571 = arith.constant 512 : index
    %get3A_572 = vector.load %arg2[%get3A_570, %get3A_571] : memref<256x2048xbf16, #tpu.memory_space<vmem>>, vector<256x512xbf16>
    %dot_general3A_573 = arith.constant dense<0.000000e+00> : vector<384x512xf32>
    %dot_general3A_574 = tpu.matmul %convert_element_type3A_543, %get3A_572, %dot_general3A_573 {dimension_numbers = #tpu.dot_dimension_numbers<[1], [0], [0], [1], [0, 0, 1, 1], [], []>, transpose_lhs_hint = false} : vector<384x256xbf16>, vector<256x512xbf16>, vector<384x512xf32> -> vector<384x512xf32>
    %get3A_575 = arith.constant 0 : index
    %get3A_576 = arith.constant 512 : index
    %get3A_577 = vector.load %arg3[%get3A_575, %get3A_576] : memref<512x2048xbf16, #tpu.memory_space<vmem>>, vector<512x512xbf16>
    %dot_general3A_578 = arith.constant dense<0.000000e+00> : vector<384x512xf32>
    %dot_general3A_579 = tpu.matmul %convert_element_type3A_537, %get3A_577, %dot_general3A_578 {dimension_numbers = #tpu.dot_dimension_numbers<[1], [0], [0], [1], [0, 0, 1, 1], [], []>, transpose_lhs_hint = false} : vector<384x512xbf16>, vector<512x512xbf16>, vector<384x512xf32> -> vector<384x512xf32>
    %add3A_580 = arith.addf %dot_general3A_574, %dot_general3A_579 : vector<384x512xf32>
    %get3A_581 = arith.constant 0 : index
    %get3A_582 = arith.constant 512 : index
    %get3A_583 = vector.load %arg4[%get3A_581, %get3A_582] : memref<1x2048xf32, #tpu.memory_space<vmem>>, vector<1x512xf32>
    %add3A_584 = vector.broadcast %get3A_583 : vector<1x512xf32> to vector<384x512xf32>
    %add3A_585 = arith.addf %add3A_580, %add3A_584 : vector<384x512xf32>
    %mul3A_586 = arith.constant 5.000000e-01 : f32
    %mul3A_587 = vector.broadcast %mul3A_586 : f32 to vector<384x512xf32>
    %mul3A_588 = arith.mulf %mul3A_587, %add3A_585 : vector<384x512xf32>
    %tanh3A_589 = math.tanh %mul3A_588 : vector<384x512xf32>
    %mul3A_590 = arith.constant 5.000000e-01 : f32
    %mul3A_591 = vector.broadcast %mul3A_590 : f32 to vector<384x512xf32>
    %mul3A_592 = arith.mulf %mul3A_591, %tanh3A_589 : vector<384x512xf32>
    %add3A_593 = arith.constant 5.000000e-01 : f32
    %add3A_594 = vector.broadcast %add3A_593 : f32 to vector<384x512xf32>
    %add3A_595 = arith.addf %mul3A_592, %add3A_594 : vector<384x512xf32>
    %get3A_596 = arith.constant 0 : index
    %get3A_597 = arith.constant 1024 : index
    %get3A_598 = vector.load %arg2[%get3A_596, %get3A_597] : memref<256x2048xbf16, #tpu.memory_space<vmem>>, vector<256x512xbf16>
    %dot_general3A_599 = arith.constant dense<0.000000e+00> : vector<384x512xf32>
    %dot_general3A_600 = tpu.matmul %convert_element_type3A_543, %get3A_598, %dot_general3A_599 {dimension_numbers = #tpu.dot_dimension_numbers<[1], [0], [0], [1], [0, 0, 1, 1], [], []>, transpose_lhs_hint = false} : vector<384x256xbf16>, vector<256x512xbf16>, vector<384x512xf32> -> vector<384x512xf32>
    %get3A_601 = arith.constant 0 : index
    %get3A_602 = arith.constant 1024 : index
    %get3A_603 = vector.load %arg3[%get3A_601, %get3A_602] : memref<512x2048xbf16, #tpu.memory_space<vmem>>, vector<512x512xbf16>
    %dot_general3A_604 = arith.constant dense<0.000000e+00> : vector<384x512xf32>
    %dot_general3A_605 = tpu.matmul %convert_element_type3A_537, %get3A_603, %dot_general3A_604 {dimension_numbers = #tpu.dot_dimension_numbers<[1], [0], [0], [1], [0, 0, 1, 1], [], []>, transpose_lhs_hint = false} : vector<384x512xbf16>, vector<512x512xbf16>, vector<384x512xf32> -> vector<384x512xf32>
    %add3A_606 = arith.addf %dot_general3A_600, %dot_general3A_605 : vector<384x512xf32>
    %get3A_607 = arith.constant 0 : index
    %get3A_608 = arith.constant 1024 : index
    %get3A_609 = vector.load %arg4[%get3A_607, %get3A_608] : memref<1x2048xf32, #tpu.memory_space<vmem>>, vector<1x512xf32>
    %add3A_610 = vector.broadcast %get3A_609 : vector<1x512xf32> to vector<384x512xf32>
    %add3A_611 = arith.addf %add3A_606, %add3A_610 : vector<384x512xf32>
    %tanh3A_612 = math.tanh %add3A_611 : vector<384x512xf32>
    %get3A_613 = arith.constant 0 : index
    %get3A_614 = arith.constant 1536 : index
    %get3A_615 = vector.load %arg2[%get3A_613, %get3A_614] : memref<256x2048xbf16, #tpu.memory_space<vmem>>, vector<256x512xbf16>
    %dot_general3A_616 = arith.constant dense<0.000000e+00> : vector<384x512xf32>
    %dot_general3A_617 = tpu.matmul %convert_element_type3A_543, %get3A_615, %dot_general3A_616 {dimension_numbers = #tpu.dot_dimension_numbers<[1], [0], [0], [1], [0, 0, 1, 1], [], []>, transpose_lhs_hint = false} : vector<384x256xbf16>, vector<256x512xbf16>, vector<384x512xf32> -> vector<384x512xf32>
    %get3A_618 = arith.constant 0 : index
    %get3A_619 = arith.constant 1536 : index
    %get3A_620 = vector.load %arg3[%get3A_618, %get3A_619] : memref<512x2048xbf16, #tpu.memory_space<vmem>>, vector<512x512xbf16>
    %dot_general3A_621 = arith.constant dense<0.000000e+00> : vector<384x512xf32>
    %dot_general3A_622 = tpu.matmul %convert_element_type3A_537, %get3A_620, %dot_general3A_621 {dimension_numbers = #tpu.dot_dimension_numbers<[1], [0], [0], [1], [0, 0, 1, 1], [], []>, transpose_lhs_hint = false} : vector<384x512xbf16>, vector<512x512xbf16>, vector<384x512xf32> -> vector<384x512xf32>
    %add3A_623 = arith.addf %dot_general3A_617, %dot_general3A_622 : vector<384x512xf32>
    %get3A_624 = arith.constant 0 : index
    %get3A_625 = arith.constant 1536 : index
    %get3A_626 = vector.load %arg4[%get3A_624, %get3A_625] : memref<1x2048xf32, #tpu.memory_space<vmem>>, vector<1x512xf32>
    %add3A_627 = vector.broadcast %get3A_626 : vector<1x512xf32> to vector<384x512xf32>
    %add3A_628 = arith.addf %add3A_623, %add3A_627 : vector<384x512xf32>
    %mul3A_629 = arith.constant 5.000000e-01 : f32
    %mul3A_630 = vector.broadcast %mul3A_629 : f32 to vector<384x512xf32>
    %mul3A_631 = arith.mulf %mul3A_630, %add3A_628 : vector<384x512xf32>
    %tanh3A_632 = math.tanh %mul3A_631 : vector<384x512xf32>
    %mul3A_633 = arith.constant 5.000000e-01 : f32
    %mul3A_634 = vector.broadcast %mul3A_633 : f32 to vector<384x512xf32>
    %mul3A_635 = arith.mulf %mul3A_634, %tanh3A_632 : vector<384x512xf32>
    %add3A_636 = arith.constant 5.000000e-01 : f32
    %add3A_637 = vector.broadcast %add3A_636 : f32 to vector<384x512xf32>
    %add3A_638 = arith.addf %mul3A_635, %add3A_637 : vector<384x512xf32>
    %mul3A_639 = arith.mulf %add3A_595, %add3A_534 : vector<384x512xf32>
    %mul3A_640 = arith.mulf %add3A_569, %tanh3A_612 : vector<384x512xf32>
    %add3A_641 = arith.addf %mul3A_639, %mul3A_640 : vector<384x512xf32>
    %tanh3A_642 = math.tanh %add3A_641 : vector<384x512xf32>
    %mul3A_643 = arith.mulf %add3A_638, %tanh3A_642 : vector<384x512xf32>
    %convert_element_type3A_644 = arith.truncf %mul3A_643 : vector<384x512xf32> to vector<384x512xbf16>
    %get3A_645 = arith.constant 6 : index
    %get3A_646 = arith.constant 0 : index
    %get3A_647 = arith.constant 0 : index
    %get3A_648 = vector.load %arg1[%get3A_645, %get3A_646, %get3A_647] : memref<8x384x256xf32, #tpu.memory_space<vmem>>, vector<1x384x256xf32>
    %get3A_649 = vector.shape_cast %get3A_648 : vector<1x384x256xf32> to vector<384x256xf32>
    %convert_element_type3A_650 = arith.truncf %get3A_649 : vector<384x256xf32> to vector<384x256xbf16>
    %get3A_651 = arith.constant 0 : index
    %get3A_652 = arith.constant 0 : index
    %get3A_653 = vector.load %arg2[%get3A_651, %get3A_652] : memref<256x2048xbf16, #tpu.memory_space<vmem>>, vector<256x512xbf16>
    %dot_general3A_654 = arith.constant dense<0.000000e+00> : vector<384x512xf32>
    %dot_general3A_655 = tpu.matmul %convert_element_type3A_650, %get3A_653, %dot_general3A_654 {dimension_numbers = #tpu.dot_dimension_numbers<[1], [0], [0], [1], [0, 0, 1, 1], [], []>, transpose_lhs_hint = false} : vector<384x256xbf16>, vector<256x512xbf16>, vector<384x512xf32> -> vector<384x512xf32>
    %get3A_656 = arith.constant 0 : index
    %get3A_657 = arith.constant 0 : index
    %get3A_658 = vector.load %arg3[%get3A_656, %get3A_657] : memref<512x2048xbf16, #tpu.memory_space<vmem>>, vector<512x512xbf16>
    %dot_general3A_659 = arith.constant dense<0.000000e+00> : vector<384x512xf32>
    %dot_general3A_660 = tpu.matmul %convert_element_type3A_644, %get3A_658, %dot_general3A_659 {dimension_numbers = #tpu.dot_dimension_numbers<[1], [0], [0], [1], [0, 0, 1, 1], [], []>, transpose_lhs_hint = false} : vector<384x512xbf16>, vector<512x512xbf16>, vector<384x512xf32> -> vector<384x512xf32>
    %add3A_661 = arith.addf %dot_general3A_655, %dot_general3A_660 : vector<384x512xf32>
    %get3A_662 = arith.constant 0 : index
    %get3A_663 = arith.constant 0 : index
    %get3A_664 = vector.load %arg4[%get3A_662, %get3A_663] : memref<1x2048xf32, #tpu.memory_space<vmem>>, vector<1x512xf32>
    %add3A_665 = vector.broadcast %get3A_664 : vector<1x512xf32> to vector<384x512xf32>
    %add3A_666 = arith.addf %add3A_661, %add3A_665 : vector<384x512xf32>
    %mul3A_667 = arith.constant 5.000000e-01 : f32
    %mul3A_668 = vector.broadcast %mul3A_667 : f32 to vector<384x512xf32>
    %mul3A_669 = arith.mulf %mul3A_668, %add3A_666 : vector<384x512xf32>
    %tanh3A_670 = math.tanh %mul3A_669 : vector<384x512xf32>
    %mul3A_671 = arith.constant 5.000000e-01 : f32
    %mul3A_672 = vector.broadcast %mul3A_671 : f32 to vector<384x512xf32>
    %mul3A_673 = arith.mulf %mul3A_672, %tanh3A_670 : vector<384x512xf32>
    %add3A_674 = arith.constant 5.000000e-01 : f32
    %add3A_675 = vector.broadcast %add3A_674 : f32 to vector<384x512xf32>
    %add3A_676 = arith.addf %mul3A_673, %add3A_675 : vector<384x512xf32>
    %get3A_677 = arith.constant 0 : index
    %get3A_678 = arith.constant 512 : index
    %get3A_679 = vector.load %arg2[%get3A_677, %get3A_678] : memref<256x2048xbf16, #tpu.memory_space<vmem>>, vector<256x512xbf16>
    %dot_general3A_680 = arith.constant dense<0.000000e+00> : vector<384x512xf32>
    %dot_general3A_681 = tpu.matmul %convert_element_type3A_650, %get3A_679, %dot_general3A_680 {dimension_numbers = #tpu.dot_dimension_numbers<[1], [0], [0], [1], [0, 0, 1, 1], [], []>, transpose_lhs_hint = false} : vector<384x256xbf16>, vector<256x512xbf16>, vector<384x512xf32> -> vector<384x512xf32>
    %get3A_682 = arith.constant 0 : index
    %get3A_683 = arith.constant 512 : index
    %get3A_684 = vector.load %arg3[%get3A_682, %get3A_683] : memref<512x2048xbf16, #tpu.memory_space<vmem>>, vector<512x512xbf16>
    %dot_general3A_685 = arith.constant dense<0.000000e+00> : vector<384x512xf32>
    %dot_general3A_686 = tpu.matmul %convert_element_type3A_644, %get3A_684, %dot_general3A_685 {dimension_numbers = #tpu.dot_dimension_numbers<[1], [0], [0], [1], [0, 0, 1, 1], [], []>, transpose_lhs_hint = false} : vector<384x512xbf16>, vector<512x512xbf16>, vector<384x512xf32> -> vector<384x512xf32>
    %add3A_687 = arith.addf %dot_general3A_681, %dot_general3A_686 : vector<384x512xf32>
    %get3A_688 = arith.constant 0 : index
    %get3A_689 = arith.constant 512 : index
    %get3A_690 = vector.load %arg4[%get3A_688, %get3A_689] : memref<1x2048xf32, #tpu.memory_space<vmem>>, vector<1x512xf32>
    %add3A_691 = vector.broadcast %get3A_690 : vector<1x512xf32> to vector<384x512xf32>
    %add3A_692 = arith.addf %add3A_687, %add3A_691 : vector<384x512xf32>
    %mul3A_693 = arith.constant 5.000000e-01 : f32
    %mul3A_694 = vector.broadcast %mul3A_693 : f32 to vector<384x512xf32>
    %mul3A_695 = arith.mulf %mul3A_694, %add3A_692 : vector<384x512xf32>
    %tanh3A_696 = math.tanh %mul3A_695 : vector<384x512xf32>
    %mul3A_697 = arith.constant 5.000000e-01 : f32
    %mul3A_698 = vector.broadcast %mul3A_697 : f32 to vector<384x512xf32>
    %mul3A_699 = arith.mulf %mul3A_698, %tanh3A_696 : vector<384x512xf32>
    %add3A_700 = arith.constant 5.000000e-01 : f32
    %add3A_701 = vector.broadcast %add3A_700 : f32 to vector<384x512xf32>
    %add3A_702 = arith.addf %mul3A_699, %add3A_701 : vector<384x512xf32>
    %get3A_703 = arith.constant 0 : index
    %get3A_704 = arith.constant 1024 : index
    %get3A_705 = vector.load %arg2[%get3A_703, %get3A_704] : memref<256x2048xbf16, #tpu.memory_space<vmem>>, vector<256x512xbf16>
    %dot_general3A_706 = arith.constant dense<0.000000e+00> : vector<384x512xf32>
    %dot_general3A_707 = tpu.matmul %convert_element_type3A_650, %get3A_705, %dot_general3A_706 {dimension_numbers = #tpu.dot_dimension_numbers<[1], [0], [0], [1], [0, 0, 1, 1], [], []>, transpose_lhs_hint = false} : vector<384x256xbf16>, vector<256x512xbf16>, vector<384x512xf32> -> vector<384x512xf32>
    %get3A_708 = arith.constant 0 : index
    %get3A_709 = arith.constant 1024 : index
    %get3A_710 = vector.load %arg3[%get3A_708, %get3A_709] : memref<512x2048xbf16, #tpu.memory_space<vmem>>, vector<512x512xbf16>
    %dot_general3A_711 = arith.constant dense<0.000000e+00> : vector<384x512xf32>
    %dot_general3A_712 = tpu.matmul %convert_element_type3A_644, %get3A_710, %dot_general3A_711 {dimension_numbers = #tpu.dot_dimension_numbers<[1], [0], [0], [1], [0, 0, 1, 1], [], []>, transpose_lhs_hint = false} : vector<384x512xbf16>, vector<512x512xbf16>, vector<384x512xf32> -> vector<384x512xf32>
    %add3A_713 = arith.addf %dot_general3A_707, %dot_general3A_712 : vector<384x512xf32>
    %get3A_714 = arith.constant 0 : index
    %get3A_715 = arith.constant 1024 : index
    %get3A_716 = vector.load %arg4[%get3A_714, %get3A_715] : memref<1x2048xf32, #tpu.memory_space<vmem>>, vector<1x512xf32>
    %add3A_717 = vector.broadcast %get3A_716 : vector<1x512xf32> to vector<384x512xf32>
    %add3A_718 = arith.addf %add3A_713, %add3A_717 : vector<384x512xf32>
    %tanh3A_719 = math.tanh %add3A_718 : vector<384x512xf32>
    %get3A_720 = arith.constant 0 : index
    %get3A_721 = arith.constant 1536 : index
    %get3A_722 = vector.load %arg2[%get3A_720, %get3A_721] : memref<256x2048xbf16, #tpu.memory_space<vmem>>, vector<256x512xbf16>
    %dot_general3A_723 = arith.constant dense<0.000000e+00> : vector<384x512xf32>
    %dot_general3A_724 = tpu.matmul %convert_element_type3A_650, %get3A_722, %dot_general3A_723 {dimension_numbers = #tpu.dot_dimension_numbers<[1], [0], [0], [1], [0, 0, 1, 1], [], []>, transpose_lhs_hint = false} : vector<384x256xbf16>, vector<256x512xbf16>, vector<384x512xf32> -> vector<384x512xf32>
    %get3A_725 = arith.constant 0 : index
    %get3A_726 = arith.constant 1536 : index
    %get3A_727 = vector.load %arg3[%get3A_725, %get3A_726] : memref<512x2048xbf16, #tpu.memory_space<vmem>>, vector<512x512xbf16>
    %dot_general3A_728 = arith.constant dense<0.000000e+00> : vector<384x512xf32>
    %dot_general3A_729 = tpu.matmul %convert_element_type3A_644, %get3A_727, %dot_general3A_728 {dimension_numbers = #tpu.dot_dimension_numbers<[1], [0], [0], [1], [0, 0, 1, 1], [], []>, transpose_lhs_hint = false} : vector<384x512xbf16>, vector<512x512xbf16>, vector<384x512xf32> -> vector<384x512xf32>
    %add3A_730 = arith.addf %dot_general3A_724, %dot_general3A_729 : vector<384x512xf32>
    %get3A_731 = arith.constant 0 : index
    %get3A_732 = arith.constant 1536 : index
    %get3A_733 = vector.load %arg4[%get3A_731, %get3A_732] : memref<1x2048xf32, #tpu.memory_space<vmem>>, vector<1x512xf32>
    %add3A_734 = vector.broadcast %get3A_733 : vector<1x512xf32> to vector<384x512xf32>
    %add3A_735 = arith.addf %add3A_730, %add3A_734 : vector<384x512xf32>
    %mul3A_736 = arith.constant 5.000000e-01 : f32
    %mul3A_737 = vector.broadcast %mul3A_736 : f32 to vector<384x512xf32>
    %mul3A_738 = arith.mulf %mul3A_737, %add3A_735 : vector<384x512xf32>
    %tanh3A_739 = math.tanh %mul3A_738 : vector<384x512xf32>
    %mul3A_740 = arith.constant 5.000000e-01 : f32
    %mul3A_741 = vector.broadcast %mul3A_740 : f32 to vector<384x512xf32>
    %mul3A_742 = arith.mulf %mul3A_741, %tanh3A_739 : vector<384x512xf32>
    %add3A_743 = arith.constant 5.000000e-01 : f32
    %add3A_744 = vector.broadcast %add3A_743 : f32 to vector<384x512xf32>
    %add3A_745 = arith.addf %mul3A_742, %add3A_744 : vector<384x512xf32>
    %mul3A_746 = arith.mulf %add3A_702, %add3A_641 : vector<384x512xf32>
    %mul3A_747 = arith.mulf %add3A_676, %tanh3A_719 : vector<384x512xf32>
    %add3A_748 = arith.addf %mul3A_746, %mul3A_747 : vector<384x512xf32>
    %tanh3A_749 = math.tanh %add3A_748 : vector<384x512xf32>
    %mul3A_750 = arith.mulf %add3A_745, %tanh3A_749 : vector<384x512xf32>
    %convert_element_type3A_751 = arith.truncf %mul3A_750 : vector<384x512xf32> to vector<384x512xbf16>
    %get3A_752 = arith.constant 7 : index
    %get3A_753 = arith.constant 0 : index
    %get3A_754 = arith.constant 0 : index
    %get3A_755 = vector.load %arg1[%get3A_752, %get3A_753, %get3A_754] : memref<8x384x256xf32, #tpu.memory_space<vmem>>, vector<1x384x256xf32>
    %get3A_756 = vector.shape_cast %get3A_755 : vector<1x384x256xf32> to vector<384x256xf32>
    %convert_element_type3A_757 = arith.truncf %get3A_756 : vector<384x256xf32> to vector<384x256xbf16>
    %get3A_758 = arith.constant 0 : index
    %get3A_759 = arith.constant 0 : index
    %get3A_760 = vector.load %arg2[%get3A_758, %get3A_759] : memref<256x2048xbf16, #tpu.memory_space<vmem>>, vector<256x512xbf16>
    %dot_general3A_761 = arith.constant dense<0.000000e+00> : vector<384x512xf32>
    %dot_general3A_762 = tpu.matmul %convert_element_type3A_757, %get3A_760, %dot_general3A_761 {dimension_numbers = #tpu.dot_dimension_numbers<[1], [0], [0], [1], [0, 0, 1, 1], [], []>, transpose_lhs_hint = false} : vector<384x256xbf16>, vector<256x512xbf16>, vector<384x512xf32> -> vector<384x512xf32>
    %get3A_763 = arith.constant 0 : index
    %get3A_764 = arith.constant 0 : index
    %get3A_765 = vector.load %arg3[%get3A_763, %get3A_764] : memref<512x2048xbf16, #tpu.memory_space<vmem>>, vector<512x512xbf16>
    %dot_general3A_766 = arith.constant dense<0.000000e+00> : vector<384x512xf32>
    %dot_general3A_767 = tpu.matmul %convert_element_type3A_751, %get3A_765, %dot_general3A_766 {dimension_numbers = #tpu.dot_dimension_numbers<[1], [0], [0], [1], [0, 0, 1, 1], [], []>, transpose_lhs_hint = false} : vector<384x512xbf16>, vector<512x512xbf16>, vector<384x512xf32> -> vector<384x512xf32>
    %add3A_768 = arith.addf %dot_general3A_762, %dot_general3A_767 : vector<384x512xf32>
    %get3A_769 = arith.constant 0 : index
    %get3A_770 = arith.constant 0 : index
    %get3A_771 = vector.load %arg4[%get3A_769, %get3A_770] : memref<1x2048xf32, #tpu.memory_space<vmem>>, vector<1x512xf32>
    %add3A_772 = vector.broadcast %get3A_771 : vector<1x512xf32> to vector<384x512xf32>
    %add3A_773 = arith.addf %add3A_768, %add3A_772 : vector<384x512xf32>
    %mul3A_774 = arith.constant 5.000000e-01 : f32
    %mul3A_775 = vector.broadcast %mul3A_774 : f32 to vector<384x512xf32>
    %mul3A_776 = arith.mulf %mul3A_775, %add3A_773 : vector<384x512xf32>
    %tanh3A_777 = math.tanh %mul3A_776 : vector<384x512xf32>
    %mul3A_778 = arith.constant 5.000000e-01 : f32
    %mul3A_779 = vector.broadcast %mul3A_778 : f32 to vector<384x512xf32>
    %mul3A_780 = arith.mulf %mul3A_779, %tanh3A_777 : vector<384x512xf32>
    %add3A_781 = arith.constant 5.000000e-01 : f32
    %add3A_782 = vector.broadcast %add3A_781 : f32 to vector<384x512xf32>
    %add3A_783 = arith.addf %mul3A_780, %add3A_782 : vector<384x512xf32>
    %get3A_784 = arith.constant 0 : index
    %get3A_785 = arith.constant 512 : index
    %get3A_786 = vector.load %arg2[%get3A_784, %get3A_785] : memref<256x2048xbf16, #tpu.memory_space<vmem>>, vector<256x512xbf16>
    %dot_general3A_787 = arith.constant dense<0.000000e+00> : vector<384x512xf32>
    %dot_general3A_788 = tpu.matmul %convert_element_type3A_757, %get3A_786, %dot_general3A_787 {dimension_numbers = #tpu.dot_dimension_numbers<[1], [0], [0], [1], [0, 0, 1, 1], [], []>, transpose_lhs_hint = false} : vector<384x256xbf16>, vector<256x512xbf16>, vector<384x512xf32> -> vector<384x512xf32>
    %get3A_789 = arith.constant 0 : index
    %get3A_790 = arith.constant 512 : index
    %get3A_791 = vector.load %arg3[%get3A_789, %get3A_790] : memref<512x2048xbf16, #tpu.memory_space<vmem>>, vector<512x512xbf16>
    %dot_general3A_792 = arith.constant dense<0.000000e+00> : vector<384x512xf32>
    %dot_general3A_793 = tpu.matmul %convert_element_type3A_751, %get3A_791, %dot_general3A_792 {dimension_numbers = #tpu.dot_dimension_numbers<[1], [0], [0], [1], [0, 0, 1, 1], [], []>, transpose_lhs_hint = false} : vector<384x512xbf16>, vector<512x512xbf16>, vector<384x512xf32> -> vector<384x512xf32>
    %add3A_794 = arith.addf %dot_general3A_788, %dot_general3A_793 : vector<384x512xf32>
    %get3A_795 = arith.constant 0 : index
    %get3A_796 = arith.constant 512 : index
    %get3A_797 = vector.load %arg4[%get3A_795, %get3A_796] : memref<1x2048xf32, #tpu.memory_space<vmem>>, vector<1x512xf32>
    %add3A_798 = vector.broadcast %get3A_797 : vector<1x512xf32> to vector<384x512xf32>
    %add3A_799 = arith.addf %add3A_794, %add3A_798 : vector<384x512xf32>
    %mul3A_800 = arith.constant 5.000000e-01 : f32
    %mul3A_801 = vector.broadcast %mul3A_800 : f32 to vector<384x512xf32>
    %mul3A_802 = arith.mulf %mul3A_801, %add3A_799 : vector<384x512xf32>
    %tanh3A_803 = math.tanh %mul3A_802 : vector<384x512xf32>
    %mul3A_804 = arith.constant 5.000000e-01 : f32
    %mul3A_805 = vector.broadcast %mul3A_804 : f32 to vector<384x512xf32>
    %mul3A_806 = arith.mulf %mul3A_805, %tanh3A_803 : vector<384x512xf32>
    %add3A_807 = arith.constant 5.000000e-01 : f32
    %add3A_808 = vector.broadcast %add3A_807 : f32 to vector<384x512xf32>
    %add3A_809 = arith.addf %mul3A_806, %add3A_808 : vector<384x512xf32>
    %get3A_810 = arith.constant 0 : index
    %get3A_811 = arith.constant 1024 : index
    %get3A_812 = vector.load %arg2[%get3A_810, %get3A_811] : memref<256x2048xbf16, #tpu.memory_space<vmem>>, vector<256x512xbf16>
    %dot_general3A_813 = arith.constant dense<0.000000e+00> : vector<384x512xf32>
    %dot_general3A_814 = tpu.matmul %convert_element_type3A_757, %get3A_812, %dot_general3A_813 {dimension_numbers = #tpu.dot_dimension_numbers<[1], [0], [0], [1], [0, 0, 1, 1], [], []>, transpose_lhs_hint = false} : vector<384x256xbf16>, vector<256x512xbf16>, vector<384x512xf32> -> vector<384x512xf32>
    %get3A_815 = arith.constant 0 : index
    %get3A_816 = arith.constant 1024 : index
    %get3A_817 = vector.load %arg3[%get3A_815, %get3A_816] : memref<512x2048xbf16, #tpu.memory_space<vmem>>, vector<512x512xbf16>
    %dot_general3A_818 = arith.constant dense<0.000000e+00> : vector<384x512xf32>
    %dot_general3A_819 = tpu.matmul %convert_element_type3A_751, %get3A_817, %dot_general3A_818 {dimension_numbers = #tpu.dot_dimension_numbers<[1], [0], [0], [1], [0, 0, 1, 1], [], []>, transpose_lhs_hint = false} : vector<384x512xbf16>, vector<512x512xbf16>, vector<384x512xf32> -> vector<384x512xf32>
    %add3A_820 = arith.addf %dot_general3A_814, %dot_general3A_819 : vector<384x512xf32>
    %get3A_821 = arith.constant 0 : index
    %get3A_822 = arith.constant 1024 : index
    %get3A_823 = vector.load %arg4[%get3A_821, %get3A_822] : memref<1x2048xf32, #tpu.memory_space<vmem>>, vector<1x512xf32>
    %add3A_824 = vector.broadcast %get3A_823 : vector<1x512xf32> to vector<384x512xf32>
    %add3A_825 = arith.addf %add3A_820, %add3A_824 : vector<384x512xf32>
    %tanh3A_826 = math.tanh %add3A_825 : vector<384x512xf32>
    %get3A_827 = arith.constant 0 : index
    %get3A_828 = arith.constant 1536 : index
    %get3A_829 = vector.load %arg2[%get3A_827, %get3A_828] : memref<256x2048xbf16, #tpu.memory_space<vmem>>, vector<256x512xbf16>
    %dot_general3A_830 = arith.constant dense<0.000000e+00> : vector<384x512xf32>
    %dot_general3A_831 = tpu.matmul %convert_element_type3A_757, %get3A_829, %dot_general3A_830 {dimension_numbers = #tpu.dot_dimension_numbers<[1], [0], [0], [1], [0, 0, 1, 1], [], []>, transpose_lhs_hint = false} : vector<384x256xbf16>, vector<256x512xbf16>, vector<384x512xf32> -> vector<384x512xf32>
    %get3A_832 = arith.constant 0 : index
    %get3A_833 = arith.constant 1536 : index
    %get3A_834 = vector.load %arg3[%get3A_832, %get3A_833] : memref<512x2048xbf16, #tpu.memory_space<vmem>>, vector<512x512xbf16>
    %dot_general3A_835 = arith.constant dense<0.000000e+00> : vector<384x512xf32>
    %dot_general3A_836 = tpu.matmul %convert_element_type3A_751, %get3A_834, %dot_general3A_835 {dimension_numbers = #tpu.dot_dimension_numbers<[1], [0], [0], [1], [0, 0, 1, 1], [], []>, transpose_lhs_hint = false} : vector<384x512xbf16>, vector<512x512xbf16>, vector<384x512xf32> -> vector<384x512xf32>
    %add3A_837 = arith.addf %dot_general3A_831, %dot_general3A_836 : vector<384x512xf32>
    %get3A_838 = arith.constant 0 : index
    %get3A_839 = arith.constant 1536 : index
    %get3A_840 = vector.load %arg4[%get3A_838, %get3A_839] : memref<1x2048xf32, #tpu.memory_space<vmem>>, vector<1x512xf32>
    %add3A_841 = vector.broadcast %get3A_840 : vector<1x512xf32> to vector<384x512xf32>
    %add3A_842 = arith.addf %add3A_837, %add3A_841 : vector<384x512xf32>
    %mul3A_843 = arith.constant 5.000000e-01 : f32
    %mul3A_844 = vector.broadcast %mul3A_843 : f32 to vector<384x512xf32>
    %mul3A_845 = arith.mulf %mul3A_844, %add3A_842 : vector<384x512xf32>
    %tanh3A_846 = math.tanh %mul3A_845 : vector<384x512xf32>
    %mul3A_847 = arith.constant 5.000000e-01 : f32
    %mul3A_848 = vector.broadcast %mul3A_847 : f32 to vector<384x512xf32>
    %mul3A_849 = arith.mulf %mul3A_848, %tanh3A_846 : vector<384x512xf32>
    %add3A_850 = arith.constant 5.000000e-01 : f32
    %add3A_851 = vector.broadcast %add3A_850 : f32 to vector<384x512xf32>
    %add3A_852 = arith.addf %mul3A_849, %add3A_851 : vector<384x512xf32>
    %mul3A_853 = arith.mulf %add3A_809, %add3A_748 : vector<384x512xf32>
    %mul3A_854 = arith.mulf %add3A_783, %tanh3A_826 : vector<384x512xf32>
    %add3A_855 = arith.addf %mul3A_853, %mul3A_854 : vector<384x512xf32>
    %tanh3A_856 = math.tanh %add3A_855 : vector<384x512xf32>
    %mul3A_857 = arith.mulf %add3A_852, %tanh3A_856 : vector<384x512xf32>
    %convert_element_type3A_858 = arith.truncf %mul3A_857 : vector<384x512xf32> to vector<384x512xbf16>
    %swap3A = arith.constant 0 : index
    %swap3A_859 = arith.constant 0 : index
    %swap3A_860 = vector.load %arg13[%swap3A, %swap3A_859] : memref<384x512xf32, #tpu.memory_space<vmem>>, vector<384x512xf32>
    tpu.vector_store %arg13[%swap3A, %swap3A_859], %add3A_855 {strides = array<i32>} : memref<384x512xf32, #tpu.memory_space<vmem>>, vector<384x512xf32>,
    %swap3A_861 = arith.constant 0 : index
    %swap3A_862 = arith.constant 0 : index
    %swap3A_863 = vector.load %arg12[%swap3A_861, %swap3A_862] : memref<384x512xbf16, #tpu.memory_space<vmem>>, vector<384x512xbf16>
    tpu.vector_store %arg12[%swap3A_861, %swap3A_862], %convert_element_type3A_858 {strides = array<i32>} : memref<384x512xbf16, #tpu.memory_space<vmem>>, vector<384x512xbf16>,
    %eq3A_864 = arith.constant 11 : i32
    %eq3A_865 = arith.cmpi eq, %arg0, %eq3A_864 : i32
    %convert_element_type3A_866 = arith.extui %eq3A_865 : i1 to i32
    %cond3A_867 = arith.constant 0 : i32
    %cond3A_868 = arith.cmpi ne, %convert_element_type3A_866, %cond3A_867 : i32
    scf.if %cond3A_868 {
      %slice3A = vector.extract_strided_slice %mul3A_857 {offsets = [0, 0], sizes = [128, 512], strides = [1, 1]} : vector<384x512xf32> to vector<128x512xf32>
      %slice3A_869 = vector.extract_strided_slice %mul3A_857 {offsets = [128, 0], sizes = [128, 512], strides = [1, 1]} : vector<384x512xf32> to vector<128x512xf32>
      %slice3A_870 = vector.extract_strided_slice %mul3A_857 {offsets = [256, 0], sizes = [128, 512], strides = [1, 1]} : vector<384x512xf32> to vector<128x512xf32>
      %concatenate3A = tpu.concatenate %slice3A, %slice3A_869 in 1 : vector<128x512xf32>, vector<128x512xf32> -> vector<128x1024xf32>
      %concatenate3A_871 = tpu.concatenate %slice3A, %slice3A_870 in 1 : vector<128x512xf32>, vector<128x512xf32> -> vector<128x1024xf32>
      %concatenate3A_872 = tpu.concatenate %concatenate3A, %concatenate3A_871 in 0 : vector<128x1024xf32>, vector<128x1024xf32> -> vector<256x1024xf32>
      %get3A_873 = arith.constant 0 : index
      %get3A_874 = arith.constant 0 : index
      %get3A_875 = vector.load %arg5[%get3A_873, %get3A_874] : memref<1024x512xf32, #tpu.memory_space<vmem>>, vector<1024x512xf32>
      %dot_general3A_876 = arith.constant dense<0.000000e+00> : vector<256x512xf32>
      %dot_general3A_877 = tpu.matmul %concatenate3A_872, %get3A_875, %dot_general3A_876 {dimension_numbers = #tpu.dot_dimension_numbers<[1], [0], [0], [1], [0, 0, 1, 1], [], []>, transpose_lhs_hint = false} : vector<256x1024xf32>, vector<1024x512xf32>, vector<256x512xf32> -> vector<256x512xf32>
      %get3A_878 = arith.constant 0 : index
      %get3A_879 = arith.constant 0 : index
      %get3A_880 = vector.load %arg6[%get3A_878, %get3A_879] : memref<1x512xf32, #tpu.memory_space<vmem>>, vector<1x512xf32>
      %add3A_881 = vector.broadcast %get3A_880 : vector<1x512xf32> to vector<256x512xf32>
      %add3A_882 = arith.addf %dot_general3A_877, %add3A_881 : vector<256x512xf32>
      %max3A = arith.constant 0.000000e+00 : f32
      %max3A_883 = vector.broadcast %max3A : f32 to vector<256x512xf32>
      %max3A_884 = arith.maximumf %add3A_882, %max3A_883 : vector<256x512xf32>
      %get3A_885 = arith.constant 0 : index
      %get3A_886 = arith.constant 0 : index
      %get3A_887 = vector.load %arg7[%get3A_885, %get3A_886] : memref<512x1xf32, #tpu.memory_space<vmem>>, vector<512x1xf32>
      %dot_general3A_888 = arith.constant dense<0.000000e+00> : vector<256x1xf32>
      %dot_general3A_889 = tpu.matmul %max3A_884, %get3A_887, %dot_general3A_888 {dimension_numbers = #tpu.dot_dimension_numbers<[1], [0], [0], [1], [0, 0, 1, 1], [], []>, transpose_lhs_hint = false} : vector<256x512xf32>, vector<512x1xf32>, vector<256x1xf32> -> vector<256x1xf32>
      %get3A_890 = arith.constant 0 : index
      %get3A_891 = arith.constant 0 : index
      %get3A_892 = memref.load %arg8[%get3A_890, %get3A_891] : memref<1x1xf32, #tpu.memory_space<smem>>
      %add3A_893 = vector.broadcast %get3A_892 : f32 to vector<256x1xf32>
      %add3A_894 = arith.addf %dot_general3A_889, %add3A_893 : vector<256x1xf32>
      %logistic3A = arith.negf %add3A_894 : vector<256x1xf32>
      %logistic3A_895 = math.exp %logistic3A : vector<256x1xf32>
      %logistic3A_896 = arith.constant 1.000000e+00 : f32
      %logistic3A_897 = vector.broadcast %logistic3A_896 : f32 to vector<256x1xf32>
      %logistic3A_898 = arith.addf %logistic3A_897, %logistic3A_895 : vector<256x1xf32>
      %logistic3A_899 = arith.divf %logistic3A_897, %logistic3A_898 : vector<256x1xf32>
      %slice3A_900 = vector.extract_strided_slice %logistic3A_899 {offsets = [0, 0], sizes = [128, 1], strides = [1, 1]} : vector<256x1xf32> to vector<128x1xf32>
      %slice3A_901 = vector.extract_strided_slice %logistic3A_899 {offsets = [128, 0], sizes = [128, 1], strides = [1, 1]} : vector<256x1xf32> to vector<128x1xf32>
      %concatenate3A_902 = tpu.concatenate %slice3A_900, %slice3A_901 in 1 : vector<128x1xf32>, vector<128x1xf32> -> vector<128x2xf32>
      %swap3A_903 = arith.constant 0 : index
      %swap3A_904 = arith.constant 0 : index
      %swap3A_905 = vector.load %arg11[%swap3A_903, %swap3A_904] : memref<128x2xf32, #tpu.memory_space<vmem>>, vector<128x2xf32>
      tpu.vector_store %arg11[%swap3A_903, %swap3A_904], %concatenate3A_902 {strides = array<i32>} : memref<128x2xf32, #tpu.memory_space<vmem>>, vector<128x2xf32>,
    } else {
    }
    return
  }
  func.func @transform_0(%arg0: i32) -> (i32, i32, i32) {
    %c0_i32 = arith.constant 0 : i32
    %c0_i32_0 = arith.constant 0 : i32
    %c0_i32_1 = arith.constant 0 : i32
    return %arg0, %c0_i32, %c0_i32_0 : i32, i32, i32
  }
  func.func @transform_1(%arg0: i32) -> (i32, i32) {
    %c0_i32 = arith.constant 0 : i32
    %c0_i32_0 = arith.constant 0 : i32
    %c0_i32_1 = arith.constant 0 : i32
    return %c0_i32, %c0_i32_0 : i32, i32
  }
  func.func @transform_2(%arg0: i32) -> (i32, i32) {
    %c0_i32 = arith.constant 0 : i32
    %c0_i32_0 = arith.constant 0 : i32
    %c0_i32_1 = arith.constant 0 : i32
    return %c0_i32, %c0_i32_0 : i32, i32
  }
  func.func @transform_3(%arg0: i32) -> (i32, i32) {
    %c0_i32 = arith.constant 0 : i32
    %c0_i32_0 = arith.constant 0 : i32
    %c0_i32_1 = arith.constant 0 : i32
    return %c0_i32, %c0_i32_0 : i32, i32
  }
  func.func @transform_4(%arg0: i32) -> (i32, i32) {
    %c0_i32 = arith.constant 0 : i32
    %c0_i32_0 = arith.constant 0 : i32
    %c0_i32_1 = arith.constant 0 : i32
    return %c0_i32, %c0_i32_0 : i32, i32
  }
  func.func @transform_5(%arg0: i32) -> (i32, i32) {
    %c0_i32 = arith.constant 0 : i32
    %c0_i32_0 = arith.constant 0 : i32
    %c0_i32_1 = arith.constant 0 : i32
    return %c0_i32, %c0_i32_0 : i32, i32
  }
  func.func @transform_6(%arg0: i32) -> (i32, i32) {
    %c0_i32 = arith.constant 0 : i32
    %c0_i32_0 = arith.constant 0 : i32
    %c0_i32_1 = arith.constant 0 : i32
    return %c0_i32, %c0_i32_0 : i32, i32
  }
  func.func @transform_7(%arg0: i32) -> (i32, i32) {
    %c0_i32 = arith.constant 0 : i32
    %c0_i32_0 = arith.constant 0 : i32
    %c0_i32_1 = arith.constant 0 : i32
    return %c0_i32, %c0_i32_0 : i32, i32
  }
  func.func @transform_8(%arg0: i32) -> (i32, i32) {
    %c0_i32 = arith.constant 0 : i32
    %c0_i32_0 = arith.constant 0 : i32
    %c0_i32_1 = arith.constant 0 : i32
    return %c0_i32, %c0_i32_0 : i32, i32
  }
  func.func @transform_9(%arg0: i32) -> (i32, i32) {
    %c0_i32 = arith.constant 0 : i32
    %c0_i32_0 = arith.constant 0 : i32
    %c0_i32_1 = arith.constant 0 : i32
    return %c0_i32, %c0_i32_0 : i32, i32
  }
  func.func @transform_10(%arg0: i32) -> (i32, i32) {
    %c0_i32 = arith.constant 0 : i32
    %c0_i32_0 = arith.constant 0 : i32
    %c0_i32_1 = arith.constant 0 : i32
    return %c0_i32, %c0_i32_0 : i32, i32
  }
}

</mosaic_0001>

<sc_bundles>
// kernel: kernel.6.cloned.1.call-start
scs
__scs_entry_jumppad:
0x0: {  	(pc) =	sbr.rel $0x88, $3  }
0x1: {  	(tag) =	ssettag $0x0;
	lr =	simm.s32 $0x1  }
0x2: {  	[smem:$0x3F96] =	sst lr;
	_ =	strace $0xD0000000  }
0x3: {  	_ = 	snop  }
0x4: {  	_ = 	snop  }
0x5: {  	_ = 	snop  }
0x6: {  	_ = 	snop  }
0x7: {  	_ = 	snop  }
__scs_overlays_trampoline_lowered:
0x8: {  	[smem:$0x3FA5] =	sst s0  }
0x9: {  	[smem:$0x3FA6] =	sst s1  }
0xa: {  	[smem:$0x3FA7] =	sst s2  }
0xb: {  	[smem:$0x3FA8] =	sst s3  }
0xc: {  	[smem:$0x3FA9] =	sst s4  }
0xd: {  	[smem:$0x3FAA] =	sst s5  }
0xe: {  	[smem:$0x3FAB] =	sst s6  }
0xf: {  	[smem:$0x3FAC] =	sst s7  }
0x10: {  	[smem:$0x3FAD] =	sst s8  }
0x11: {  	[smem:$0x3FAE] =	sst s9;
	s0 =	simm.s32 @!p0 $0x0  }
0x12: {  	s1 =	sld [smem:$0x3F94];
	s0 =	simm.s32 @p0 $0x1  }
0x13: {  	[smem:$0x3FAF] =	sst s0;
	s0 =	simm.s32 @!p1 $0x0  }
0x14: {  	s2 =	sld [smem:$0x3F93];
	s0 =	simm.s32 @p1 $0x1  }
0x15: {  	[smem:$0x3FB0] =	sst s0;
	s0 =	simm.s32 @!p2 $0x0  }
0x16: {  	s3 =	sld [smem:$0x3FDB];
	s0 =	simm.s32 @p2 $0x1  }
0x17: {  	s4 =	simm.s32 $0x1BF5;
	[smem:$0x3FB2] =	sst s0  }
0x18: {  	s0 =	sld [smem:$0x3F95];
	_ =	swait.ge [sflag:s4], $0x0  }
0x19: {  	s7 =	sld [smem:$0x3F96]  }
0x1a: {  	s8 =	sadd.s32 $0xFFFFE003, lr  }
0x1b: {  	s9 =	sadd.s32 $0xFFFFFEF7, lr;
	s5 =	simm.s32 $0xFFFFFFFF;
	p2 =	slt.u32 s8, $0xFFFFF086  }
0x1c: {  	p1 =	slt.u32 s9, $0xF7A;
	s5 =	simm.s32 @!p2 $0x0  }
0x1d: {  	s5 =	simm.s32 @p1 $0x1;
	p0 =	seq.s32 s7, s2  }
0x1e: {  	s7 =	smul.u32 @!p0 $0xF7A, s2;
	p2 =	seq.s32 @!p0 s5, $0x0  }
0x1f: {  	s9 =	smul.u32 $0xF7A, s1;
	s8 =	simm.s32 @!p0 $0x1BF5;
	p2 =	por !p2, p0  }
0x20: {  	[sflag:s8] =	ssyncset.s32 @!p0 $0xFFFFF086;
	s6 =	sadd.s32 @!p0 s3, s7;
	s7 =	simm.s32 @!p0 $0x108  }
0x21: {  	s3 =	sadd.s32 s3, s9;
	s6 =	sadd.s32 @!p0 $0x88, s6;
	s7 =	simm.s32 @p2 $0x1082  }
0x22: {  	[simem:s7], [sflag:s8] =	dma.local @!p0 [hbm:s6], $0xF7A  }
0x23: {  	s9 =	sor.u32 $0xD0000000, s2;
	s6 =	simm.s32 $0x108;
	_ =	swait.ge @!p0 [sflag:s8], $0x0  }
0x24: {  	s3 =	sadd.s32 $0x88, s3;
	s6 =	simm.s32 @!p1 $0x1082;
	[sflag:s4] =	ssyncset.s32 $0xFFFFF086  }
0x25: {  	[simem:s6], [sflag:s4] =	dma.local [hbm:s3], $0xF7A  }
0x26: {  	[smem:$0x3F96] =	sst s1;
	(tag) =	ssettag s2;
	_ =	strace s9  }
0x27: {  	s1 =	sld [smem:$0x3FA6]  }
0x28: {  	s2 =	sld [smem:$0x3FA7]  }
0x29: {  	s4 =	sld [smem:$0x3FA9]  }
0x2a: {  	p0 =	seq.s32 s5, $0x0;
	s5 =	sld [smem:$0x3FAA]  }
0x2b: {  	s6 =	sld [smem:$0x3FAB]  }
0x2c: {  	s7 =	sld [smem:$0x3FAC]  }
0x2d: {  	s3 =	simm.s32 $0x108;
	s8 =	sld [smem:$0x3FAD]  }
0x2e: {  	s3 =	simm.s32 @!p0 $0x1082;
	s9 =	sld [smem:$0x3FAE]  }
0x2f: {  	lr =	sadd.s32 s0, s3;
	s0 =	sld [smem:$0x3FA5]  }
0x30: {  	s3 =	sld [smem:$0x3FA8]  }
0x31: {  	[smem:$0x3FB1] =	sst s10  }
0x32: {  	s10 =	sld [smem:$0x3FAF];
	_ =	sdelay $0x3  }
0x33: {  	p0 =	seq.s32 s10, $0x1;
	s10 =	sld [smem:$0x3FB1];
	_ =	sdelay $0x3  }
0x34: {  	[smem:$0x3FB1] =	sst s10  }
0x35: {  	s10 =	sld [smem:$0x3FB0];
	_ =	sdelay $0x3  }
0x36: {  	p1 =	seq.s32 s10, $0x1;
	s10 =	sld [smem:$0x3FB1];
	_ =	sdelay $0x3  }
0x37: {  	[smem:$0x3FB1] =	sst s10  }
0x38: {  	s10 =	sld [smem:$0x3FB2]  }
0x39: {  	_ = 	snop;
	(pc) =	sbr.ind lr, $3  }
0x3a: {  	_ = 	snop  }
0x3b: {  	_ = 	snop  }
0x3c: {  	p2 =	seq.s32 s10, $0x1;
	s10 =	sld [smem:$0x3FB1]  }
0x3d: {  	_ =	shalt  }
0x3e: {  	_ =	shalt  }
0x3f: {  	_ =	shalt  }
0x40: {  	_ =	shalt  }
0x41: {  	_ =	shalt  }
0x42: {  	_ =	shalt  }
0x43: {  	_ =	shalt  }
0x44: {  	_ =	shalt  }
0x45: {  	_ =	shalt  }
0x46: {  	_ =	shalt  }
0x47: {  	_ =	shalt  }
0x48: {  	_ =	shalt  }
0x49: {  	_ =	shalt  }
0x4a: {  	_ =	shalt  }
0x4b: {  	_ =	shalt  }
0x4c: {  	_ =	shalt  }
0x4d: {  	_ =	shalt  }
0x4e: {  	_ =	shalt  }
0x4f: {  	_ =	shalt  }
0x50: {  	_ =	shalt  }
0x51: {  	_ =	shalt  }
0x52: {  	_ =	shalt  }
0x53: {  	_ =	shalt  }
0x54: {  	_ =	shalt  }
0x55: {  	_ =	shalt  }
0x56: {  	_ =	shalt  }
0x57: {  	_ =	shalt  }
0x58: {  	_ =	shalt  }
0x59: {  	_ =	shalt  }
0x5a: {  	_ =	shalt  }
0x5b: {  	_ =	shalt  }
0x5c: {  	_ =	shalt  }
0x5d: {  	_ =	shalt  }
0x5e: {  	_ =	shalt  }
0x5f: {  	_ =	shalt  }
0x60: {  	_ =	shalt  }
0x61: {  	_ =	shalt  }
0x62: {  	_ =	shalt  }
0x63: {  	_ =	shalt  }
0x64: {  	_ =	shalt  }
0x65: {  	_ =	shalt  }
0x66: {  	_ =	shalt  }
0x67: {  	_ =	shalt  }
0x68: {  	_ =	shalt  }
0x69: {  	_ =	shalt  }
0x6a: {  	_ =	shalt  }
0x6b: {  	_ =	shalt  }
0x6c: {  	_ =	shalt  }
0x6d: {  	_ =	shalt  }
0x6e: {  	_ =	shalt  }
0x6f: {  	_ =	shalt  }
0x70: {  	_ =	shalt  }
0x71: {  	_ =	shalt  }
0x72: {  	_ =	shalt  }
0x73: {  	_ =	shalt  }
0x74: {  	_ =	shalt  }
0x75: {  	_ =	shalt  }
0x76: {  	_ =	shalt  }
0x77: {  	_ =	shalt  }
0x78: {  	_ =	shalt  }
0x79: {  	_ =	shalt  }
0x7a: {  	_ =	shalt  }
0x7b: {  	_ =	shalt  }
0x7c: {  	_ =	shalt  }
0x7d: {  	_ =	shalt  }
0x7e: {  	_ =	shalt  }
0x7f: {  	_ =	shalt  }
0x80: {  	_ =	shalt  }
0x81: {  	_ =	shalt  }
0x82: {  	_ =	shalt  }
0x83: {  	_ =	shalt  }
0x84: {  	_ =	shalt  }
0x85: {  	_ =	shalt  }
0x86: {  	_ =	shalt  }
0x87: {  	_ =	shalt  }
.Lfunc_end0:
.L_simem_size_0:
called_computation_lowered:
.L_overlay_start_0:
0x88: {  	s2 =	sld [smem:$0x3FD9]  }
0x89: {  	s3 =	sld [smem:$0x3FFE];
	_ =	sdelay $0x1  }
0x8a: {  	s1 =	srdreg.scid  }
0x8b: {  	s0 =	sand.u32 $0x1, s1  }
0x8c: {  	s17 =	sshll.u32 s0, $0xA;
	s2 =	sadd.s32 s3, s2  }
0x8d: {  	s2 =	sadd.s32 s2, s17  }
0x8e: {  	[smem:$0x3FBD] =	sst s2  }
0x8f: {  	_ = 	snop  }
0x90: {  	s2 =	sld [smem:$0x3FC6];
	(tm) =	ssettm $0x1  }
0x91: {  	s18 =	sld [smem:$0x3FFB];
	_ =	sdelay $0x3  }
0x92: {  	_ =	strace s18  }
0x93: {  	s3 =	sld [smem:$0x3FFC];
	_ =	sdelay $0x3  }
0x94: {  	_ =	strace s3  }
0x95: {  	s3 =	sld [smem:$0x3FFD];
	_ =	sdelay $0x3  }
0x96: {  	_ =	strace s3  }
0x97: {  	_ =	strace $0x8FFFFFFF  }
0x98: {  	s19 =	sld [smem:$0x3FDB];
	_ =	sdelay $0x1  }
0x99: {  	s4 =	simm.s32 $_scs_section_size  }
0x9a: {  	s5 =	simm.s32 $_size__tile_overlayer_lowered;
	s6 =	simm.s32 $_tile_overlayer_lowered  }
0x9b: {  	s22 =	simm.s32 $0x1BFF;
	s21 =	sshll.u32 s6, $0x1;
	s3 =	sadd.s32 s4, s19  }
0x9c: {  	s7 =	simm.s32 $0x0;
	s20 =	sshll.u32 s5, $0x1;
	s5 =	sadd.s32 s21, s3  }
0x9d: {  	[timem:s7], [sflag:s22] =	dma.local [hbm:s5], s20  }
0x9e: {  	_ =	swait.ge [sflag:s22], s20  }
0x9f: {  	s4 =	ssub.s32 $0x0, s20;
	[sflag:s22] =	ssyncset.done $0x0  }
0xa0: {  	[sflag:s22] =	ssyncadd.s32 s4;
	_ =	sdelay $0x1  }
0xa1: {  	s23 =	simm.s32 $0x1B8B  }
0xa2: {  	_ =	swait.ge [sflag:s23], $0x1  }
0xa3: {  	[sflag:s23] =	ssyncset.done $0x0  }
0xa4: {  	s25 =	simm.s32 $0x1B8E;
	s24 =	sld [smem:$0x3FFE];
	[sflag:s23] =	ssyncadd.s32 $0xFFFFFFFF  }
0xa5: {  	s26 =	simm.s32 $execute0_lowered;
	[smem:$0x3FD2] =	sst s25  }
0xa6: {  	s5 =	sshll.u32 s26, $0x1;
	_ =	strace $0x80000046;
	[dreg:$0x1] =	wrdreg $0xFFFFFFFF  }
0xa7: {  	s28 =	simm.s32 $_size_execute0_lowered;
	s3 =	sadd.s32 s3, s5;
	[dreg:$0x0] =	wrdreg $0x0  }
0xa8: {  	s5 =	sshll.u32 s28, $0x1;
	[dreg:$0x2] =	wrdreg s3  }
0xa9: {  	[dreg:$0x3] =	wrdreg s5  }
0xaa: {  	[dreg:$0x4] =	wrdreg $0xC0  }
0xab: {  	_ =	task [dreg:s7], $0x5FFFF  }
0xac: {  	[dreg:$0x1] =	wrdreg $0xFFFFFFFF  }
0xad: {  	[dreg:$0x0] =	wrdreg $0x60  }
0xae: {  	[dreg:$0x2] =	wrdreg s2  }
0xaf: {  	[dreg:$0x3] =	wrdreg s24  }
0xb0: {  	[dreg:$0x4] =	wrdreg $0x9  }
0xb1: {  	_ =	task.clear_ibuf [dreg:s7], $0x5FFFF;
	_ =	strace $0x90000046  }
0xb2: {  	s29 =	simm.s32 $0x9;
	_ =	strace $0x80000048  }
0xb3: {  	_ =	swait.ge [sflag:s29], $0x1  }
0xb4: {  	[sflag:s29] =	ssyncadd.s32 $0xFFFFFFFF  }
0xb5: {  	_ =	strace $0x90000048  }
0xb6: {  	_ =	sfence  }
0xb7: {  	s30 =	sld [smem:$0x0];
	_ =	sdelay $0x2  }
0xb8: {  	s31 =	sshll.u32 s1, $0xD;
	s1 =	sshrl.u32 s1, $0x2  }
0xb9: {  	s3 =	sand.u32 $0x4000, s31;
	s1 =	sadd.s32 s1, s30  }
0xba: {  	s0 =	sor.u32 s3, s0;
	s1 =	sshll.u32 s1, $0x11  }
0xbb: {  	s0 =	sor.u32 s1, s0  }
0xbc: {  	s0 =	sadd.s32 $0x8F2B, s0  }
0xbd: {  	[sflag:s0] =	ssyncadd.remote.s32 $0x1  }
0xbe: {  	_ =	sfence.sel $0xFFFF  }
0xbf: {  	[dreg:$0x0] =	wrdreg $0xFFFFFFFF;
	(pc) =	sbr.abs _section_cstart, $3  }
0xc0: {  	[dreg:$0x1] =	wrdreg $0xFFFFFFFF  }
0xc1: {  	_ =	task.clear_ibuf [dreg:s7], $0x2FFFF;
	_ =	strace $0x9FFFFFFF  }
0xc2: {  	(tm) =	ssettm $0x7FFFFFFF  }
0xc3: {  	_ =	shalt  }
tec
execute0_lowered:
.L_overlay_start_1:
0x0: {  	(tag) =	ssettag $0x1  }
0x1: {  	s1 =	srdreg.scid  }
0x2: {  	s0 =	stileid.u32;
	s2 =	rddreg [dreg:$0x0]  }
0x3: {  	s4 =	rddreg [dreg:$0x1];
	s8 =	simm.s32 $0x1180;
	s9 =	simm.s32 $0x1980  }
0x4: {  	s10 =	simm.s32 $0x2180;
	s11 =	simm.s32 $0x2980;
	s17 =	simm.s32 $0x8980  }
0x5: {  	s12 =	simm.s32 $0x3180;
	s18 =	simm.s32 $0x9180;
	s13 =	simm.s32 $0x3980  }
0x6: {  	s19 =	simm.s32 $0x9980;
	s14 =	simm.s32 $0x4180;
	s20 =	simm.s32 $0xA180  }
0x7: {  	s21 =	simm.s32 $0xA980;
	s1 =	sand.u32 $0x1, s1;
	s3 =	sshll.u32 s0, $0x1  }
0x8: {  	s22 =	simm.s32 $0xB180;
	s5 =	sor.u32 s1, s3;
	s3 =	simm.s32 $0x0  }
0x9: {  	s23 =	simm.s32 $0xB980;
	s24 =	simm.s32 $0xC180;
	[smem:$0x7FF] =	sst s3  }
0xa: {  	s25 =	simm.s32 $0xC980;
	_ =	strace $0x80000047;
	[dreg:$0x7] =	wrdreg s17  }
0xb: {  	s26 =	simm.s32 $0xD180;
	s28 =	simm.s32 $0xF980;
	[dreg:$0x8] =	wrdreg s18  }
0xc: {  	s29 =	simm.s32 $0x1;
	s30 =	simm.s32 $0x3;
	[dreg:$0x9] =	wrdreg s19  }
0xd: {  	s31 =	simm.s32 $0x2;
	s6 =	smul.u32 $0x30, s5;
	[dreg:$0xa] =	wrdreg s20  }
0xe: {  	s1 =	ssub.s32 $0x2, s1;
	s7 =	smul.u32 $0x18000, s5;
	[dreg:$0xb] =	wrdreg s21  }
0xf: {  	s5 =	smul.u32 $0x3000, s5;
	s16 =	sshrl.u32 s1, $0x1;
	[dreg:$0xc] =	wrdreg s22  }
0x10: {  	s1 =	ssub.s32 s1, s16;
	s16 =	simm.s32 $0x5180;
	[dreg:$0xd] =	wrdreg s23  }
0x11: {  	s17 =	simm.s32 $0x5980;
	s18 =	simm.s32 $0x6180;
	[dreg:$0xe] =	wrdreg s24  }
0x12: {  	s19 =	simm.s32 $0x6980;
	s20 =	simm.s32 $0x7180;
	[dreg:$0xf] =	wrdreg s25  }
0x13: {  	s21 =	simm.s32 $0x7980;
	s22 =	simm.s32 $0x8180;
	[dreg:$0x10] =	wrdreg s26  }
0x14: {  	s24 =	simm.s32 $0xE180;
	s25 =	simm.s32 $0xE980;
	s6 =	sadd.s32 s6, s4  }
0x15: {  	s4 =	sadd.s32 $0x1E00, s4;
	s7 =	sshrl.u32 s7, $0x3;
	s6 =	sadd.s32 $0x1800, s6  }
0x16: {  	s5 =	sadd.s32 s4, s5;
	s4 =	sadd.s32 s4, s7;
	[dreg:$0x3] =	wrdreg s6  }
0x17: {  	s26 =	simm.s32 $0xF180;
	[dreg:$0x4] =	wrdreg s5;
	s15 =	sadd.s32 $0x1000, s4  }
0x18: {  	v2 =	vlaneseq.u32;
	s7 =	simm.s32 $0x980;
	s4 =	sadd.s32 $0x2000, s4;
	[dreg:$0x5] =	wrdreg s15  }
0x19: {  	vm0 =	vmmov $0xffff;
	v1 =	vshrl.u32 v2, $0x3;
	s5 =	simm.s32 $0x5;
	s6 =	simm.s32 $0x180;
	[dreg:$0x6] =	wrdreg s4  }
0x1a: {  	v0 =	vand.u32 $0x7, v2;
	v2 =	vor.u32 $0x8, v2;
	v1 =	vmul.u32 $0x8, v1;
	s4 =	smax.u32 s1, $0x1;
	s15 =	simm.s32 $0x4980;
	s1 =	simm.s32 $0x4  }
.LBB2_1:
0x1b: {  	s0 =	rddreg [dreg:$0x3]  }
0x1c: {  	[tilespmem:s3], [sflag:$0x5] =	stream.linear.gather [hbm4b:s0+s3], $0x180, $0x38;
	[tilespmem:$0x10180] =	vst v63  }
0x1d: {  	_ =	swait.ge [sflag:s5], $0x180  }
0x1e: {  	[sflag:s5] =	ssyncset.done $0x0  }
0x1f: {  	[sflag:s5] =	ssyncadd.s32 $0xFFFFFE80  }
0x20: {  	v3 =	vld [tilespmem:$0x0];
	_ =	sdelay $0x4  }
0x21: {  	v4 =	vshll.u32 v3, $0x1  }
0x22: {  	v3 =	vand.u32 $0x7, v3;
	v4 =	vand.u32 $0xFFFFFFF0, v4  }
0x23: {  	v3 =	vor.u32 v3, v4  }
0x24: {  	v4 =	vperm.xlane v3, v0;
	_ =	sdelay $0x1  }
0x25: {  	v3 =	vperm.xlane v3, v2;
	v4 =	vadd.s32 v1, v4;
	_ =	sdelay $0x1  }
0x26: {  	v3 =	vadd.s32 v1, v3;
	_ =	sdelay $0x2  }
0x27: {  	[tilespmem:s6], [sflag:$0x1] =	stream.indirect_vreg.gather [hbm4b:s2+s3], $0x80, v4, vm0, $0xb8;
	[tilespmem:$0x10180] =	vst v63  }
0x28: {  	_ = 	snop  }
0x29: {  	[tilespmem:s7], [sflag:$0x1] =	stream.indirect_vreg.gather [hbm4b:s2+s3], $0x80, v3, vm0, $0xb8;
	[tilespmem:$0x10180] =	vst v63  }
0x2a: {  	v3 =	vld [tilespmem:$0x10];
	_ =	sdelay $0x4  }
0x2b: {  	v41 =	vshll.u32 v3, $0x1  }
0x2c: {  	v3 =	vand.u32 $0x7, v3;
	v4 =	vand.u32 $0xFFFFFFF0, v41  }
0x2d: {  	v3 =	vor.u32 v3, v4  }
0x2e: {  	v4 =	vperm.xlane v3, v0;
	_ =	sdelay $0x1  }
0x2f: {  	v3 =	vperm.xlane v3, v2;
	v4 =	vadd.s32 v1, v4;
	_ =	sdelay $0x1  }
0x30: {  	v3 =	vadd.s32 v1, v3;
	_ =	sdelay $0x2  }
0x31: {  	[tilespmem:s8], [sflag:$0x1] =	stream.indirect_vreg.gather [hbm4b:s2+s3], $0x80, v4, vm0, $0xb8;
	[tilespmem:$0x10180] =	vst v63  }
0x32: {  	_ = 	snop  }
0x33: {  	[tilespmem:s9], [sflag:$0x1] =	stream.indirect_vreg.gather [hbm4b:s2+s3], $0x80, v3, vm0, $0xb8;
	[tilespmem:$0x10180] =	vst v63  }
0x34: {  	v3 =	vld [tilespmem:$0x20];
	_ =	sdelay $0x4  }
0x35: {  	v42 =	vshll.u32 v3, $0x1  }
0x36: {  	v3 =	vand.u32 $0x7, v3;
	v4 =	vand.u32 $0xFFFFFFF0, v42  }
0x37: {  	v3 =	vor.u32 v3, v4  }
0x38: {  	v4 =	vperm.xlane v3, v0;
	_ =	sdelay $0x1  }
0x39: {  	v3 =	vperm.xlane v3, v2;
	v4 =	vadd.s32 v1, v4;
	_ =	sdelay $0x1  }
0x3a: {  	v3 =	vadd.s32 v1, v3;
	_ =	sdelay $0x2  }
0x3b: {  	[tilespmem:s10], [sflag:$0x1] =	stream.indirect_vreg.gather [hbm4b:s2+s3], $0x80, v4, vm0, $0xb8;
	[tilespmem:$0x10180] =	vst v63  }
0x3c: {  	_ = 	snop  }
0x3d: {  	[tilespmem:s11], [sflag:$0x1] =	stream.indirect_vreg.gather [hbm4b:s2+s3], $0x80, v3, vm0, $0xb8;
	[tilespmem:$0x10180] =	vst v63  }
0x3e: {  	v3 =	vld [tilespmem:$0x30];
	_ =	sdelay $0x4  }
0x3f: {  	v43 =	vshll.u32 v3, $0x1  }
0x40: {  	v3 =	vand.u32 $0x7, v3;
	v4 =	vand.u32 $0xFFFFFFF0, v43  }
0x41: {  	v3 =	vor.u32 v3, v4  }
0x42: {  	v4 =	vperm.xlane v3, v0;
	_ =	sdelay $0x1  }
0x43: {  	v3 =	vperm.xlane v3, v2;
	v4 =	vadd.s32 v1, v4;
	_ =	sdelay $0x1  }
0x44: {  	v3 =	vadd.s32 v1, v3;
	_ =	sdelay $0x2  }
0x45: {  	[tilespmem:s12], [sflag:$0x1] =	stream.indirect_vreg.gather [hbm4b:s2+s3], $0x80, v4, vm0, $0xb8;
	[tilespmem:$0x10180] =	vst v63  }
0x46: {  	_ = 	snop  }
0x47: {  	[tilespmem:s13], [sflag:$0x1] =	stream.indirect_vreg.gather [hbm4b:s2+s3], $0x80, v3, vm0, $0xb8;
	[tilespmem:$0x10180] =	vst v63  }
0x48: {  	v3 =	vld [tilespmem:$0x40];
	_ =	sdelay $0x4  }
0x49: {  	v44 =	vshll.u32 v3, $0x1  }
0x4a: {  	v3 =	vand.u32 $0x7, v3;
	v4 =	vand.u32 $0xFFFFFFF0, v44  }
0x4b: {  	v3 =	vor.u32 v3, v4  }
0x4c: {  	v4 =	vperm.xlane v3, v0;
	_ =	sdelay $0x1  }
0x4d: {  	v3 =	vperm.xlane v3, v2;
	v4 =	vadd.s32 v1, v4;
	_ =	sdelay $0x1  }
0x4e: {  	v3 =	vadd.s32 v1, v3;
	_ =	sdelay $0x2  }
0x4f: {  	[tilespmem:s14], [sflag:$0x1] =	stream.indirect_vreg.gather [hbm4b:s2+s3], $0x80, v4, vm0, $0xb8;
	[tilespmem:$0x10180] =	vst v63  }
0x50: {  	_ = 	snop  }
0x51: {  	[tilespmem:s15], [sflag:$0x1] =	stream.indirect_vreg.gather [hbm4b:s2+s3], $0x80, v3, vm0, $0xb8;
	[tilespmem:$0x10180] =	vst v63  }
0x52: {  	v3 =	vld [tilespmem:$0x50];
	_ =	sdelay $0x4  }
0x53: {  	v45 =	vshll.u32 v3, $0x1  }
0x54: {  	v3 =	vand.u32 $0x7, v3;
	v4 =	vand.u32 $0xFFFFFFF0, v45  }
0x55: {  	v3 =	vor.u32 v3, v4  }
0x56: {  	v4 =	vperm.xlane v3, v0;
	_ =	sdelay $0x1  }
0x57: {  	v3 =	vperm.xlane v3, v2;
	v4 =	vadd.s32 v1, v4;
	_ =	sdelay $0x1  }
0x58: {  	v3 =	vadd.s32 v1, v3;
	_ =	sdelay $0x2  }
0x59: {  	[tilespmem:s16], [sflag:$0x1] =	stream.indirect_vreg.gather [hbm4b:s2+s3], $0x80, v4, vm0, $0xb8;
	[tilespmem:$0x10180] =	vst v63  }
0x5a: {  	_ = 	snop  }
0x5b: {  	[tilespmem:s17], [sflag:$0x1] =	stream.indirect_vreg.gather [hbm4b:s2+s3], $0x80, v3, vm0, $0xb8;
	[tilespmem:$0x10180] =	vst v63  }
0x5c: {  	v3 =	vld [tilespmem:$0x60];
	_ =	sdelay $0x4  }
0x5d: {  	v46 =	vshll.u32 v3, $0x1  }
0x5e: {  	v3 =	vand.u32 $0x7, v3;
	v4 =	vand.u32 $0xFFFFFFF0, v46  }
0x5f: {  	v3 =	vor.u32 v3, v4  }
0x60: {  	v4 =	vperm.xlane v3, v0;
	_ =	sdelay $0x1  }
0x61: {  	v3 =	vperm.xlane v3, v2;
	v4 =	vadd.s32 v1, v4;
	_ =	sdelay $0x1  }
0x62: {  	v3 =	vadd.s32 v1, v3;
	_ =	sdelay $0x2  }
0x63: {  	[tilespmem:s18], [sflag:$0x1] =	stream.indirect_vreg.gather [hbm4b:s2+s3], $0x80, v4, vm0, $0xb8;
	[tilespmem:$0x10180] =	vst v63  }
0x64: {  	_ = 	snop  }
0x65: {  	[tilespmem:s19], [sflag:$0x1] =	stream.indirect_vreg.gather [hbm4b:s2+s3], $0x80, v3, vm0, $0xb8;
	[tilespmem:$0x10180] =	vst v63  }
0x66: {  	v3 =	vld [tilespmem:$0x70];
	_ =	sdelay $0x4  }
0x67: {  	v47 =	vshll.u32 v3, $0x1  }
0x68: {  	v3 =	vand.u32 $0x7, v3;
	v4 =	vand.u32 $0xFFFFFFF0, v47  }
0x69: {  	v3 =	vor.u32 v3, v4  }
0x6a: {  	v4 =	vperm.xlane v3, v0;
	_ =	sdelay $0x1  }
0x6b: {  	v3 =	vperm.xlane v3, v2;
	v4 =	vadd.s32 v1, v4;
	_ =	sdelay $0x1  }
0x6c: {  	v3 =	vadd.s32 v1, v3;
	_ =	sdelay $0x2  }
0x6d: {  	[tilespmem:s20], [sflag:$0x1] =	stream.indirect_vreg.gather [hbm4b:s2+s3], $0x80, v4, vm0, $0xb8;
	[tilespmem:$0x10180] =	vst v63  }
0x6e: {  	_ = 	snop  }
0x6f: {  	[tilespmem:s21], [sflag:$0x1] =	stream.indirect_vreg.gather [hbm4b:s2+s3], $0x80, v3, vm0, $0xb8;
	[tilespmem:$0x10180] =	vst v63  }
0x70: {  	v3 =	vld [tilespmem:$0x80];
	_ =	sdelay $0x4  }
0x71: {  	v48 =	vshll.u32 v3, $0x1  }
0x72: {  	v3 =	vand.u32 $0x7, v3;
	v4 =	vand.u32 $0xFFFFFFF0, v48  }
0x73: {  	v3 =	vor.u32 v3, v4  }
0x74: {  	v4 =	vperm.xlane v3, v0;
	_ =	sdelay $0x1  }
0x75: {  	v3 =	vperm.xlane v3, v2;
	v4 =	vadd.s32 v1, v4;
	_ =	sdelay $0x1  }
0x76: {  	v3 =	vadd.s32 v1, v3;
	_ =	sdelay $0x2  }
0x77: {  	[tilespmem:s22], [sflag:$0x2] =	stream.indirect_vreg.gather [hbm4b:s2+s3], $0x80, v4, vm0, $0xb8;
	[tilespmem:$0x10180] =	vst v63  }
0x78: {  	s23 =	rddreg [dreg:$0x7]  }
0x79: {  	[tilespmem:s23], [sflag:$0x2] =	stream.indirect_vreg.gather [hbm4b:s2+s3], $0x80, v3, vm0, $0xb8;
	[tilespmem:$0x10180] =	vst v63  }
0x7a: {  	v3 =	vld [tilespmem:$0x90];
	_ =	sdelay $0x4  }
0x7b: {  	v49 =	vshll.u32 v3, $0x1  }
0x7c: {  	v3 =	vand.u32 $0x7, v3;
	v4 =	vand.u32 $0xFFFFFFF0, v49  }
0x7d: {  	v3 =	vor.u32 v3, v4  }
0x7e: {  	v4 =	vperm.xlane v3, v0;
	_ =	sdelay $0x1  }
0x7f: {  	v3 =	vperm.xlane v3, v2;
	v4 =	vadd.s32 v1, v4;
	_ =	sdelay $0x1  }
0x80: {  	v3 =	vadd.s32 v1, v3;
	_ =	sdelay $0x1  }
0x81: {  	s0 =	rddreg [dreg:$0x8]  }
0x82: {  	[tilespmem:s0], [sflag:$0x2] =	stream.indirect_vreg.gather [hbm4b:s2+s3], $0x80, v4, vm0, $0xb8;
	[tilespmem:$0x10180] =	vst v63  }
0x83: {  	s23 =	rddreg [dreg:$0x9]  }
0x84: {  	[tilespmem:s23], [sflag:$0x2] =	stream.indirect_vreg.gather [hbm4b:s2+s3], $0x80, v3, vm0, $0xb8;
	[tilespmem:$0x10180] =	vst v63  }
0x85: {  	v3 =	vld [tilespmem:$0xA0];
	_ =	sdelay $0x4  }
0x86: {  	v50 =	vshll.u32 v3, $0x1  }
0x87: {  	v3 =	vand.u32 $0x7, v3;
	v4 =	vand.u32 $0xFFFFFFF0, v50  }
0x88: {  	v3 =	vor.u32 v3, v4  }
0x89: {  	v4 =	vperm.xlane v3, v0;
	_ =	sdelay $0x1  }
0x8a: {  	v3 =	vperm.xlane v3, v2;
	v4 =	vadd.s32 v1, v4;
	_ =	sdelay $0x1  }
0x8b: {  	v3 =	vadd.s32 v1, v3;
	_ =	sdelay $0x1  }
0x8c: {  	s0 =	rddreg [dreg:$0xa]  }
0x8d: {  	[tilespmem:s0], [sflag:$0x2] =	stream.indirect_vreg.gather [hbm4b:s2+s3], $0x80, v4, vm0, $0xb8;
	[tilespmem:$0x10180] =	vst v63  }
0x8e: {  	s23 =	rddreg [dreg:$0xb]  }
0x8f: {  	[tilespmem:s23], [sflag:$0x2] =	stream.indirect_vreg.gather [hbm4b:s2+s3], $0x80, v3, vm0, $0xb8;
	[tilespmem:$0x10180] =	vst v63  }
0x90: {  	v3 =	vld [tilespmem:$0xB0];
	_ =	sdelay $0x4  }
0x91: {  	v51 =	vshll.u32 v3, $0x1  }
0x92: {  	v3 =	vand.u32 $0x7, v3;
	v4 =	vand.u32 $0xFFFFFFF0, v51  }
0x93: {  	v3 =	vor.u32 v3, v4  }
0x94: {  	v4 =	vperm.xlane v3, v0;
	_ =	sdelay $0x1  }
0x95: {  	v3 =	vperm.xlane v3, v2;
	v4 =	vadd.s32 v1, v4;
	_ =	sdelay $0x1  }
0x96: {  	v3 =	vadd.s32 v1, v3;
	_ =	sdelay $0x1  }
0x97: {  	s0 =	rddreg [dreg:$0xc]  }
0x98: {  	[tilespmem:s0], [sflag:$0x2] =	stream.indirect_vreg.gather [hbm4b:s2+s3], $0x80, v4, vm0, $0xb8;
	[tilespmem:$0x10180] =	vst v63  }
0x99: {  	s23 =	rddreg [dreg:$0xd]  }
0x9a: {  	[tilespmem:s23], [sflag:$0x2] =	stream.indirect_vreg.gather [hbm4b:s2+s3], $0x80, v3, vm0, $0xb8;
	[tilespmem:$0x10180] =	vst v63  }
0x9b: {  	v3 =	vld [tilespmem:$0xC0];
	_ =	sdelay $0x4  }
0x9c: {  	v52 =	vshll.u32 v3, $0x1  }
0x9d: {  	v3 =	vand.u32 $0x7, v3;
	v4 =	vand.u32 $0xFFFFFFF0, v52  }
0x9e: {  	v3 =	vor.u32 v3, v4  }
0x9f: {  	v4 =	vperm.xlane v3, v0;
	_ =	sdelay $0x1  }
0xa0: {  	v3 =	vperm.xlane v3, v2;
	v4 =	vadd.s32 v1, v4;
	_ =	sdelay $0x1  }
0xa1: {  	v3 =	vadd.s32 v1, v3;
	_ =	sdelay $0x1  }
0xa2: {  	s0 =	rddreg [dreg:$0xe]  }
0xa3: {  	[tilespmem:s0], [sflag:$0x2] =	stream.indirect_vreg.gather [hbm4b:s2+s3], $0x80, v4, vm0, $0xb8;
	[tilespmem:$0x10180] =	vst v63  }
0xa4: {  	s23 =	rddreg [dreg:$0xf]  }
0xa5: {  	[tilespmem:s23], [sflag:$0x2] =	stream.indirect_vreg.gather [hbm4b:s2+s3], $0x80, v3, vm0, $0xb8;
	[tilespmem:$0x10180] =	vst v63  }
0xa6: {  	v3 =	vld [tilespmem:$0xD0];
	_ =	sdelay $0x4  }
0xa7: {  	v53 =	vshll.u32 v3, $0x1  }
0xa8: {  	v3 =	vand.u32 $0x7, v3;
	v4 =	vand.u32 $0xFFFFFFF0, v53  }
0xa9: {  	v3 =	vor.u32 v3, v4  }
0xaa: {  	v4 =	vperm.xlane v3, v0;
	_ =	sdelay $0x1  }
0xab: {  	v3 =	vperm.xlane v3, v2;
	v4 =	vadd.s32 v1, v4;
	_ =	sdelay $0x1  }
0xac: {  	v3 =	vadd.s32 v1, v3;
	_ =	sdelay $0x1  }
0xad: {  	s23 =	rddreg [dreg:$0x10]  }
0xae: {  	[tilespmem:s23], [sflag:$0x2] =	stream.indirect_vreg.gather [hbm4b:s2+s3], $0x80, v4, vm0, $0xb8;
	[tilespmem:$0x10180] =	vst v63  }
0xaf: {  	s23 =	simm.s32 $0xD980  }
0xb0: {  	[tilespmem:s23], [sflag:$0x2] =	stream.indirect_vreg.gather [hbm4b:s2+s3], $0x80, v3, vm0, $0xb8;
	[tilespmem:$0x10180] =	vst v63  }
0xb1: {  	v3 =	vld [tilespmem:$0xE0];
	_ =	sdelay $0x4  }
0xb2: {  	v54 =	vshll.u32 v3, $0x1  }
0xb3: {  	v3 =	vand.u32 $0x7, v3;
	v4 =	vand.u32 $0xFFFFFFF0, v54  }
0xb4: {  	v3 =	vor.u32 v3, v4  }
0xb5: {  	v4 =	vperm.xlane v3, v0;
	_ =	sdelay $0x1  }
0xb6: {  	v3 =	vperm.xlane v3, v2;
	v4 =	vadd.s32 v1, v4;
	_ =	sdelay $0x1  }
0xb7: {  	v3 =	vadd.s32 v1, v3;
	_ =	sdelay $0x2  }
0xb8: {  	[tilespmem:s24], [sflag:$0x2] =	stream.indirect_vreg.gather [hbm4b:s2+s3], $0x80, v4, vm0, $0xb8;
	[tilespmem:$0x10180] =	vst v63  }
0xb9: {  	_ = 	snop  }
0xba: {  	[tilespmem:s25], [sflag:$0x2] =	stream.indirect_vreg.gather [hbm4b:s2+s3], $0x80, v3, vm0, $0xb8;
	[tilespmem:$0x10180] =	vst v63  }
0xbb: {  	v3 =	vld [tilespmem:$0xF0];
	_ =	sdelay $0x4  }
0xbc: {  	v55 =	vshll.u32 v3, $0x1  }
0xbd: {  	v3 =	vand.u32 $0x7, v3;
	v4 =	vand.u32 $0xFFFFFFF0, v55  }
0xbe: {  	v3 =	vor.u32 v3, v4  }
0xbf: {  	v4 =	vperm.xlane v3, v0;
	_ =	sdelay $0x1  }
0xc0: {  	v3 =	vperm.xlane v3, v2;
	v4 =	vadd.s32 v1, v4;
	_ =	sdelay $0x1  }
0xc1: {  	v3 =	vadd.s32 v1, v3;
	_ =	sdelay $0x2  }
0xc2: {  	[tilespmem:s26], [sflag:$0x2] =	stream.indirect_vreg.gather [hbm4b:s2+s3], $0x80, v4, vm0, $0xb8;
	[tilespmem:$0x10180] =	vst v63  }
0xc3: {  	_ = 	snop  }
0xc4: {  	[tilespmem:s28], [sflag:$0x2] =	stream.indirect_vreg.gather [hbm4b:s2+s3], $0x80, v3, vm0, $0xb8;
	[tilespmem:$0x10180] =	vst v63  }
0xc5: {  	_ =	swait.ge [sflag:s29], $0x8000  }
0xc6: {  	[sflag:s29] =	ssyncset.done $0x0  }
0xc7: {  	s23 =	rddreg [dreg:$0x4];
	[sflag:s29] =	ssyncadd.s32 $0xFFFF8000  }
0xc8: {  	[hbm4b:s23+s3] =	stream.linear.scatter [tilespmem:s6], [sflag:$0x3], $0x8000, $0x38;
	[tilespmem:$0x10180] =	vst v63  }
0xc9: {  	_ =	swait.ge [sflag:s30], $0x8000  }
0xca: {  	[sflag:s30] =	ssyncset.done $0x0  }
0xcb: {  	[sflag:s30] =	ssyncadd.s32 $0xFFFF8000  }
0xcc: {  	v3 =	vld [tilespmem:$0x100];
	_ =	sdelay $0x4  }
0xcd: {  	v56 =	vshll.u32 v3, $0x1  }
0xce: {  	v3 =	vand.u32 $0x7, v3;
	v4 =	vand.u32 $0xFFFFFFF0, v56  }
0xcf: {  	v3 =	vor.u32 v3, v4  }
0xd0: {  	v4 =	vperm.xlane v3, v0;
	_ =	sdelay $0x1  }
0xd1: {  	v3 =	vperm.xlane v3, v2;
	v4 =	vadd.s32 v1, v4;
	_ =	sdelay $0x1  }
0xd2: {  	v3 =	vadd.s32 v1, v3;
	_ =	sdelay $0x2  }
0xd3: {  	[tilespmem:s6], [sflag:$0x1] =	stream.indirect_vreg.gather [hbm4b:s2+s3], $0x80, v4, vm0, $0xb8;
	[tilespmem:$0x10180] =	vst v63  }
0xd4: {  	_ = 	snop  }
0xd5: {  	[tilespmem:s7], [sflag:$0x1] =	stream.indirect_vreg.gather [hbm4b:s2+s3], $0x80, v3, vm0, $0xb8;
	[tilespmem:$0x10180] =	vst v63  }
0xd6: {  	v3 =	vld [tilespmem:$0x110];
	_ =	sdelay $0x4  }
0xd7: {  	v57 =	vshll.u32 v3, $0x1  }
0xd8: {  	v3 =	vand.u32 $0x7, v3;
	v4 =	vand.u32 $0xFFFFFFF0, v57  }
0xd9: {  	v3 =	vor.u32 v3, v4  }
0xda: {  	v4 =	vperm.xlane v3, v0;
	_ =	sdelay $0x1  }
0xdb: {  	v3 =	vperm.xlane v3, v2;
	v4 =	vadd.s32 v1, v4;
	_ =	sdelay $0x1  }
0xdc: {  	v3 =	vadd.s32 v1, v3;
	_ =	sdelay $0x2  }
0xdd: {  	[tilespmem:s8], [sflag:$0x1] =	stream.indirect_vreg.gather [hbm4b:s2+s3], $0x80, v4, vm0, $0xb8;
	[tilespmem:$0x10180] =	vst v63  }
0xde: {  	_ = 	snop  }
0xdf: {  	[tilespmem:s9], [sflag:$0x1] =	stream.indirect_vreg.gather [hbm4b:s2+s3], $0x80, v3, vm0, $0xb8;
	[tilespmem:$0x10180] =	vst v63  }
0xe0: {  	v3 =	vld [tilespmem:$0x120];
	_ =	sdelay $0x4  }
0xe1: {  	v58 =	vshll.u32 v3, $0x1  }
0xe2: {  	v3 =	vand.u32 $0x7, v3;
	v4 =	vand.u32 $0xFFFFFFF0, v58  }
0xe3: {  	v3 =	vor.u32 v3, v4  }
0xe4: {  	v4 =	vperm.xlane v3, v0;
	_ =	sdelay $0x1  }
0xe5: {  	v3 =	vperm.xlane v3, v2;
	v4 =	vadd.s32 v1, v4;
	_ =	sdelay $0x1  }
0xe6: {  	v3 =	vadd.s32 v1, v3;
	_ =	sdelay $0x2  }
0xe7: {  	[tilespmem:s10], [sflag:$0x1] =	stream.indirect_vreg.gather [hbm4b:s2+s3], $0x80, v4, vm0, $0xb8;
	[tilespmem:$0x10180] =	vst v63  }
0xe8: {  	_ = 	snop  }
0xe9: {  	[tilespmem:s11], [sflag:$0x1] =	stream.indirect_vreg.gather [hbm4b:s2+s3], $0x80, v3, vm0, $0xb8;
	[tilespmem:$0x10180] =	vst v63  }
0xea: {  	v3 =	vld [tilespmem:$0x130];
	_ =	sdelay $0x4  }
0xeb: {  	v59 =	vshll.u32 v3, $0x1  }
0xec: {  	v3 =	vand.u32 $0x7, v3;
	v4 =	vand.u32 $0xFFFFFFF0, v59  }
0xed: {  	v3 =	vor.u32 v3, v4  }
0xee: {  	v4 =	vperm.xlane v3, v0;
	_ =	sdelay $0x1  }
0xef: {  	v3 =	vperm.xlane v3, v2;
	v4 =	vadd.s32 v1, v4;
	_ =	sdelay $0x1  }
0xf0: {  	v3 =	vadd.s32 v1, v3;
	_ =	sdelay $0x2  }
0xf1: {  	[tilespmem:s12], [sflag:$0x1] =	stream.indirect_vreg.gather [hbm4b:s2+s3], $0x80, v4, vm0, $0xb8;
	[tilespmem:$0x10180] =	vst v63  }
0xf2: {  	_ = 	snop  }
0xf3: {  	[tilespmem:s13], [sflag:$0x1] =	stream.indirect_vreg.gather [hbm4b:s2+s3], $0x80, v3, vm0, $0xb8;
	[tilespmem:$0x10180] =	vst v63  }
0xf4: {  	v3 =	vld [tilespmem:$0x140];
	_ =	sdelay $0x4  }
0xf5: {  	v60 =	vshll.u32 v3, $0x1  }
0xf6: {  	v3 =	vand.u32 $0x7, v3;
	v4 =	vand.u32 $0xFFFFFFF0, v60  }
0xf7: {  	v3 =	vor.u32 v3, v4  }
0xf8: {  	v4 =	vperm.xlane v3, v0;
	_ =	sdelay $0x1  }
0xf9: {  	v3 =	vperm.xlane v3, v2;
	v4 =	vadd.s32 v1, v4;
	_ =	sdelay $0x1  }
0xfa: {  	v3 =	vadd.s32 v1, v3;
	_ =	sdelay $0x2  }
0xfb: {  	[tilespmem:s14], [sflag:$0x1] =	stream.indirect_vreg.gather [hbm4b:s2+s3], $0x80, v4, vm0, $0xb8;
	[tilespmem:$0x10180] =	vst v63  }
0xfc: {  	_ = 	snop  }
0xfd: {  	[tilespmem:s15], [sflag:$0x1] =	stream.indirect_vreg.gather [hbm4b:s2+s3], $0x80, v3, vm0, $0xb8;
	[tilespmem:$0x10180] =	vst v63  }
0xfe: {  	v3 =	vld [tilespmem:$0x150];
	_ =	sdelay $0x4  }
0xff: {  	v61 =	vshll.u32 v3, $0x1  }
0x100: {  	v3 =	vand.u32 $0x7, v3;
	v4 =	vand.u32 $0xFFFFFFF0, v61  }
0x101: {  	v3 =	vor.u32 v3, v4  }
0x102: {  	v4 =	vperm.xlane v3, v0;
	_ =	sdelay $0x1  }
0x103: {  	v3 =	vperm.xlane v3, v2;
	v4 =	vadd.s32 v1, v4;
	_ =	sdelay $0x1  }
0x104: {  	v3 =	vadd.s32 v1, v3;
	_ =	sdelay $0x2  }
0x105: {  	[tilespmem:s16], [sflag:$0x1] =	stream.indirect_vreg.gather [hbm4b:s2+s3], $0x80, v4, vm0, $0xb8;
	[tilespmem:$0x10180] =	vst v63  }
0x106: {  	_ = 	snop  }
0x107: {  	[tilespmem:s17], [sflag:$0x1] =	stream.indirect_vreg.gather [hbm4b:s2+s3], $0x80, v3, vm0, $0xb8;
	[tilespmem:$0x10180] =	vst v63  }
0x108: {  	v3 =	vld [tilespmem:$0x160];
	_ =	sdelay $0x4  }
0x109: {  	v62 =	vshll.u32 v3, $0x1  }
0x10a: {  	v3 =	vand.u32 $0x7, v3;
	v4 =	vand.u32 $0xFFFFFFF0, v62  }
0x10b: {  	v3 =	vor.u32 v3, v4  }
0x10c: {  	v4 =	vperm.xlane v3, v0;
	_ =	sdelay $0x1  }
0x10d: {  	v3 =	vperm.xlane v3, v2;
	v4 =	vadd.s32 v1, v4;
	_ =	sdelay $0x1  }
0x10e: {  	v3 =	vadd.s32 v1, v3;
	_ =	sdelay $0x2  }
0x10f: {  	[tilespmem:s18], [sflag:$0x1] =	stream.indirect_vreg.gather [hbm4b:s2+s3], $0x80, v4, vm0, $0xb8;
	[tilespmem:$0x10180] =	vst v63  }
0x110: {  	_ = 	snop  }
0x111: {  	[tilespmem:s19], [sflag:$0x1] =	stream.indirect_vreg.gather [hbm4b:s2+s3], $0x80, v3, vm0, $0xb8;
	[tilespmem:$0x10180] =	vst v63  }
0x112: {  	v3 =	vld [tilespmem:$0x170];
	_ =	sdelay $0x4  }
0x113: {  	v63 =	vshll.u32 v3, $0x1  }
0x114: {  	v3 =	vand.u32 $0x7, v3;
	v4 =	vand.u32 $0xFFFFFFF0, v63  }
0x115: {  	v3 =	vor.u32 v3, v4  }
0x116: {  	v4 =	vperm.xlane v3, v0;
	_ =	sdelay $0x1  }
0x117: {  	v3 =	vperm.xlane v3, v2;
	v4 =	vadd.s32 v1, v4;
	_ =	sdelay $0x1  }
0x118: {  	v3 =	vadd.s32 v1, v3;
	_ =	sdelay $0x2  }
0x119: {  	[tilespmem:s20], [sflag:$0x1] =	stream.indirect_vreg.gather [hbm4b:s2+s3], $0x80, v4, vm0, $0xb8;
	[tilespmem:$0x10180] =	vst v63  }
0x11a: {  	_ = 	snop  }
0x11b: {  	[tilespmem:s21], [sflag:$0x1] =	stream.indirect_vreg.gather [hbm4b:s2+s3], $0x80, v3, vm0, $0xb8;
	[tilespmem:$0x10180] =	vst v63  }
0x11c: {  	_ =	swait.ge [sflag:s31], $0x8000  }
0x11d: {  	[sflag:s31] =	ssyncset.done $0x0  }
0x11e: {  	s23 =	rddreg [dreg:$0x5];
	[sflag:s31] =	ssyncadd.s32 $0xFFFF8000  }
0x11f: {  	[hbm4b:s23+s3] =	stream.linear.scatter [tilespmem:s22], [sflag:$0x4], $0x8000, $0x38;
	[tilespmem:$0x10180] =	vst v63  }
0x120: {  	_ =	swait.ge [sflag:s29], $0x8000  }
0x121: {  	[sflag:s29] =	ssyncset.done $0x0  }
0x122: {  	s23 =	rddreg [dreg:$0x6];
	[sflag:s29] =	ssyncadd.s32 $0xFFFF8000  }
0x123: {  	[hbm4b:s23+s3] =	stream.linear.scatter [tilespmem:s6], [sflag:$0x3], $0x8000, $0x38;
	[tilespmem:$0x10180] =	vst v63  }
0x124: {  	p0 =	sne.s32 s4, $0x1;
	_ =	swait.ge [sflag:s30], $0x8000  }
.Ltmp0:
0x125: {  	[sflag:s30] =	ssyncset.done $0x0;
	(pc) =	sbr.rel @p0 .LBB2_1-.Ltmp0, $4  }
0x126: {  	[sflag:s30] =	ssyncadd.s32 $0xFFFF8000  }
0x127: {  	_ =	swait.ge [sflag:s1], $0x8000  }
0x128: {  	[sflag:s1] =	ssyncset.done $0x0  }
0x129: {  	s4 =	sadd.s32 $0xFFFFFFFF, s4;
	[sflag:s1] =	ssyncadd.s32 $0xFFFF8000  }
0x12a: {  	_ =	sfence.sel $0x180000  }
0x12b: {  	[bflag:$0x0] =	sbarrier.arrive $0xFFFF  }
0x12c: {  	_ =	strace $0x90000047  }
0x12d: {  	s0 =	stileid.u32;
	[bflag:$0x2] =	sbarrier.arrive $0xFFFF  }
0x12e: {  	p0 =	sne.s32 s0, $0x0;
	s0 =	rddreg [dreg:$0x2]  }
0x12f: {  	s0 =	sadd.s32 @!p0 $0x100000, s0  }
0x130: {  	[sflag:s0] =	ssyncadd.tile.s32 @!p0 $0x1;
	_ =	shalt  }
.Lfunc_end2:
_tile_overlayer_lowered:
.L_overlay_start_2:
0x131: {  	(tag) =	ssettag $0x2  }
0x132: {  	s0 =	rddreg [dreg:$0x0];
	s2 =	stileid.u32  }
0x133: {  	s1 =	rddreg [dreg:$0x1];
	p0 =	sne.s32 s2, $0x0  }
0x134: {  	s3 =	rddreg [dreg:$0x2];
	[bflag:$0x3] =	sbarrier.arrive $0xFFFF;
	s2 =	simm.s32 @!p0 $0x1C05  }
0x135: {  	[timem:s3], [sflag:s2] =	dma.local @!p0 [hbm:s0], s1  }
0x136: {  	s0 =	simm.s32 @!p0 $0x5  }
0x137: {  	_ =	swait.ge @!p0 [sflag:s0], s1  }
0x138: {  	s1 =	ssub.s32 @!p0 $0x0, s1;
	[sflag:s0] =	ssyncset.done @!p0 $0x0  }
0x139: {  	[sflag:s0] =	ssyncadd.s32 @!p0 s1  }
0x13a: {  	[bflag:$0x3] =	sbarrier.arrive $0xFFFF  }
0x13b: {  	_ =	shalt  }

// kernel: kernel.9.cloned.1.call-start
scs
__scs_entry_jumppad:
0x0: {  	(pc) =	sbr.rel $0x88, $3  }
0x1: {  	(tag) =	ssettag $0x0;
	lr =	simm.s32 $0x1  }
0x2: {  	[smem:$0x3F96] =	sst lr;
	_ =	strace $0xD0000000  }
0x3: {  	_ = 	snop  }
0x4: {  	_ = 	snop  }
0x5: {  	_ = 	snop  }
0x6: {  	_ = 	snop  }
0x7: {  	_ = 	snop  }
__scs_overlays_trampoline_lowered:
0x8: {  	[smem:$0x3FA5] =	sst s0  }
0x9: {  	[smem:$0x3FA6] =	sst s1  }
0xa: {  	[smem:$0x3FA7] =	sst s2  }
0xb: {  	[smem:$0x3FA8] =	sst s3  }
0xc: {  	[smem:$0x3FA9] =	sst s4  }
0xd: {  	[smem:$0x3FAA] =	sst s5  }
0xe: {  	[smem:$0x3FAB] =	sst s6  }
0xf: {  	[smem:$0x3FAC] =	sst s7  }
0x10: {  	[smem:$0x3FAD] =	sst s8  }
0x11: {  	[smem:$0x3FAE] =	sst s9;
	s0 =	simm.s32 @!p0 $0x0  }
0x12: {  	s1 =	sld [smem:$0x3F94];
	s0 =	simm.s32 @p0 $0x1  }
0x13: {  	[smem:$0x3FAF] =	sst s0;
	s0 =	simm.s32 @!p1 $0x0  }
0x14: {  	s2 =	sld [smem:$0x3F93];
	s0 =	simm.s32 @p1 $0x1  }
0x15: {  	[smem:$0x3FB0] =	sst s0;
	s0 =	simm.s32 @!p2 $0x0  }
0x16: {  	s3 =	sld [smem:$0x3FDB];
	s0 =	simm.s32 @p2 $0x1  }
0x17: {  	s4 =	simm.s32 $0x1BF5;
	[smem:$0x3FB2] =	sst s0  }
0x18: {  	s0 =	sld [smem:$0x3F95];
	_ =	swait.ge [sflag:s4], $0x0  }
0x19: {  	s7 =	sld [smem:$0x3F96]  }
0x1a: {  	s8 =	sadd.s32 $0xFFFFE003, lr  }
0x1b: {  	s9 =	sadd.s32 $0xFFFFFEF7, lr;
	s5 =	simm.s32 $0xFFFFFFFF;
	p2 =	slt.u32 s8, $0xFFFFF086  }
0x1c: {  	p1 =	slt.u32 s9, $0xF7A;
	s5 =	simm.s32 @!p2 $0x0  }
0x1d: {  	s5 =	simm.s32 @p1 $0x1;
	p0 =	seq.s32 s7, s2  }
0x1e: {  	s7 =	smul.u32 @!p0 $0xF7A, s2;
	p2 =	seq.s32 @!p0 s5, $0x0  }
0x1f: {  	s9 =	smul.u32 $0xF7A, s1;
	s8 =	simm.s32 @!p0 $0x1BF5;
	p2 =	por !p2, p0  }
0x20: {  	[sflag:s8] =	ssyncset.s32 @!p0 $0xFFFFF086;
	s6 =	sadd.s32 @!p0 s3, s7;
	s7 =	simm.s32 @!p0 $0x108  }
0x21: {  	s3 =	sadd.s32 s3, s9;
	s6 =	sadd.s32 @!p0 $0x88, s6;
	s7 =	simm.s32 @p2 $0x1082  }
0x22: {  	[simem:s7], [sflag:s8] =	dma.local @!p0 [hbm:s6], $0xF7A  }
0x23: {  	s9 =	sor.u32 $0xD0000000, s2;
	s6 =	simm.s32 $0x108;
	_ =	swait.ge @!p0 [sflag:s8], $0x0  }
0x24: {  	s3 =	sadd.s32 $0x88, s3;
	s6 =	simm.s32 @!p1 $0x1082;
	[sflag:s4] =	ssyncset.s32 $0xFFFFF086  }
0x25: {  	[simem:s6], [sflag:s4] =	dma.local [hbm:s3], $0xF7A  }
0x26: {  	[smem:$0x3F96] =	sst s1;
	(tag) =	ssettag s2;
	_ =	strace s9  }
0x27: {  	s1 =	sld [smem:$0x3FA6]  }
0x28: {  	s2 =	sld [smem:$0x3FA7]  }
0x29: {  	s4 =	sld [smem:$0x3FA9]  }
0x2a: {  	p0 =	seq.s32 s5, $0x0;
	s5 =	sld [smem:$0x3FAA]  }
0x2b: {  	s6 =	sld [smem:$0x3FAB]  }
0x2c: {  	s7 =	sld [smem:$0x3FAC]  }
0x2d: {  	s3 =	simm.s32 $0x108;
	s8 =	sld [smem:$0x3FAD]  }
0x2e: {  	s3 =	simm.s32 @!p0 $0x1082;
	s9 =	sld [smem:$0x3FAE]  }
0x2f: {  	lr =	sadd.s32 s0, s3;
	s0 =	sld [smem:$0x3FA5]  }
0x30: {  	s3 =	sld [smem:$0x3FA8]  }
0x31: {  	[smem:$0x3FB1] =	sst s10  }
0x32: {  	s10 =	sld [smem:$0x3FAF];
	_ =	sdelay $0x3  }
0x33: {  	p0 =	seq.s32 s10, $0x1;
	s10 =	sld [smem:$0x3FB1];
	_ =	sdelay $0x3  }
0x34: {  	[smem:$0x3FB1] =	sst s10  }
0x35: {  	s10 =	sld [smem:$0x3FB0];
	_ =	sdelay $0x3  }
0x36: {  	p1 =	seq.s32 s10, $0x1;
	s10 =	sld [smem:$0x3FB1];
	_ =	sdelay $0x3  }
0x37: {  	[smem:$0x3FB1] =	sst s10  }
0x38: {  	s10 =	sld [smem:$0x3FB2]  }
0x39: {  	_ = 	snop;
	(pc) =	sbr.ind lr, $3  }
0x3a: {  	_ = 	snop  }
0x3b: {  	_ = 	snop  }
0x3c: {  	p2 =	seq.s32 s10, $0x1;
	s10 =	sld [smem:$0x3FB1]  }
0x3d: {  	_ =	shalt  }
0x3e: {  	_ =	shalt  }
0x3f: {  	_ =	shalt  }
0x40: {  	_ =	shalt  }
0x41: {  	_ =	shalt  }
0x42: {  	_ =	shalt  }
0x43: {  	_ =	shalt  }
0x44: {  	_ =	shalt  }
0x45: {  	_ =	shalt  }
0x46: {  	_ =	shalt  }
0x47: {  	_ =	shalt  }
0x48: {  	_ =	shalt  }
0x49: {  	_ =	shalt  }
0x4a: {  	_ =	shalt  }
0x4b: {  	_ =	shalt  }
0x4c: {  	_ =	shalt  }
0x4d: {  	_ =	shalt  }
0x4e: {  	_ =	shalt  }
0x4f: {  	_ =	shalt  }
0x50: {  	_ =	shalt  }
0x51: {  	_ =	shalt  }
0x52: {  	_ =	shalt  }
0x53: {  	_ =	shalt  }
0x54: {  	_ =	shalt  }
0x55: {  	_ =	shalt  }
0x56: {  	_ =	shalt  }
0x57: {  	_ =	shalt  }
0x58: {  	_ =	shalt  }
0x59: {  	_ =	shalt  }
0x5a: {  	_ =	shalt  }
0x5b: {  	_ =	shalt  }
0x5c: {  	_ =	shalt  }
0x5d: {  	_ =	shalt  }
0x5e: {  	_ =	shalt  }
0x5f: {  	_ =	shalt  }
0x60: {  	_ =	shalt  }
0x61: {  	_ =	shalt  }
0x62: {  	_ =	shalt  }
0x63: {  	_ =	shalt  }
0x64: {  	_ =	shalt  }
0x65: {  	_ =	shalt  }
0x66: {  	_ =	shalt  }
0x67: {  	_ =	shalt  }
0x68: {  	_ =	shalt  }
0x69: {  	_ =	shalt  }
0x6a: {  	_ =	shalt  }
0x6b: {  	_ =	shalt  }
0x6c: {  	_ =	shalt  }
0x6d: {  	_ =	shalt  }
0x6e: {  	_ =	shalt  }
0x6f: {  	_ =	shalt  }
0x70: {  	_ =	shalt  }
0x71: {  	_ =	shalt  }
0x72: {  	_ =	shalt  }
0x73: {  	_ =	shalt  }
0x74: {  	_ =	shalt  }
0x75: {  	_ =	shalt  }
0x76: {  	_ =	shalt  }
0x77: {  	_ =	shalt  }
0x78: {  	_ =	shalt  }
0x79: {  	_ =	shalt  }
0x7a: {  	_ =	shalt  }
0x7b: {  	_ =	shalt  }
0x7c: {  	_ =	shalt  }
0x7d: {  	_ =	shalt  }
0x7e: {  	_ =	shalt  }
0x7f: {  	_ =	shalt  }
0x80: {  	_ =	shalt  }
0x81: {  	_ =	shalt  }
0x82: {  	_ =	shalt  }
0x83: {  	_ =	shalt  }
0x84: {  	_ =	shalt  }
0x85: {  	_ =	shalt  }
0x86: {  	_ =	shalt  }
0x87: {  	_ =	shalt  }
.Lfunc_end0:
.L_simem_size_0:
called_computation.1_lowered:
.L_overlay_start_0:
0x88: {  	s2 =	sld [smem:$0x3FD9]  }
0x89: {  	s3 =	sld [smem:$0x3FFE];
	_ =	sdelay $0x1  }
0x8a: {  	s1 =	srdreg.scid  }
0x8b: {  	s0 =	sand.u32 $0x1, s1  }
0x8c: {  	s17 =	sshll.u32 s0, $0xA;
	s2 =	sadd.s32 s3, s2  }
0x8d: {  	s2 =	sadd.s32 s2, s17  }
0x8e: {  	[smem:$0x3FBD] =	sst s2  }
0x8f: {  	_ = 	snop  }
0x90: {  	s18 =	sld [smem:$0x3FC6];
	(tm) =	ssettm $0x1  }
0x91: {  	s19 =	sld [smem:$0x3FFB];
	_ =	sdelay $0x3  }
0x92: {  	_ =	strace s19  }
0x93: {  	s2 =	sld [smem:$0x3FFC];
	_ =	sdelay $0x3  }
0x94: {  	_ =	strace s2  }
0x95: {  	s2 =	sld [smem:$0x3FFD];
	_ =	sdelay $0x3  }
0x96: {  	_ =	strace s2  }
0x97: {  	_ =	strace $0x8FFFFFFF  }
0x98: {  	s20 =	sld [smem:$0x3FDB];
	_ =	sdelay $0x1  }
0x99: {  	s4 =	simm.s32 $_scs_section_size  }
0x9a: {  	s5 =	simm.s32 $_size__tile_overlayer_lowered;
	s6 =	simm.s32 $_tile_overlayer_lowered  }
0x9b: {  	s7 =	simm.s32 $0x1BFF;
	s21 =	sshll.u32 s6, $0x1;
	s4 =	sadd.s32 s4, s20  }
0x9c: {  	s22 =	simm.s32 $0x0;
	s5 =	sshll.u32 s5, $0x1;
	s6 =	sadd.s32 s21, s4  }
0x9d: {  	[timem:s22], [sflag:s7] =	dma.local [hbm:s6], s5  }
0x9e: {  	_ =	swait.ge [sflag:s7], s5  }
0x9f: {  	s5 =	ssub.s32 $0x0, s5;
	[sflag:s7] =	ssyncset.done $0x0  }
0xa0: {  	[sflag:s7] =	ssyncadd.s32 s5;
	_ =	sdelay $0x1  }
0xa1: {  	s23 =	simm.s32 $0x1B8B  }
0xa2: {  	_ =	swait.ge [sflag:s23], $0x1  }
0xa3: {  	[sflag:s23] =	ssyncset.done $0x0  }
0xa4: {  	[sflag:s23] =	ssyncadd.s32 $0xFFFFFFFF  }
0xa5: {  	s5 =	sld [smem:$0x0]  }
0xa6: {  	s6 =	sand.u32 $0xFFFFFFFE, s1  }
0xa7: {  	p0 =	sne.s32 s1, s6  }
0xa8: {  	s6 =	sshll.u32 @p0 s6, $0xE  }
0xa9: {  	s6 =	sadd.s32 @p0 $0x11B8D, s6;
	s7 =	sshll.u32 @p0 s5, $0x11  }
0xaa: {  	s6 =	sor.u32 @p0 s7, s6  }
0xab: {  	[sflag:s6] =	ssyncadd.remote.s32 @p0 $0x1;
	_ =	sdelay $0x1  }
0xac: {  	s6 =	simm.s32 @p0 $0x1B8D  }
0xad: {  	_ =	swait.eq @p0 [sflag:s6], $0x1  }
0xae: {  	[sflag:s6] =	ssyncadd.s32 @p0 $0xFFFFFFFF  }
0xaf: {  	s7 =	sshll.u32 @!p0 s1, $0xE  }
0xb0: {  	s7 =	sor.u32 @!p0 $0x4000, s7;
	s6 =	simm.s32 @!p0 $0x1B8D  }
0xb1: {  	s5 =	sshll.u32 @!p0 s5, $0x11;
	s7 =	sadd.s32 @!p0 $0x11B8D, s7;
	_ =	swait.eq @!p0 [sflag:s6], $0x1  }
0xb2: {  	s5 =	sor.u32 @!p0 s5, s7;
	[sflag:s6] =	ssyncadd.s32 @!p0 $0xFFFFFFFF  }
0xb3: {  	s25 =	simm.s32 $0x1B8E;
	s24 =	sld [smem:$0x3FFE];
	[sflag:s5] =	ssyncadd.remote.s32 @!p0 $0x1  }
0xb4: {  	s26 =	simm.s32 $execute0_lowered;
	[smem:$0x3FD2] =	sst s25  }
0xb5: {  	s6 =	sshll.u32 s26, $0x1;
	_ =	strace $0x80000049;
	[dreg:$0x1] =	wrdreg $0xFFFFFFFF  }
0xb6: {  	s28 =	simm.s32 $_size_execute0_lowered;
	s4 =	sadd.s32 s4, s6;
	[dreg:$0x0] =	wrdreg $0x0  }
0xb7: {  	s6 =	sshll.u32 s28, $0x1;
	[dreg:$0x2] =	wrdreg s4  }
0xb8: {  	[dreg:$0x3] =	wrdreg s6  }
0xb9: {  	[dreg:$0x4] =	wrdreg $0xC0  }
0xba: {  	_ =	task [dreg:s22], $0x5FFFF  }
0xbb: {  	[dreg:$0x1] =	wrdreg $0xFFFFFFFF  }
0xbc: {  	[dreg:$0x0] =	wrdreg $0x60  }
0xbd: {  	[dreg:$0x2] =	wrdreg s18  }
0xbe: {  	[dreg:$0x3] =	wrdreg s24  }
0xbf: {  	[dreg:$0x4] =	wrdreg $0xA  }
0xc0: {  	_ =	task.clear_ibuf [dreg:s22], $0x5FFFF;
	_ =	strace $0x90000049  }
0xc1: {  	s29 =	simm.s32 $0xA;
	_ =	strace $0x8000004B  }
0xc2: {  	_ =	swait.ge [sflag:s29], $0x1  }
0xc3: {  	[sflag:s29] =	ssyncadd.s32 $0xFFFFFFFF  }
0xc4: {  	_ =	strace $0x9000004B  }
0xc5: {  	_ =	sfence  }
0xc6: {  	s30 =	sld [smem:$0x0];
	_ =	sdelay $0x2  }
0xc7: {  	s31 =	sshll.u32 s1, $0xD;
	s1 =	sshrl.u32 s1, $0x2  }
0xc8: {  	s4 =	sand.u32 $0x4000, s31;
	s1 =	sadd.s32 s1, s30  }
0xc9: {  	s0 =	sor.u32 s4, s0;
	s1 =	sshll.u32 s1, $0x11  }
0xca: {  	s0 =	sor.u32 s1, s0  }
0xcb: {  	s0 =	sadd.s32 $0x8F2B, s0  }
0xcc: {  	[sflag:s0] =	ssyncadd.remote.s32 $0x1  }
0xcd: {  	_ =	sfence.sel $0xFFFF  }
0xce: {  	[dreg:$0x0] =	wrdreg $0xFFFFFFFF;
	(pc) =	sbr.abs _section_cstart, $3  }
0xcf: {  	[dreg:$0x1] =	wrdreg $0xFFFFFFFF  }
0xd0: {  	_ =	task.clear_ibuf [dreg:s22], $0x2FFFF;
	_ =	strace $0x9FFFFFFF  }
0xd1: {  	(tm) =	ssettm $0x7FFFFFFF  }
tec
execute0_lowered:
.L_overlay_start_1:
0x0: {  	(tag) =	ssettag $0x1  }
0x1: {  	s0 =	srdreg.scid;
	s1 =	stileid.u32  }
0x2: {  	s0 =	sand.u32 $0x1, s0;
	s1 =	sshll.u32 s1, $0x1  }
0x3: {  	s2 =	rddreg [dreg:$0x0];
	s1 =	sor.u32 s0, s1  }
0x4: {  	s4 =	rddreg [dreg:$0x1];
	s3 =	simm.s32 $0x0;
	s5 =	smul.u32 $0x90, s1  }
0x5: {  	[smem:$0x7FF] =	sst s3;
	s6 =	smul.u32 $0x48000, s1  }
0x6: {  	_ =	strace $0x8000004A;
	s1 =	smul.u32 $0x9000, s1;
	s5 =	sadd.s32 s5, s4  }
0x7: {  	s4 =	sadd.s32 $0x63000, s4;
	s6 =	sshrl.u32 s6, $0x3;
	s5 =	sadd.s32 $0x61E00, s5  }
0x8: {  	s1 =	sadd.s32 s4, s1;
	s4 =	sadd.s32 s4, s6;
	[dreg:$0x3] =	wrdreg s5  }
0x9: {  	s14 =	simm.s32 $0x480;
	[dreg:$0x4] =	wrdreg s1;
	s18 =	sadd.s32 $0x1000, s4  }
0xa: {  	s28 =	simm.s32 $0x1;
	s19 =	sadd.s32 $0x2000, s4;
	[dreg:$0x5] =	wrdreg s18  }
0xb: {  	s29 =	simm.s32 $0x3;
	s20 =	sadd.s32 $0x3000, s4;
	[dreg:$0x6] =	wrdreg s19  }
0xc: {  	s30 =	simm.s32 $0x2;
	s21 =	sadd.s32 $0x4000, s4;
	[dreg:$0x7] =	wrdreg s20  }
0xd: {  	s31 =	simm.s32 $0x4;
	s22 =	sadd.s32 $0x5000, s4;
	[dreg:$0x8] =	wrdreg s21  }
0xe: {  	s0 =	ssub.s32 $0x2, s0;
	s23 =	sadd.s32 $0x6000, s4;
	[dreg:$0x9] =	wrdreg s22  }
0xf: {  	v2 =	vlaneseq.u32;
	s24 =	sshrl.u32 s0, $0x1;
	s25 =	sadd.s32 $0x7000, s4;
	[dreg:$0xa] =	wrdreg s23  }
0x10: {  	vm0 =	vmmov $0xffff;
	v1 =	vshrl.u32 v2, $0x3;
	s0 =	ssub.s32 s0, s24;
	s26 =	sadd.s32 $0x8000, s4;
	[dreg:$0xb] =	wrdreg s25  }
0x11: {  	v0 =	vand.u32 $0x7, v2;
	v2 =	vor.u32 $0x8, v2;
	v1 =	vmul.u32 $0x8, v1;
	s6 =	simm.s32 $0x8480;
	s4 =	smax.u32 s0, $0x1;
	[dreg:$0xc] =	wrdreg s26  }
.LBB2_1:
0x12: {  	s1 =	rddreg [dreg:$0x3];
	s24 =	simm.s32 $0x5  }
0x13: {  	[tilespmem:s3], [sflag:$0x5] =	stream.linear.gather [hbm4b:s1+s3], $0x480, $0x38;
	[tilespmem:$0x10480] =	vst v63  }
0x14: {  	_ =	swait.ge [sflag:s24], $0x480  }
0x15: {  	[sflag:s24] =	ssyncset.done $0x0  }
0x16: {  	[sflag:s24] =	ssyncadd.s32 $0xFFFFFB80  }
0x17: {  	v3 =	vld [tilespmem:$0x0];
	_ =	sdelay $0x4  }
0x18: {  	v4 =	vshll.u32 v3, $0x1  }
0x19: {  	v3 =	vand.u32 $0x7, v3;
	v4 =	vand.u32 $0xFFFFFFF0, v4  }
0x1a: {  	v3 =	vor.u32 v3, v4  }
0x1b: {  	v4 =	vperm.xlane v3, v0;
	_ =	sdelay $0x1  }
0x1c: {  	v3 =	vperm.xlane v3, v2;
	v4 =	vadd.s32 v1, v4;
	_ =	sdelay $0x1  }
0x1d: {  	v3 =	vadd.s32 v1, v3;
	_ =	sdelay $0x2  }
0x1e: {  	[tilespmem:s14], [sflag:$0x1] =	stream.indirect_vreg.gather [hbm4b:s2+s3], $0x80, v4, vm0, $0xb8;
	[tilespmem:$0x10480] =	vst v63  }
0x1f: {  	s0 =	simm.s32 $0xC80  }
0x20: {  	[tilespmem:s0], [sflag:$0x1] =	stream.indirect_vreg.gather [hbm4b:s2+s3], $0x80, v3, vm0, $0xb8;
	[tilespmem:$0x10480] =	vst v63  }
0x21: {  	v3 =	vld [tilespmem:$0x10];
	_ =	sdelay $0x4  }
0x22: {  	v49 =	vshll.u32 v3, $0x1  }
0x23: {  	v3 =	vand.u32 $0x7, v3;
	v4 =	vand.u32 $0xFFFFFFF0, v49  }
0x24: {  	v3 =	vor.u32 v3, v4  }
0x25: {  	v4 =	vperm.xlane v3, v0;
	_ =	sdelay $0x1  }
0x26: {  	v3 =	vperm.xlane v3, v2;
	v4 =	vadd.s32 v1, v4;
	_ =	sdelay $0x1  }
0x27: {  	v3 =	vadd.s32 v1, v3;
	_ =	sdelay $0x1  }
0x28: {  	s25 =	simm.s32 $0x1480  }
0x29: {  	[tilespmem:s25], [sflag:$0x1] =	stream.indirect_vreg.gather [hbm4b:s2+s3], $0x80, v4, vm0, $0xb8;
	[tilespmem:$0x10480] =	vst v63  }
0x2a: {  	s26 =	simm.s32 $0x1C80  }
0x2b: {  	[tilespmem:s26], [sflag:$0x1] =	stream.indirect_vreg.gather [hbm4b:s2+s3], $0x80, v3, vm0, $0xb8;
	[tilespmem:$0x10480] =	vst v63  }
0x2c: {  	v3 =	vld [tilespmem:$0x20];
	_ =	sdelay $0x4  }
0x2d: {  	v50 =	vshll.u32 v3, $0x1  }
0x2e: {  	v3 =	vand.u32 $0x7, v3;
	v4 =	vand.u32 $0xFFFFFFF0, v50  }
0x2f: {  	v3 =	vor.u32 v3, v4  }
0x30: {  	v4 =	vperm.xlane v3, v0;
	_ =	sdelay $0x1  }
0x31: {  	v3 =	vperm.xlane v3, v2;
	v4 =	vadd.s32 v1, v4;
	_ =	sdelay $0x1  }
0x32: {  	v3 =	vadd.s32 v1, v3;
	_ =	sdelay $0x1  }
0x33: {  	s1 =	simm.s32 $0x2480  }
0x34: {  	[tilespmem:s1], [sflag:$0x1] =	stream.indirect_vreg.gather [hbm4b:s2+s3], $0x80, v4, vm0, $0xb8;
	[tilespmem:$0x10480] =	vst v63  }
0x35: {  	s7 =	simm.s32 $0x2C80  }
0x36: {  	[tilespmem:s7], [sflag:$0x1] =	stream.indirect_vreg.gather [hbm4b:s2+s3], $0x80, v3, vm0, $0xb8;
	[tilespmem:$0x10480] =	vst v63  }
0x37: {  	v3 =	vld [tilespmem:$0x30];
	_ =	sdelay $0x4  }
0x38: {  	v51 =	vshll.u32 v3, $0x1  }
0x39: {  	v3 =	vand.u32 $0x7, v3;
	v4 =	vand.u32 $0xFFFFFFF0, v51  }
0x3a: {  	v3 =	vor.u32 v3, v4  }
0x3b: {  	v4 =	vperm.xlane v3, v0;
	_ =	sdelay $0x1  }
0x3c: {  	v3 =	vperm.xlane v3, v2;
	v4 =	vadd.s32 v1, v4;
	_ =	sdelay $0x1  }
0x3d: {  	v3 =	vadd.s32 v1, v3;
	_ =	sdelay $0x1  }
0x3e: {  	s8 =	simm.s32 $0x3480  }
0x3f: {  	[tilespmem:s8], [sflag:$0x1] =	stream.indirect_vreg.gather [hbm4b:s2+s3], $0x80, v4, vm0, $0xb8;
	[tilespmem:$0x10480] =	vst v63  }
0x40: {  	s9 =	simm.s32 $0x3C80  }
0x41: {  	[tilespmem:s9], [sflag:$0x1] =	stream.indirect_vreg.gather [hbm4b:s2+s3], $0x80, v3, vm0, $0xb8;
	[tilespmem:$0x10480] =	vst v63  }
0x42: {  	v3 =	vld [tilespmem:$0x40];
	_ =	sdelay $0x4  }
0x43: {  	v52 =	vshll.u32 v3, $0x1  }
0x44: {  	v3 =	vand.u32 $0x7, v3;
	v4 =	vand.u32 $0xFFFFFFF0, v52  }
0x45: {  	v3 =	vor.u32 v3, v4  }
0x46: {  	v4 =	vperm.xlane v3, v0;
	_ =	sdelay $0x1  }
0x47: {  	v3 =	vperm.xlane v3, v2;
	v4 =	vadd.s32 v1, v4;
	_ =	sdelay $0x1  }
0x48: {  	v3 =	vadd.s32 v1, v3;
	_ =	sdelay $0x1  }
0x49: {  	s10 =	simm.s32 $0x4480  }
0x4a: {  	[tilespmem:s10], [sflag:$0x1] =	stream.indirect_vreg.gather [hbm4b:s2+s3], $0x80, v4, vm0, $0xb8;
	[tilespmem:$0x10480] =	vst v63  }
0x4b: {  	s11 =	simm.s32 $0x4C80  }
0x4c: {  	[tilespmem:s11], [sflag:$0x1] =	stream.indirect_vreg.gather [hbm4b:s2+s3], $0x80, v3, vm0, $0xb8;
	[tilespmem:$0x10480] =	vst v63  }
0x4d: {  	v3 =	vld [tilespmem:$0x50];
	_ =	sdelay $0x4  }
0x4e: {  	v53 =	vshll.u32 v3, $0x1  }
0x4f: {  	v3 =	vand.u32 $0x7, v3;
	v4 =	vand.u32 $0xFFFFFFF0, v53  }
0x50: {  	v3 =	vor.u32 v3, v4  }
0x51: {  	v4 =	vperm.xlane v3, v0;
	_ =	sdelay $0x1  }
0x52: {  	v3 =	vperm.xlane v3, v2;
	v4 =	vadd.s32 v1, v4;
	_ =	sdelay $0x1  }
0x53: {  	v3 =	vadd.s32 v1, v3;
	_ =	sdelay $0x1  }
0x54: {  	s12 =	simm.s32 $0x5480  }
0x55: {  	[tilespmem:s12], [sflag:$0x1] =	stream.indirect_vreg.gather [hbm4b:s2+s3], $0x80, v4, vm0, $0xb8;
	[tilespmem:$0x10480] =	vst v63  }
0x56: {  	s13 =	simm.s32 $0x5C80  }
0x57: {  	[tilespmem:s13], [sflag:$0x1] =	stream.indirect_vreg.gather [hbm4b:s2+s3], $0x80, v3, vm0, $0xb8;
	[tilespmem:$0x10480] =	vst v63  }
0x58: {  	v3 =	vld [tilespmem:$0x60];
	_ =	sdelay $0x4  }
0x59: {  	v54 =	vshll.u32 v3, $0x1  }
0x5a: {  	v3 =	vand.u32 $0x7, v3;
	v4 =	vand.u32 $0xFFFFFFF0, v54  }
0x5b: {  	v3 =	vor.u32 v3, v4  }
0x5c: {  	v4 =	vperm.xlane v3, v0;
	_ =	sdelay $0x1  }
0x5d: {  	v3 =	vperm.xlane v3, v2;
	v4 =	vadd.s32 v1, v4;
	_ =	sdelay $0x1  }
0x5e: {  	v3 =	vadd.s32 v1, v3;
	_ =	sdelay $0x1  }
0x5f: {  	s15 =	simm.s32 $0x6480  }
0x60: {  	[tilespmem:s15], [sflag:$0x1] =	stream.indirect_vreg.gather [hbm4b:s2+s3], $0x80, v4, vm0, $0xb8;
	[tilespmem:$0x10480] =	vst v63  }
0x61: {  	s16 =	simm.s32 $0x6C80  }
0x62: {  	[tilespmem:s16], [sflag:$0x1] =	stream.indirect_vreg.gather [hbm4b:s2+s3], $0x80, v3, vm0, $0xb8;
	[tilespmem:$0x10480] =	vst v63  }
0x63: {  	v3 =	vld [tilespmem:$0x70];
	_ =	sdelay $0x4  }
0x64: {  	v55 =	vshll.u32 v3, $0x1  }
0x65: {  	v3 =	vand.u32 $0x7, v3;
	v4 =	vand.u32 $0xFFFFFFF0, v55  }
0x66: {  	v3 =	vor.u32 v3, v4  }
0x67: {  	v4 =	vperm.xlane v3, v0;
	_ =	sdelay $0x1  }
0x68: {  	v3 =	vperm.xlane v3, v2;
	v4 =	vadd.s32 v1, v4;
	_ =	sdelay $0x1  }
0x69: {  	v3 =	vadd.s32 v1, v3;
	_ =	sdelay $0x1  }
0x6a: {  	s17 =	simm.s32 $0x7480  }
0x6b: {  	[tilespmem:s17], [sflag:$0x1] =	stream.indirect_vreg.gather [hbm4b:s2+s3], $0x80, v4, vm0, $0xb8;
	[tilespmem:$0x10480] =	vst v63  }
0x6c: {  	s22 =	simm.s32 $0x7C80  }
0x6d: {  	[tilespmem:s22], [sflag:$0x1] =	stream.indirect_vreg.gather [hbm4b:s2+s3], $0x80, v3, vm0, $0xb8;
	[tilespmem:$0x10480] =	vst v63  }
0x6e: {  	v3 =	vld [tilespmem:$0x80];
	_ =	sdelay $0x4  }
0x6f: {  	v56 =	vshll.u32 v3, $0x1  }
0x70: {  	v3 =	vand.u32 $0x7, v3;
	v4 =	vand.u32 $0xFFFFFFF0, v56  }
0x71: {  	v3 =	vor.u32 v3, v4  }
0x72: {  	v4 =	vperm.xlane v3, v0;
	_ =	sdelay $0x1  }
0x73: {  	v3 =	vperm.xlane v3, v2;
	v4 =	vadd.s32 v1, v4;
	_ =	sdelay $0x1  }
0x74: {  	v3 =	vadd.s32 v1, v3;
	_ =	sdelay $0x2  }
0x75: {  	[tilespmem:s6], [sflag:$0x2] =	stream.indirect_vreg.gather [hbm4b:s2+s3], $0x80, v4, vm0, $0xb8;
	[tilespmem:$0x10480] =	vst v63  }
0x76: {  	s23 =	simm.s32 $0x8C80  }
0x77: {  	[tilespmem:s23], [sflag:$0x2] =	stream.indirect_vreg.gather [hbm4b:s2+s3], $0x80, v3, vm0, $0xb8;
	[tilespmem:$0x10480] =	vst v63  }
0x78: {  	v3 =	vld [tilespmem:$0x90];
	_ =	sdelay $0x4  }
0x79: {  	v57 =	vshll.u32 v3, $0x1  }
0x7a: {  	v3 =	vand.u32 $0x7, v3;
	v4 =	vand.u32 $0xFFFFFFF0, v57  }
0x7b: {  	v3 =	vor.u32 v3, v4  }
0x7c: {  	v4 =	vperm.xlane v3, v0;
	_ =	sdelay $0x1  }
0x7d: {  	v3 =	vperm.xlane v3, v2;
	v4 =	vadd.s32 v1, v4;
	_ =	sdelay $0x1  }
0x7e: {  	v3 =	vadd.s32 v1, v3;
	_ =	sdelay $0x1  }
0x7f: {  	s24 =	simm.s32 $0x9480  }
0x80: {  	[tilespmem:s24], [sflag:$0x2] =	stream.indirect_vreg.gather [hbm4b:s2+s3], $0x80, v4, vm0, $0xb8;
	[tilespmem:$0x10480] =	vst v63  }
0x81: {  	s25 =	simm.s32 $0x9C80  }
0x82: {  	[tilespmem:s25], [sflag:$0x2] =	stream.indirect_vreg.gather [hbm4b:s2+s3], $0x80, v3, vm0, $0xb8;
	[tilespmem:$0x10480] =	vst v63  }
0x83: {  	v3 =	vld [tilespmem:$0xA0];
	_ =	sdelay $0x4  }
0x84: {  	v58 =	vshll.u32 v3, $0x1  }
0x85: {  	v3 =	vand.u32 $0x7, v3;
	v4 =	vand.u32 $0xFFFFFFF0, v58  }
0x86: {  	v3 =	vor.u32 v3, v4  }
0x87: {  	v4 =	vperm.xlane v3, v0;
	_ =	sdelay $0x1  }
0x88: {  	v3 =	vperm.xlane v3, v2;
	v4 =	vadd.s32 v1, v4;
	_ =	sdelay $0x1  }
0x89: {  	v3 =	vadd.s32 v1, v3;
	_ =	sdelay $0x1  }
0x8a: {  	s26 =	simm.s32 $0xA480  }
0x8b: {  	[tilespmem:s26], [sflag:$0x2] =	stream.indirect_vreg.gather [hbm4b:s2+s3], $0x80, v4, vm0, $0xb8;
	[tilespmem:$0x10480] =	vst v63  }
0x8c: {  	s1 =	simm.s32 $0xAC80  }
0x8d: {  	[tilespmem:s1], [sflag:$0x2] =	stream.indirect_vreg.gather [hbm4b:s2+s3], $0x80, v3, vm0, $0xb8;
	[tilespmem:$0x10480] =	vst v63  }
0x8e: {  	v3 =	vld [tilespmem:$0xB0];
	_ =	sdelay $0x4  }
0x8f: {  	v59 =	vshll.u32 v3, $0x1  }
0x90: {  	v3 =	vand.u32 $0x7, v3;
	v4 =	vand.u32 $0xFFFFFFF0, v59  }
0x91: {  	v3 =	vor.u32 v3, v4  }
0x92: {  	v4 =	vperm.xlane v3, v0;
	_ =	sdelay $0x1  }
0x93: {  	v3 =	vperm.xlane v3, v2;
	v4 =	vadd.s32 v1, v4;
	_ =	sdelay $0x1  }
0x94: {  	v3 =	vadd.s32 v1, v3;
	_ =	sdelay $0x1  }
0x95: {  	s8 =	simm.s32 $0xB480  }
0x96: {  	[tilespmem:s8], [sflag:$0x2] =	stream.indirect_vreg.gather [hbm4b:s2+s3], $0x80, v4, vm0, $0xb8;
	[tilespmem:$0x10480] =	vst v63  }
0x97: {  	s9 =	simm.s32 $0xBC80  }
0x98: {  	[tilespmem:s9], [sflag:$0x2] =	stream.indirect_vreg.gather [hbm4b:s2+s3], $0x80, v3, vm0, $0xb8;
	[tilespmem:$0x10480] =	vst v63  }
0x99: {  	v3 =	vld [tilespmem:$0xC0];
	_ =	sdelay $0x4  }
0x9a: {  	v60 =	vshll.u32 v3, $0x1  }
0x9b: {  	v3 =	vand.u32 $0x7, v3;
	v4 =	vand.u32 $0xFFFFFFF0, v60  }
0x9c: {  	v3 =	vor.u32 v3, v4  }
0x9d: {  	v4 =	vperm.xlane v3, v0;
	_ =	sdelay $0x1  }
0x9e: {  	v3 =	vperm.xlane v3, v2;
	v4 =	vadd.s32 v1, v4;
	_ =	sdelay $0x1  }
0x9f: {  	v3 =	vadd.s32 v1, v3;
	_ =	sdelay $0x1  }
0xa0: {  	s13 =	simm.s32 $0xC480  }
0xa1: {  	[tilespmem:s13], [sflag:$0x2] =	stream.indirect_vreg.gather [hbm4b:s2+s3], $0x80, v4, vm0, $0xb8;
	[tilespmem:$0x10480] =	vst v63  }
0xa2: {  	s15 =	simm.s32 $0xCC80  }
0xa3: {  	[tilespmem:s15], [sflag:$0x2] =	stream.indirect_vreg.gather [hbm4b:s2+s3], $0x80, v3, vm0, $0xb8;
	[tilespmem:$0x10480] =	vst v63  }
0xa4: {  	v3 =	vld [tilespmem:$0xD0];
	_ =	sdelay $0x4  }
0xa5: {  	v61 =	vshll.u32 v3, $0x1  }
0xa6: {  	v3 =	vand.u32 $0x7, v3;
	v4 =	vand.u32 $0xFFFFFFF0, v61  }
0xa7: {  	v3 =	vor.u32 v3, v4  }
0xa8: {  	v4 =	vperm.xlane v3, v0;
	_ =	sdelay $0x1  }
0xa9: {  	v3 =	vperm.xlane v3, v2;
	v4 =	vadd.s32 v1, v4;
	_ =	sdelay $0x1  }
0xaa: {  	v3 =	vadd.s32 v1, v3;
	_ =	sdelay $0x1  }
0xab: {  	s16 =	simm.s32 $0xD480  }
0xac: {  	[tilespmem:s16], [sflag:$0x2] =	stream.indirect_vreg.gather [hbm4b:s2+s3], $0x80, v4, vm0, $0xb8;
	[tilespmem:$0x10480] =	vst v63  }
0xad: {  	s17 =	simm.s32 $0xDC80  }
0xae: {  	[tilespmem:s17], [sflag:$0x2] =	stream.indirect_vreg.gather [hbm4b:s2+s3], $0x80, v3, vm0, $0xb8;
	[tilespmem:$0x10480] =	vst v63  }
0xaf: {  	v3 =	vld [tilespmem:$0xE0];
	_ =	sdelay $0x4  }
0xb0: {  	v62 =	vshll.u32 v3, $0x1  }
0xb1: {  	v3 =	vand.u32 $0x7, v3;
	v4 =	vand.u32 $0xFFFFFFF0, v62  }
0xb2: {  	v3 =	vor.u32 v3, v4  }
0xb3: {  	v4 =	vperm.xlane v3, v0;
	_ =	sdelay $0x1  }
0xb4: {  	v3 =	vperm.xlane v3, v2;
	v4 =	vadd.s32 v1, v4;
	_ =	sdelay $0x1  }
0xb5: {  	v3 =	vadd.s32 v1, v3;
	_ =	sdelay $0x1  }
0xb6: {  	s22 =	simm.s32 $0xE480  }
0xb7: {  	[tilespmem:s22], [sflag:$0x2] =	stream.indirect_vreg.gather [hbm4b:s2+s3], $0x80, v4, vm0, $0xb8;
	[tilespmem:$0x10480] =	vst v63  }
0xb8: {  	s23 =	simm.s32 $0xEC80  }
0xb9: {  	[tilespmem:s23], [sflag:$0x2] =	stream.indirect_vreg.gather [hbm4b:s2+s3], $0x80, v3, vm0, $0xb8;
	[tilespmem:$0x10480] =	vst v63  }
0xba: {  	v3 =	vld [tilespmem:$0xF0];
	_ =	sdelay $0x4  }
0xbb: {  	v63 =	vshll.u32 v3, $0x1  }
0xbc: {  	v3 =	vand.u32 $0x7, v3;
	v4 =	vand.u32 $0xFFFFFFF0, v63  }
0xbd: {  	v3 =	vor.u32 v3, v4  }
0xbe: {  	v4 =	vperm.xlane v3, v0;
	_ =	sdelay $0x1  }
0xbf: {  	v3 =	vperm.xlane v3, v2;
	v4 =	vadd.s32 v1, v4;
	_ =	sdelay $0x1  }
0xc0: {  	v3 =	vadd.s32 v1, v3;
	_ =	sdelay $0x1  }
0xc1: {  	s1 =	simm.s32 $0xF480  }
0xc2: {  	[tilespmem:s1], [sflag:$0x2] =	stream.indirect_vreg.gather [hbm4b:s2+s3], $0x80, v4, vm0, $0xb8;
	[tilespmem:$0x10480] =	vst v63  }
0xc3: {  	s8 =	simm.s32 $0xFC80  }
0xc4: {  	[tilespmem:s8], [sflag:$0x2] =	stream.indirect_vreg.gather [hbm4b:s2+s3], $0x80, v3, vm0, $0xb8;
	[tilespmem:$0x10480] =	vst v63  }
0xc5: {  	_ =	swait.ge [sflag:s28], $0x8000  }
0xc6: {  	[sflag:s28] =	ssyncset.done $0x0  }
0xc7: {  	s9 =	rddreg [dreg:$0x4];
	[sflag:s28] =	ssyncadd.s32 $0xFFFF8000  }
0xc8: {  	[hbm4b:s9+s3] =	stream.linear.scatter [tilespmem:s14], [sflag:$0x3], $0x8000, $0x38;
	[tilespmem:$0x10480] =	vst v63  }
0xc9: {  	_ =	swait.ge [sflag:s29], $0x8000  }
0xca: {  	[sflag:s29] =	ssyncset.done $0x0  }
0xcb: {  	[sflag:s29] =	ssyncadd.s32 $0xFFFF8000  }
0xcc: {  	v3 =	vld [tilespmem:$0x100];
	_ =	sdelay $0x4  }
0xcd: {  	v8 =	vshll.u32 v3, $0x1  }
0xce: {  	v3 =	vand.u32 $0x7, v3;
	v4 =	vand.u32 $0xFFFFFFF0, v8  }
0xcf: {  	v3 =	vor.u32 v3, v4  }
0xd0: {  	v4 =	vperm.xlane v3, v0;
	_ =	sdelay $0x1  }
0xd1: {  	v3 =	vperm.xlane v3, v2;
	v4 =	vadd.s32 v1, v4;
	_ =	sdelay $0x1  }
0xd2: {  	v3 =	vadd.s32 v1, v3;
	_ =	sdelay $0x2  }
0xd3: {  	[tilespmem:s14], [sflag:$0x1] =	stream.indirect_vreg.gather [hbm4b:s2+s3], $0x80, v4, vm0, $0xb8;
	[tilespmem:$0x10480] =	vst v63  }
0xd4: {  	s5 =	simm.s32 $0xC80  }
0xd5: {  	[tilespmem:s5], [sflag:$0x1] =	stream.indirect_vreg.gather [hbm4b:s2+s3], $0x80, v3, vm0, $0xb8;
	[tilespmem:$0x10480] =	vst v63  }
0xd6: {  	v3 =	vld [tilespmem:$0x110];
	_ =	sdelay $0x4  }
0xd7: {  	v9 =	vshll.u32 v3, $0x1  }
0xd8: {  	v3 =	vand.u32 $0x7, v3;
	v4 =	vand.u32 $0xFFFFFFF0, v9  }
0xd9: {  	v3 =	vor.u32 v3, v4  }
0xda: {  	v4 =	vperm.xlane v3, v0;
	_ =	sdelay $0x1  }
0xdb: {  	v3 =	vperm.xlane v3, v2;
	v4 =	vadd.s32 v1, v4;
	_ =	sdelay $0x1  }
0xdc: {  	v3 =	vadd.s32 v1, v3;
	_ =	sdelay $0x1  }
0xdd: {  	s0 =	simm.s32 $0x1480  }
0xde: {  	[tilespmem:s0], [sflag:$0x1] =	stream.indirect_vreg.gather [hbm4b:s2+s3], $0x80, v4, vm0, $0xb8;
	[tilespmem:$0x10480] =	vst v63  }
0xdf: {  	s18 =	simm.s32 $0x1C80  }
0xe0: {  	[tilespmem:s18], [sflag:$0x1] =	stream.indirect_vreg.gather [hbm4b:s2+s3], $0x80, v3, vm0, $0xb8;
	[tilespmem:$0x10480] =	vst v63  }
0xe1: {  	v3 =	vld [tilespmem:$0x120];
	_ =	sdelay $0x4  }
0xe2: {  	v10 =	vshll.u32 v3, $0x1  }
0xe3: {  	v3 =	vand.u32 $0x7, v3;
	v4 =	vand.u32 $0xFFFFFFF0, v10  }
0xe4: {  	v3 =	vor.u32 v3, v4  }
0xe5: {  	v4 =	vperm.xlane v3, v0;
	_ =	sdelay $0x1  }
0xe6: {  	v3 =	vperm.xlane v3, v2;
	v4 =	vadd.s32 v1, v4;
	_ =	sdelay $0x1  }
0xe7: {  	v3 =	vadd.s32 v1, v3;
	_ =	sdelay $0x1  }
0xe8: {  	s5 =	simm.s32 $0x2480  }
0xe9: {  	[tilespmem:s5], [sflag:$0x1] =	stream.indirect_vreg.gather [hbm4b:s2+s3], $0x80, v4, vm0, $0xb8;
	[tilespmem:$0x10480] =	vst v63  }
0xea: {  	s19 =	simm.s32 $0x2C80  }
0xeb: {  	[tilespmem:s19], [sflag:$0x1] =	stream.indirect_vreg.gather [hbm4b:s2+s3], $0x80, v3, vm0, $0xb8;
	[tilespmem:$0x10480] =	vst v63  }
0xec: {  	v3 =	vld [tilespmem:$0x130];
	_ =	sdelay $0x4  }
0xed: {  	v11 =	vshll.u32 v3, $0x1  }
0xee: {  	v3 =	vand.u32 $0x7, v3;
	v4 =	vand.u32 $0xFFFFFFF0, v11  }
0xef: {  	v3 =	vor.u32 v3, v4  }
0xf0: {  	v4 =	vperm.xlane v3, v0;
	_ =	sdelay $0x1  }
0xf1: {  	v3 =	vperm.xlane v3, v2;
	v4 =	vadd.s32 v1, v4;
	_ =	sdelay $0x1  }
0xf2: {  	v3 =	vadd.s32 v1, v3;
	_ =	sdelay $0x1  }
0xf3: {  	s22 =	simm.s32 $0x3480  }
0xf4: {  	[tilespmem:s22], [sflag:$0x1] =	stream.indirect_vreg.gather [hbm4b:s2+s3], $0x80, v4, vm0, $0xb8;
	[tilespmem:$0x10480] =	vst v63  }
0xf5: {  	s20 =	simm.s32 $0x3C80  }
0xf6: {  	[tilespmem:s20], [sflag:$0x1] =	stream.indirect_vreg.gather [hbm4b:s2+s3], $0x80, v3, vm0, $0xb8;
	[tilespmem:$0x10480] =	vst v63  }
0xf7: {  	v3 =	vld [tilespmem:$0x140];
	_ =	sdelay $0x4  }
0xf8: {  	v12 =	vshll.u32 v3, $0x1  }
0xf9: {  	v3 =	vand.u32 $0x7, v3;
	v4 =	vand.u32 $0xFFFFFFF0, v12  }
0xfa: {  	v3 =	vor.u32 v3, v4  }
0xfb: {  	v4 =	vperm.xlane v3, v0;
	_ =	sdelay $0x1  }
0xfc: {  	v3 =	vperm.xlane v3, v2;
	v4 =	vadd.s32 v1, v4;
	_ =	sdelay $0x1  }
0xfd: {  	v3 =	vadd.s32 v1, v3;
	_ =	sdelay $0x1  }
0xfe: {  	s18 =	simm.s32 $0x4480  }
0xff: {  	[tilespmem:s18], [sflag:$0x1] =	stream.indirect_vreg.gather [hbm4b:s2+s3], $0x80, v4, vm0, $0xb8;
	[tilespmem:$0x10480] =	vst v63  }
0x100: {  	s21 =	simm.s32 $0x4C80  }
0x101: {  	[tilespmem:s21], [sflag:$0x1] =	stream.indirect_vreg.gather [hbm4b:s2+s3], $0x80, v3, vm0, $0xb8;
	[tilespmem:$0x10480] =	vst v63  }
0x102: {  	v3 =	vld [tilespmem:$0x150];
	_ =	sdelay $0x4  }
0x103: {  	v13 =	vshll.u32 v3, $0x1  }
0x104: {  	v3 =	vand.u32 $0x7, v3;
	v4 =	vand.u32 $0xFFFFFFF0, v13  }
0x105: {  	v3 =	vor.u32 v3, v4  }
0x106: {  	v4 =	vperm.xlane v3, v0;
	_ =	sdelay $0x1  }
0x107: {  	v3 =	vperm.xlane v3, v2;
	v4 =	vadd.s32 v1, v4;
	_ =	sdelay $0x1  }
0x108: {  	v3 =	vadd.s32 v1, v3;
	_ =	sdelay $0x1  }
0x109: {  	s19 =	simm.s32 $0x5480  }
0x10a: {  	[tilespmem:s19], [sflag:$0x1] =	stream.indirect_vreg.gather [hbm4b:s2+s3], $0x80, v4, vm0, $0xb8;
	[tilespmem:$0x10480] =	vst v63  }
0x10b: {  	s8 =	simm.s32 $0x5C80  }
0x10c: {  	[tilespmem:s8], [sflag:$0x1] =	stream.indirect_vreg.gather [hbm4b:s2+s3], $0x80, v3, vm0, $0xb8;
	[tilespmem:$0x10480] =	vst v63  }
0x10d: {  	v3 =	vld [tilespmem:$0x160];
	_ =	sdelay $0x4  }
0x10e: {  	v14 =	vshll.u32 v3, $0x1  }
0x10f: {  	v3 =	vand.u32 $0x7, v3;
	v4 =	vand.u32 $0xFFFFFFF0, v14  }
0x110: {  	v3 =	vor.u32 v3, v4  }
0x111: {  	v4 =	vperm.xlane v3, v0;
	_ =	sdelay $0x1  }
0x112: {  	v3 =	vperm.xlane v3, v2;
	v4 =	vadd.s32 v1, v4;
	_ =	sdelay $0x1  }
0x113: {  	v3 =	vadd.s32 v1, v3;
	_ =	sdelay $0x1  }
0x114: {  	s20 =	simm.s32 $0x6480  }
0x115: {  	[tilespmem:s20], [sflag:$0x1] =	stream.indirect_vreg.gather [hbm4b:s2+s3], $0x80, v4, vm0, $0xb8;
	[tilespmem:$0x10480] =	vst v63  }
0x116: {  	s9 =	simm.s32 $0x6C80  }
0x117: {  	[tilespmem:s9], [sflag:$0x1] =	stream.indirect_vreg.gather [hbm4b:s2+s3], $0x80, v3, vm0, $0xb8;
	[tilespmem:$0x10480] =	vst v63  }
0x118: {  	v3 =	vld [tilespmem:$0x170];
	_ =	sdelay $0x4  }
0x119: {  	v15 =	vshll.u32 v3, $0x1  }
0x11a: {  	v3 =	vand.u32 $0x7, v3;
	v4 =	vand.u32 $0xFFFFFFF0, v15  }
0x11b: {  	v3 =	vor.u32 v3, v4  }
0x11c: {  	v4 =	vperm.xlane v3, v0;
	_ =	sdelay $0x1  }
0x11d: {  	v3 =	vperm.xlane v3, v2;
	v4 =	vadd.s32 v1, v4;
	_ =	sdelay $0x1  }
0x11e: {  	v3 =	vadd.s32 v1, v3;
	_ =	sdelay $0x1  }
0x11f: {  	s21 =	simm.s32 $0x7480  }
0x120: {  	[tilespmem:s21], [sflag:$0x1] =	stream.indirect_vreg.gather [hbm4b:s2+s3], $0x80, v4, vm0, $0xb8;
	[tilespmem:$0x10480] =	vst v63  }
0x121: {  	s7 =	simm.s32 $0x7C80  }
0x122: {  	[tilespmem:s7], [sflag:$0x1] =	stream.indirect_vreg.gather [hbm4b:s2+s3], $0x80, v3, vm0, $0xb8;
	[tilespmem:$0x10480] =	vst v63  }
0x123: {  	_ =	swait.ge [sflag:s30], $0x8000  }
0x124: {  	[sflag:s30] =	ssyncset.done $0x0  }
0x125: {  	s1 =	rddreg [dreg:$0x5];
	[sflag:s30] =	ssyncadd.s32 $0xFFFF8000  }
0x126: {  	[hbm4b:s1+s3] =	stream.linear.scatter [tilespmem:s6], [sflag:$0x4], $0x8000, $0x38;
	[tilespmem:$0x10480] =	vst v63  }
0x127: {  	_ =	swait.ge [sflag:s31], $0x8000  }
0x128: {  	[sflag:s31] =	ssyncset.done $0x0  }
0x129: {  	[sflag:s31] =	ssyncadd.s32 $0xFFFF8000  }
0x12a: {  	v3 =	vld [tilespmem:$0x180];
	_ =	sdelay $0x4  }
0x12b: {  	v16 =	vshll.u32 v3, $0x1  }
0x12c: {  	v3 =	vand.u32 $0x7, v3;
	v4 =	vand.u32 $0xFFFFFFF0, v16  }
0x12d: {  	v3 =	vor.u32 v3, v4  }
0x12e: {  	v4 =	vperm.xlane v3, v0;
	_ =	sdelay $0x1  }
0x12f: {  	v3 =	vperm.xlane v3, v2;
	v4 =	vadd.s32 v1, v4;
	_ =	sdelay $0x1  }
0x130: {  	v3 =	vadd.s32 v1, v3;
	_ =	sdelay $0x2  }
0x131: {  	[tilespmem:s6], [sflag:$0x2] =	stream.indirect_vreg.gather [hbm4b:s2+s3], $0x80, v4, vm0, $0xb8;
	[tilespmem:$0x10480] =	vst v63  }
0x132: {  	s12 =	simm.s32 $0x8C80  }
0x133: {  	[tilespmem:s12], [sflag:$0x2] =	stream.indirect_vreg.gather [hbm4b:s2+s3], $0x80, v3, vm0, $0xb8;
	[tilespmem:$0x10480] =	vst v63  }
0x134: {  	v3 =	vld [tilespmem:$0x190];
	_ =	sdelay $0x4  }
0x135: {  	v17 =	vshll.u32 v3, $0x1  }
0x136: {  	v3 =	vand.u32 $0x7, v3;
	v4 =	vand.u32 $0xFFFFFFF0, v17  }
0x137: {  	v3 =	vor.u32 v3, v4  }
0x138: {  	v4 =	vperm.xlane v3, v0;
	_ =	sdelay $0x1  }
0x139: {  	v3 =	vperm.xlane v3, v2;
	v4 =	vadd.s32 v1, v4;
	_ =	sdelay $0x1  }
0x13a: {  	v3 =	vadd.s32 v1, v3;
	_ =	sdelay $0x1  }
0x13b: {  	s10 =	simm.s32 $0x9480  }
0x13c: {  	[tilespmem:s10], [sflag:$0x2] =	stream.indirect_vreg.gather [hbm4b:s2+s3], $0x80, v4, vm0, $0xb8;
	[tilespmem:$0x10480] =	vst v63  }
0x13d: {  	s25 =	simm.s32 $0x9C80  }
0x13e: {  	[tilespmem:s25], [sflag:$0x2] =	stream.indirect_vreg.gather [hbm4b:s2+s3], $0x80, v3, vm0, $0xb8;
	[tilespmem:$0x10480] =	vst v63  }
0x13f: {  	v3 =	vld [tilespmem:$0x1A0];
	_ =	sdelay $0x4  }
0x140: {  	v18 =	vshll.u32 v3, $0x1  }
0x141: {  	v3 =	vand.u32 $0x7, v3;
	v4 =	vand.u32 $0xFFFFFFF0, v18  }
0x142: {  	v3 =	vor.u32 v3, v4  }
0x143: {  	v4 =	vperm.xlane v3, v0;
	_ =	sdelay $0x1  }
0x144: {  	v3 =	vperm.xlane v3, v2;
	v4 =	vadd.s32 v1, v4;
	_ =	sdelay $0x1  }
0x145: {  	v3 =	vadd.s32 v1, v3;
	_ =	sdelay $0x1  }
0x146: {  	s11 =	simm.s32 $0xA480  }
0x147: {  	[tilespmem:s11], [sflag:$0x2] =	stream.indirect_vreg.gather [hbm4b:s2+s3], $0x80, v4, vm0, $0xb8;
	[tilespmem:$0x10480] =	vst v63  }
0x148: {  	s26 =	simm.s32 $0xAC80  }
0x149: {  	[tilespmem:s26], [sflag:$0x2] =	stream.indirect_vreg.gather [hbm4b:s2+s3], $0x80, v3, vm0, $0xb8;
	[tilespmem:$0x10480] =	vst v63  }
0x14a: {  	v3 =	vld [tilespmem:$0x1B0];
	_ =	sdelay $0x4  }
0x14b: {  	v19 =	vshll.u32 v3, $0x1  }
0x14c: {  	v3 =	vand.u32 $0x7, v3;
	v4 =	vand.u32 $0xFFFFFFF0, v19  }
0x14d: {  	v3 =	vor.u32 v3, v4  }
0x14e: {  	v4 =	vperm.xlane v3, v0;
	_ =	sdelay $0x1  }
0x14f: {  	v3 =	vperm.xlane v3, v2;
	v4 =	vadd.s32 v1, v4;
	_ =	sdelay $0x1  }
0x150: {  	v3 =	vadd.s32 v1, v3;
	_ =	sdelay $0x1  }
0x151: {  	s24 =	simm.s32 $0xB480  }
0x152: {  	[tilespmem:s24], [sflag:$0x2] =	stream.indirect_vreg.gather [hbm4b:s2+s3], $0x80, v4, vm0, $0xb8;
	[tilespmem:$0x10480] =	vst v63  }
0x153: {  	s24 =	simm.s32 $0xBC80  }
0x154: {  	[tilespmem:s24], [sflag:$0x2] =	stream.indirect_vreg.gather [hbm4b:s2+s3], $0x80, v3, vm0, $0xb8;
	[tilespmem:$0x10480] =	vst v63  }
0x155: {  	v3 =	vld [tilespmem:$0x1C0];
	_ =	sdelay $0x4  }
0x156: {  	v20 =	vshll.u32 v3, $0x1  }
0x157: {  	v3 =	vand.u32 $0x7, v3;
	v4 =	vand.u32 $0xFFFFFFF0, v20  }
0x158: {  	v3 =	vor.u32 v3, v4  }
0x159: {  	v4 =	vperm.xlane v3, v0;
	_ =	sdelay $0x1  }
0x15a: {  	v3 =	vperm.xlane v3, v2;
	v4 =	vadd.s32 v1, v4;
	_ =	sdelay $0x1  }
0x15b: {  	v3 =	vadd.s32 v1, v3;
	_ =	sdelay $0x1  }
0x15c: {  	s10 =	simm.s32 $0xC480  }
0x15d: {  	[tilespmem:s10], [sflag:$0x2] =	stream.indirect_vreg.gather [hbm4b:s2+s3], $0x80, v4, vm0, $0xb8;
	[tilespmem:$0x10480] =	vst v63  }
0x15e: {  	s25 =	simm.s32 $0xCC80  }
0x15f: {  	[tilespmem:s25], [sflag:$0x2] =	stream.indirect_vreg.gather [hbm4b:s2+s3], $0x80, v3, vm0, $0xb8;
	[tilespmem:$0x10480] =	vst v63  }
0x160: {  	v3 =	vld [tilespmem:$0x1D0];
	_ =	sdelay $0x4  }
0x161: {  	v21 =	vshll.u32 v3, $0x1  }
0x162: {  	v3 =	vand.u32 $0x7, v3;
	v4 =	vand.u32 $0xFFFFFFF0, v21  }
0x163: {  	v3 =	vor.u32 v3, v4  }
0x164: {  	v4 =	vperm.xlane v3, v0;
	_ =	sdelay $0x1  }
0x165: {  	v3 =	vperm.xlane v3, v2;
	v4 =	vadd.s32 v1, v4;
	_ =	sdelay $0x1  }
0x166: {  	v3 =	vadd.s32 v1, v3;
	_ =	sdelay $0x1  }
0x167: {  	s11 =	simm.s32 $0xD480  }
0x168: {  	[tilespmem:s11], [sflag:$0x2] =	stream.indirect_vreg.gather [hbm4b:s2+s3], $0x80, v4, vm0, $0xb8;
	[tilespmem:$0x10480] =	vst v63  }
0x169: {  	s26 =	simm.s32 $0xDC80  }
0x16a: {  	[tilespmem:s26], [sflag:$0x2] =	stream.indirect_vreg.gather [hbm4b:s2+s3], $0x80, v3, vm0, $0xb8;
	[tilespmem:$0x10480] =	vst v63  }
0x16b: {  	v3 =	vld [tilespmem:$0x1E0];
	_ =	sdelay $0x4  }
0x16c: {  	v22 =	vshll.u32 v3, $0x1  }
0x16d: {  	v3 =	vand.u32 $0x7, v3;
	v4 =	vand.u32 $0xFFFFFFF0, v22  }
0x16e: {  	v3 =	vor.u32 v3, v4  }
0x16f: {  	v4 =	vperm.xlane v3, v0;
	_ =	sdelay $0x1  }
0x170: {  	v3 =	vperm.xlane v3, v2;
	v4 =	vadd.s32 v1, v4;
	_ =	sdelay $0x1  }
0x171: {  	v3 =	vadd.s32 v1, v3;
	_ =	sdelay $0x1  }
0x172: {  	s12 =	simm.s32 $0xE480  }
0x173: {  	[tilespmem:s12], [sflag:$0x2] =	stream.indirect_vreg.gather [hbm4b:s2+s3], $0x80, v4, vm0, $0xb8;
	[tilespmem:$0x10480] =	vst v63  }
0x174: {  	s12 =	simm.s32 $0xEC80  }
0x175: {  	[tilespmem:s12], [sflag:$0x2] =	stream.indirect_vreg.gather [hbm4b:s2+s3], $0x80, v3, vm0, $0xb8;
	[tilespmem:$0x10480] =	vst v63  }
0x176: {  	v3 =	vld [tilespmem:$0x1F0];
	_ =	sdelay $0x4  }
0x177: {  	v23 =	vshll.u32 v3, $0x1  }
0x178: {  	v3 =	vand.u32 $0x7, v3;
	v4 =	vand.u32 $0xFFFFFFF0, v23  }
0x179: {  	v3 =	vor.u32 v3, v4  }
0x17a: {  	v4 =	vperm.xlane v3, v0;
	_ =	sdelay $0x1  }
0x17b: {  	v3 =	vperm.xlane v3, v2;
	v4 =	vadd.s32 v1, v4;
	_ =	sdelay $0x1  }
0x17c: {  	v3 =	vadd.s32 v1, v3;
	_ =	sdelay $0x1  }
0x17d: {  	s1 =	simm.s32 $0xF480  }
0x17e: {  	[tilespmem:s1], [sflag:$0x2] =	stream.indirect_vreg.gather [hbm4b:s2+s3], $0x80, v4, vm0, $0xb8;
	[tilespmem:$0x10480] =	vst v63  }
0x17f: {  	s1 =	simm.s32 $0xFC80  }
0x180: {  	[tilespmem:s1], [sflag:$0x2] =	stream.indirect_vreg.gather [hbm4b:s2+s3], $0x80, v3, vm0, $0xb8;
	[tilespmem:$0x10480] =	vst v63  }
0x181: {  	_ =	swait.ge [sflag:s28], $0x8000  }
0x182: {  	[sflag:s28] =	ssyncset.done $0x0  }
0x183: {  	s1 =	rddreg [dreg:$0x6];
	[sflag:s28] =	ssyncadd.s32 $0xFFFF8000  }
0x184: {  	[hbm4b:s1+s3] =	stream.linear.scatter [tilespmem:s14], [sflag:$0x3], $0x8000, $0x38;
	[tilespmem:$0x10480] =	vst v63  }
0x185: {  	_ =	swait.ge [sflag:s29], $0x8000  }
0x186: {  	[sflag:s29] =	ssyncset.done $0x0  }
0x187: {  	[sflag:s29] =	ssyncadd.s32 $0xFFFF8000  }
0x188: {  	v3 =	vld [tilespmem:$0x200];
	_ =	sdelay $0x4  }
0x189: {  	v24 =	vshll.u32 v3, $0x1  }
0x18a: {  	v3 =	vand.u32 $0x7, v3;
	v4 =	vand.u32 $0xFFFFFFF0, v24  }
0x18b: {  	v3 =	vor.u32 v3, v4  }
0x18c: {  	v4 =	vperm.xlane v3, v0;
	_ =	sdelay $0x1  }
0x18d: {  	v3 =	vperm.xlane v3, v2;
	v4 =	vadd.s32 v1, v4;
	_ =	sdelay $0x1  }
0x18e: {  	v3 =	vadd.s32 v1, v3;
	_ =	sdelay $0x2  }
0x18f: {  	[tilespmem:s14], [sflag:$0x1] =	stream.indirect_vreg.gather [hbm4b:s2+s3], $0x80, v4, vm0, $0xb8;
	[tilespmem:$0x10480] =	vst v63  }
0x190: {  	s13 =	simm.s32 $0xC80  }
0x191: {  	[tilespmem:s13], [sflag:$0x1] =	stream.indirect_vreg.gather [hbm4b:s2+s3], $0x80, v3, vm0, $0xb8;
	[tilespmem:$0x10480] =	vst v63  }
0x192: {  	v3 =	vld [tilespmem:$0x210];
	_ =	sdelay $0x4  }
0x193: {  	v25 =	vshll.u32 v3, $0x1  }
0x194: {  	v3 =	vand.u32 $0x7, v3;
	v4 =	vand.u32 $0xFFFFFFF0, v25  }
0x195: {  	v3 =	vor.u32 v3, v4  }
0x196: {  	v4 =	vperm.xlane v3, v0;
	_ =	sdelay $0x1  }
0x197: {  	v3 =	vperm.xlane v3, v2;
	v4 =	vadd.s32 v1, v4;
	_ =	sdelay $0x1  }
0x198: {  	v3 =	vadd.s32 v1, v3;
	_ =	sdelay $0x2  }
0x199: {  	[tilespmem:s0], [sflag:$0x1] =	stream.indirect_vreg.gather [hbm4b:s2+s3], $0x80, v4, vm0, $0xb8;
	[tilespmem:$0x10480] =	vst v63  }
0x19a: {  	s15 =	simm.s32 $0x1C80  }
0x19b: {  	[tilespmem:s15], [sflag:$0x1] =	stream.indirect_vreg.gather [hbm4b:s2+s3], $0x80, v3, vm0, $0xb8;
	[tilespmem:$0x10480] =	vst v63  }
0x19c: {  	v3 =	vld [tilespmem:$0x220];
	_ =	sdelay $0x4  }
0x19d: {  	v26 =	vshll.u32 v3, $0x1  }
0x19e: {  	v3 =	vand.u32 $0x7, v3;
	v4 =	vand.u32 $0xFFFFFFF0, v26  }
0x19f: {  	v3 =	vor.u32 v3, v4  }
0x1a0: {  	v4 =	vperm.xlane v3, v0;
	_ =	sdelay $0x1  }
0x1a1: {  	v3 =	vperm.xlane v3, v2;
	v4 =	vadd.s32 v1, v4;
	_ =	sdelay $0x1  }
0x1a2: {  	v3 =	vadd.s32 v1, v3;
	_ =	sdelay $0x2  }
0x1a3: {  	[tilespmem:s5], [sflag:$0x1] =	stream.indirect_vreg.gather [hbm4b:s2+s3], $0x80, v4, vm0, $0xb8;
	[tilespmem:$0x10480] =	vst v63  }
0x1a4: {  	s16 =	simm.s32 $0x2C80  }
0x1a5: {  	[tilespmem:s16], [sflag:$0x1] =	stream.indirect_vreg.gather [hbm4b:s2+s3], $0x80, v3, vm0, $0xb8;
	[tilespmem:$0x10480] =	vst v63  }
0x1a6: {  	v3 =	vld [tilespmem:$0x230];
	_ =	sdelay $0x4  }
0x1a7: {  	v27 =	vshll.u32 v3, $0x1  }
0x1a8: {  	v3 =	vand.u32 $0x7, v3;
	v4 =	vand.u32 $0xFFFFFFF0, v27  }
0x1a9: {  	v3 =	vor.u32 v3, v4  }
0x1aa: {  	v4 =	vperm.xlane v3, v0;
	_ =	sdelay $0x1  }
0x1ab: {  	v3 =	vperm.xlane v3, v2;
	v4 =	vadd.s32 v1, v4;
	_ =	sdelay $0x1  }
0x1ac: {  	v3 =	vadd.s32 v1, v3;
	_ =	sdelay $0x2  }
0x1ad: {  	[tilespmem:s22], [sflag:$0x1] =	stream.indirect_vreg.gather [hbm4b:s2+s3], $0x80, v4, vm0, $0xb8;
	[tilespmem:$0x10480] =	vst v63  }
0x1ae: {  	s17 =	simm.s32 $0x3C80  }
0x1af: {  	[tilespmem:s17], [sflag:$0x1] =	stream.indirect_vreg.gather [hbm4b:s2+s3], $0x80, v3, vm0, $0xb8;
	[tilespmem:$0x10480] =	vst v63  }
0x1b0: {  	v3 =	vld [tilespmem:$0x240];
	_ =	sdelay $0x4  }
0x1b1: {  	v28 =	vshll.u32 v3, $0x1  }
0x1b2: {  	v3 =	vand.u32 $0x7, v3;
	v4 =	vand.u32 $0xFFFFFFF0, v28  }
0x1b3: {  	v3 =	vor.u32 v3, v4  }
0x1b4: {  	v4 =	vperm.xlane v3, v0;
	_ =	sdelay $0x1  }
0x1b5: {  	v3 =	vperm.xlane v3, v2;
	v4 =	vadd.s32 v1, v4;
	_ =	sdelay $0x1  }
0x1b6: {  	v3 =	vadd.s32 v1, v3;
	_ =	sdelay $0x2  }
0x1b7: {  	[tilespmem:s18], [sflag:$0x1] =	stream.indirect_vreg.gather [hbm4b:s2+s3], $0x80, v4, vm0, $0xb8;
	[tilespmem:$0x10480] =	vst v63  }
0x1b8: {  	s23 =	simm.s32 $0x4C80  }
0x1b9: {  	[tilespmem:s23], [sflag:$0x1] =	stream.indirect_vreg.gather [hbm4b:s2+s3], $0x80, v3, vm0, $0xb8;
	[tilespmem:$0x10480] =	vst v63  }
0x1ba: {  	v3 =	vld [tilespmem:$0x250];
	_ =	sdelay $0x4  }
0x1bb: {  	v29 =	vshll.u32 v3, $0x1  }
0x1bc: {  	v3 =	vand.u32 $0x7, v3;
	v4 =	vand.u32 $0xFFFFFFF0, v29  }
0x1bd: {  	v3 =	vor.u32 v3, v4  }
0x1be: {  	v4 =	vperm.xlane v3, v0;
	_ =	sdelay $0x1  }
0x1bf: {  	v3 =	vperm.xlane v3, v2;
	v4 =	vadd.s32 v1, v4;
	_ =	sdelay $0x1  }
0x1c0: {  	v3 =	vadd.s32 v1, v3;
	_ =	sdelay $0x2  }
0x1c1: {  	[tilespmem:s19], [sflag:$0x1] =	stream.indirect_vreg.gather [hbm4b:s2+s3], $0x80, v4, vm0, $0xb8;
	[tilespmem:$0x10480] =	vst v63  }
0x1c2: {  	_ = 	snop  }
0x1c3: {  	[tilespmem:s8], [sflag:$0x1] =	stream.indirect_vreg.gather [hbm4b:s2+s3], $0x80, v3, vm0, $0xb8;
	[tilespmem:$0x10480] =	vst v63  }
0x1c4: {  	v3 =	vld [tilespmem:$0x260];
	_ =	sdelay $0x4  }
0x1c5: {  	v30 =	vshll.u32 v3, $0x1  }
0x1c6: {  	v3 =	vand.u32 $0x7, v3;
	v4 =	vand.u32 $0xFFFFFFF0, v30  }
0x1c7: {  	v3 =	vor.u32 v3, v4  }
0x1c8: {  	v4 =	vperm.xlane v3, v0;
	_ =	sdelay $0x1  }
0x1c9: {  	v3 =	vperm.xlane v3, v2;
	v4 =	vadd.s32 v1, v4;
	_ =	sdelay $0x1  }
0x1ca: {  	v3 =	vadd.s32 v1, v3;
	_ =	sdelay $0x2  }
0x1cb: {  	[tilespmem:s20], [sflag:$0x1] =	stream.indirect_vreg.gather [hbm4b:s2+s3], $0x80, v4, vm0, $0xb8;
	[tilespmem:$0x10480] =	vst v63  }
0x1cc: {  	_ = 	snop  }
0x1cd: {  	[tilespmem:s9], [sflag:$0x1] =	stream.indirect_vreg.gather [hbm4b:s2+s3], $0x80, v3, vm0, $0xb8;
	[tilespmem:$0x10480] =	vst v63  }
0x1ce: {  	v3 =	vld [tilespmem:$0x270];
	_ =	sdelay $0x4  }
0x1cf: {  	v31 =	vshll.u32 v3, $0x1  }
0x1d0: {  	v3 =	vand.u32 $0x7, v3;
	v4 =	vand.u32 $0xFFFFFFF0, v31  }
0x1d1: {  	v3 =	vor.u32 v3, v4  }
0x1d2: {  	v4 =	vperm.xlane v3, v0;
	_ =	sdelay $0x1  }
0x1d3: {  	v3 =	vperm.xlane v3, v2;
	v4 =	vadd.s32 v1, v4;
	_ =	sdelay $0x1  }
0x1d4: {  	v3 =	vadd.s32 v1, v3;
	_ =	sdelay $0x2  }
0x1d5: {  	[tilespmem:s21], [sflag:$0x1] =	stream.indirect_vreg.gather [hbm4b:s2+s3], $0x80, v4, vm0, $0xb8;
	[tilespmem:$0x10480] =	vst v63  }
0x1d6: {  	s7 =	simm.s32 $0x7C80  }
0x1d7: {  	[tilespmem:s7], [sflag:$0x1] =	stream.indirect_vreg.gather [hbm4b:s2+s3], $0x80, v3, vm0, $0xb8;
	[tilespmem:$0x10480] =	vst v63  }
0x1d8: {  	_ =	swait.ge [sflag:s30], $0x8000  }
0x1d9: {  	[sflag:s30] =	ssyncset.done $0x0  }
0x1da: {  	s8 =	rddreg [dreg:$0x7];
	[sflag:s30] =	ssyncadd.s32 $0xFFFF8000  }
0x1db: {  	[hbm4b:s8+s3] =	stream.linear.scatter [tilespmem:s6], [sflag:$0x4], $0x8000, $0x38;
	[tilespmem:$0x10480] =	vst v63  }
0x1dc: {  	_ =	swait.ge [sflag:s31], $0x8000  }
0x1dd: {  	[sflag:s31] =	ssyncset.done $0x0  }
0x1de: {  	[sflag:s31] =	ssyncadd.s32 $0xFFFF8000  }
0x1df: {  	v3 =	vld [tilespmem:$0x280];
	_ =	sdelay $0x4  }
0x1e0: {  	v32 =	vshll.u32 v3, $0x1  }
0x1e1: {  	v3 =	vand.u32 $0x7, v3;
	v4 =	vand.u32 $0xFFFFFFF0, v32  }
0x1e2: {  	v3 =	vor.u32 v3, v4  }
0x1e3: {  	v4 =	vperm.xlane v3, v0;
	_ =	sdelay $0x1  }
0x1e4: {  	v3 =	vperm.xlane v3, v2;
	v4 =	vadd.s32 v1, v4;
	_ =	sdelay $0x1  }
0x1e5: {  	v3 =	vadd.s32 v1, v3;
	_ =	sdelay $0x2  }
0x1e6: {  	[tilespmem:s6], [sflag:$0x2] =	stream.indirect_vreg.gather [hbm4b:s2+s3], $0x80, v4, vm0, $0xb8;
	[tilespmem:$0x10480] =	vst v63  }
0x1e7: {  	s9 =	simm.s32 $0x8C80  }
0x1e8: {  	[tilespmem:s9], [sflag:$0x2] =	stream.indirect_vreg.gather [hbm4b:s2+s3], $0x80, v3, vm0, $0xb8;
	[tilespmem:$0x10480] =	vst v63  }
0x1e9: {  	v3 =	vld [tilespmem:$0x290];
	_ =	sdelay $0x4  }
0x1ea: {  	v33 =	vshll.u32 v3, $0x1  }
0x1eb: {  	v3 =	vand.u32 $0x7, v3;
	v4 =	vand.u32 $0xFFFFFFF0, v33  }
0x1ec: {  	v3 =	vor.u32 v3, v4  }
0x1ed: {  	v4 =	vperm.xlane v3, v0;
	_ =	sdelay $0x1  }
0x1ee: {  	v3 =	vperm.xlane v3, v2;
	v4 =	vadd.s32 v1, v4;
	_ =	sdelay $0x1  }
0x1ef: {  	v3 =	vadd.s32 v1, v3;
	_ =	sdelay $0x1  }
0x1f0: {  	s16 =	simm.s32 $0x9480  }
0x1f1: {  	[tilespmem:s16], [sflag:$0x2] =	stream.indirect_vreg.gather [hbm4b:s2+s3], $0x80, v4, vm0, $0xb8;
	[tilespmem:$0x10480] =	vst v63  }
0x1f2: {  	s17 =	simm.s32 $0x9C80  }
0x1f3: {  	[tilespmem:s17], [sflag:$0x2] =	stream.indirect_vreg.gather [hbm4b:s2+s3], $0x80, v3, vm0, $0xb8;
	[tilespmem:$0x10480] =	vst v63  }
0x1f4: {  	v3 =	vld [tilespmem:$0x2A0];
	_ =	sdelay $0x4  }
0x1f5: {  	v34 =	vshll.u32 v3, $0x1  }
0x1f6: {  	v3 =	vand.u32 $0x7, v3;
	v4 =	vand.u32 $0xFFFFFFF0, v34  }
0x1f7: {  	v3 =	vor.u32 v3, v4  }
0x1f8: {  	v4 =	vperm.xlane v3, v0;
	_ =	sdelay $0x1  }
0x1f9: {  	v3 =	vperm.xlane v3, v2;
	v4 =	vadd.s32 v1, v4;
	_ =	sdelay $0x1  }
0x1fa: {  	v3 =	vadd.s32 v1, v3;
	_ =	sdelay $0x1  }
0x1fb: {  	s21 =	simm.s32 $0xA480  }
0x1fc: {  	[tilespmem:s21], [sflag:$0x2] =	stream.indirect_vreg.gather [hbm4b:s2+s3], $0x80, v4, vm0, $0xb8;
	[tilespmem:$0x10480] =	vst v63  }
0x1fd: {  	s23 =	simm.s32 $0xAC80  }
0x1fe: {  	[tilespmem:s23], [sflag:$0x2] =	stream.indirect_vreg.gather [hbm4b:s2+s3], $0x80, v3, vm0, $0xb8;
	[tilespmem:$0x10480] =	vst v63  }
0x1ff: {  	v3 =	vld [tilespmem:$0x2B0];
	_ =	sdelay $0x4  }
0x200: {  	v35 =	vshll.u32 v3, $0x1  }
0x201: {  	v3 =	vand.u32 $0x7, v3;
	v4 =	vand.u32 $0xFFFFFFF0, v35  }
0x202: {  	v3 =	vor.u32 v3, v4  }
0x203: {  	v4 =	vperm.xlane v3, v0;
	_ =	sdelay $0x1  }
0x204: {  	v3 =	vperm.xlane v3, v2;
	v4 =	vadd.s32 v1, v4;
	_ =	sdelay $0x1  }
0x205: {  	v3 =	vadd.s32 v1, v3;
	_ =	sdelay $0x1  }
0x206: {  	s7 =	simm.s32 $0xB480  }
0x207: {  	[tilespmem:s7], [sflag:$0x2] =	stream.indirect_vreg.gather [hbm4b:s2+s3], $0x80, v4, vm0, $0xb8;
	[tilespmem:$0x10480] =	vst v63  }
0x208: {  	_ = 	snop  }
0x209: {  	[tilespmem:s24], [sflag:$0x2] =	stream.indirect_vreg.gather [hbm4b:s2+s3], $0x80, v3, vm0, $0xb8;
	[tilespmem:$0x10480] =	vst v63  }
0x20a: {  	v3 =	vld [tilespmem:$0x2C0];
	_ =	sdelay $0x4  }
0x20b: {  	v36 =	vshll.u32 v3, $0x1  }
0x20c: {  	v3 =	vand.u32 $0x7, v3;
	v4 =	vand.u32 $0xFFFFFFF0, v36  }
0x20d: {  	v3 =	vor.u32 v3, v4  }
0x20e: {  	v4 =	vperm.xlane v3, v0;
	_ =	sdelay $0x1  }
0x20f: {  	v3 =	vperm.xlane v3, v2;
	v4 =	vadd.s32 v1, v4;
	_ =	sdelay $0x1  }
0x210: {  	v3 =	vadd.s32 v1, v3;
	_ =	sdelay $0x2  }
0x211: {  	[tilespmem:s10], [sflag:$0x2] =	stream.indirect_vreg.gather [hbm4b:s2+s3], $0x80, v4, vm0, $0xb8;
	[tilespmem:$0x10480] =	vst v63  }
0x212: {  	_ = 	snop  }
0x213: {  	[tilespmem:s25], [sflag:$0x2] =	stream.indirect_vreg.gather [hbm4b:s2+s3], $0x80, v3, vm0, $0xb8;
	[tilespmem:$0x10480] =	vst v63  }
0x214: {  	v3 =	vld [tilespmem:$0x2D0];
	_ =	sdelay $0x4  }
0x215: {  	v37 =	vshll.u32 v3, $0x1  }
0x216: {  	v3 =	vand.u32 $0x7, v3;
	v4 =	vand.u32 $0xFFFFFFF0, v37  }
0x217: {  	v3 =	vor.u32 v3, v4  }
0x218: {  	v4 =	vperm.xlane v3, v0;
	_ =	sdelay $0x1  }
0x219: {  	v3 =	vperm.xlane v3, v2;
	v4 =	vadd.s32 v1, v4;
	_ =	sdelay $0x1  }
0x21a: {  	v3 =	vadd.s32 v1, v3;
	_ =	sdelay $0x2  }
0x21b: {  	[tilespmem:s11], [sflag:$0x2] =	stream.indirect_vreg.gather [hbm4b:s2+s3], $0x80, v4, vm0, $0xb8;
	[tilespmem:$0x10480] =	vst v63  }
0x21c: {  	_ = 	snop  }
0x21d: {  	[tilespmem:s26], [sflag:$0x2] =	stream.indirect_vreg.gather [hbm4b:s2+s3], $0x80, v3, vm0, $0xb8;
	[tilespmem:$0x10480] =	vst v63  }
0x21e: {  	v3 =	vld [tilespmem:$0x2E0];
	_ =	sdelay $0x4  }
0x21f: {  	v38 =	vshll.u32 v3, $0x1  }
0x220: {  	v3 =	vand.u32 $0x7, v3;
	v4 =	vand.u32 $0xFFFFFFF0, v38  }
0x221: {  	v3 =	vor.u32 v3, v4  }
0x222: {  	v4 =	vperm.xlane v3, v0;
	_ =	sdelay $0x1  }
0x223: {  	v3 =	vperm.xlane v3, v2;
	v4 =	vadd.s32 v1, v4;
	_ =	sdelay $0x1  }
0x224: {  	v3 =	vadd.s32 v1, v3;
	_ =	sdelay $0x1  }
0x225: {  	s8 =	simm.s32 $0xE480  }
0x226: {  	[tilespmem:s8], [sflag:$0x2] =	stream.indirect_vreg.gather [hbm4b:s2+s3], $0x80, v4, vm0, $0xb8;
	[tilespmem:$0x10480] =	vst v63  }
0x227: {  	_ = 	snop  }
0x228: {  	[tilespmem:s12], [sflag:$0x2] =	stream.indirect_vreg.gather [hbm4b:s2+s3], $0x80, v3, vm0, $0xb8;
	[tilespmem:$0x10480] =	vst v63  }
0x229: {  	v3 =	vld [tilespmem:$0x2F0];
	_ =	sdelay $0x4  }
0x22a: {  	v39 =	vshll.u32 v3, $0x1  }
0x22b: {  	v3 =	vand.u32 $0x7, v3;
	v4 =	vand.u32 $0xFFFFFFF0, v39  }
0x22c: {  	v3 =	vor.u32 v3, v4  }
0x22d: {  	v4 =	vperm.xlane v3, v0;
	_ =	sdelay $0x1  }
0x22e: {  	v3 =	vperm.xlane v3, v2;
	v4 =	vadd.s32 v1, v4;
	_ =	sdelay $0x1  }
0x22f: {  	v3 =	vadd.s32 v1, v3;
	_ =	sdelay $0x1  }
0x230: {  	s16 =	simm.s32 $0xF480  }
0x231: {  	[tilespmem:s16], [sflag:$0x2] =	stream.indirect_vreg.gather [hbm4b:s2+s3], $0x80, v4, vm0, $0xb8;
	[tilespmem:$0x10480] =	vst v63  }
0x232: {  	s17 =	simm.s32 $0xFC80  }
0x233: {  	[tilespmem:s17], [sflag:$0x2] =	stream.indirect_vreg.gather [hbm4b:s2+s3], $0x80, v3, vm0, $0xb8;
	[tilespmem:$0x10480] =	vst v63  }
0x234: {  	_ =	swait.ge [sflag:s28], $0x8000  }
0x235: {  	[sflag:s28] =	ssyncset.done $0x0  }
0x236: {  	s24 =	rddreg [dreg:$0x8];
	[sflag:s28] =	ssyncadd.s32 $0xFFFF8000  }
0x237: {  	[hbm4b:s24+s3] =	stream.linear.scatter [tilespmem:s14], [sflag:$0x3], $0x8000, $0x38;
	[tilespmem:$0x10480] =	vst v63  }
0x238: {  	_ =	swait.ge [sflag:s29], $0x8000  }
0x239: {  	[sflag:s29] =	ssyncset.done $0x0  }
0x23a: {  	[sflag:s29] =	ssyncadd.s32 $0xFFFF8000  }
0x23b: {  	v3 =	vld [tilespmem:$0x300];
	_ =	sdelay $0x4  }
0x23c: {  	v40 =	vshll.u32 v3, $0x1  }
0x23d: {  	v3 =	vand.u32 $0x7, v3;
	v4 =	vand.u32 $0xFFFFFFF0, v40  }
0x23e: {  	v3 =	vor.u32 v3, v4  }
0x23f: {  	v4 =	vperm.xlane v3, v0;
	_ =	sdelay $0x1  }
0x240: {  	v3 =	vperm.xlane v3, v2;
	v4 =	vadd.s32 v1, v4;
	_ =	sdelay $0x1  }
0x241: {  	v3 =	vadd.s32 v1, v3;
	_ =	sdelay $0x2  }
0x242: {  	[tilespmem:s14], [sflag:$0x1] =	stream.indirect_vreg.gather [hbm4b:s2+s3], $0x80, v4, vm0, $0xb8;
	[tilespmem:$0x10480] =	vst v63  }
0x243: {  	s26 =	simm.s32 $0xC80  }
0x244: {  	[tilespmem:s26], [sflag:$0x1] =	stream.indirect_vreg.gather [hbm4b:s2+s3], $0x80, v3, vm0, $0xb8;
	[tilespmem:$0x10480] =	vst v63  }
0x245: {  	v3 =	vld [tilespmem:$0x310];
	_ =	sdelay $0x4  }
0x246: {  	v41 =	vshll.u32 v3, $0x1  }
0x247: {  	v3 =	vand.u32 $0x7, v3;
	v4 =	vand.u32 $0xFFFFFFF0, v41  }
0x248: {  	v3 =	vor.u32 v3, v4  }
0x249: {  	v4 =	vperm.xlane v3, v0;
	_ =	sdelay $0x1  }
0x24a: {  	v3 =	vperm.xlane v3, v2;
	v4 =	vadd.s32 v1, v4;
	_ =	sdelay $0x1  }
0x24b: {  	v3 =	vadd.s32 v1, v3;
	_ =	sdelay $0x1  }
0x24c: {  	s0 =	simm.s32 $0x1480  }
0x24d: {  	[tilespmem:s0], [sflag:$0x1] =	stream.indirect_vreg.gather [hbm4b:s2+s3], $0x80, v4, vm0, $0xb8;
	[tilespmem:$0x10480] =	vst v63  }
0x24e: {  	s1 =	simm.s32 $0x1C80  }
0x24f: {  	[tilespmem:s1], [sflag:$0x1] =	stream.indirect_vreg.gather [hbm4b:s2+s3], $0x80, v3, vm0, $0xb8;
	[tilespmem:$0x10480] =	vst v63  }
0x250: {  	v3 =	vld [tilespmem:$0x320];
	_ =	sdelay $0x4  }
0x251: {  	v42 =	vshll.u32 v3, $0x1  }
0x252: {  	v3 =	vand.u32 $0x7, v3;
	v4 =	vand.u32 $0xFFFFFFF0, v42  }
0x253: {  	v3 =	vor.u32 v3, v4  }
0x254: {  	v4 =	vperm.xlane v3, v0;
	_ =	sdelay $0x1  }
0x255: {  	v3 =	vperm.xlane v3, v2;
	v4 =	vadd.s32 v1, v4;
	_ =	sdelay $0x1  }
0x256: {  	v3 =	vadd.s32 v1, v3;
	_ =	sdelay $0x1  }
0x257: {  	s5 =	simm.s32 $0x2480  }
0x258: {  	[tilespmem:s5], [sflag:$0x1] =	stream.indirect_vreg.gather [hbm4b:s2+s3], $0x80, v4, vm0, $0xb8;
	[tilespmem:$0x10480] =	vst v63  }
0x259: {  	s5 =	simm.s32 $0x2C80  }
0x25a: {  	[tilespmem:s5], [sflag:$0x1] =	stream.indirect_vreg.gather [hbm4b:s2+s3], $0x80, v3, vm0, $0xb8;
	[tilespmem:$0x10480] =	vst v63  }
0x25b: {  	v3 =	vld [tilespmem:$0x330];
	_ =	sdelay $0x4  }
0x25c: {  	v43 =	vshll.u32 v3, $0x1  }
0x25d: {  	v3 =	vand.u32 $0x7, v3;
	v4 =	vand.u32 $0xFFFFFFF0, v43  }
0x25e: {  	v3 =	vor.u32 v3, v4  }
0x25f: {  	v4 =	vperm.xlane v3, v0;
	_ =	sdelay $0x1  }
0x260: {  	v3 =	vperm.xlane v3, v2;
	v4 =	vadd.s32 v1, v4;
	_ =	sdelay $0x1  }
0x261: {  	v3 =	vadd.s32 v1, v3;
	_ =	sdelay $0x1  }
0x262: {  	s13 =	simm.s32 $0x3480  }
0x263: {  	[tilespmem:s13], [sflag:$0x1] =	stream.indirect_vreg.gather [hbm4b:s2+s3], $0x80, v4, vm0, $0xb8;
	[tilespmem:$0x10480] =	vst v63  }
0x264: {  	s13 =	simm.s32 $0x3C80  }
0x265: {  	[tilespmem:s13], [sflag:$0x1] =	stream.indirect_vreg.gather [hbm4b:s2+s3], $0x80, v3, vm0, $0xb8;
	[tilespmem:$0x10480] =	vst v63  }
0x266: {  	v3 =	vld [tilespmem:$0x340];
	_ =	sdelay $0x4  }
0x267: {  	v44 =	vshll.u32 v3, $0x1  }
0x268: {  	v3 =	vand.u32 $0x7, v3;
	v4 =	vand.u32 $0xFFFFFFF0, v44  }
0x269: {  	v3 =	vor.u32 v3, v4  }
0x26a: {  	v4 =	vperm.xlane v3, v0;
	_ =	sdelay $0x1  }
0x26b: {  	v3 =	vperm.xlane v3, v2;
	v4 =	vadd.s32 v1, v4;
	_ =	sdelay $0x1  }
0x26c: {  	v3 =	vadd.s32 v1, v3;
	_ =	sdelay $0x1  }
0x26d: {  	s13 =	simm.s32 $0x4480  }
0x26e: {  	[tilespmem:s13], [sflag:$0x1] =	stream.indirect_vreg.gather [hbm4b:s2+s3], $0x80, v4, vm0, $0xb8;
	[tilespmem:$0x10480] =	vst v63  }
0x26f: {  	s13 =	simm.s32 $0x4C80  }
0x270: {  	[tilespmem:s13], [sflag:$0x1] =	stream.indirect_vreg.gather [hbm4b:s2+s3], $0x80, v3, vm0, $0xb8;
	[tilespmem:$0x10480] =	vst v63  }
0x271: {  	v3 =	vld [tilespmem:$0x350];
	_ =	sdelay $0x4  }
0x272: {  	v45 =	vshll.u32 v3, $0x1  }
0x273: {  	v3 =	vand.u32 $0x7, v3;
	v4 =	vand.u32 $0xFFFFFFF0, v45  }
0x274: {  	v3 =	vor.u32 v3, v4  }
0x275: {  	v4 =	vperm.xlane v3, v0;
	_ =	sdelay $0x1  }
0x276: {  	v3 =	vperm.xlane v3, v2;
	v4 =	vadd.s32 v1, v4;
	_ =	sdelay $0x1  }
0x277: {  	v3 =	vadd.s32 v1, v3;
	_ =	sdelay $0x1  }
0x278: {  	s19 =	simm.s32 $0x5480  }
0x279: {  	[tilespmem:s19], [sflag:$0x1] =	stream.indirect_vreg.gather [hbm4b:s2+s3], $0x80, v4, vm0, $0xb8;
	[tilespmem:$0x10480] =	vst v63  }
0x27a: {  	s18 =	simm.s32 $0x5C80  }
0x27b: {  	[tilespmem:s18], [sflag:$0x1] =	stream.indirect_vreg.gather [hbm4b:s2+s3], $0x80, v3, vm0, $0xb8;
	[tilespmem:$0x10480] =	vst v63  }
0x27c: {  	v3 =	vld [tilespmem:$0x360];
	_ =	sdelay $0x4  }
0x27d: {  	v46 =	vshll.u32 v3, $0x1  }
0x27e: {  	v3 =	vand.u32 $0x7, v3;
	v4 =	vand.u32 $0xFFFFFFF0, v46  }
0x27f: {  	v3 =	vor.u32 v3, v4  }
0x280: {  	v4 =	vperm.xlane v3, v0;
	_ =	sdelay $0x1  }
0x281: {  	v3 =	vperm.xlane v3, v2;
	v4 =	vadd.s32 v1, v4;
	_ =	sdelay $0x1  }
0x282: {  	v3 =	vadd.s32 v1, v3;
	_ =	sdelay $0x1  }
0x283: {  	s20 =	simm.s32 $0x6480  }
0x284: {  	[tilespmem:s20], [sflag:$0x1] =	stream.indirect_vreg.gather [hbm4b:s2+s3], $0x80, v4, vm0, $0xb8;
	[tilespmem:$0x10480] =	vst v63  }
0x285: {  	s15 =	simm.s32 $0x6C80  }
0x286: {  	[tilespmem:s15], [sflag:$0x1] =	stream.indirect_vreg.gather [hbm4b:s2+s3], $0x80, v3, vm0, $0xb8;
	[tilespmem:$0x10480] =	vst v63  }
0x287: {  	v3 =	vld [tilespmem:$0x370];
	_ =	sdelay $0x4  }
0x288: {  	v47 =	vshll.u32 v3, $0x1  }
0x289: {  	v3 =	vand.u32 $0x7, v3;
	v4 =	vand.u32 $0xFFFFFFF0, v47  }
0x28a: {  	v3 =	vor.u32 v3, v4  }
0x28b: {  	v4 =	vperm.xlane v3, v0;
	_ =	sdelay $0x1  }
0x28c: {  	v3 =	vperm.xlane v3, v2;
	v4 =	vadd.s32 v1, v4;
	_ =	sdelay $0x1  }
0x28d: {  	v3 =	vadd.s32 v1, v3;
	_ =	sdelay $0x1  }
0x28e: {  	s22 =	simm.s32 $0x7480  }
0x28f: {  	[tilespmem:s22], [sflag:$0x1] =	stream.indirect_vreg.gather [hbm4b:s2+s3], $0x80, v4, vm0, $0xb8;
	[tilespmem:$0x10480] =	vst v63  }
0x290: {  	s22 =	simm.s32 $0x7C80  }
0x291: {  	[tilespmem:s22], [sflag:$0x1] =	stream.indirect_vreg.gather [hbm4b:s2+s3], $0x80, v3, vm0, $0xb8;
	[tilespmem:$0x10480] =	vst v63  }
0x292: {  	_ =	swait.ge [sflag:s30], $0x8000  }
0x293: {  	[sflag:s30] =	ssyncset.done $0x0  }
0x294: {  	s1 =	rddreg [dreg:$0x9];
	[sflag:s30] =	ssyncadd.s32 $0xFFFF8000  }
0x295: {  	[hbm4b:s1+s3] =	stream.linear.scatter [tilespmem:s6], [sflag:$0x4], $0x8000, $0x38;
	[tilespmem:$0x10480] =	vst v63  }
0x296: {  	_ =	swait.ge [sflag:s31], $0x8000  }
0x297: {  	[sflag:s31] =	ssyncset.done $0x0  }
0x298: {  	[sflag:s31] =	ssyncadd.s32 $0xFFFF8000  }
0x299: {  	v3 =	vld [tilespmem:$0x380];
	_ =	sdelay $0x4  }
0x29a: {  	v48 =	vshll.u32 v3, $0x1  }
0x29b: {  	v3 =	vand.u32 $0x7, v3;
	v4 =	vand.u32 $0xFFFFFFF0, v48  }
0x29c: {  	v3 =	vor.u32 v3, v4  }
0x29d: {  	v4 =	vperm.xlane v3, v0;
	_ =	sdelay $0x1  }
0x29e: {  	v3 =	vperm.xlane v3, v2;
	v4 =	vadd.s32 v1, v4;
	_ =	sdelay $0x1  }
0x29f: {  	v3 =	vadd.s32 v1, v3;
	_ =	sdelay $0x2  }
0x2a0: {  	[tilespmem:s6], [sflag:$0x2] =	stream.indirect_vreg.gather [hbm4b:s2+s3], $0x80, v4, vm0, $0xb8;
	[tilespmem:$0x10480] =	vst v63  }
0x2a1: {  	s1 =	simm.s32 $0x8C80  }
0x2a2: {  	[tilespmem:s1], [sflag:$0x2] =	stream.indirect_vreg.gather [hbm4b:s2+s3], $0x80, v3, vm0, $0xb8;
	[tilespmem:$0x10480] =	vst v63  }
0x2a3: {  	v3 =	vld [tilespmem:$0x390];
	_ =	sdelay $0x4  }
0x2a4: {  	v49 =	vshll.u32 v3, $0x1  }
0x2a5: {  	v3 =	vand.u32 $0x7, v3;
	v4 =	vand.u32 $0xFFFFFFF0, v49  }
0x2a6: {  	v3 =	vor.u32 v3, v4  }
0x2a7: {  	v4 =	vperm.xlane v3, v0;
	_ =	sdelay $0x1  }
0x2a8: {  	v3 =	vperm.xlane v3, v2;
	v4 =	vadd.s32 v1, v4;
	_ =	sdelay $0x1  }
0x2a9: {  	v3 =	vadd.s32 v1, v3;
	_ =	sdelay $0x1  }
0x2aa: {  	s1 =	simm.s32 $0x9480  }
0x2ab: {  	[tilespmem:s1], [sflag:$0x2] =	stream.indirect_vreg.gather [hbm4b:s2+s3], $0x80, v4, vm0, $0xb8;
	[tilespmem:$0x10480] =	vst v63  }
0x2ac: {  	s1 =	simm.s32 $0x9C80  }
0x2ad: {  	[tilespmem:s1], [sflag:$0x2] =	stream.indirect_vreg.gather [hbm4b:s2+s3], $0x80, v3, vm0, $0xb8;
	[tilespmem:$0x10480] =	vst v63  }
0x2ae: {  	v3 =	vld [tilespmem:$0x3A0];
	_ =	sdelay $0x4  }
0x2af: {  	v50 =	vshll.u32 v3, $0x1  }
0x2b0: {  	v3 =	vand.u32 $0x7, v3;
	v4 =	vand.u32 $0xFFFFFFF0, v50  }
0x2b1: {  	v3 =	vor.u32 v3, v4  }
0x2b2: {  	v4 =	vperm.xlane v3, v0;
	_ =	sdelay $0x1  }
0x2b3: {  	v3 =	vperm.xlane v3, v2;
	v4 =	vadd.s32 v1, v4;
	_ =	sdelay $0x1  }
0x2b4: {  	v3 =	vadd.s32 v1, v3;
	_ =	sdelay $0x1  }
0x2b5: {  	s1 =	simm.s32 $0xA480  }
0x2b6: {  	[tilespmem:s1], [sflag:$0x2] =	stream.indirect_vreg.gather [hbm4b:s2+s3], $0x80, v4, vm0, $0xb8;
	[tilespmem:$0x10480] =	vst v63  }
0x2b7: {  	s1 =	simm.s32 $0xAC80  }
0x2b8: {  	[tilespmem:s1], [sflag:$0x2] =	stream.indirect_vreg.gather [hbm4b:s2+s3], $0x80, v3, vm0, $0xb8;
	[tilespmem:$0x10480] =	vst v63  }
0x2b9: {  	v3 =	vld [tilespmem:$0x3B0];
	_ =	sdelay $0x4  }
0x2ba: {  	v51 =	vshll.u32 v3, $0x1  }
0x2bb: {  	v3 =	vand.u32 $0x7, v3;
	v4 =	vand.u32 $0xFFFFFFF0, v51  }
0x2bc: {  	v3 =	vor.u32 v3, v4  }
0x2bd: {  	v4 =	vperm.xlane v3, v0;
	_ =	sdelay $0x1  }
0x2be: {  	v3 =	vperm.xlane v3, v2;
	v4 =	vadd.s32 v1, v4;
	_ =	sdelay $0x1  }
0x2bf: {  	v3 =	vadd.s32 v1, v3;
	_ =	sdelay $0x1  }
0x2c0: {  	s23 =	simm.s32 $0xB480  }
0x2c1: {  	[tilespmem:s23], [sflag:$0x2] =	stream.indirect_vreg.gather [hbm4b:s2+s3], $0x80, v4, vm0, $0xb8;
	[tilespmem:$0x10480] =	vst v63  }
0x2c2: {  	s7 =	simm.s32 $0xBC80  }
0x2c3: {  	[tilespmem:s7], [sflag:$0x2] =	stream.indirect_vreg.gather [hbm4b:s2+s3], $0x80, v3, vm0, $0xb8;
	[tilespmem:$0x10480] =	vst v63  }
0x2c4: {  	v3 =	vld [tilespmem:$0x3C0];
	_ =	sdelay $0x4  }
0x2c5: {  	v52 =	vshll.u32 v3, $0x1  }
0x2c6: {  	v3 =	vand.u32 $0x7, v3;
	v4 =	vand.u32 $0xFFFFFFF0, v52  }
0x2c7: {  	v3 =	vor.u32 v3, v4  }
0x2c8: {  	v4 =	vperm.xlane v3, v0;
	_ =	sdelay $0x1  }
0x2c9: {  	v3 =	vperm.xlane v3, v2;
	v4 =	vadd.s32 v1, v4;
	_ =	sdelay $0x1  }
0x2ca: {  	v3 =	vadd.s32 v1, v3;
	_ =	sdelay $0x1  }
0x2cb: {  	s9 =	simm.s32 $0xC480  }
0x2cc: {  	[tilespmem:s9], [sflag:$0x2] =	stream.indirect_vreg.gather [hbm4b:s2+s3], $0x80, v4, vm0, $0xb8;
	[tilespmem:$0x10480] =	vst v63  }
0x2cd: {  	s21 =	simm.s32 $0xCC80  }
0x2ce: {  	[tilespmem:s21], [sflag:$0x2] =	stream.indirect_vreg.gather [hbm4b:s2+s3], $0x80, v3, vm0, $0xb8;
	[tilespmem:$0x10480] =	vst v63  }
0x2cf: {  	v3 =	vld [tilespmem:$0x3D0];
	_ =	sdelay $0x4  }
0x2d0: {  	v53 =	vshll.u32 v3, $0x1  }
0x2d1: {  	v3 =	vand.u32 $0x7, v3;
	v4 =	vand.u32 $0xFFFFFFF0, v53  }
0x2d2: {  	v3 =	vor.u32 v3, v4  }
0x2d3: {  	v4 =	vperm.xlane v3, v0;
	_ =	sdelay $0x1  }
0x2d4: {  	v3 =	vperm.xlane v3, v2;
	v4 =	vadd.s32 v1, v4;
	_ =	sdelay $0x1  }
0x2d5: {  	v3 =	vadd.s32 v1, v3;
	_ =	sdelay $0x1  }
0x2d6: {  	s10 =	simm.s32 $0xD480  }
0x2d7: {  	[tilespmem:s10], [sflag:$0x2] =	stream.indirect_vreg.gather [hbm4b:s2+s3], $0x80, v4, vm0, $0xb8;
	[tilespmem:$0x10480] =	vst v63  }
0x2d8: {  	s11 =	simm.s32 $0xDC80  }
0x2d9: {  	[tilespmem:s11], [sflag:$0x2] =	stream.indirect_vreg.gather [hbm4b:s2+s3], $0x80, v3, vm0, $0xb8;
	[tilespmem:$0x10480] =	vst v63  }
0x2da: {  	v3 =	vld [tilespmem:$0x3E0];
	_ =	sdelay $0x4  }
0x2db: {  	v54 =	vshll.u32 v3, $0x1  }
0x2dc: {  	v3 =	vand.u32 $0x7, v3;
	v4 =	vand.u32 $0xFFFFFFF0, v54  }
0x2dd: {  	v3 =	vor.u32 v3, v4  }
0x2de: {  	v4 =	vperm.xlane v3, v0;
	_ =	sdelay $0x1  }
0x2df: {  	v3 =	vperm.xlane v3, v2;
	v4 =	vadd.s32 v1, v4;
	_ =	sdelay $0x1  }
0x2e0: {  	v3 =	vadd.s32 v1, v3;
	_ =	sdelay $0x1  }
0x2e1: {  	s25 =	simm.s32 $0xE480  }
0x2e2: {  	[tilespmem:s25], [sflag:$0x2] =	stream.indirect_vreg.gather [hbm4b:s2+s3], $0x80, v4, vm0, $0xb8;
	[tilespmem:$0x10480] =	vst v63  }
0x2e3: {  	s12 =	simm.s32 $0xEC80  }
0x2e4: {  	[tilespmem:s12], [sflag:$0x2] =	stream.indirect_vreg.gather [hbm4b:s2+s3], $0x80, v3, vm0, $0xb8;
	[tilespmem:$0x10480] =	vst v63  }
0x2e5: {  	v3 =	vld [tilespmem:$0x3F0];
	_ =	sdelay $0x4  }
0x2e6: {  	v55 =	vshll.u32 v3, $0x1  }
0x2e7: {  	v3 =	vand.u32 $0x7, v3;
	v4 =	vand.u32 $0xFFFFFFF0, v55  }
0x2e8: {  	v3 =	vor.u32 v3, v4  }
0x2e9: {  	v4 =	vperm.xlane v3, v0;
	_ =	sdelay $0x1  }
0x2ea: {  	v3 =	vperm.xlane v3, v2;
	v4 =	vadd.s32 v1, v4;
	_ =	sdelay $0x1  }
0x2eb: {  	v3 =	vadd.s32 v1, v3;
	_ =	sdelay $0x1  }
0x2ec: {  	s8 =	simm.s32 $0xF480  }
0x2ed: {  	[tilespmem:s8], [sflag:$0x2] =	stream.indirect_vreg.gather [hbm4b:s2+s3], $0x80, v4, vm0, $0xb8;
	[tilespmem:$0x10480] =	vst v63  }
0x2ee: {  	s11 =	simm.s32 $0xFC80  }
0x2ef: {  	[tilespmem:s11], [sflag:$0x2] =	stream.indirect_vreg.gather [hbm4b:s2+s3], $0x80, v3, vm0, $0xb8;
	[tilespmem:$0x10480] =	vst v63  }
0x2f0: {  	_ =	swait.ge [sflag:s28], $0x8000  }
0x2f1: {  	[sflag:s28] =	ssyncset.done $0x0  }
0x2f2: {  	s12 =	rddreg [dreg:$0xa];
	[sflag:s28] =	ssyncadd.s32 $0xFFFF8000  }
0x2f3: {  	[hbm4b:s12+s3] =	stream.linear.scatter [tilespmem:s14], [sflag:$0x3], $0x8000, $0x38;
	[tilespmem:$0x10480] =	vst v63  }
0x2f4: {  	_ =	swait.ge [sflag:s29], $0x8000  }
0x2f5: {  	[sflag:s29] =	ssyncset.done $0x0  }
0x2f6: {  	[sflag:s29] =	ssyncadd.s32 $0xFFFF8000  }
0x2f7: {  	v3 =	vld [tilespmem:$0x400];
	_ =	sdelay $0x4  }
0x2f8: {  	v56 =	vshll.u32 v3, $0x1  }
0x2f9: {  	v3 =	vand.u32 $0x7, v3;
	v4 =	vand.u32 $0xFFFFFFF0, v56  }
0x2fa: {  	v3 =	vor.u32 v3, v4  }
0x2fb: {  	v4 =	vperm.xlane v3, v0;
	_ =	sdelay $0x1  }
0x2fc: {  	v3 =	vperm.xlane v3, v2;
	v4 =	vadd.s32 v1, v4;
	_ =	sdelay $0x1  }
0x2fd: {  	v3 =	vadd.s32 v1, v3;
	_ =	sdelay $0x2  }
0x2fe: {  	[tilespmem:s14], [sflag:$0x1] =	stream.indirect_vreg.gather [hbm4b:s2+s3], $0x80, v4, vm0, $0xb8;
	[tilespmem:$0x10480] =	vst v63  }
0x2ff: {  	s26 =	simm.s32 $0xC80  }
0x300: {  	[tilespmem:s26], [sflag:$0x1] =	stream.indirect_vreg.gather [hbm4b:s2+s3], $0x80, v3, vm0, $0xb8;
	[tilespmem:$0x10480] =	vst v63  }
0x301: {  	v3 =	vld [tilespmem:$0x410];
	_ =	sdelay $0x4  }
0x302: {  	v57 =	vshll.u32 v3, $0x1  }
0x303: {  	v3 =	vand.u32 $0x7, v3;
	v4 =	vand.u32 $0xFFFFFFF0, v57  }
0x304: {  	v3 =	vor.u32 v3, v4  }
0x305: {  	v4 =	vperm.xlane v3, v0;
	_ =	sdelay $0x1  }
0x306: {  	v3 =	vperm.xlane v3, v2;
	v4 =	vadd.s32 v1, v4;
	_ =	sdelay $0x1  }
0x307: {  	v3 =	vadd.s32 v1, v3;
	_ =	sdelay $0x1  }
0x308: {  	s24 =	simm.s32 $0x1480  }
0x309: {  	[tilespmem:s24], [sflag:$0x1] =	stream.indirect_vreg.gather [hbm4b:s2+s3], $0x80, v4, vm0, $0xb8;
	[tilespmem:$0x10480] =	vst v63  }
0x30a: {  	s16 =	simm.s32 $0x1C80  }
0x30b: {  	[tilespmem:s16], [sflag:$0x1] =	stream.indirect_vreg.gather [hbm4b:s2+s3], $0x80, v3, vm0, $0xb8;
	[tilespmem:$0x10480] =	vst v63  }
0x30c: {  	v3 =	vld [tilespmem:$0x420];
	_ =	sdelay $0x4  }
0x30d: {  	v58 =	vshll.u32 v3, $0x1  }
0x30e: {  	v3 =	vand.u32 $0x7, v3;
	v4 =	vand.u32 $0xFFFFFFF0, v58  }
0x30f: {  	v3 =	vor.u32 v3, v4  }
0x310: {  	v4 =	vperm.xlane v3, v0;
	_ =	sdelay $0x1  }
0x311: {  	v3 =	vperm.xlane v3, v2;
	v4 =	vadd.s32 v1, v4;
	_ =	sdelay $0x1  }
0x312: {  	v3 =	vadd.s32 v1, v3;
	_ =	sdelay $0x1  }
0x313: {  	s0 =	simm.s32 $0x2480  }
0x314: {  	[tilespmem:s0], [sflag:$0x1] =	stream.indirect_vreg.gather [hbm4b:s2+s3], $0x80, v4, vm0, $0xb8;
	[tilespmem:$0x10480] =	vst v63  }
0x315: {  	s17 =	simm.s32 $0x2C80  }
0x316: {  	[tilespmem:s17], [sflag:$0x1] =	stream.indirect_vreg.gather [hbm4b:s2+s3], $0x80, v3, vm0, $0xb8;
	[tilespmem:$0x10480] =	vst v63  }
0x317: {  	v3 =	vld [tilespmem:$0x430];
	_ =	sdelay $0x4  }
0x318: {  	v59 =	vshll.u32 v3, $0x1  }
0x319: {  	v3 =	vand.u32 $0x7, v3;
	v4 =	vand.u32 $0xFFFFFFF0, v59  }
0x31a: {  	v3 =	vor.u32 v3, v4  }
0x31b: {  	v4 =	vperm.xlane v3, v0;
	_ =	sdelay $0x1  }
0x31c: {  	v3 =	vperm.xlane v3, v2;
	v4 =	vadd.s32 v1, v4;
	_ =	sdelay $0x1  }
0x31d: {  	v3 =	vadd.s32 v1, v3;
	_ =	sdelay $0x1  }
0x31e: {  	s5 =	simm.s32 $0x3480  }
0x31f: {  	[tilespmem:s5], [sflag:$0x1] =	stream.indirect_vreg.gather [hbm4b:s2+s3], $0x80, v4, vm0, $0xb8;
	[tilespmem:$0x10480] =	vst v63  }
0x320: {  	s21 =	simm.s32 $0x3C80  }
0x321: {  	[tilespmem:s21], [sflag:$0x1] =	stream.indirect_vreg.gather [hbm4b:s2+s3], $0x80, v3, vm0, $0xb8;
	[tilespmem:$0x10480] =	vst v63  }
0x322: {  	v3 =	vld [tilespmem:$0x440];
	_ =	sdelay $0x4  }
0x323: {  	v60 =	vshll.u32 v3, $0x1  }
0x324: {  	v3 =	vand.u32 $0x7, v3;
	v4 =	vand.u32 $0xFFFFFFF0, v60  }
0x325: {  	v3 =	vor.u32 v3, v4  }
0x326: {  	v4 =	vperm.xlane v3, v0;
	_ =	sdelay $0x1  }
0x327: {  	v3 =	vperm.xlane v3, v2;
	v4 =	vadd.s32 v1, v4;
	_ =	sdelay $0x1  }
0x328: {  	v3 =	vadd.s32 v1, v3;
	_ =	sdelay $0x1  }
0x329: {  	s23 =	simm.s32 $0x4480  }
0x32a: {  	[tilespmem:s23], [sflag:$0x1] =	stream.indirect_vreg.gather [hbm4b:s2+s3], $0x80, v4, vm0, $0xb8;
	[tilespmem:$0x10480] =	vst v63  }
0x32b: {  	s24 =	simm.s32 $0x4C80  }
0x32c: {  	[tilespmem:s24], [sflag:$0x1] =	stream.indirect_vreg.gather [hbm4b:s2+s3], $0x80, v3, vm0, $0xb8;
	[tilespmem:$0x10480] =	vst v63  }
0x32d: {  	v3 =	vld [tilespmem:$0x450];
	_ =	sdelay $0x4  }
0x32e: {  	v61 =	vshll.u32 v3, $0x1  }
0x32f: {  	v3 =	vand.u32 $0x7, v3;
	v4 =	vand.u32 $0xFFFFFFF0, v61  }
0x330: {  	v3 =	vor.u32 v3, v4  }
0x331: {  	v4 =	vperm.xlane v3, v0;
	_ =	sdelay $0x1  }
0x332: {  	v3 =	vperm.xlane v3, v2;
	v4 =	vadd.s32 v1, v4;
	_ =	sdelay $0x1  }
0x333: {  	v3 =	vadd.s32 v1, v3;
	_ =	sdelay $0x1  }
0x334: {  	s19 =	simm.s32 $0x5480  }
0x335: {  	[tilespmem:s19], [sflag:$0x1] =	stream.indirect_vreg.gather [hbm4b:s2+s3], $0x80, v4, vm0, $0xb8;
	[tilespmem:$0x10480] =	vst v63  }
0x336: {  	s18 =	simm.s32 $0x5C80  }
0x337: {  	[tilespmem:s18], [sflag:$0x1] =	stream.indirect_vreg.gather [hbm4b:s2+s3], $0x80, v3, vm0, $0xb8;
	[tilespmem:$0x10480] =	vst v63  }
0x338: {  	v3 =	vld [tilespmem:$0x460];
	_ =	sdelay $0x4  }
0x339: {  	v62 =	vshll.u32 v3, $0x1  }
0x33a: {  	v3 =	vand.u32 $0x7, v3;
	v4 =	vand.u32 $0xFFFFFFF0, v62  }
0x33b: {  	v3 =	vor.u32 v3, v4  }
0x33c: {  	v4 =	vperm.xlane v3, v0;
	_ =	sdelay $0x1  }
0x33d: {  	v3 =	vperm.xlane v3, v2;
	v4 =	vadd.s32 v1, v4;
	_ =	sdelay $0x1  }
0x33e: {  	v3 =	vadd.s32 v1, v3;
	_ =	sdelay $0x1  }
0x33f: {  	s20 =	simm.s32 $0x6480  }
0x340: {  	[tilespmem:s20], [sflag:$0x1] =	stream.indirect_vreg.gather [hbm4b:s2+s3], $0x80, v4, vm0, $0xb8;
	[tilespmem:$0x10480] =	vst v63  }
0x341: {  	s13 =	simm.s32 $0x6C80  }
0x342: {  	[tilespmem:s13], [sflag:$0x1] =	stream.indirect_vreg.gather [hbm4b:s2+s3], $0x80, v3, vm0, $0xb8;
	[tilespmem:$0x10480] =	vst v63  }
0x343: {  	v3 =	vld [tilespmem:$0x470];
	_ =	sdelay $0x4  }
0x344: {  	v63 =	vshll.u32 v3, $0x1  }
0x345: {  	v3 =	vand.u32 $0x7, v3;
	v4 =	vand.u32 $0xFFFFFFF0, v63  }
0x346: {  	v3 =	vor.u32 v3, v4  }
0x347: {  	v4 =	vperm.xlane v3, v0;
	_ =	sdelay $0x1  }
0x348: {  	v3 =	vperm.xlane v3, v2;
	v4 =	vadd.s32 v1, v4;
	_ =	sdelay $0x1  }
0x349: {  	v3 =	vadd.s32 v1, v3;
	_ =	sdelay $0x1  }
0x34a: {  	s15 =	simm.s32 $0x7480  }
0x34b: {  	[tilespmem:s15], [sflag:$0x1] =	stream.indirect_vreg.gather [hbm4b:s2+s3], $0x80, v4, vm0, $0xb8;
	[tilespmem:$0x10480] =	vst v63  }
0x34c: {  	s22 =	simm.s32 $0x7C80  }
0x34d: {  	[tilespmem:s22], [sflag:$0x1] =	stream.indirect_vreg.gather [hbm4b:s2+s3], $0x80, v3, vm0, $0xb8;
	[tilespmem:$0x10480] =	vst v63  }
0x34e: {  	_ =	swait.ge [sflag:s30], $0x8000  }
0x34f: {  	[sflag:s30] =	ssyncset.done $0x0  }
0x350: {  	s25 =	rddreg [dreg:$0xb];
	[sflag:s30] =	ssyncadd.s32 $0xFFFF8000  }
0x351: {  	[hbm4b:s25+s3] =	stream.linear.scatter [tilespmem:s6], [sflag:$0x4], $0x8000, $0x38;
	[tilespmem:$0x10480] =	vst v63  }
0x352: {  	_ =	swait.ge [sflag:s28], $0x8000  }
0x353: {  	[sflag:s28] =	ssyncset.done $0x0  }
0x354: {  	s26 =	rddreg [dreg:$0xc];
	[sflag:s28] =	ssyncadd.s32 $0xFFFF8000  }
0x355: {  	[hbm4b:s26+s3] =	stream.linear.scatter [tilespmem:s14], [sflag:$0x3], $0x8000, $0x38;
	[tilespmem:$0x10480] =	vst v63  }
0x356: {  	p0 =	sne.s32 s4, $0x1;
	_ =	swait.ge [sflag:s29], $0x8000  }
.Ltmp0:
0x357: {  	[sflag:s29] =	ssyncset.done $0x0;
	(pc) =	sbr.rel @p0 .LBB2_1-.Ltmp0, $4  }
0x358: {  	[sflag:s29] =	ssyncadd.s32 $0xFFFF8000  }
0x359: {  	_ =	swait.ge [sflag:s31], $0x8000  }
0x35a: {  	[sflag:s31] =	ssyncset.done $0x0  }
0x35b: {  	s4 =	sadd.s32 $0xFFFFFFFF, s4;
	[sflag:s31] =	ssyncadd.s32 $0xFFFF8000  }
0x35c: {  	_ =	sfence.sel $0x180000  }
0x35d: {  	[bflag:$0x0] =	sbarrier.arrive $0xFFFF  }
0x35e: {  	_ =	strace $0x9000004A  }
0x35f: {  	s0 =	stileid.u32;
	[bflag:$0x2] =	sbarrier.arrive $0xFFFF  }
0x360: {  	p0 =	sne.s32 s0, $0x0;
	s0 =	rddreg [dreg:$0x2]  }
0x361: {  	s0 =	sadd.s32 @!p0 $0x100000, s0  }
0x362: {  	[sflag:s0] =	ssyncadd.tile.s32 @!p0 $0x1;
	_ =	shalt  }
.Lfunc_end2:
_tile_overlayer_lowered:
.L_overlay_start_2:
0x363: {  	(tag) =	ssettag $0x2  }
0x364: {  	s0 =	rddreg [dreg:$0x0];
	s2 =	stileid.u32  }
0x365: {  	s1 =	rddreg [dreg:$0x1];
	p0 =	sne.s32 s2, $0x0  }
0x366: {  	s3 =	rddreg [dreg:$0x2];
	[bflag:$0x3] =	sbarrier.arrive $0xFFFF;
	s2 =	simm.s32 @!p0 $0x1C05  }
0x367: {  	[timem:s3], [sflag:s2] =	dma.local @!p0 [hbm:s0], s1  }
0x368: {  	s0 =	simm.s32 @!p0 $0x5  }
0x369: {  	_ =	swait.ge @!p0 [sflag:s0], s1  }
0x36a: {  	s1 =	ssub.s32 @!p0 $0x0, s1;
	[sflag:s0] =	ssyncset.done @!p0 $0x0  }
0x36b: {  	[sflag:s0] =	ssyncadd.s32 @!p0 s1  }
0x36c: {  	[bflag:$0x3] =	sbarrier.arrive $0xFFFF  }
0x36d: {  	_ =	shalt  }

</sc_bundles>
